<compile_context>
chip_gen: v7x
topology: tpu7x:2x2x1
jax: 0.10.2.dev20260603
libtpu: 0.0.44.dev20260713+nightly
codegen_flags: <defaults>
</compile_context>

<pallas_src>
import functools

import jax
import jax.numpy as jnp
from jax import lax
from jax.experimental import pallas as pl
from jax.experimental.pallas import tpu as pltpu
from jax.experimental.pallas import tpu_sc as plsc

N = 10000
E = 320000
D_IN = 128
D_HID = 128
N_CLS = 40

NC, NS = 2, 16
NW = NC * NS
EPW = E // NW
K = 80
NBLK = EPW // K
KA = 128
NBLKA = EPW // KA
REM = EPW - NBLKA * KA
NBUF = 6
NP = N
RPT = 624
REXT = NP - NS * RPT
DD = 16


def _sc_mesh():
    return plsc.VectorSubcoreMesh(
        core_axis_name="c", subcore_axis_name="s", num_cores=NC, num_subcores=NS
    )


def _make_agg(D):

    @functools.partial(
        pl.kernel,
        out_type=jax.ShapeDtypeStruct((2 * NP, D), jnp.float32),
        mesh=_sc_mesh(),
        compiler_params=pltpu.CompilerParams(use_tc_tiling_on_sc=False),
        scratch_types=[
            pltpu.VMEM((EPW,), jnp.int32),
            pltpu.VMEM((EPW,), jnp.int32),
            [pltpu.VMEM((KA, D), jnp.float32) for _ in range(NBUF)],
            pltpu.VMEM_SHARED((NP, D), jnp.float32),
            [pltpu.SemaphoreType.DMA for _ in range(NBUF)],
            [pltpu.SemaphoreType.DMA for _ in range(NBUF)],
        ],
    )
    def agg(h_hbm, edge_hbm, zeros_hbm, out_hbm,
            src_v, dst_v, rows, acc, gsem, ssem):
        c = lax.axis_index("c")
        s = lax.axis_index("s")
        wid = s * NC + c
        pltpu.sync_copy(zeros_hbm, acc.at[pl.ds(s * RPT, RPT)])

        @pl.when(s == NS - 1)
        def _():
            pltpu.sync_copy(zeros_hbm.at[pl.ds(0, REXT)],
                            acc.at[pl.ds(NS * RPT, REXT)])

        pltpu.sync_copy(edge_hbm.at[0, pl.ds(wid * EPW, EPW)], src_v)
        pltpu.sync_copy(edge_hbm.at[1, pl.ds(wid * EPW, EPW)], dst_v)
        plsc.subcore_barrier()

        def issue_gather(j, b):
            pltpu.async_copy(h_hbm.at[src_v.at[pl.ds(j * KA, KA)]], rows[b],
                             gsem[b])

        def wait_gather(j, b):
            pltpu.make_async_copy(h_hbm.at[src_v.at[pl.ds(j * KA, KA)]],
                                  rows[b], gsem[b]).wait()

        def issue_scatter(j, b):
            pltpu.async_copy(rows[b], acc.at[dst_v.at[pl.ds(j * KA, KA)]],
                             ssem[b], add=True)

        def wait_scatter(j, b):
            pltpu.make_async_copy(rows[b], acc.at[dst_v.at[pl.ds(j * KA, KA)]],
                                  ssem[b]).wait()

        n_main = (NBLKA - NBUF) // NBUF
        tail_start = 1 + n_main * NBUF

        for b in range(NBUF - 1):
            issue_gather(b, b)
        wait_gather(0, 0)
        issue_scatter(0, 0)
        issue_gather(NBUF - 1, NBUF - 1)

        def body(i, carry):
            for b in range(NBUF):
                j = i * NBUF + 1 + b
                cb = (b + 1) % NBUF
                wait_gather(j, cb)
                issue_scatter(j, cb)
                wait_scatter(j - 1, b % NBUF)
                issue_gather(j + NBUF - 1, b % NBUF)
            return carry

        lax.fori_loop(0, n_main, body, 0)

        for j in range(tail_start, NBLKA):
            cb = j % NBUF
            wait_gather(j, cb)
            issue_scatter(j, cb)
            wait_scatter(j - 1, (j - 1) % NBUF)
            if j + NBUF - 1 < NBLKA:
                issue_gather(j + NBUF - 1, (j - 1) % NBUF)
        wait_scatter(NBLKA - 1, (NBLKA - 1) % NBUF)

        if REM:
            rb = rows[0].at[pl.ds(0, REM)]
            ri = pl.ds(NBLKA * KA, REM)
            pltpu.async_copy(h_hbm.at[src_v.at[ri]], rb, gsem[0]).wait()
            pltpu.sync_copy(rb, acc.at[dst_v.at[ri]], add=True)

        plsc.subcore_barrier()
        pltpu.sync_copy(acc.at[pl.ds(s * RPT, RPT)],
                        out_hbm.at[pl.ds(c * NP + s * RPT, RPT)])

        @pl.when(s == NS - 1)
        def _():
            pltpu.sync_copy(acc.at[pl.ds(NS * RPT, REXT)],
                            out_hbm.at[pl.ds(c * NP + NS * RPT, REXT)])

    return agg


def _make_deg():

    @functools.partial(
        pl.kernel,
        out_type=jax.ShapeDtypeStruct((2 * NP, DD), jnp.float32),
        mesh=_sc_mesh(),
        compiler_params=pltpu.CompilerParams(use_tc_tiling_on_sc=False),
        scratch_types=[
            pltpu.VMEM((EPW,), jnp.int32),
            pltpu.VMEM((K, DD), jnp.float32),
            pltpu.VMEM_SHARED((NP, DD), jnp.float32),
            pltpu.SemaphoreType.DMA,
        ],
    )
    def deg(edge_hbm, zeros_hbm, ones_hbm, out_hbm, dst_v, ones_v, acc, sem):
        c = lax.axis_index("c")
        s = lax.axis_index("s")
        wid = s * NC + c
        pltpu.sync_copy(zeros_hbm, acc.at[pl.ds(s * RPT, RPT)])

        @pl.when(s == NS - 1)
        def _():
            pltpu.sync_copy(zeros_hbm.at[pl.ds(0, REXT)],
                            acc.at[pl.ds(NS * RPT, REXT)])

        pltpu.sync_copy(ones_hbm, ones_v)
        pltpu.sync_copy(edge_hbm.at[1, pl.ds(wid * EPW, EPW)], dst_v)
        plsc.subcore_barrier()

        def body(j, carry):
            pltpu.async_copy(ones_v, acc.at[dst_v.at[pl.ds(j * K, K)]],
                             sem, add=True)
            return carry

        lax.fori_loop(0, NBLK, body, 0)

        def drain(j, carry):
            pltpu.make_async_copy(
                ones_v, acc.at[dst_v.at[pl.ds(j * K, K)]], sem).wait()
            return carry

        lax.fori_loop(0, NBLK, drain, 0)
        plsc.subcore_barrier()
        pltpu.sync_copy(acc.at[pl.ds(s * RPT, RPT)],
                        out_hbm.at[pl.ds(c * NP + s * RPT, RPT)])

        @pl.when(s == NS - 1)
        def _():
            pltpu.sync_copy(acc.at[pl.ds(NS * RPT, REXT)],
                            out_hbm.at[pl.ds(c * NP + NS * RPT, REXT)])

    return deg


DH = 64
_agg64 = _make_agg(DH)
_deg = _make_deg()

_R = 2000
_GB = N // _R


def _tc1a_body(x_ref, w_ref, h_ref):
    h_ref[...] = jnp.dot(x_ref[...], w_ref[...],
                         preferred_element_type=jnp.float32)


def _tc1b_body(h_ref, dega_ref, degb_ref, hlo_ref, hhi_ref, dis_ref):
    d = dega_ref[:, 0:1] + degb_ref[:, 0:1] + 1.0
    dis = lax.rsqrt(d)
    h = h_ref[...] * dis
    hlo_ref[...] = h[:, :DH]
    hhi_ref[...] = h[:, DH:]
    dis_ref[...] = dis


def _tc2_body(aloa_ref, alob_ref, ahia_ref, ahib_ref, hlo_ref, hhi_ref,
              dis_ref, b1_ref, w_ref, out_ref):
    dis = dis_ref[...]
    lo = aloa_ref[...] + alob_ref[...] + hlo_ref[...]
    hi = ahia_ref[...] + ahib_ref[...] + hhi_ref[...]
    t = jnp.concatenate([lo, hi], axis=1) * dis + b1_ref[...]
    t = jnp.maximum(t, 0.0)
    out_ref[...] = jnp.dot(t, w_ref[...], preferred_element_type=jnp.float32) * dis


def _tc3_body(acca_ref, accb_ref, h2_ref, dis_ref, b2_ref, out_ref):
    t = acca_ref[...] + accb_ref[...] + h2_ref[...]
    out_ref[...] = t[:, :N_CLS] * dis_ref[...] + b2_ref[...]


def _rows(d):
    return pl.BlockSpec((_R, d), lambda i: (i, 0))


def _rows2(d):
    return pl.BlockSpec((_R, d), lambda i: (_GB + i, 0))


def _full(a, b):
    return pl.BlockSpec((a, b), lambda i: (0, 0))


def kernel(x, edge_index, W1, b1, W2, b2):
    f32 = jnp.float32
    edges = edge_index.astype(jnp.int32)
    z16 = jnp.zeros((RPT, DD), f32)
    z64 = jnp.zeros((RPT, DH), f32)
    ones16 = jnp.ones((K, DD), f32)
    W2p = jnp.pad(W2, ((0, 0), (0, DH - N_CLS)))

    grid = (_GB,)
    h1 = pl.pallas_call(
        _tc1a_body,
        grid=grid,
        in_specs=[_rows(D_IN), _full(D_IN, D_HID)],
        out_specs=_rows(D_HID),
        out_shape=jax.ShapeDtypeStruct((N, D_HID), f32),
    )(x, W1)

    degp = _deg(edges, z16, ones16)

    h1lo, h1hi, dis = pl.pallas_call(
        _tc1b_body,
        grid=grid,
        in_specs=[_rows(D_HID), _rows(DD), _rows2(DD)],
        out_specs=[_rows(DH), _rows(DH), _rows(1)],
        out_shape=[
            jax.ShapeDtypeStruct((N, DH), f32),
            jax.ShapeDtypeStruct((N, DH), f32),
            jax.ShapeDtypeStruct((N, 1), f32),
        ],
    )(h1, degp, degp)

    a1lo = _agg64(h1lo, edges, z64)
    a1hi = _agg64(h1hi, edges, z64)

    h2p = pl.pallas_call(
        _tc2_body,
        grid=grid,
        in_specs=[_rows(DH), _rows2(DH), _rows(DH), _rows2(DH),
                  _rows(DH), _rows(DH), _rows(1),
                  _full(1, D_HID), _full(D_HID, DH)],
        out_specs=_rows(DH),
        out_shape=jax.ShapeDtypeStruct((N, DH), f32),
    )(a1lo, a1lo, a1hi, a1hi, h1lo, h1hi, dis,
      b1.reshape(1, D_HID), W2p)

    a2 = _agg64(h2p, edges, z64)

    out = pl.pallas_call(
        _tc3_body,
        grid=grid,
        in_specs=[_rows(DH), _rows2(DH), _rows(DH), _rows(1),
                  _full(1, N_CLS)],
        out_specs=_rows(N_CLS),
        out_shape=jax.ShapeDtypeStruct((N, N_CLS), f32),
    )(a2, a2, h2p, dis, b2.reshape(1, N_CLS))

    return out

# --- scband reference (transcript-rebuilt; emitter-appended) ---
"""Pipeline reference for scband-gcn-predcitor-23596550324887 (READ-ONLY COPY).

The authoritative reference and input builder live on the scoring server;
editing this copy changes nothing except your own understanding.
"""

import jax, jax.numpy as jnp
import numpy as np

N_NODES = 10000
N_EDGES = 320000
D_IN = 128
D_HID = 128
N_CLS = 40


def setup_inputs(seed: int = 0) -> dict:
    key = jax.random.key(seed)
    k1, k2, k3, k4, k5, k6 = jax.random.split(key, 6)
    x = jax.random.normal(k1, (N_NODES, D_IN), dtype=jnp.float32)
    edge_index = jax.random.randint(k2, (2, N_EDGES), 0, N_NODES, dtype=jnp.int64)
    # Glorot-style init for GCNConv weights, zeros for biases (PyG defaults)
    s1 = float(np.sqrt(6.0 / (D_IN + D_HID)))
    s2 = float(np.sqrt(6.0 / (D_HID + N_CLS)))
    W1 = jax.random.uniform(k3, (D_IN, D_HID), dtype=jnp.float32, minval=-s1, maxval=s1)
    b1 = jnp.zeros((D_HID,), dtype=jnp.float32)
    W2 = jax.random.uniform(k4, (D_HID, N_CLS), dtype=jnp.float32, minval=-s2, maxval=s2)
    b2 = jnp.zeros((N_CLS,), dtype=jnp.float32)
    return {"x": x, "edge_index": edge_index, "W1": W1, "b1": b1, "W2": W2, "b2": b2}


def _gcn_layer(x, edge_index, W, b):
    # Faithful GCNConv (normalize=True, add_self_loops=True):
    #   1) add self loops with weight 1
    #   2) sym norm D^{-1/2} A D^{-1/2} via scatter-add degree
    #   3) x @ W, gather messages from src, scale by norm, scatter-add to dst, + bias
    n = x.shape[0]
    loop = jnp.arange(n, dtype=edge_index.dtype)
    src = jnp.concatenate([edge_index[0], loop])
    dst = jnp.concatenate([edge_index[1], loop])
    ew = jnp.ones(src.shape[0], dtype=x.dtype)
    deg = jnp.zeros((n,), dtype=x.dtype).at[dst].add(ew)
    dis = jnp.where(deg > 0, jax.lax.rsqrt(jnp.maximum(deg, 1e-12)), 0.0)
    norm = dis[src] * ew * dis[dst]
    h = x @ W
    msgs = jnp.take(h, src, axis=0) * norm[:, None]
    out = jnp.zeros((n, W.shape[1]), dtype=x.dtype).at[dst].add(msgs)
    return out + b


def reference(x, edge_index, W1, b1, W2, b2):
    # num_layers=2, norm=None -> Identity norms; dropout inactive in eval mode
    h = _gcn_layer(x, edge_index, W1, b1)
    h = jax.nn.relu(h)
    out = _gcn_layer(h, edge_index, W2, b2)
    return out

if __name__ == "__main__":
    import jax
    _d = setup_inputs()
    print(jax.jit(kernel)(*tuple(_d.values())))

</pallas_src>

<mosaic_0001>
#map = affine_map<(d0, d1) -> (0, 0)>
module attributes {stable_mosaic.version = 14 : i64} {
  func.func @agg(%arg0: i32, %arg1: i32, %arg2: memref<10000x64xf32, #tpu.memory_space<hbm>>, %arg3: memref<2x320000xi32, #tpu.memory_space<hbm>>, %arg4: memref<624x64xf32, #tpu.memory_space<hbm>>, %arg5: memref<20000x64xf32, #tpu.memory_space<hbm>>, %arg6: memref<10000xi32, #tpu.memory_space<vmem>>, %arg7: memref<10000xi32, #tpu.memory_space<vmem>>, %arg8: memref<128x64xf32, #tpu.memory_space<vmem>>, %arg9: memref<128x64xf32, #tpu.memory_space<vmem>>, %arg10: memref<128x64xf32, #tpu.memory_space<vmem>>, %arg11: memref<128x64xf32, #tpu.memory_space<vmem>>, %arg12: memref<128x64xf32, #tpu.memory_space<vmem>>, %arg13: memref<128x64xf32, #tpu.memory_space<vmem>>, %arg14: memref<10000x64xf32, #tpu.memory_space<vmem_shared>>, %arg15: memref<!tpu.dma_semaphore, #tpu.memory_space<semaphore_mem>>, %arg16: memref<!tpu.dma_semaphore, #tpu.memory_space<semaphore_mem>>, %arg17: memref<!tpu.dma_semaphore, #tpu.memory_space<semaphore_mem>>, %arg18: memref<!tpu.dma_semaphore, #tpu.memory_space<semaphore_mem>>, %arg19: memref<!tpu.dma_semaphore, #tpu.memory_space<semaphore_mem>>, %arg20: memref<!tpu.dma_semaphore, #tpu.memory_space<semaphore_mem>>, %arg21: memref<!tpu.dma_semaphore, #tpu.memory_space<semaphore_mem>>, %arg22: memref<!tpu.dma_semaphore, #tpu.memory_space<semaphore_mem>>, %arg23: memref<!tpu.dma_semaphore, #tpu.memory_space<semaphore_mem>>, %arg24: memref<!tpu.dma_semaphore, #tpu.memory_space<semaphore_mem>>, %arg25: memref<!tpu.dma_semaphore, #tpu.memory_space<semaphore_mem>>, %arg26: memref<!tpu.dma_semaphore, #tpu.memory_space<semaphore_mem>>) attributes {dimension_semantics = [#tpu.dimension_semantics<core_parallel>, #tpu.dimension_semantics<subcore_parallel>], iteration_bounds = array<i64: 2, 16>, scalar_prefetch = 0 : i64, scratch_operands = 21 : i64, tpu.core_type = #tpu.core_type<sc_vector_subcore>, window_params = [{transform_indices = #map}, {transform_indices = #map}, {transform_indices = #map}, {transform_indices = #map}]} {
    %mul3A = arith.constant 2 : i32
    %mul3A_0 = arith.muli %arg1, %mul3A : i32
    %add3A = arith.addi %mul3A_0, %arg0 : i32
    %mul3A_1 = arith.constant 624 : i32
    %mul3A_2 = arith.muli %arg1, %mul3A_1 : i32
    "tpu.region"() ({
      %run_scoped3A_162 = tpu.sem_alloc : memref<!tpu.dma_semaphore, #tpu.memory_space<semaphore_mem>>
      %dma_start3A_163 = arith.constant 0 : i32
      %dma_start3A_164 = tpu.memref_slice %arg14[%mul3A_2, %dma_start3A_163] : memref<10000x64xf32, #tpu.memory_space<vmem_shared>> -> memref<624x64xf32, #tpu.memory_space<vmem_shared>>
      tpu.enqueue_dma source(%arg4 : memref<624x64xf32, #tpu.memory_space<hbm>>) target(%dma_start3A_164 : memref<624x64xf32, #tpu.memory_space<vmem_shared>>) target_semaphore(%run_scoped3A_162 : memref<!tpu.dma_semaphore, #tpu.memory_space<semaphore_mem>>)
      %dma_wait3A_165 = arith.constant 0 : i32
      %dma_wait3A_166 = tpu.memref_slice %arg14[%mul3A_2, %dma_wait3A_165] : memref<10000x64xf32, #tpu.memory_space<vmem_shared>> -> memref<624x64xf32, #tpu.memory_space<vmem_shared>>
      tpu.wait_dma2 semaphore(%run_scoped3A_162 : memref<!tpu.dma_semaphore, #tpu.memory_space<semaphore_mem>>) src(%arg4 : memref<624x64xf32, #tpu.memory_space<hbm>>) dst(%dma_wait3A_166 : memref<624x64xf32, #tpu.memory_space<vmem_shared>>)
      tpu.yield
    }) : () -> ()
    %eq3A = arith.constant 15 : i32
    %eq3A_3 = arith.cmpi eq, %arg1, %eq3A : i32
    %convert_element_type3A = arith.extui %eq3A_3 : i1 to i32
    %cond3A = arith.constant 0 : i32
    %cond3A_4 = arith.cmpi ne, %convert_element_type3A, %cond3A : i32
    scf.if %cond3A_4 {
      "tpu.region"() ({
        %run_scoped3A_162 = tpu.sem_alloc : memref<!tpu.dma_semaphore, #tpu.memory_space<semaphore_mem>>
        %dma_start3A_163 = arith.constant 9984 : i32
        %dma_start3A_164 = arith.constant 0 : i32
        %dma_start3A_165 = tpu.memref_slice %arg14[%dma_start3A_163, %dma_start3A_164] : memref<10000x64xf32, #tpu.memory_space<vmem_shared>> -> memref<16x64xf32, #tpu.memory_space<vmem_shared>>
        %dma_start3A_166 = arith.constant 0 : i32
        %dma_start3A_167 = arith.constant 0 : i32
        %dma_start3A_168 = tpu.memref_slice %arg4[%dma_start3A_166, %dma_start3A_167] : memref<624x64xf32, #tpu.memory_space<hbm>> -> memref<16x64xf32, #tpu.memory_space<hbm>>
        tpu.enqueue_dma source(%dma_start3A_168 : memref<16x64xf32, #tpu.memory_space<hbm>>) target(%dma_start3A_165 : memref<16x64xf32, #tpu.memory_space<vmem_shared>>) target_semaphore(%run_scoped3A_162 : memref<!tpu.dma_semaphore, #tpu.memory_space<semaphore_mem>>)
        %dma_wait3A_169 = arith.constant 9984 : i32
        %dma_wait3A_170 = arith.constant 0 : i32
        %dma_wait3A_171 = tpu.memref_slice %arg14[%dma_wait3A_169, %dma_wait3A_170] : memref<10000x64xf32, #tpu.memory_space<vmem_shared>> -> memref<16x64xf32, #tpu.memory_space<vmem_shared>>
        %dma_wait3A_172 = arith.constant 0 : i32
        %dma_wait3A_173 = arith.constant 0 : i32
        %dma_wait3A_174 = tpu.memref_slice %arg4[%dma_wait3A_172, %dma_wait3A_173] : memref<624x64xf32, #tpu.memory_space<hbm>> -> memref<16x64xf32, #tpu.memory_space<hbm>>
        tpu.wait_dma2 semaphore(%run_scoped3A_162 : memref<!tpu.dma_semaphore, #tpu.memory_space<semaphore_mem>>) src(%dma_wait3A_174 : memref<16x64xf32, #tpu.memory_space<hbm>>) dst(%dma_wait3A_171 : memref<16x64xf32, #tpu.memory_space<vmem_shared>>)
        tpu.yield
      }) : () -> ()
    } else {
    }
    %mul3A_5 = arith.constant 10000 : i32
    %mul3A_6 = arith.muli %add3A, %mul3A_5 : i32
    %run_scoped3A = arith.constant 0 : i32
    "tpu.region"() ({
      %run_scoped3A_162 = tpu.sem_alloc : memref<!tpu.dma_semaphore, #tpu.memory_space<semaphore_mem>>
      %dma_start3A_163 = tpu.memref_slice %arg3[%run_scoped3A, %mul3A_6] : memref<2x320000xi32, #tpu.memory_space<hbm>> -> memref<1x10000xi32, #tpu.memory_space<hbm>>
      %dma_start3A_164 = tpu.memref_squeeze %dma_start3A_163 : memref<1x10000xi32, #tpu.memory_space<hbm>> -> memref<10000xi32, #tpu.memory_space<hbm>>
      %dma_start3A_165 = tpu.memref_slice %arg3[%run_scoped3A, %mul3A_6] : memref<2x320000xi32, #tpu.memory_space<hbm>> -> memref<1x10000xi32, #tpu.memory_space<hbm>>
      %dma_start3A_166 = tpu.memref_squeeze %dma_start3A_165 : memref<1x10000xi32, #tpu.memory_space<hbm>> -> memref<10000xi32, #tpu.memory_space<hbm>>
      tpu.enqueue_dma source(%dma_start3A_166 : memref<10000xi32, #tpu.memory_space<hbm>>) target(%arg6 : memref<10000xi32, #tpu.memory_space<vmem>>) target_semaphore(%run_scoped3A_162 : memref<!tpu.dma_semaphore, #tpu.memory_space<semaphore_mem>>)
      %dma_wait3A_167 = tpu.memref_slice %arg3[%run_scoped3A, %mul3A_6] : memref<2x320000xi32, #tpu.memory_space<hbm>> -> memref<1x10000xi32, #tpu.memory_space<hbm>>
      %dma_wait3A_168 = tpu.memref_squeeze %dma_wait3A_167 : memref<1x10000xi32, #tpu.memory_space<hbm>> -> memref<10000xi32, #tpu.memory_space<hbm>>
      %dma_wait3A_169 = tpu.memref_slice %arg3[%run_scoped3A, %mul3A_6] : memref<2x320000xi32, #tpu.memory_space<hbm>> -> memref<1x10000xi32, #tpu.memory_space<hbm>>
      %dma_wait3A_170 = tpu.memref_squeeze %dma_wait3A_169 : memref<1x10000xi32, #tpu.memory_space<hbm>> -> memref<10000xi32, #tpu.memory_space<hbm>>
      tpu.wait_dma2 semaphore(%run_scoped3A_162 : memref<!tpu.dma_semaphore, #tpu.memory_space<semaphore_mem>>) src(%dma_wait3A_170 : memref<10000xi32, #tpu.memory_space<hbm>>) dst(%arg6 : memref<10000xi32, #tpu.memory_space<vmem>>)
      tpu.yield
    }) : () -> ()
    %mul3A_7 = arith.constant 10000 : i32
    %mul3A_8 = arith.muli %add3A, %mul3A_7 : i32
    %run_scoped3A_9 = arith.constant 1 : i32
    "tpu.region"() ({
      %run_scoped3A_162 = tpu.sem_alloc : memref<!tpu.dma_semaphore, #tpu.memory_space<semaphore_mem>>
      %dma_start3A_163 = tpu.memref_slice %arg3[%run_scoped3A_9, %mul3A_8] : memref<2x320000xi32, #tpu.memory_space<hbm>> -> memref<1x10000xi32, #tpu.memory_space<hbm>>
      %dma_start3A_164 = tpu.memref_squeeze %dma_start3A_163 : memref<1x10000xi32, #tpu.memory_space<hbm>> -> memref<10000xi32, #tpu.memory_space<hbm>>
      %dma_start3A_165 = tpu.memref_slice %arg3[%run_scoped3A_9, %mul3A_8] : memref<2x320000xi32, #tpu.memory_space<hbm>> -> memref<1x10000xi32, #tpu.memory_space<hbm>>
      %dma_start3A_166 = tpu.memref_squeeze %dma_start3A_165 : memref<1x10000xi32, #tpu.memory_space<hbm>> -> memref<10000xi32, #tpu.memory_space<hbm>>
      tpu.enqueue_dma source(%dma_start3A_166 : memref<10000xi32, #tpu.memory_space<hbm>>) target(%arg7 : memref<10000xi32, #tpu.memory_space<vmem>>) target_semaphore(%run_scoped3A_162 : memref<!tpu.dma_semaphore, #tpu.memory_space<semaphore_mem>>)
      %dma_wait3A_167 = tpu.memref_slice %arg3[%run_scoped3A_9, %mul3A_8] : memref<2x320000xi32, #tpu.memory_space<hbm>> -> memref<1x10000xi32, #tpu.memory_space<hbm>>
      %dma_wait3A_168 = tpu.memref_squeeze %dma_wait3A_167 : memref<1x10000xi32, #tpu.memory_space<hbm>> -> memref<10000xi32, #tpu.memory_space<hbm>>
      %dma_wait3A_169 = tpu.memref_slice %arg3[%run_scoped3A_9, %mul3A_8] : memref<2x320000xi32, #tpu.memory_space<hbm>> -> memref<1x10000xi32, #tpu.memory_space<hbm>>
      %dma_wait3A_170 = tpu.memref_squeeze %dma_wait3A_169 : memref<1x10000xi32, #tpu.memory_space<hbm>> -> memref<10000xi32, #tpu.memory_space<hbm>>
      tpu.wait_dma2 semaphore(%run_scoped3A_162 : memref<!tpu.dma_semaphore, #tpu.memory_space<semaphore_mem>>) src(%dma_wait3A_170 : memref<10000xi32, #tpu.memory_space<hbm>>) dst(%arg7 : memref<10000xi32, #tpu.memory_space<vmem>>)
      tpu.yield
    }) : () -> ()
    %barrier3A = arith.constant 0 : index
    tpu.barrier barrier_id(%barrier3A)
    %dma_start3A = arith.constant 0 : i32
    %dma_start3A_10 = tpu.memref_slice %arg6[%dma_start3A] : memref<10000xi32, #tpu.memory_space<vmem>> -> memref<128xi32, #tpu.memory_space<vmem>>
    %dma_start3A_11 = arith.constant 0 : i32
    %dma_start3A_12 = arith.constant 0 : i32
    %dma_start3A_13 = tpu.memref_slice %arg2[%dma_start3A_11, %dma_start3A_12] : memref<10000x64xf32, #tpu.memory_space<hbm>> -> memref<10000x64xf32, #tpu.memory_space<hbm>>
    tpu.enqueue_indirect_dma source(%dma_start3A_13 : memref<10000x64xf32, #tpu.memory_space<hbm>>) target(%arg8 : memref<128x64xf32, #tpu.memory_space<vmem>>) offsets(%dma_start3A_10 : memref<128xi32, #tpu.memory_space<vmem>>) semaphore(%arg15 : memref<!tpu.dma_semaphore, #tpu.memory_space<semaphore_mem>>)
    %dma_start3A_14 = arith.constant 128 : i32
    %dma_start3A_15 = tpu.memref_slice %arg6[%dma_start3A_14] : memref<10000xi32, #tpu.memory_space<vmem>> -> memref<128xi32, #tpu.memory_space<vmem>>
    %dma_start3A_16 = arith.constant 0 : i32
    %dma_start3A_17 = arith.constant 0 : i32
    %dma_start3A_18 = tpu.memref_slice %arg2[%dma_start3A_16, %dma_start3A_17] : memref<10000x64xf32, #tpu.memory_space<hbm>> -> memref<10000x64xf32, #tpu.memory_space<hbm>>
    tpu.enqueue_indirect_dma source(%dma_start3A_18 : memref<10000x64xf32, #tpu.memory_space<hbm>>) target(%arg9 : memref<128x64xf32, #tpu.memory_space<vmem>>) offsets(%dma_start3A_15 : memref<128xi32, #tpu.memory_space<vmem>>) semaphore(%arg16 : memref<!tpu.dma_semaphore, #tpu.memory_space<semaphore_mem>>)
    %dma_start3A_19 = arith.constant 256 : i32
    %dma_start3A_20 = tpu.memref_slice %arg6[%dma_start3A_19] : memref<10000xi32, #tpu.memory_space<vmem>> -> memref<128xi32, #tpu.memory_space<vmem>>
    %dma_start3A_21 = arith.constant 0 : i32
    %dma_start3A_22 = arith.constant 0 : i32
    %dma_start3A_23 = tpu.memref_slice %arg2[%dma_start3A_21, %dma_start3A_22] : memref<10000x64xf32, #tpu.memory_space<hbm>> -> memref<10000x64xf32, #tpu.memory_space<hbm>>
    tpu.enqueue_indirect_dma source(%dma_start3A_23 : memref<10000x64xf32, #tpu.memory_space<hbm>>) target(%arg10 : memref<128x64xf32, #tpu.memory_space<vmem>>) offsets(%dma_start3A_20 : memref<128xi32, #tpu.memory_space<vmem>>) semaphore(%arg17 : memref<!tpu.dma_semaphore, #tpu.memory_space<semaphore_mem>>)
    %dma_start3A_24 = arith.constant 384 : i32
    %dma_start3A_25 = tpu.memref_slice %arg6[%dma_start3A_24] : memref<10000xi32, #tpu.memory_space<vmem>> -> memref<128xi32, #tpu.memory_space<vmem>>
    %dma_start3A_26 = arith.constant 0 : i32
    %dma_start3A_27 = arith.constant 0 : i32
    %dma_start3A_28 = tpu.memref_slice %arg2[%dma_start3A_26, %dma_start3A_27] : memref<10000x64xf32, #tpu.memory_space<hbm>> -> memref<10000x64xf32, #tpu.memory_space<hbm>>
    tpu.enqueue_indirect_dma source(%dma_start3A_28 : memref<10000x64xf32, #tpu.memory_space<hbm>>) target(%arg11 : memref<128x64xf32, #tpu.memory_space<vmem>>) offsets(%dma_start3A_25 : memref<128xi32, #tpu.memory_space<vmem>>) semaphore(%arg18 : memref<!tpu.dma_semaphore, #tpu.memory_space<semaphore_mem>>)
    %dma_start3A_29 = arith.constant 512 : i32
    %dma_start3A_30 = tpu.memref_slice %arg6[%dma_start3A_29] : memref<10000xi32, #tpu.memory_space<vmem>> -> memref<128xi32, #tpu.memory_space<vmem>>
    %dma_start3A_31 = arith.constant 0 : i32
    %dma_start3A_32 = arith.constant 0 : i32
    %dma_start3A_33 = tpu.memref_slice %arg2[%dma_start3A_31, %dma_start3A_32] : memref<10000x64xf32, #tpu.memory_space<hbm>> -> memref<10000x64xf32, #tpu.memory_space<hbm>>
    tpu.enqueue_indirect_dma source(%dma_start3A_33 : memref<10000x64xf32, #tpu.memory_space<hbm>>) target(%arg12 : memref<128x64xf32, #tpu.memory_space<vmem>>) offsets(%dma_start3A_30 : memref<128xi32, #tpu.memory_space<vmem>>) semaphore(%arg19 : memref<!tpu.dma_semaphore, #tpu.memory_space<semaphore_mem>>)
    %dma_wait3A = arith.constant 0 : i32
    %dma_wait3A_34 = tpu.memref_slice %arg6[%dma_wait3A] : memref<10000xi32, #tpu.memory_space<vmem>> -> memref<128xi32, #tpu.memory_space<vmem>>
    %dma_wait3A_35 = arith.constant 0 : i32
    %dma_wait3A_36 = arith.constant 0 : i32
    %dma_wait3A_37 = tpu.memref_slice %arg2[%dma_wait3A_35, %dma_wait3A_36] : memref<10000x64xf32, #tpu.memory_space<hbm>> -> memref<10000x64xf32, #tpu.memory_space<hbm>>
    tpu.wait_indirect_dma semaphore(%arg15 : memref<!tpu.dma_semaphore, #tpu.memory_space<semaphore_mem>>) src(%dma_wait3A_37 : memref<10000x64xf32, #tpu.memory_space<hbm>>) dst(%arg8 : memref<128x64xf32, #tpu.memory_space<vmem>>)
    %dma_start3A_38 = arith.constant 0 : i32
    %dma_start3A_39 = tpu.memref_slice %arg7[%dma_start3A_38] : memref<10000xi32, #tpu.memory_space<vmem>> -> memref<128xi32, #tpu.memory_space<vmem>>
    %dma_start3A_40 = arith.constant 0 : i32
    %dma_start3A_41 = arith.constant 0 : i32
    %dma_start3A_42 = tpu.memref_slice %arg14[%dma_start3A_40, %dma_start3A_41] : memref<10000x64xf32, #tpu.memory_space<vmem_shared>> -> memref<10000x64xf32, #tpu.memory_space<vmem_shared>>
    tpu.enqueue_indirect_dma source(%arg8 : memref<128x64xf32, #tpu.memory_space<vmem>>) target(%dma_start3A_42 : memref<10000x64xf32, #tpu.memory_space<vmem_shared>>) offsets(%dma_start3A_39 : memref<128xi32, #tpu.memory_space<vmem>>) semaphore(%arg21 : memref<!tpu.dma_semaphore, #tpu.memory_space<semaphore_mem>>) {add = true}
    %dma_start3A_43 = arith.constant 640 : i32
    %dma_start3A_44 = tpu.memref_slice %arg6[%dma_start3A_43] : memref<10000xi32, #tpu.memory_space<vmem>> -> memref<128xi32, #tpu.memory_space<vmem>>
    %dma_start3A_45 = arith.constant 0 : i32
    %dma_start3A_46 = arith.constant 0 : i32
    %dma_start3A_47 = tpu.memref_slice %arg2[%dma_start3A_45, %dma_start3A_46] : memref<10000x64xf32, #tpu.memory_space<hbm>> -> memref<10000x64xf32, #tpu.memory_space<hbm>>
    tpu.enqueue_indirect_dma source(%dma_start3A_47 : memref<10000x64xf32, #tpu.memory_space<hbm>>) target(%arg13 : memref<128x64xf32, #tpu.memory_space<vmem>>) offsets(%dma_start3A_44 : memref<128xi32, #tpu.memory_space<vmem>>) semaphore(%arg20 : memref<!tpu.dma_semaphore, #tpu.memory_space<semaphore_mem>>)
    %scan3A = arith.constant 0 : i32
    %scan3A_48 = arith.constant 0 : i32
    %scan3A_49 = arith.constant 12 : i32
    %scan3A_50 = arith.addi %scan3A_48, %scan3A_49 : i32
    %scan3A_51 = arith.constant 1 : i32
    scf.for %scan3A_162 = %scan3A_48 to %scan3A_50 step %scan3A_51  : i32 {
      %mul3A_163 = arith.constant 6 : i32
      %mul3A_164 = arith.muli %scan3A_162, %mul3A_163 : i32
      %add3A_165 = arith.constant 1 : i32
      %add3A_166 = arith.addi %mul3A_164, %add3A_165 : i32
      %add3A_167 = arith.constant 0 : i32
      %add3A_168 = arith.addi %add3A_166, %add3A_167 : i32
      %mul3A_169 = arith.constant 128 : i32
      %mul3A_170 = arith.muli %add3A_168, %mul3A_169 : i32
      %dma_wait3A_171 = tpu.memref_slice %arg6[%mul3A_170] : memref<10000xi32, #tpu.memory_space<vmem>> -> memref<128xi32, #tpu.memory_space<vmem>>
      %dma_wait3A_172 = arith.constant 0 : i32
      %dma_wait3A_173 = arith.constant 0 : i32
      %dma_wait3A_174 = tpu.memref_slice %arg2[%dma_wait3A_172, %dma_wait3A_173] : memref<10000x64xf32, #tpu.memory_space<hbm>> -> memref<10000x64xf32, #tpu.memory_space<hbm>>
      tpu.wait_indirect_dma semaphore(%arg16 : memref<!tpu.dma_semaphore, #tpu.memory_space<semaphore_mem>>) src(%dma_wait3A_174 : memref<10000x64xf32, #tpu.memory_space<hbm>>) dst(%arg9 : memref<128x64xf32, #tpu.memory_space<vmem>>)
      %mul3A_175 = arith.constant 128 : i32
      %mul3A_176 = arith.muli %add3A_168, %mul3A_175 : i32
      %dma_start3A_177 = tpu.memref_slice %arg7[%mul3A_176] : memref<10000xi32, #tpu.memory_space<vmem>> -> memref<128xi32, #tpu.memory_space<vmem>>
      %dma_start3A_178 = arith.constant 0 : i32
      %dma_start3A_179 = arith.constant 0 : i32
      %dma_start3A_180 = tpu.memref_slice %arg14[%dma_start3A_178, %dma_start3A_179] : memref<10000x64xf32, #tpu.memory_space<vmem_shared>> -> memref<10000x64xf32, #tpu.memory_space<vmem_shared>>
      tpu.enqueue_indirect_dma source(%arg9 : memref<128x64xf32, #tpu.memory_space<vmem>>) target(%dma_start3A_180 : memref<10000x64xf32, #tpu.memory_space<vmem_shared>>) offsets(%dma_start3A_177 : memref<128xi32, #tpu.memory_space<vmem>>) semaphore(%arg22 : memref<!tpu.dma_semaphore, #tpu.memory_space<semaphore_mem>>) {add = true}
      %sub3A = arith.constant 1 : i32
      %sub3A_181 = arith.subi %add3A_168, %sub3A : i32
      %mul3A_182 = arith.constant 128 : i32
      %mul3A_183 = arith.muli %sub3A_181, %mul3A_182 : i32
      %dma_wait3A_184 = tpu.memref_slice %arg7[%mul3A_183] : memref<10000xi32, #tpu.memory_space<vmem>> -> memref<128xi32, #tpu.memory_space<vmem>>
      %dma_wait3A_185 = arith.constant 0 : i32
      %dma_wait3A_186 = arith.constant 0 : i32
      %dma_wait3A_187 = tpu.memref_slice %arg14[%dma_wait3A_185, %dma_wait3A_186] : memref<10000x64xf32, #tpu.memory_space<vmem_shared>> -> memref<10000x64xf32, #tpu.memory_space<vmem_shared>>
      tpu.wait_indirect_dma semaphore(%arg21 : memref<!tpu.dma_semaphore, #tpu.memory_space<semaphore_mem>>) src(%arg8 : memref<128x64xf32, #tpu.memory_space<vmem>>) dst(%dma_wait3A_187 : memref<10000x64xf32, #tpu.memory_space<vmem_shared>>)
      %add3A_188 = arith.constant 6 : i32
      %add3A_189 = arith.addi %add3A_168, %add3A_188 : i32
      %sub3A_190 = arith.constant 1 : i32
      %sub3A_191 = arith.subi %add3A_189, %sub3A_190 : i32
      %mul3A_192 = arith.constant 128 : i32
      %mul3A_193 = arith.muli %sub3A_191, %mul3A_192 : i32
      %dma_start3A_194 = tpu.memref_slice %arg6[%mul3A_193] : memref<10000xi32, #tpu.memory_space<vmem>> -> memref<128xi32, #tpu.memory_space<vmem>>
      %dma_start3A_195 = arith.constant 0 : i32
      %dma_start3A_196 = arith.constant 0 : i32
      %dma_start3A_197 = tpu.memref_slice %arg2[%dma_start3A_195, %dma_start3A_196] : memref<10000x64xf32, #tpu.memory_space<hbm>> -> memref<10000x64xf32, #tpu.memory_space<hbm>>
      tpu.enqueue_indirect_dma source(%dma_start3A_197 : memref<10000x64xf32, #tpu.memory_space<hbm>>) target(%arg8 : memref<128x64xf32, #tpu.memory_space<vmem>>) offsets(%dma_start3A_194 : memref<128xi32, #tpu.memory_space<vmem>>) semaphore(%arg15 : memref<!tpu.dma_semaphore, #tpu.memory_space<semaphore_mem>>)
      %mul3A_198 = arith.constant 6 : i32
      %mul3A_199 = arith.muli %scan3A_162, %mul3A_198 : i32
      %add3A_200 = arith.constant 1 : i32
      %add3A_201 = arith.addi %mul3A_199, %add3A_200 : i32
      %add3A_202 = arith.constant 1 : i32
      %add3A_203 = arith.addi %add3A_201, %add3A_202 : i32
      %mul3A_204 = arith.constant 128 : i32
      %mul3A_205 = arith.muli %add3A_203, %mul3A_204 : i32
      %dma_wait3A_206 = tpu.memref_slice %arg6[%mul3A_205] : memref<10000xi32, #tpu.memory_space<vmem>> -> memref<128xi32, #tpu.memory_space<vmem>>
      %dma_wait3A_207 = arith.constant 0 : i32
      %dma_wait3A_208 = arith.constant 0 : i32
      %dma_wait3A_209 = tpu.memref_slice %arg2[%dma_wait3A_207, %dma_wait3A_208] : memref<10000x64xf32, #tpu.memory_space<hbm>> -> memref<10000x64xf32, #tpu.memory_space<hbm>>
      tpu.wait_indirect_dma semaphore(%arg17 : memref<!tpu.dma_semaphore, #tpu.memory_space<semaphore_mem>>) src(%dma_wait3A_209 : memref<10000x64xf32, #tpu.memory_space<hbm>>) dst(%arg10 : memref<128x64xf32, #tpu.memory_space<vmem>>)
      %mul3A_210 = arith.constant 128 : i32
      %mul3A_211 = arith.muli %add3A_203, %mul3A_210 : i32
      %dma_start3A_212 = tpu.memref_slice %arg7[%mul3A_211] : memref<10000xi32, #tpu.memory_space<vmem>> -> memref<128xi32, #tpu.memory_space<vmem>>
      %dma_start3A_213 = arith.constant 0 : i32
      %dma_start3A_214 = arith.constant 0 : i32
      %dma_start3A_215 = tpu.memref_slice %arg14[%dma_start3A_213, %dma_start3A_214] : memref<10000x64xf32, #tpu.memory_space<vmem_shared>> -> memref<10000x64xf32, #tpu.memory_space<vmem_shared>>
      tpu.enqueue_indirect_dma source(%arg10 : memref<128x64xf32, #tpu.memory_space<vmem>>) target(%dma_start3A_215 : memref<10000x64xf32, #tpu.memory_space<vmem_shared>>) offsets(%dma_start3A_212 : memref<128xi32, #tpu.memory_space<vmem>>) semaphore(%arg23 : memref<!tpu.dma_semaphore, #tpu.memory_space<semaphore_mem>>) {add = true}
      %sub3A_216 = arith.constant 1 : i32
      %sub3A_217 = arith.subi %add3A_203, %sub3A_216 : i32
      %mul3A_218 = arith.constant 128 : i32
      %mul3A_219 = arith.muli %sub3A_217, %mul3A_218 : i32
      %dma_wait3A_220 = tpu.memref_slice %arg7[%mul3A_219] : memref<10000xi32, #tpu.memory_space<vmem>> -> memref<128xi32, #tpu.memory_space<vmem>>
      %dma_wait3A_221 = arith.constant 0 : i32
      %dma_wait3A_222 = arith.constant 0 : i32
      %dma_wait3A_223 = tpu.memref_slice %arg14[%dma_wait3A_221, %dma_wait3A_222] : memref<10000x64xf32, #tpu.memory_space<vmem_shared>> -> memref<10000x64xf32, #tpu.memory_space<vmem_shared>>
      tpu.wait_indirect_dma semaphore(%arg22 : memref<!tpu.dma_semaphore, #tpu.memory_space<semaphore_mem>>) src(%arg9 : memref<128x64xf32, #tpu.memory_space<vmem>>) dst(%dma_wait3A_223 : memref<10000x64xf32, #tpu.memory_space<vmem_shared>>)
      %add3A_224 = arith.constant 6 : i32
      %add3A_225 = arith.addi %add3A_203, %add3A_224 : i32
      %sub3A_226 = arith.constant 1 : i32
      %sub3A_227 = arith.subi %add3A_225, %sub3A_226 : i32
      %mul3A_228 = arith.constant 128 : i32
      %mul3A_229 = arith.muli %sub3A_227, %mul3A_228 : i32
      %dma_start3A_230 = tpu.memref_slice %arg6[%mul3A_229] : memref<10000xi32, #tpu.memory_space<vmem>> -> memref<128xi32, #tpu.memory_space<vmem>>
      %dma_start3A_231 = arith.constant 0 : i32
      %dma_start3A_232 = arith.constant 0 : i32
      %dma_start3A_233 = tpu.memref_slice %arg2[%dma_start3A_231, %dma_start3A_232] : memref<10000x64xf32, #tpu.memory_space<hbm>> -> memref<10000x64xf32, #tpu.memory_space<hbm>>
      tpu.enqueue_indirect_dma source(%dma_start3A_233 : memref<10000x64xf32, #tpu.memory_space<hbm>>) target(%arg9 : memref<128x64xf32, #tpu.memory_space<vmem>>) offsets(%dma_start3A_230 : memref<128xi32, #tpu.memory_space<vmem>>) semaphore(%arg16 : memref<!tpu.dma_semaphore, #tpu.memory_space<semaphore_mem>>)
      %mul3A_234 = arith.constant 6 : i32
      %mul3A_235 = arith.muli %scan3A_162, %mul3A_234 : i32
      %add3A_236 = arith.constant 1 : i32
      %add3A_237 = arith.addi %mul3A_235, %add3A_236 : i32
      %add3A_238 = arith.constant 2 : i32
      %add3A_239 = arith.addi %add3A_237, %add3A_238 : i32
      %mul3A_240 = arith.constant 128 : i32
      %mul3A_241 = arith.muli %add3A_239, %mul3A_240 : i32
      %dma_wait3A_242 = tpu.memref_slice %arg6[%mul3A_241] : memref<10000xi32, #tpu.memory_space<vmem>> -> memref<128xi32, #tpu.memory_space<vmem>>
      %dma_wait3A_243 = arith.constant 0 : i32
      %dma_wait3A_244 = arith.constant 0 : i32
      %dma_wait3A_245 = tpu.memref_slice %arg2[%dma_wait3A_243, %dma_wait3A_244] : memref<10000x64xf32, #tpu.memory_space<hbm>> -> memref<10000x64xf32, #tpu.memory_space<hbm>>
      tpu.wait_indirect_dma semaphore(%arg18 : memref<!tpu.dma_semaphore, #tpu.memory_space<semaphore_mem>>) src(%dma_wait3A_245 : memref<10000x64xf32, #tpu.memory_space<hbm>>) dst(%arg11 : memref<128x64xf32, #tpu.memory_space<vmem>>)
      %mul3A_246 = arith.constant 128 : i32
      %mul3A_247 = arith.muli %add3A_239, %mul3A_246 : i32
      %dma_start3A_248 = tpu.memref_slice %arg7[%mul3A_247] : memref<10000xi32, #tpu.memory_space<vmem>> -> memref<128xi32, #tpu.memory_space<vmem>>
      %dma_start3A_249 = arith.constant 0 : i32
      %dma_start3A_250 = arith.constant 0 : i32
      %dma_start3A_251 = tpu.memref_slice %arg14[%dma_start3A_249, %dma_start3A_250] : memref<10000x64xf32, #tpu.memory_space<vmem_shared>> -> memref<10000x64xf32, #tpu.memory_space<vmem_shared>>
      tpu.enqueue_indirect_dma source(%arg11 : memref<128x64xf32, #tpu.memory_space<vmem>>) target(%dma_start3A_251 : memref<10000x64xf32, #tpu.memory_space<vmem_shared>>) offsets(%dma_start3A_248 : memref<128xi32, #tpu.memory_space<vmem>>) semaphore(%arg24 : memref<!tpu.dma_semaphore, #tpu.memory_space<semaphore_mem>>) {add = true}
      %sub3A_252 = arith.constant 1 : i32
      %sub3A_253 = arith.subi %add3A_239, %sub3A_252 : i32
      %mul3A_254 = arith.constant 128 : i32
      %mul3A_255 = arith.muli %sub3A_253, %mul3A_254 : i32
      %dma_wait3A_256 = tpu.memref_slice %arg7[%mul3A_255] : memref<10000xi32, #tpu.memory_space<vmem>> -> memref<128xi32, #tpu.memory_space<vmem>>
      %dma_wait3A_257 = arith.constant 0 : i32
      %dma_wait3A_258 = arith.constant 0 : i32
      %dma_wait3A_259 = tpu.memref_slice %arg14[%dma_wait3A_257, %dma_wait3A_258] : memref<10000x64xf32, #tpu.memory_space<vmem_shared>> -> memref<10000x64xf32, #tpu.memory_space<vmem_shared>>
      tpu.wait_indirect_dma semaphore(%arg23 : memref<!tpu.dma_semaphore, #tpu.memory_space<semaphore_mem>>) src(%arg10 : memref<128x64xf32, #tpu.memory_space<vmem>>) dst(%dma_wait3A_259 : memref<10000x64xf32, #tpu.memory_space<vmem_shared>>)
      %add3A_260 = arith.constant 6 : i32
      %add3A_261 = arith.addi %add3A_239, %add3A_260 : i32
      %sub3A_262 = arith.constant 1 : i32
      %sub3A_263 = arith.subi %add3A_261, %sub3A_262 : i32
      %mul3A_264 = arith.constant 128 : i32
      %mul3A_265 = arith.muli %sub3A_263, %mul3A_264 : i32
      %dma_start3A_266 = tpu.memref_slice %arg6[%mul3A_265] : memref<10000xi32, #tpu.memory_space<vmem>> -> memref<128xi32, #tpu.memory_space<vmem>>
      %dma_start3A_267 = arith.constant 0 : i32
      %dma_start3A_268 = arith.constant 0 : i32
      %dma_start3A_269 = tpu.memref_slice %arg2[%dma_start3A_267, %dma_start3A_268] : memref<10000x64xf32, #tpu.memory_space<hbm>> -> memref<10000x64xf32, #tpu.memory_space<hbm>>
      tpu.enqueue_indirect_dma source(%dma_start3A_269 : memref<10000x64xf32, #tpu.memory_space<hbm>>) target(%arg10 : memref<128x64xf32, #tpu.memory_space<vmem>>) offsets(%dma_start3A_266 : memref<128xi32, #tpu.memory_space<vmem>>) semaphore(%arg17 : memref<!tpu.dma_semaphore, #tpu.memory_space<semaphore_mem>>)
      %mul3A_270 = arith.constant 6 : i32
      %mul3A_271 = arith.muli %scan3A_162, %mul3A_270 : i32
      %add3A_272 = arith.constant 1 : i32
      %add3A_273 = arith.addi %mul3A_271, %add3A_272 : i32
      %add3A_274 = arith.constant 3 : i32
      %add3A_275 = arith.addi %add3A_273, %add3A_274 : i32
      %mul3A_276 = arith.constant 128 : i32
      %mul3A_277 = arith.muli %add3A_275, %mul3A_276 : i32
      %dma_wait3A_278 = tpu.memref_slice %arg6[%mul3A_277] : memref<10000xi32, #tpu.memory_space<vmem>> -> memref<128xi32, #tpu.memory_space<vmem>>
      %dma_wait3A_279 = arith.constant 0 : i32
      %dma_wait3A_280 = arith.constant 0 : i32
      %dma_wait3A_281 = tpu.memref_slice %arg2[%dma_wait3A_279, %dma_wait3A_280] : memref<10000x64xf32, #tpu.memory_space<hbm>> -> memref<10000x64xf32, #tpu.memory_space<hbm>>
      tpu.wait_indirect_dma semaphore(%arg19 : memref<!tpu.dma_semaphore, #tpu.memory_space<semaphore_mem>>) src(%dma_wait3A_281 : memref<10000x64xf32, #tpu.memory_space<hbm>>) dst(%arg12 : memref<128x64xf32, #tpu.memory_space<vmem>>)
      %mul3A_282 = arith.constant 128 : i32
      %mul3A_283 = arith.muli %add3A_275, %mul3A_282 : i32
      %dma_start3A_284 = tpu.memref_slice %arg7[%mul3A_283] : memref<10000xi32, #tpu.memory_space<vmem>> -> memref<128xi32, #tpu.memory_space<vmem>>
      %dma_start3A_285 = arith.constant 0 : i32
      %dma_start3A_286 = arith.constant 0 : i32
      %dma_start3A_287 = tpu.memref_slice %arg14[%dma_start3A_285, %dma_start3A_286] : memref<10000x64xf32, #tpu.memory_space<vmem_shared>> -> memref<10000x64xf32, #tpu.memory_space<vmem_shared>>
      tpu.enqueue_indirect_dma source(%arg12 : memref<128x64xf32, #tpu.memory_space<vmem>>) target(%dma_start3A_287 : memref<10000x64xf32, #tpu.memory_space<vmem_shared>>) offsets(%dma_start3A_284 : memref<128xi32, #tpu.memory_space<vmem>>) semaphore(%arg25 : memref<!tpu.dma_semaphore, #tpu.memory_space<semaphore_mem>>) {add = true}
      %sub3A_288 = arith.constant 1 : i32
      %sub3A_289 = arith.subi %add3A_275, %sub3A_288 : i32
      %mul3A_290 = arith.constant 128 : i32
      %mul3A_291 = arith.muli %sub3A_289, %mul3A_290 : i32
      %dma_wait3A_292 = tpu.memref_slice %arg7[%mul3A_291] : memref<10000xi32, #tpu.memory_space<vmem>> -> memref<128xi32, #tpu.memory_space<vmem>>
      %dma_wait3A_293 = arith.constant 0 : i32
      %dma_wait3A_294 = arith.constant 0 : i32
      %dma_wait3A_295 = tpu.memref_slice %arg14[%dma_wait3A_293, %dma_wait3A_294] : memref<10000x64xf32, #tpu.memory_space<vmem_shared>> -> memref<10000x64xf32, #tpu.memory_space<vmem_shared>>
      tpu.wait_indirect_dma semaphore(%arg24 : memref<!tpu.dma_semaphore, #tpu.memory_space<semaphore_mem>>) src(%arg11 : memref<128x64xf32, #tpu.memory_space<vmem>>) dst(%dma_wait3A_295 : memref<10000x64xf32, #tpu.memory_space<vmem_shared>>)
      %add3A_296 = arith.constant 6 : i32
      %add3A_297 = arith.addi %add3A_275, %add3A_296 : i32
      %sub3A_298 = arith.constant 1 : i32
      %sub3A_299 = arith.subi %add3A_297, %sub3A_298 : i32
      %mul3A_300 = arith.constant 128 : i32
      %mul3A_301 = arith.muli %sub3A_299, %mul3A_300 : i32
      %dma_start3A_302 = tpu.memref_slice %arg6[%mul3A_301] : memref<10000xi32, #tpu.memory_space<vmem>> -> memref<128xi32, #tpu.memory_space<vmem>>
      %dma_start3A_303 = arith.constant 0 : i32
      %dma_start3A_304 = arith.constant 0 : i32
      %dma_start3A_305 = tpu.memref_slice %arg2[%dma_start3A_303, %dma_start3A_304] : memref<10000x64xf32, #tpu.memory_space<hbm>> -> memref<10000x64xf32, #tpu.memory_space<hbm>>
      tpu.enqueue_indirect_dma source(%dma_start3A_305 : memref<10000x64xf32, #tpu.memory_space<hbm>>) target(%arg11 : memref<128x64xf32, #tpu.memory_space<vmem>>) offsets(%dma_start3A_302 : memref<128xi32, #tpu.memory_space<vmem>>) semaphore(%arg18 : memref<!tpu.dma_semaphore, #tpu.memory_space<semaphore_mem>>)
      %mul3A_306 = arith.constant 6 : i32
      %mul3A_307 = arith.muli %scan3A_162, %mul3A_306 : i32
      %add3A_308 = arith.constant 1 : i32
      %add3A_309 = arith.addi %mul3A_307, %add3A_308 : i32
      %add3A_310 = arith.constant 4 : i32
      %add3A_311 = arith.addi %add3A_309, %add3A_310 : i32
      %mul3A_312 = arith.constant 128 : i32
      %mul3A_313 = arith.muli %add3A_311, %mul3A_312 : i32
      %dma_wait3A_314 = tpu.memref_slice %arg6[%mul3A_313] : memref<10000xi32, #tpu.memory_space<vmem>> -> memref<128xi32, #tpu.memory_space<vmem>>
      %dma_wait3A_315 = arith.constant 0 : i32
      %dma_wait3A_316 = arith.constant 0 : i32
      %dma_wait3A_317 = tpu.memref_slice %arg2[%dma_wait3A_315, %dma_wait3A_316] : memref<10000x64xf32, #tpu.memory_space<hbm>> -> memref<10000x64xf32, #tpu.memory_space<hbm>>
      tpu.wait_indirect_dma semaphore(%arg20 : memref<!tpu.dma_semaphore, #tpu.memory_space<semaphore_mem>>) src(%dma_wait3A_317 : memref<10000x64xf32, #tpu.memory_space<hbm>>) dst(%arg13 : memref<128x64xf32, #tpu.memory_space<vmem>>)
      %mul3A_318 = arith.constant 128 : i32
      %mul3A_319 = arith.muli %add3A_311, %mul3A_318 : i32
      %dma_start3A_320 = tpu.memref_slice %arg7[%mul3A_319] : memref<10000xi32, #tpu.memory_space<vmem>> -> memref<128xi32, #tpu.memory_space<vmem>>
      %dma_start3A_321 = arith.constant 0 : i32
      %dma_start3A_322 = arith.constant 0 : i32
      %dma_start3A_323 = tpu.memref_slice %arg14[%dma_start3A_321, %dma_start3A_322] : memref<10000x64xf32, #tpu.memory_space<vmem_shared>> -> memref<10000x64xf32, #tpu.memory_space<vmem_shared>>
      tpu.enqueue_indirect_dma source(%arg13 : memref<128x64xf32, #tpu.memory_space<vmem>>) target(%dma_start3A_323 : memref<10000x64xf32, #tpu.memory_space<vmem_shared>>) offsets(%dma_start3A_320 : memref<128xi32, #tpu.memory_space<vmem>>) semaphore(%arg26 : memref<!tpu.dma_semaphore, #tpu.memory_space<semaphore_mem>>) {add = true}
      %sub3A_324 = arith.constant 1 : i32
      %sub3A_325 = arith.subi %add3A_311, %sub3A_324 : i32
      %mul3A_326 = arith.constant 128 : i32
      %mul3A_327 = arith.muli %sub3A_325, %mul3A_326 : i32
      %dma_wait3A_328 = tpu.memref_slice %arg7[%mul3A_327] : memref<10000xi32, #tpu.memory_space<vmem>> -> memref<128xi32, #tpu.memory_space<vmem>>
      %dma_wait3A_329 = arith.constant 0 : i32
      %dma_wait3A_330 = arith.constant 0 : i32
      %dma_wait3A_331 = tpu.memref_slice %arg14[%dma_wait3A_329, %dma_wait3A_330] : memref<10000x64xf32, #tpu.memory_space<vmem_shared>> -> memref<10000x64xf32, #tpu.memory_space<vmem_shared>>
      tpu.wait_indirect_dma semaphore(%arg25 : memref<!tpu.dma_semaphore, #tpu.memory_space<semaphore_mem>>) src(%arg12 : memref<128x64xf32, #tpu.memory_space<vmem>>) dst(%dma_wait3A_331 : memref<10000x64xf32, #tpu.memory_space<vmem_shared>>)
      %add3A_332 = arith.constant 6 : i32
      %add3A_333 = arith.addi %add3A_311, %add3A_332 : i32
      %sub3A_334 = arith.constant 1 : i32
      %sub3A_335 = arith.subi %add3A_333, %sub3A_334 : i32
      %mul3A_336 = arith.constant 128 : i32
      %mul3A_337 = arith.muli %sub3A_335, %mul3A_336 : i32
      %dma_start3A_338 = tpu.memref_slice %arg6[%mul3A_337] : memref<10000xi32, #tpu.memory_space<vmem>> -> memref<128xi32, #tpu.memory_space<vmem>>
      %dma_start3A_339 = arith.constant 0 : i32
      %dma_start3A_340 = arith.constant 0 : i32
      %dma_start3A_341 = tpu.memref_slice %arg2[%dma_start3A_339, %dma_start3A_340] : memref<10000x64xf32, #tpu.memory_space<hbm>> -> memref<10000x64xf32, #tpu.memory_space<hbm>>
      tpu.enqueue_indirect_dma source(%dma_start3A_341 : memref<10000x64xf32, #tpu.memory_space<hbm>>) target(%arg12 : memref<128x64xf32, #tpu.memory_space<vmem>>) offsets(%dma_start3A_338 : memref<128xi32, #tpu.memory_space<vmem>>) semaphore(%arg19 : memref<!tpu.dma_semaphore, #tpu.memory_space<semaphore_mem>>)
      %mul3A_342 = arith.constant 6 : i32
      %mul3A_343 = arith.muli %scan3A_162, %mul3A_342 : i32
      %add3A_344 = arith.constant 1 : i32
      %add3A_345 = arith.addi %mul3A_343, %add3A_344 : i32
      %add3A_346 = arith.constant 5 : i32
      %add3A_347 = arith.addi %add3A_345, %add3A_346 : i32
      %mul3A_348 = arith.constant 128 : i32
      %mul3A_349 = arith.muli %add3A_347, %mul3A_348 : i32
      %dma_wait3A_350 = tpu.memref_slice %arg6[%mul3A_349] : memref<10000xi32, #tpu.memory_space<vmem>> -> memref<128xi32, #tpu.memory_space<vmem>>
      %dma_wait3A_351 = arith.constant 0 : i32
      %dma_wait3A_352 = arith.constant 0 : i32
      %dma_wait3A_353 = tpu.memref_slice %arg2[%dma_wait3A_351, %dma_wait3A_352] : memref<10000x64xf32, #tpu.memory_space<hbm>> -> memref<10000x64xf32, #tpu.memory_space<hbm>>
      tpu.wait_indirect_dma semaphore(%arg15 : memref<!tpu.dma_semaphore, #tpu.memory_space<semaphore_mem>>) src(%dma_wait3A_353 : memref<10000x64xf32, #tpu.memory_space<hbm>>) dst(%arg8 : memref<128x64xf32, #tpu.memory_space<vmem>>)
      %mul3A_354 = arith.constant 128 : i32
      %mul3A_355 = arith.muli %add3A_347, %mul3A_354 : i32
      %dma_start3A_356 = tpu.memref_slice %arg7[%mul3A_355] : memref<10000xi32, #tpu.memory_space<vmem>> -> memref<128xi32, #tpu.memory_space<vmem>>
      %dma_start3A_357 = arith.constant 0 : i32
      %dma_start3A_358 = arith.constant 0 : i32
      %dma_start3A_359 = tpu.memref_slice %arg14[%dma_start3A_357, %dma_start3A_358] : memref<10000x64xf32, #tpu.memory_space<vmem_shared>> -> memref<10000x64xf32, #tpu.memory_space<vmem_shared>>
      tpu.enqueue_indirect_dma source(%arg8 : memref<128x64xf32, #tpu.memory_space<vmem>>) target(%dma_start3A_359 : memref<10000x64xf32, #tpu.memory_space<vmem_shared>>) offsets(%dma_start3A_356 : memref<128xi32, #tpu.memory_space<vmem>>) semaphore(%arg21 : memref<!tpu.dma_semaphore, #tpu.memory_space<semaphore_mem>>) {add = true}
      %sub3A_360 = arith.constant 1 : i32
      %sub3A_361 = arith.subi %add3A_347, %sub3A_360 : i32
      %mul3A_362 = arith.constant 128 : i32
      %mul3A_363 = arith.muli %sub3A_361, %mul3A_362 : i32
      %dma_wait3A_364 = tpu.memref_slice %arg7[%mul3A_363] : memref<10000xi32, #tpu.memory_space<vmem>> -> memref<128xi32, #tpu.memory_space<vmem>>
      %dma_wait3A_365 = arith.constant 0 : i32
      %dma_wait3A_366 = arith.constant 0 : i32
      %dma_wait3A_367 = tpu.memref_slice %arg14[%dma_wait3A_365, %dma_wait3A_366] : memref<10000x64xf32, #tpu.memory_space<vmem_shared>> -> memref<10000x64xf32, #tpu.memory_space<vmem_shared>>
      tpu.wait_indirect_dma semaphore(%arg26 : memref<!tpu.dma_semaphore, #tpu.memory_space<semaphore_mem>>) src(%arg13 : memref<128x64xf32, #tpu.memory_space<vmem>>) dst(%dma_wait3A_367 : memref<10000x64xf32, #tpu.memory_space<vmem_shared>>)
      %add3A_368 = arith.constant 6 : i32
      %add3A_369 = arith.addi %add3A_347, %add3A_368 : i32
      %sub3A_370 = arith.constant 1 : i32
      %sub3A_371 = arith.subi %add3A_369, %sub3A_370 : i32
      %mul3A_372 = arith.constant 128 : i32
      %mul3A_373 = arith.muli %sub3A_371, %mul3A_372 : i32
      %dma_start3A_374 = tpu.memref_slice %arg6[%mul3A_373] : memref<10000xi32, #tpu.memory_space<vmem>> -> memref<128xi32, #tpu.memory_space<vmem>>
      %dma_start3A_375 = arith.constant 0 : i32
      %dma_start3A_376 = arith.constant 0 : i32
      %dma_start3A_377 = tpu.memref_slice %arg2[%dma_start3A_375, %dma_start3A_376] : memref<10000x64xf32, #tpu.memory_space<hbm>> -> memref<10000x64xf32, #tpu.memory_space<hbm>>
      tpu.enqueue_indirect_dma source(%dma_start3A_377 : memref<10000x64xf32, #tpu.memory_space<hbm>>) target(%arg13 : memref<128x64xf32, #tpu.memory_space<vmem>>) offsets(%dma_start3A_374 : memref<128xi32, #tpu.memory_space<vmem>>) semaphore(%arg20 : memref<!tpu.dma_semaphore, #tpu.memory_space<semaphore_mem>>)
    }
    %scan3A_52 = arith.constant 12 : i32
    %dma_wait3A_53 = arith.constant 9344 : i32
    %dma_wait3A_54 = tpu.memref_slice %arg6[%dma_wait3A_53] : memref<10000xi32, #tpu.memory_space<vmem>> -> memref<128xi32, #tpu.memory_space<vmem>>
    %dma_wait3A_55 = arith.constant 0 : i32
    %dma_wait3A_56 = arith.constant 0 : i32
    %dma_wait3A_57 = tpu.memref_slice %arg2[%dma_wait3A_55, %dma_wait3A_56] : memref<10000x64xf32, #tpu.memory_space<hbm>> -> memref<10000x64xf32, #tpu.memory_space<hbm>>
    tpu.wait_indirect_dma semaphore(%arg16 : memref<!tpu.dma_semaphore, #tpu.memory_space<semaphore_mem>>) src(%dma_wait3A_57 : memref<10000x64xf32, #tpu.memory_space<hbm>>) dst(%arg9 : memref<128x64xf32, #tpu.memory_space<vmem>>)
    %dma_start3A_58 = arith.constant 9344 : i32
    %dma_start3A_59 = tpu.memref_slice %arg7[%dma_start3A_58] : memref<10000xi32, #tpu.memory_space<vmem>> -> memref<128xi32, #tpu.memory_space<vmem>>
    %dma_start3A_60 = arith.constant 0 : i32
    %dma_start3A_61 = arith.constant 0 : i32
    %dma_start3A_62 = tpu.memref_slice %arg14[%dma_start3A_60, %dma_start3A_61] : memref<10000x64xf32, #tpu.memory_space<vmem_shared>> -> memref<10000x64xf32, #tpu.memory_space<vmem_shared>>
    tpu.enqueue_indirect_dma source(%arg9 : memref<128x64xf32, #tpu.memory_space<vmem>>) target(%dma_start3A_62 : memref<10000x64xf32, #tpu.memory_space<vmem_shared>>) offsets(%dma_start3A_59 : memref<128xi32, #tpu.memory_space<vmem>>) semaphore(%arg22 : memref<!tpu.dma_semaphore, #tpu.memory_space<semaphore_mem>>) {add = true}
    %dma_wait3A_63 = arith.constant 9216 : i32
    %dma_wait3A_64 = tpu.memref_slice %arg7[%dma_wait3A_63] : memref<10000xi32, #tpu.memory_space<vmem>> -> memref<128xi32, #tpu.memory_space<vmem>>
    %dma_wait3A_65 = arith.constant 0 : i32
    %dma_wait3A_66 = arith.constant 0 : i32
    %dma_wait3A_67 = tpu.memref_slice %arg14[%dma_wait3A_65, %dma_wait3A_66] : memref<10000x64xf32, #tpu.memory_space<vmem_shared>> -> memref<10000x64xf32, #tpu.memory_space<vmem_shared>>
    tpu.wait_indirect_dma semaphore(%arg21 : memref<!tpu.dma_semaphore, #tpu.memory_space<semaphore_mem>>) src(%arg8 : memref<128x64xf32, #tpu.memory_space<vmem>>) dst(%dma_wait3A_67 : memref<10000x64xf32, #tpu.memory_space<vmem_shared>>)
    %dma_wait3A_68 = arith.constant 9472 : i32
    %dma_wait3A_69 = tpu.memref_slice %arg6[%dma_wait3A_68] : memref<10000xi32, #tpu.memory_space<vmem>> -> memref<128xi32, #tpu.memory_space<vmem>>
    %dma_wait3A_70 = arith.constant 0 : i32
    %dma_wait3A_71 = arith.constant 0 : i32
    %dma_wait3A_72 = tpu.memref_slice %arg2[%dma_wait3A_70, %dma_wait3A_71] : memref<10000x64xf32, #tpu.memory_space<hbm>> -> memref<10000x64xf32, #tpu.memory_space<hbm>>
    tpu.wait_indirect_dma semaphore(%arg17 : memref<!tpu.dma_semaphore, #tpu.memory_space<semaphore_mem>>) src(%dma_wait3A_72 : memref<10000x64xf32, #tpu.memory_space<hbm>>) dst(%arg10 : memref<128x64xf32, #tpu.memory_space<vmem>>)
    %dma_start3A_73 = arith.constant 9472 : i32
    %dma_start3A_74 = tpu.memref_slice %arg7[%dma_start3A_73] : memref<10000xi32, #tpu.memory_space<vmem>> -> memref<128xi32, #tpu.memory_space<vmem>>
    %dma_start3A_75 = arith.constant 0 : i32
    %dma_start3A_76 = arith.constant 0 : i32
    %dma_start3A_77 = tpu.memref_slice %arg14[%dma_start3A_75, %dma_start3A_76] : memref<10000x64xf32, #tpu.memory_space<vmem_shared>> -> memref<10000x64xf32, #tpu.memory_space<vmem_shared>>
    tpu.enqueue_indirect_dma source(%arg10 : memref<128x64xf32, #tpu.memory_space<vmem>>) target(%dma_start3A_77 : memref<10000x64xf32, #tpu.memory_space<vmem_shared>>) offsets(%dma_start3A_74 : memref<128xi32, #tpu.memory_space<vmem>>) semaphore(%arg23 : memref<!tpu.dma_semaphore, #tpu.memory_space<semaphore_mem>>) {add = true}
    %dma_wait3A_78 = arith.constant 9344 : i32
    %dma_wait3A_79 = tpu.memref_slice %arg7[%dma_wait3A_78] : memref<10000xi32, #tpu.memory_space<vmem>> -> memref<128xi32, #tpu.memory_space<vmem>>
    %dma_wait3A_80 = arith.constant 0 : i32
    %dma_wait3A_81 = arith.constant 0 : i32
    %dma_wait3A_82 = tpu.memref_slice %arg14[%dma_wait3A_80, %dma_wait3A_81] : memref<10000x64xf32, #tpu.memory_space<vmem_shared>> -> memref<10000x64xf32, #tpu.memory_space<vmem_shared>>
    tpu.wait_indirect_dma semaphore(%arg22 : memref<!tpu.dma_semaphore, #tpu.memory_space<semaphore_mem>>) src(%arg9 : memref<128x64xf32, #tpu.memory_space<vmem>>) dst(%dma_wait3A_82 : memref<10000x64xf32, #tpu.memory_space<vmem_shared>>)
    %dma_wait3A_83 = arith.constant 9600 : i32
    %dma_wait3A_84 = tpu.memref_slice %arg6[%dma_wait3A_83] : memref<10000xi32, #tpu.memory_space<vmem>> -> memref<128xi32, #tpu.memory_space<vmem>>
    %dma_wait3A_85 = arith.constant 0 : i32
    %dma_wait3A_86 = arith.constant 0 : i32
    %dma_wait3A_87 = tpu.memref_slice %arg2[%dma_wait3A_85, %dma_wait3A_86] : memref<10000x64xf32, #tpu.memory_space<hbm>> -> memref<10000x64xf32, #tpu.memory_space<hbm>>
    tpu.wait_indirect_dma semaphore(%arg18 : memref<!tpu.dma_semaphore, #tpu.memory_space<semaphore_mem>>) src(%dma_wait3A_87 : memref<10000x64xf32, #tpu.memory_space<hbm>>) dst(%arg11 : memref<128x64xf32, #tpu.memory_space<vmem>>)
    %dma_start3A_88 = arith.constant 9600 : i32
    %dma_start3A_89 = tpu.memref_slice %arg7[%dma_start3A_88] : memref<10000xi32, #tpu.memory_space<vmem>> -> memref<128xi32, #tpu.memory_space<vmem>>
    %dma_start3A_90 = arith.constant 0 : i32
    %dma_start3A_91 = arith.constant 0 : i32
    %dma_start3A_92 = tpu.memref_slice %arg14[%dma_start3A_90, %dma_start3A_91] : memref<10000x64xf32, #tpu.memory_space<vmem_shared>> -> memref<10000x64xf32, #tpu.memory_space<vmem_shared>>
    tpu.enqueue_indirect_dma source(%arg11 : memref<128x64xf32, #tpu.memory_space<vmem>>) target(%dma_start3A_92 : memref<10000x64xf32, #tpu.memory_space<vmem_shared>>) offsets(%dma_start3A_89 : memref<128xi32, #tpu.memory_space<vmem>>) semaphore(%arg24 : memref<!tpu.dma_semaphore, #tpu.memory_space<semaphore_mem>>) {add = true}
    %dma_wait3A_93 = arith.constant 9472 : i32
    %dma_wait3A_94 = tpu.memref_slice %arg7[%dma_wait3A_93] : memref<10000xi32, #tpu.memory_space<vmem>> -> memref<128xi32, #tpu.memory_space<vmem>>
    %dma_wait3A_95 = arith.constant 0 : i32
    %dma_wait3A_96 = arith.constant 0 : i32
    %dma_wait3A_97 = tpu.memref_slice %arg14[%dma_wait3A_95, %dma_wait3A_96] : memref<10000x64xf32, #tpu.memory_space<vmem_shared>> -> memref<10000x64xf32, #tpu.memory_space<vmem_shared>>
    tpu.wait_indirect_dma semaphore(%arg23 : memref<!tpu.dma_semaphore, #tpu.memory_space<semaphore_mem>>) src(%arg10 : memref<128x64xf32, #tpu.memory_space<vmem>>) dst(%dma_wait3A_97 : memref<10000x64xf32, #tpu.memory_space<vmem_shared>>)
    %dma_wait3A_98 = arith.constant 9728 : i32
    %dma_wait3A_99 = tpu.memref_slice %arg6[%dma_wait3A_98] : memref<10000xi32, #tpu.memory_space<vmem>> -> memref<128xi32, #tpu.memory_space<vmem>>
    %dma_wait3A_100 = arith.constant 0 : i32
    %dma_wait3A_101 = arith.constant 0 : i32
    %dma_wait3A_102 = tpu.memref_slice %arg2[%dma_wait3A_100, %dma_wait3A_101] : memref<10000x64xf32, #tpu.memory_space<hbm>> -> memref<10000x64xf32, #tpu.memory_space<hbm>>
    tpu.wait_indirect_dma semaphore(%arg19 : memref<!tpu.dma_semaphore, #tpu.memory_space<semaphore_mem>>) src(%dma_wait3A_102 : memref<10000x64xf32, #tpu.memory_space<hbm>>) dst(%arg12 : memref<128x64xf32, #tpu.memory_space<vmem>>)
    %dma_start3A_103 = arith.constant 9728 : i32
    %dma_start3A_104 = tpu.memref_slice %arg7[%dma_start3A_103] : memref<10000xi32, #tpu.memory_space<vmem>> -> memref<128xi32, #tpu.memory_space<vmem>>
    %dma_start3A_105 = arith.constant 0 : i32
    %dma_start3A_106 = arith.constant 0 : i32
    %dma_start3A_107 = tpu.memref_slice %arg14[%dma_start3A_105, %dma_start3A_106] : memref<10000x64xf32, #tpu.memory_space<vmem_shared>> -> memref<10000x64xf32, #tpu.memory_space<vmem_shared>>
    tpu.enqueue_indirect_dma source(%arg12 : memref<128x64xf32, #tpu.memory_space<vmem>>) target(%dma_start3A_107 : memref<10000x64xf32, #tpu.memory_space<vmem_shared>>) offsets(%dma_start3A_104 : memref<128xi32, #tpu.memory_space<vmem>>) semaphore(%arg25 : memref<!tpu.dma_semaphore, #tpu.memory_space<semaphore_mem>>) {add = true}
    %dma_wait3A_108 = arith.constant 9600 : i32
    %dma_wait3A_109 = tpu.memref_slice %arg7[%dma_wait3A_108] : memref<10000xi32, #tpu.memory_space<vmem>> -> memref<128xi32, #tpu.memory_space<vmem>>
    %dma_wait3A_110 = arith.constant 0 : i32
    %dma_wait3A_111 = arith.constant 0 : i32
    %dma_wait3A_112 = tpu.memref_slice %arg14[%dma_wait3A_110, %dma_wait3A_111] : memref<10000x64xf32, #tpu.memory_space<vmem_shared>> -> memref<10000x64xf32, #tpu.memory_space<vmem_shared>>
    tpu.wait_indirect_dma semaphore(%arg24 : memref<!tpu.dma_semaphore, #tpu.memory_space<semaphore_mem>>) src(%arg11 : memref<128x64xf32, #tpu.memory_space<vmem>>) dst(%dma_wait3A_112 : memref<10000x64xf32, #tpu.memory_space<vmem_shared>>)
    %dma_wait3A_113 = arith.constant 9856 : i32
    %dma_wait3A_114 = tpu.memref_slice %arg6[%dma_wait3A_113] : memref<10000xi32, #tpu.memory_space<vmem>> -> memref<128xi32, #tpu.memory_space<vmem>>
    %dma_wait3A_115 = arith.constant 0 : i32
    %dma_wait3A_116 = arith.constant 0 : i32
    %dma_wait3A_117 = tpu.memref_slice %arg2[%dma_wait3A_115, %dma_wait3A_116] : memref<10000x64xf32, #tpu.memory_space<hbm>> -> memref<10000x64xf32, #tpu.memory_space<hbm>>
    tpu.wait_indirect_dma semaphore(%arg20 : memref<!tpu.dma_semaphore, #tpu.memory_space<semaphore_mem>>) src(%dma_wait3A_117 : memref<10000x64xf32, #tpu.memory_space<hbm>>) dst(%arg13 : memref<128x64xf32, #tpu.memory_space<vmem>>)
    %dma_start3A_118 = arith.constant 9856 : i32
    %dma_start3A_119 = tpu.memref_slice %arg7[%dma_start3A_118] : memref<10000xi32, #tpu.memory_space<vmem>> -> memref<128xi32, #tpu.memory_space<vmem>>
    %dma_start3A_120 = arith.constant 0 : i32
    %dma_start3A_121 = arith.constant 0 : i32
    %dma_start3A_122 = tpu.memref_slice %arg14[%dma_start3A_120, %dma_start3A_121] : memref<10000x64xf32, #tpu.memory_space<vmem_shared>> -> memref<10000x64xf32, #tpu.memory_space<vmem_shared>>
    tpu.enqueue_indirect_dma source(%arg13 : memref<128x64xf32, #tpu.memory_space<vmem>>) target(%dma_start3A_122 : memref<10000x64xf32, #tpu.memory_space<vmem_shared>>) offsets(%dma_start3A_119 : memref<128xi32, #tpu.memory_space<vmem>>) semaphore(%arg26 : memref<!tpu.dma_semaphore, #tpu.memory_space<semaphore_mem>>) {add = true}
    %dma_wait3A_123 = arith.constant 9728 : i32
    %dma_wait3A_124 = tpu.memref_slice %arg7[%dma_wait3A_123] : memref<10000xi32, #tpu.memory_space<vmem>> -> memref<128xi32, #tpu.memory_space<vmem>>
    %dma_wait3A_125 = arith.constant 0 : i32
    %dma_wait3A_126 = arith.constant 0 : i32
    %dma_wait3A_127 = tpu.memref_slice %arg14[%dma_wait3A_125, %dma_wait3A_126] : memref<10000x64xf32, #tpu.memory_space<vmem_shared>> -> memref<10000x64xf32, #tpu.memory_space<vmem_shared>>
    tpu.wait_indirect_dma semaphore(%arg25 : memref<!tpu.dma_semaphore, #tpu.memory_space<semaphore_mem>>) src(%arg12 : memref<128x64xf32, #tpu.memory_space<vmem>>) dst(%dma_wait3A_127 : memref<10000x64xf32, #tpu.memory_space<vmem_shared>>)
    %dma_wait3A_128 = arith.constant 9856 : i32
    %dma_wait3A_129 = tpu.memref_slice %arg7[%dma_wait3A_128] : memref<10000xi32, #tpu.memory_space<vmem>> -> memref<128xi32, #tpu.memory_space<vmem>>
    %dma_wait3A_130 = arith.constant 0 : i32
    %dma_wait3A_131 = arith.constant 0 : i32
    %dma_wait3A_132 = tpu.memref_slice %arg14[%dma_wait3A_130, %dma_wait3A_131] : memref<10000x64xf32, #tpu.memory_space<vmem_shared>> -> memref<10000x64xf32, #tpu.memory_space<vmem_shared>>
    tpu.wait_indirect_dma semaphore(%arg26 : memref<!tpu.dma_semaphore, #tpu.memory_space<semaphore_mem>>) src(%arg13 : memref<128x64xf32, #tpu.memory_space<vmem>>) dst(%dma_wait3A_132 : memref<10000x64xf32, #tpu.memory_space<vmem_shared>>)
    %dma_start3A_133 = arith.constant 0 : i32
    %dma_start3A_134 = arith.constant 0 : i32
    %dma_start3A_135 = tpu.memref_slice %arg8[%dma_start3A_133, %dma_start3A_134] : memref<128x64xf32, #tpu.memory_space<vmem>> -> memref<16x64xf32, #tpu.memory_space<vmem>>
    %dma_start3A_136 = arith.constant 9984 : i32
    %dma_start3A_137 = tpu.memref_slice %arg6[%dma_start3A_136] : memref<10000xi32, #tpu.memory_space<vmem>> -> memref<16xi32, #tpu.memory_space<vmem>>
    %dma_start3A_138 = arith.constant 0 : i32
    %dma_start3A_139 = arith.constant 0 : i32
    %dma_start3A_140 = tpu.memref_slice %arg2[%dma_start3A_138, %dma_start3A_139] : memref<10000x64xf32, #tpu.memory_space<hbm>> -> memref<10000x64xf32, #tpu.memory_space<hbm>>
    tpu.enqueue_indirect_dma source(%dma_start3A_140 : memref<10000x64xf32, #tpu.memory_space<hbm>>) target(%dma_start3A_135 : memref<16x64xf32, #tpu.memory_space<vmem>>) offsets(%dma_start3A_137 : memref<16xi32, #tpu.memory_space<vmem>>) semaphore(%arg15 : memref<!tpu.dma_semaphore, #tpu.memory_space<semaphore_mem>>)
    %dma_wait3A_141 = arith.constant 0 : i32
    %dma_wait3A_142 = arith.constant 0 : i32
    %dma_wait3A_143 = tpu.memref_slice %arg8[%dma_wait3A_141, %dma_wait3A_142] : memref<128x64xf32, #tpu.memory_space<vmem>> -> memref<16x64xf32, #tpu.memory_space<vmem>>
    %dma_wait3A_144 = arith.constant 9984 : i32
    %dma_wait3A_145 = tpu.memref_slice %arg6[%dma_wait3A_144] : memref<10000xi32, #tpu.memory_space<vmem>> -> memref<16xi32, #tpu.memory_space<vmem>>
    %dma_wait3A_146 = arith.constant 0 : i32
    %dma_wait3A_147 = arith.constant 0 : i32
    %dma_wait3A_148 = tpu.memref_slice %arg2[%dma_wait3A_146, %dma_wait3A_147] : memref<10000x64xf32, #tpu.memory_space<hbm>> -> memref<10000x64xf32, #tpu.memory_space<hbm>>
    tpu.wait_indirect_dma semaphore(%arg15 : memref<!tpu.dma_semaphore, #tpu.memory_space<semaphore_mem>>) src(%dma_wait3A_148 : memref<10000x64xf32, #tpu.memory_space<hbm>>) dst(%dma_wait3A_143 : memref<16x64xf32, #tpu.memory_space<vmem>>)
    "tpu.region"() ({
      %run_scoped3A_162 = tpu.sem_alloc : memref<!tpu.dma_semaphore, #tpu.memory_space<semaphore_mem>>
      %dma_start3A_163 = arith.constant 0 : i32
      %dma_start3A_164 = arith.constant 0 : i32
      %dma_start3A_165 = tpu.memref_slice %arg8[%dma_start3A_163, %dma_start3A_164] : memref<128x64xf32, #tpu.memory_space<vmem>> -> memref<16x64xf32, #tpu.memory_space<vmem>>
      %dma_start3A_166 = arith.constant 9984 : i32
      %dma_start3A_167 = tpu.memref_slice %arg7[%dma_start3A_166] : memref<10000xi32, #tpu.memory_space<vmem>> -> memref<16xi32, #tpu.memory_space<vmem>>
      %dma_start3A_168 = arith.constant 0 : i32
      %dma_start3A_169 = arith.constant 0 : i32
      %dma_start3A_170 = tpu.memref_slice %arg14[%dma_start3A_168, %dma_start3A_169] : memref<10000x64xf32, #tpu.memory_space<vmem_shared>> -> memref<10000x64xf32, #tpu.memory_space<vmem_shared>>
      tpu.enqueue_indirect_dma source(%dma_start3A_165 : memref<16x64xf32, #tpu.memory_space<vmem>>) target(%dma_start3A_170 : memref<10000x64xf32, #tpu.memory_space<vmem_shared>>) offsets(%dma_start3A_167 : memref<16xi32, #tpu.memory_space<vmem>>) semaphore(%run_scoped3A_162 : memref<!tpu.dma_semaphore, #tpu.memory_space<semaphore_mem>>) {add = true}
      %dma_wait3A_171 = arith.constant 0 : i32
      %dma_wait3A_172 = arith.constant 0 : i32
      %dma_wait3A_173 = tpu.memref_slice %arg8[%dma_wait3A_171, %dma_wait3A_172] : memref<128x64xf32, #tpu.memory_space<vmem>> -> memref<16x64xf32, #tpu.memory_space<vmem>>
      %dma_wait3A_174 = arith.constant 9984 : i32
      %dma_wait3A_175 = tpu.memref_slice %arg7[%dma_wait3A_174] : memref<10000xi32, #tpu.memory_space<vmem>> -> memref<16xi32, #tpu.memory_space<vmem>>
      %dma_wait3A_176 = arith.constant 0 : i32
      %dma_wait3A_177 = arith.constant 0 : i32
      %dma_wait3A_178 = tpu.memref_slice %arg14[%dma_wait3A_176, %dma_wait3A_177] : memref<10000x64xf32, #tpu.memory_space<vmem_shared>> -> memref<10000x64xf32, #tpu.memory_space<vmem_shared>>
      tpu.wait_indirect_dma semaphore(%run_scoped3A_162 : memref<!tpu.dma_semaphore, #tpu.memory_space<semaphore_mem>>) src(%dma_wait3A_173 : memref<16x64xf32, #tpu.memory_space<vmem>>) dst(%dma_wait3A_178 : memref<10000x64xf32, #tpu.memory_space<vmem_shared>>)
      tpu.yield
    }) : () -> ()
    %barrier3A_149 = arith.constant 0 : index
    tpu.barrier barrier_id(%barrier3A_149)
    %mul3A_150 = arith.constant 624 : i32
    %mul3A_151 = arith.muli %arg1, %mul3A_150 : i32
    %mul3A_152 = arith.constant 10000 : i32
    %mul3A_153 = arith.muli %arg0, %mul3A_152 : i32
    %mul3A_154 = arith.constant 624 : i32
    %mul3A_155 = arith.muli %arg1, %mul3A_154 : i32
    %add3A_156 = arith.addi %mul3A_153, %mul3A_155 : i32
    "tpu.region"() ({
      %run_scoped3A_162 = tpu.sem_alloc : memref<!tpu.dma_semaphore, #tpu.memory_space<semaphore_mem>>
      %dma_start3A_163 = arith.constant 0 : i32
      %dma_start3A_164 = tpu.memref_slice %arg5[%add3A_156, %dma_start3A_163] : memref<20000x64xf32, #tpu.memory_space<hbm>> -> memref<624x64xf32, #tpu.memory_space<hbm>>
      %dma_start3A_165 = arith.constant 0 : i32
      %dma_start3A_166 = tpu.memref_slice %arg14[%mul3A_151, %dma_start3A_165] : memref<10000x64xf32, #tpu.memory_space<vmem_shared>> -> memref<624x64xf32, #tpu.memory_space<vmem_shared>>
      tpu.enqueue_dma source(%dma_start3A_166 : memref<624x64xf32, #tpu.memory_space<vmem_shared>>) target(%dma_start3A_164 : memref<624x64xf32, #tpu.memory_space<hbm>>) target_semaphore(%run_scoped3A_162 : memref<!tpu.dma_semaphore, #tpu.memory_space<semaphore_mem>>)
      %dma_wait3A_167 = arith.constant 0 : i32
      %dma_wait3A_168 = tpu.memref_slice %arg5[%add3A_156, %dma_wait3A_167] : memref<20000x64xf32, #tpu.memory_space<hbm>> -> memref<624x64xf32, #tpu.memory_space<hbm>>
      %dma_wait3A_169 = arith.constant 0 : i32
      %dma_wait3A_170 = tpu.memref_slice %arg14[%mul3A_151, %dma_wait3A_169] : memref<10000x64xf32, #tpu.memory_space<vmem_shared>> -> memref<624x64xf32, #tpu.memory_space<vmem_shared>>
      tpu.wait_dma2 semaphore(%run_scoped3A_162 : memref<!tpu.dma_semaphore, #tpu.memory_space<semaphore_mem>>) src(%dma_wait3A_170 : memref<624x64xf32, #tpu.memory_space<vmem_shared>>) dst(%dma_wait3A_168 : memref<624x64xf32, #tpu.memory_space<hbm>>)
      tpu.yield
    }) : () -> ()
    %eq3A_157 = arith.constant 15 : i32
    %eq3A_158 = arith.cmpi eq, %arg1, %eq3A_157 : i32
    %convert_element_type3A_159 = arith.extui %eq3A_158 : i1 to i32
    %cond3A_160 = arith.constant 0 : i32
    %cond3A_161 = arith.cmpi ne, %convert_element_type3A_159, %cond3A_160 : i32
    scf.if %cond3A_161 {
      %mul3A_162 = arith.constant 10000 : i32
      %mul3A_163 = arith.muli %arg0, %mul3A_162 : i32
      %add3A_164 = arith.constant 9984 : i32
      %add3A_165 = arith.addi %mul3A_163, %add3A_164 : i32
      "tpu.region"() ({
        %run_scoped3A_166 = tpu.sem_alloc : memref<!tpu.dma_semaphore, #tpu.memory_space<semaphore_mem>>
        %dma_start3A_167 = arith.constant 0 : i32
        %dma_start3A_168 = tpu.memref_slice %arg5[%add3A_165, %dma_start3A_167] : memref<20000x64xf32, #tpu.memory_space<hbm>> -> memref<16x64xf32, #tpu.memory_space<hbm>>
        %dma_start3A_169 = arith.constant 9984 : i32
        %dma_start3A_170 = arith.constant 0 : i32
        %dma_start3A_171 = tpu.memref_slice %arg14[%dma_start3A_169, %dma_start3A_170] : memref<10000x64xf32, #tpu.memory_space<vmem_shared>> -> memref<16x64xf32, #tpu.memory_space<vmem_shared>>
        tpu.enqueue_dma source(%dma_start3A_171 : memref<16x64xf32, #tpu.memory_space<vmem_shared>>) target(%dma_start3A_168 : memref<16x64xf32, #tpu.memory_space<hbm>>) target_semaphore(%run_scoped3A_166 : memref<!tpu.dma_semaphore, #tpu.memory_space<semaphore_mem>>)
        %dma_wait3A_172 = arith.constant 0 : i32
        %dma_wait3A_173 = tpu.memref_slice %arg5[%add3A_165, %dma_wait3A_172] : memref<20000x64xf32, #tpu.memory_space<hbm>> -> memref<16x64xf32, #tpu.memory_space<hbm>>
        %dma_wait3A_174 = arith.constant 9984 : i32
        %dma_wait3A_175 = arith.constant 0 : i32
        %dma_wait3A_176 = tpu.memref_slice %arg14[%dma_wait3A_174, %dma_wait3A_175] : memref<10000x64xf32, #tpu.memory_space<vmem_shared>> -> memref<16x64xf32, #tpu.memory_space<vmem_shared>>
        tpu.wait_dma2 semaphore(%run_scoped3A_166 : memref<!tpu.dma_semaphore, #tpu.memory_space<semaphore_mem>>) src(%dma_wait3A_176 : memref<16x64xf32, #tpu.memory_space<vmem_shared>>) dst(%dma_wait3A_173 : memref<16x64xf32, #tpu.memory_space<hbm>>)
        tpu.yield
      }) : () -> ()
    } else {
    }
    return
  }
}

#map = affine_map<(d0, d1) -> (0, 0)>
module attributes {stable_mosaic.version = 14 : i64} {
  func.func @deg(%arg0: i32, %arg1: i32, %arg2: memref<2x320000xi32, #tpu.memory_space<hbm>>, %arg3: memref<624x16xf32, #tpu.memory_space<hbm>>, %arg4: memref<80x16xf32, #tpu.memory_space<hbm>>, %arg5: memref<20000x16xf32, #tpu.memory_space<hbm>>, %arg6: memref<10000xi32, #tpu.memory_space<vmem>>, %arg7: memref<80x16xf32, #tpu.memory_space<vmem>>, %arg8: memref<10000x16xf32, #tpu.memory_space<vmem_shared>>, %arg9: memref<!tpu.dma_semaphore, #tpu.memory_space<semaphore_mem>>) attributes {dimension_semantics = [#tpu.dimension_semantics<core_parallel>, #tpu.dimension_semantics<subcore_parallel>], iteration_bounds = array<i64: 2, 16>, scalar_prefetch = 0 : i64, scratch_operands = 4 : i64, tpu.core_type = #tpu.core_type<sc_vector_subcore>, window_params = [{transform_indices = #map}, {transform_indices = #map}, {transform_indices = #map}, {transform_indices = #map}]} {
    %mul3A = arith.constant 2 : i32
    %mul3A_0 = arith.muli %arg1, %mul3A : i32
    %add3A = arith.addi %mul3A_0, %arg0 : i32
    %mul3A_1 = arith.constant 624 : i32
    %mul3A_2 = arith.muli %arg1, %mul3A_1 : i32
    "tpu.region"() ({
      %run_scoped3A_31 = tpu.sem_alloc : memref<!tpu.dma_semaphore, #tpu.memory_space<semaphore_mem>>
      %dma_start3A = arith.constant 0 : i32
      %dma_start3A_32 = tpu.memref_slice %arg8[%mul3A_2, %dma_start3A] : memref<10000x16xf32, #tpu.memory_space<vmem_shared>> -> memref<624x16xf32, #tpu.memory_space<vmem_shared>>
      tpu.enqueue_dma source(%arg3 : memref<624x16xf32, #tpu.memory_space<hbm>>) target(%dma_start3A_32 : memref<624x16xf32, #tpu.memory_space<vmem_shared>>) target_semaphore(%run_scoped3A_31 : memref<!tpu.dma_semaphore, #tpu.memory_space<semaphore_mem>>)
      %dma_wait3A = arith.constant 0 : i32
      %dma_wait3A_33 = tpu.memref_slice %arg8[%mul3A_2, %dma_wait3A] : memref<10000x16xf32, #tpu.memory_space<vmem_shared>> -> memref<624x16xf32, #tpu.memory_space<vmem_shared>>
      tpu.wait_dma2 semaphore(%run_scoped3A_31 : memref<!tpu.dma_semaphore, #tpu.memory_space<semaphore_mem>>) src(%arg3 : memref<624x16xf32, #tpu.memory_space<hbm>>) dst(%dma_wait3A_33 : memref<624x16xf32, #tpu.memory_space<vmem_shared>>)
      tpu.yield
    }) : () -> ()
    %eq3A = arith.constant 15 : i32
    %eq3A_3 = arith.cmpi eq, %arg1, %eq3A : i32
    %convert_element_type3A = arith.extui %eq3A_3 : i1 to i32
    %cond3A = arith.constant 0 : i32
    %cond3A_4 = arith.cmpi ne, %convert_element_type3A, %cond3A : i32
    scf.if %cond3A_4 {
      "tpu.region"() ({
        %run_scoped3A_31 = tpu.sem_alloc : memref<!tpu.dma_semaphore, #tpu.memory_space<semaphore_mem>>
        %dma_start3A = arith.constant 9984 : i32
        %dma_start3A_32 = arith.constant 0 : i32
        %dma_start3A_33 = tpu.memref_slice %arg8[%dma_start3A, %dma_start3A_32] : memref<10000x16xf32, #tpu.memory_space<vmem_shared>> -> memref<16x16xf32, #tpu.memory_space<vmem_shared>>
        %dma_start3A_34 = arith.constant 0 : i32
        %dma_start3A_35 = arith.constant 0 : i32
        %dma_start3A_36 = tpu.memref_slice %arg3[%dma_start3A_34, %dma_start3A_35] : memref<624x16xf32, #tpu.memory_space<hbm>> -> memref<16x16xf32, #tpu.memory_space<hbm>>
        tpu.enqueue_dma source(%dma_start3A_36 : memref<16x16xf32, #tpu.memory_space<hbm>>) target(%dma_start3A_33 : memref<16x16xf32, #tpu.memory_space<vmem_shared>>) target_semaphore(%run_scoped3A_31 : memref<!tpu.dma_semaphore, #tpu.memory_space<semaphore_mem>>)
        %dma_wait3A = arith.constant 9984 : i32
        %dma_wait3A_37 = arith.constant 0 : i32
        %dma_wait3A_38 = tpu.memref_slice %arg8[%dma_wait3A, %dma_wait3A_37] : memref<10000x16xf32, #tpu.memory_space<vmem_shared>> -> memref<16x16xf32, #tpu.memory_space<vmem_shared>>
        %dma_wait3A_39 = arith.constant 0 : i32
        %dma_wait3A_40 = arith.constant 0 : i32
        %dma_wait3A_41 = tpu.memref_slice %arg3[%dma_wait3A_39, %dma_wait3A_40] : memref<624x16xf32, #tpu.memory_space<hbm>> -> memref<16x16xf32, #tpu.memory_space<hbm>>
        tpu.wait_dma2 semaphore(%run_scoped3A_31 : memref<!tpu.dma_semaphore, #tpu.memory_space<semaphore_mem>>) src(%dma_wait3A_41 : memref<16x16xf32, #tpu.memory_space<hbm>>) dst(%dma_wait3A_38 : memref<16x16xf32, #tpu.memory_space<vmem_shared>>)
        tpu.yield
      }) : () -> ()
    } else {
    }
    "tpu.region"() ({
      %run_scoped3A_31 = tpu.sem_alloc : memref<!tpu.dma_semaphore, #tpu.memory_space<semaphore_mem>>
      tpu.enqueue_dma source(%arg4 : memref<80x16xf32, #tpu.memory_space<hbm>>) target(%arg7 : memref<80x16xf32, #tpu.memory_space<vmem>>) target_semaphore(%run_scoped3A_31 : memref<!tpu.dma_semaphore, #tpu.memory_space<semaphore_mem>>)
      tpu.wait_dma2 semaphore(%run_scoped3A_31 : memref<!tpu.dma_semaphore, #tpu.memory_space<semaphore_mem>>) src(%arg4 : memref<80x16xf32, #tpu.memory_space<hbm>>) dst(%arg7 : memref<80x16xf32, #tpu.memory_space<vmem>>)
      tpu.yield
    }) : () -> ()
    %mul3A_5 = arith.constant 10000 : i32
    %mul3A_6 = arith.muli %add3A, %mul3A_5 : i32
    %run_scoped3A = arith.constant 1 : i32
    "tpu.region"() ({
      %run_scoped3A_31 = tpu.sem_alloc : memref<!tpu.dma_semaphore, #tpu.memory_space<semaphore_mem>>
      %dma_start3A = tpu.memref_slice %arg2[%run_scoped3A, %mul3A_6] : memref<2x320000xi32, #tpu.memory_space<hbm>> -> memref<1x10000xi32, #tpu.memory_space<hbm>>
      %dma_start3A_32 = tpu.memref_squeeze %dma_start3A : memref<1x10000xi32, #tpu.memory_space<hbm>> -> memref<10000xi32, #tpu.memory_space<hbm>>
      %dma_start3A_33 = tpu.memref_slice %arg2[%run_scoped3A, %mul3A_6] : memref<2x320000xi32, #tpu.memory_space<hbm>> -> memref<1x10000xi32, #tpu.memory_space<hbm>>
      %dma_start3A_34 = tpu.memref_squeeze %dma_start3A_33 : memref<1x10000xi32, #tpu.memory_space<hbm>> -> memref<10000xi32, #tpu.memory_space<hbm>>
      tpu.enqueue_dma source(%dma_start3A_34 : memref<10000xi32, #tpu.memory_space<hbm>>) target(%arg6 : memref<10000xi32, #tpu.memory_space<vmem>>) target_semaphore(%run_scoped3A_31 : memref<!tpu.dma_semaphore, #tpu.memory_space<semaphore_mem>>)
      %dma_wait3A = tpu.memref_slice %arg2[%run_scoped3A, %mul3A_6] : memref<2x320000xi32, #tpu.memory_space<hbm>> -> memref<1x10000xi32, #tpu.memory_space<hbm>>
      %dma_wait3A_35 = tpu.memref_squeeze %dma_wait3A : memref<1x10000xi32, #tpu.memory_space<hbm>> -> memref<10000xi32, #tpu.memory_space<hbm>>
      %dma_wait3A_36 = tpu.memref_slice %arg2[%run_scoped3A, %mul3A_6] : memref<2x320000xi32, #tpu.memory_space<hbm>> -> memref<1x10000xi32, #tpu.memory_space<hbm>>
      %dma_wait3A_37 = tpu.memref_squeeze %dma_wait3A_36 : memref<1x10000xi32, #tpu.memory_space<hbm>> -> memref<10000xi32, #tpu.memory_space<hbm>>
      tpu.wait_dma2 semaphore(%run_scoped3A_31 : memref<!tpu.dma_semaphore, #tpu.memory_space<semaphore_mem>>) src(%dma_wait3A_37 : memref<10000xi32, #tpu.memory_space<hbm>>) dst(%arg6 : memref<10000xi32, #tpu.memory_space<vmem>>)
      tpu.yield
    }) : () -> ()
    %barrier3A = arith.constant 0 : index
    tpu.barrier barrier_id(%barrier3A)
    %scan3A = arith.constant 0 : i32
    %scan3A_7 = arith.constant 0 : i32
    %scan3A_8 = arith.constant 125 : i32
    %scan3A_9 = arith.addi %scan3A_7, %scan3A_8 : i32
    %scan3A_10 = arith.constant 1 : i32
    scf.for %scan3A_31 = %scan3A_7 to %scan3A_9 step %scan3A_10  : i32 {
      %mul3A_32 = arith.constant 80 : i32
      %mul3A_33 = arith.muli %scan3A_31, %mul3A_32 : i32
      %dma_start3A = tpu.memref_slice %arg6[%mul3A_33] : memref<10000xi32, #tpu.memory_space<vmem>> -> memref<80xi32, #tpu.memory_space<vmem>>
      %dma_start3A_34 = arith.constant 0 : i32
      %dma_start3A_35 = arith.constant 0 : i32
      %dma_start3A_36 = tpu.memref_slice %arg8[%dma_start3A_34, %dma_start3A_35] : memref<10000x16xf32, #tpu.memory_space<vmem_shared>> -> memref<10000x16xf32, #tpu.memory_space<vmem_shared>>
      tpu.enqueue_indirect_dma source(%arg7 : memref<80x16xf32, #tpu.memory_space<vmem>>) target(%dma_start3A_36 : memref<10000x16xf32, #tpu.memory_space<vmem_shared>>) offsets(%dma_start3A : memref<80xi32, #tpu.memory_space<vmem>>) semaphore(%arg9 : memref<!tpu.dma_semaphore, #tpu.memory_space<semaphore_mem>>) {add = true}
    }
    %scan3A_11 = arith.constant 125 : i32
    %scan3A_12 = arith.constant 0 : i32
    %scan3A_13 = arith.constant 0 : i32
    %scan3A_14 = arith.constant 125 : i32
    %scan3A_15 = arith.addi %scan3A_13, %scan3A_14 : i32
    %scan3A_16 = arith.constant 1 : i32
    scf.for %scan3A_31 = %scan3A_13 to %scan3A_15 step %scan3A_16  : i32 {
      %mul3A_32 = arith.constant 80 : i32
      %mul3A_33 = arith.muli %scan3A_31, %mul3A_32 : i32
      %dma_wait3A = tpu.memref_slice %arg6[%mul3A_33] : memref<10000xi32, #tpu.memory_space<vmem>> -> memref<80xi32, #tpu.memory_space<vmem>>
      %dma_wait3A_34 = arith.constant 0 : i32
      %dma_wait3A_35 = arith.constant 0 : i32
      %dma_wait3A_36 = tpu.memref_slice %arg8[%dma_wait3A_34, %dma_wait3A_35] : memref<10000x16xf32, #tpu.memory_space<vmem_shared>> -> memref<10000x16xf32, #tpu.memory_space<vmem_shared>>
      tpu.wait_indirect_dma semaphore(%arg9 : memref<!tpu.dma_semaphore, #tpu.memory_space<semaphore_mem>>) src(%arg7 : memref<80x16xf32, #tpu.memory_space<vmem>>) dst(%dma_wait3A_36 : memref<10000x16xf32, #tpu.memory_space<vmem_shared>>)
    }
    %scan3A_17 = arith.constant 125 : i32
    %barrier3A_18 = arith.constant 0 : index
    tpu.barrier barrier_id(%barrier3A_18)
    %mul3A_19 = arith.constant 624 : i32
    %mul3A_20 = arith.muli %arg1, %mul3A_19 : i32
    %mul3A_21 = arith.constant 10000 : i32
    %mul3A_22 = arith.muli %arg0, %mul3A_21 : i32
    %mul3A_23 = arith.constant 624 : i32
    %mul3A_24 = arith.muli %arg1, %mul3A_23 : i32
    %add3A_25 = arith.addi %mul3A_22, %mul3A_24 : i32
    "tpu.region"() ({
      %run_scoped3A_31 = tpu.sem_alloc : memref<!tpu.dma_semaphore, #tpu.memory_space<semaphore_mem>>
      %dma_start3A = arith.constant 0 : i32
      %dma_start3A_32 = tpu.memref_slice %arg5[%add3A_25, %dma_start3A] : memref<20000x16xf32, #tpu.memory_space<hbm>> -> memref<624x16xf32, #tpu.memory_space<hbm>>
      %dma_start3A_33 = arith.constant 0 : i32
      %dma_start3A_34 = tpu.memref_slice %arg8[%mul3A_20, %dma_start3A_33] : memref<10000x16xf32, #tpu.memory_space<vmem_shared>> -> memref<624x16xf32, #tpu.memory_space<vmem_shared>>
      tpu.enqueue_dma source(%dma_start3A_34 : memref<624x16xf32, #tpu.memory_space<vmem_shared>>) target(%dma_start3A_32 : memref<624x16xf32, #tpu.memory_space<hbm>>) target_semaphore(%run_scoped3A_31 : memref<!tpu.dma_semaphore, #tpu.memory_space<semaphore_mem>>)
      %dma_wait3A = arith.constant 0 : i32
      %dma_wait3A_35 = tpu.memref_slice %arg5[%add3A_25, %dma_wait3A] : memref<20000x16xf32, #tpu.memory_space<hbm>> -> memref<624x16xf32, #tpu.memory_space<hbm>>
      %dma_wait3A_36 = arith.constant 0 : i32
      %dma_wait3A_37 = tpu.memref_slice %arg8[%mul3A_20, %dma_wait3A_36] : memref<10000x16xf32, #tpu.memory_space<vmem_shared>> -> memref<624x16xf32, #tpu.memory_space<vmem_shared>>
      tpu.wait_dma2 semaphore(%run_scoped3A_31 : memref<!tpu.dma_semaphore, #tpu.memory_space<semaphore_mem>>) src(%dma_wait3A_37 : memref<624x16xf32, #tpu.memory_space<vmem_shared>>) dst(%dma_wait3A_35 : memref<624x16xf32, #tpu.memory_space<hbm>>)
      tpu.yield
    }) : () -> ()
    %eq3A_26 = arith.constant 15 : i32
    %eq3A_27 = arith.cmpi eq, %arg1, %eq3A_26 : i32
    %convert_element_type3A_28 = arith.extui %eq3A_27 : i1 to i32
    %cond3A_29 = arith.constant 0 : i32
    %cond3A_30 = arith.cmpi ne, %convert_element_type3A_28, %cond3A_29 : i32
    scf.if %cond3A_30 {
      %mul3A_31 = arith.constant 10000 : i32
      %mul3A_32 = arith.muli %arg0, %mul3A_31 : i32
      %add3A_33 = arith.constant 9984 : i32
      %add3A_34 = arith.addi %mul3A_32, %add3A_33 : i32
      "tpu.region"() ({
        %run_scoped3A_35 = tpu.sem_alloc : memref<!tpu.dma_semaphore, #tpu.memory_space<semaphore_mem>>
        %dma_start3A = arith.constant 0 : i32
        %dma_start3A_36 = tpu.memref_slice %arg5[%add3A_34, %dma_start3A] : memref<20000x16xf32, #tpu.memory_space<hbm>> -> memref<16x16xf32, #tpu.memory_space<hbm>>
        %dma_start3A_37 = arith.constant 9984 : i32
        %dma_start3A_38 = arith.constant 0 : i32
        %dma_start3A_39 = tpu.memref_slice %arg8[%dma_start3A_37, %dma_start3A_38] : memref<10000x16xf32, #tpu.memory_space<vmem_shared>> -> memref<16x16xf32, #tpu.memory_space<vmem_shared>>
        tpu.enqueue_dma source(%dma_start3A_39 : memref<16x16xf32, #tpu.memory_space<vmem_shared>>) target(%dma_start3A_36 : memref<16x16xf32, #tpu.memory_space<hbm>>) target_semaphore(%run_scoped3A_35 : memref<!tpu.dma_semaphore, #tpu.memory_space<semaphore_mem>>)
        %dma_wait3A = arith.constant 0 : i32
        %dma_wait3A_40 = tpu.memref_slice %arg5[%add3A_34, %dma_wait3A] : memref<20000x16xf32, #tpu.memory_space<hbm>> -> memref<16x16xf32, #tpu.memory_space<hbm>>
        %dma_wait3A_41 = arith.constant 9984 : i32
        %dma_wait3A_42 = arith.constant 0 : i32
        %dma_wait3A_43 = tpu.memref_slice %arg8[%dma_wait3A_41, %dma_wait3A_42] : memref<10000x16xf32, #tpu.memory_space<vmem_shared>> -> memref<16x16xf32, #tpu.memory_space<vmem_shared>>
        tpu.wait_dma2 semaphore(%run_scoped3A_35 : memref<!tpu.dma_semaphore, #tpu.memory_space<semaphore_mem>>) src(%dma_wait3A_43 : memref<16x16xf32, #tpu.memory_space<vmem_shared>>) dst(%dma_wait3A_40 : memref<16x16xf32, #tpu.memory_space<hbm>>)
        tpu.yield
      }) : () -> ()
    } else {
    }
    return
  }
}

#map = affine_map<(d0, d1) -> (0, 0)>
module attributes {stable_mosaic.version = 14 : i64} {
  func.func @agg(%arg0: i32, %arg1: i32, %arg2: memref<10000x64xf32, #tpu.memory_space<hbm>>, %arg3: memref<2x320000xi32, #tpu.memory_space<hbm>>, %arg4: memref<624x64xf32, #tpu.memory_space<hbm>>, %arg5: memref<20000x64xf32, #tpu.memory_space<hbm>>, %arg6: memref<10000xi32, #tpu.memory_space<vmem>>, %arg7: memref<10000xi32, #tpu.memory_space<vmem>>, %arg8: memref<128x64xf32, #tpu.memory_space<vmem>>, %arg9: memref<128x64xf32, #tpu.memory_space<vmem>>, %arg10: memref<128x64xf32, #tpu.memory_space<vmem>>, %arg11: memref<128x64xf32, #tpu.memory_space<vmem>>, %arg12: memref<128x64xf32, #tpu.memory_space<vmem>>, %arg13: memref<128x64xf32, #tpu.memory_space<vmem>>, %arg14: memref<10000x64xf32, #tpu.memory_space<vmem_shared>>, %arg15: memref<!tpu.dma_semaphore, #tpu.memory_space<semaphore_mem>>, %arg16: memref<!tpu.dma_semaphore, #tpu.memory_space<semaphore_mem>>, %arg17: memref<!tpu.dma_semaphore, #tpu.memory_space<semaphore_mem>>, %arg18: memref<!tpu.dma_semaphore, #tpu.memory_space<semaphore_mem>>, %arg19: memref<!tpu.dma_semaphore, #tpu.memory_space<semaphore_mem>>, %arg20: memref<!tpu.dma_semaphore, #tpu.memory_space<semaphore_mem>>, %arg21: memref<!tpu.dma_semaphore, #tpu.memory_space<semaphore_mem>>, %arg22: memref<!tpu.dma_semaphore, #tpu.memory_space<semaphore_mem>>, %arg23: memref<!tpu.dma_semaphore, #tpu.memory_space<semaphore_mem>>, %arg24: memref<!tpu.dma_semaphore, #tpu.memory_space<semaphore_mem>>, %arg25: memref<!tpu.dma_semaphore, #tpu.memory_space<semaphore_mem>>, %arg26: memref<!tpu.dma_semaphore, #tpu.memory_space<semaphore_mem>>) attributes {dimension_semantics = [#tpu.dimension_semantics<core_parallel>, #tpu.dimension_semantics<subcore_parallel>], iteration_bounds = array<i64: 2, 16>, scalar_prefetch = 0 : i64, scratch_operands = 21 : i64, tpu.core_type = #tpu.core_type<sc_vector_subcore>, window_params = [{transform_indices = #map}, {transform_indices = #map}, {transform_indices = #map}, {transform_indices = #map}]} {
    %mul3A = arith.constant 2 : i32
    %mul3A_0 = arith.muli %arg1, %mul3A : i32
    %add3A = arith.addi %mul3A_0, %arg0 : i32
    %mul3A_1 = arith.constant 624 : i32
    %mul3A_2 = arith.muli %arg1, %mul3A_1 : i32
    "tpu.region"() ({
      %run_scoped3A_162 = tpu.sem_alloc : memref<!tpu.dma_semaphore, #tpu.memory_space<semaphore_mem>>
      %dma_start3A_163 = arith.constant 0 : i32
      %dma_start3A_164 = tpu.memref_slice %arg14[%mul3A_2, %dma_start3A_163] : memref<10000x64xf32, #tpu.memory_space<vmem_shared>> -> memref<624x64xf32, #tpu.memory_space<vmem_shared>>
      tpu.enqueue_dma source(%arg4 : memref<624x64xf32, #tpu.memory_space<hbm>>) target(%dma_start3A_164 : memref<624x64xf32, #tpu.memory_space<vmem_shared>>) target_semaphore(%run_scoped3A_162 : memref<!tpu.dma_semaphore, #tpu.memory_space<semaphore_mem>>)
      %dma_wait3A_165 = arith.constant 0 : i32
      %dma_wait3A_166 = tpu.memref_slice %arg14[%mul3A_2, %dma_wait3A_165] : memref<10000x64xf32, #tpu.memory_space<vmem_shared>> -> memref<624x64xf32, #tpu.memory_space<vmem_shared>>
      tpu.wait_dma2 semaphore(%run_scoped3A_162 : memref<!tpu.dma_semaphore, #tpu.memory_space<semaphore_mem>>) src(%arg4 : memref<624x64xf32, #tpu.memory_space<hbm>>) dst(%dma_wait3A_166 : memref<624x64xf32, #tpu.memory_space<vmem_shared>>)
      tpu.yield
    }) : () -> ()
    %eq3A = arith.constant 15 : i32
    %eq3A_3 = arith.cmpi eq, %arg1, %eq3A : i32
    %convert_element_type3A = arith.extui %eq3A_3 : i1 to i32
    %cond3A = arith.constant 0 : i32
    %cond3A_4 = arith.cmpi ne, %convert_element_type3A, %cond3A : i32
    scf.if %cond3A_4 {
      "tpu.region"() ({
        %run_scoped3A_162 = tpu.sem_alloc : memref<!tpu.dma_semaphore, #tpu.memory_space<semaphore_mem>>
        %dma_start3A_163 = arith.constant 9984 : i32
        %dma_start3A_164 = arith.constant 0 : i32
        %dma_start3A_165 = tpu.memref_slice %arg14[%dma_start3A_163, %dma_start3A_164] : memref<10000x64xf32, #tpu.memory_space<vmem_shared>> -> memref<16x64xf32, #tpu.memory_space<vmem_shared>>
        %dma_start3A_166 = arith.constant 0 : i32
        %dma_start3A_167 = arith.constant 0 : i32
        %dma_start3A_168 = tpu.memref_slice %arg4[%dma_start3A_166, %dma_start3A_167] : memref<624x64xf32, #tpu.memory_space<hbm>> -> memref<16x64xf32, #tpu.memory_space<hbm>>
        tpu.enqueue_dma source(%dma_start3A_168 : memref<16x64xf32, #tpu.memory_space<hbm>>) target(%dma_start3A_165 : memref<16x64xf32, #tpu.memory_space<vmem_shared>>) target_semaphore(%run_scoped3A_162 : memref<!tpu.dma_semaphore, #tpu.memory_space<semaphore_mem>>)
        %dma_wait3A_169 = arith.constant 9984 : i32
        %dma_wait3A_170 = arith.constant 0 : i32
        %dma_wait3A_171 = tpu.memref_slice %arg14[%dma_wait3A_169, %dma_wait3A_170] : memref<10000x64xf32, #tpu.memory_space<vmem_shared>> -> memref<16x64xf32, #tpu.memory_space<vmem_shared>>
        %dma_wait3A_172 = arith.constant 0 : i32
        %dma_wait3A_173 = arith.constant 0 : i32
        %dma_wait3A_174 = tpu.memref_slice %arg4[%dma_wait3A_172, %dma_wait3A_173] : memref<624x64xf32, #tpu.memory_space<hbm>> -> memref<16x64xf32, #tpu.memory_space<hbm>>
        tpu.wait_dma2 semaphore(%run_scoped3A_162 : memref<!tpu.dma_semaphore, #tpu.memory_space<semaphore_mem>>) src(%dma_wait3A_174 : memref<16x64xf32, #tpu.memory_space<hbm>>) dst(%dma_wait3A_171 : memref<16x64xf32, #tpu.memory_space<vmem_shared>>)
        tpu.yield
      }) : () -> ()
    } else {
    }
    %mul3A_5 = arith.constant 10000 : i32
    %mul3A_6 = arith.muli %add3A, %mul3A_5 : i32
    %run_scoped3A = arith.constant 0 : i32
    "tpu.region"() ({
      %run_scoped3A_162 = tpu.sem_alloc : memref<!tpu.dma_semaphore, #tpu.memory_space<semaphore_mem>>
      %dma_start3A_163 = tpu.memref_slice %arg3[%run_scoped3A, %mul3A_6] : memref<2x320000xi32, #tpu.memory_space<hbm>> -> memref<1x10000xi32, #tpu.memory_space<hbm>>
      %dma_start3A_164 = tpu.memref_squeeze %dma_start3A_163 : memref<1x10000xi32, #tpu.memory_space<hbm>> -> memref<10000xi32, #tpu.memory_space<hbm>>
      %dma_start3A_165 = tpu.memref_slice %arg3[%run_scoped3A, %mul3A_6] : memref<2x320000xi32, #tpu.memory_space<hbm>> -> memref<1x10000xi32, #tpu.memory_space<hbm>>
      %dma_start3A_166 = tpu.memref_squeeze %dma_start3A_165 : memref<1x10000xi32, #tpu.memory_space<hbm>> -> memref<10000xi32, #tpu.memory_space<hbm>>
      tpu.enqueue_dma source(%dma_start3A_166 : memref<10000xi32, #tpu.memory_space<hbm>>) target(%arg6 : memref<10000xi32, #tpu.memory_space<vmem>>) target_semaphore(%run_scoped3A_162 : memref<!tpu.dma_semaphore, #tpu.memory_space<semaphore_mem>>)
      %dma_wait3A_167 = tpu.memref_slice %arg3[%run_scoped3A, %mul3A_6] : memref<2x320000xi32, #tpu.memory_space<hbm>> -> memref<1x10000xi32, #tpu.memory_space<hbm>>
      %dma_wait3A_168 = tpu.memref_squeeze %dma_wait3A_167 : memref<1x10000xi32, #tpu.memory_space<hbm>> -> memref<10000xi32, #tpu.memory_space<hbm>>
      %dma_wait3A_169 = tpu.memref_slice %arg3[%run_scoped3A, %mul3A_6] : memref<2x320000xi32, #tpu.memory_space<hbm>> -> memref<1x10000xi32, #tpu.memory_space<hbm>>
      %dma_wait3A_170 = tpu.memref_squeeze %dma_wait3A_169 : memref<1x10000xi32, #tpu.memory_space<hbm>> -> memref<10000xi32, #tpu.memory_space<hbm>>
      tpu.wait_dma2 semaphore(%run_scoped3A_162 : memref<!tpu.dma_semaphore, #tpu.memory_space<semaphore_mem>>) src(%dma_wait3A_170 : memref<10000xi32, #tpu.memory_space<hbm>>) dst(%arg6 : memref<10000xi32, #tpu.memory_space<vmem>>)
      tpu.yield
    }) : () -> ()
    %mul3A_7 = arith.constant 10000 : i32
    %mul3A_8 = arith.muli %add3A, %mul3A_7 : i32
    %run_scoped3A_9 = arith.constant 1 : i32
    "tpu.region"() ({
      %run_scoped3A_162 = tpu.sem_alloc : memref<!tpu.dma_semaphore, #tpu.memory_space<semaphore_mem>>
      %dma_start3A_163 = tpu.memref_slice %arg3[%run_scoped3A_9, %mul3A_8] : memref<2x320000xi32, #tpu.memory_space<hbm>> -> memref<1x10000xi32, #tpu.memory_space<hbm>>
      %dma_start3A_164 = tpu.memref_squeeze %dma_start3A_163 : memref<1x10000xi32, #tpu.memory_space<hbm>> -> memref<10000xi32, #tpu.memory_space<hbm>>
      %dma_start3A_165 = tpu.memref_slice %arg3[%run_scoped3A_9, %mul3A_8] : memref<2x320000xi32, #tpu.memory_space<hbm>> -> memref<1x10000xi32, #tpu.memory_space<hbm>>
      %dma_start3A_166 = tpu.memref_squeeze %dma_start3A_165 : memref<1x10000xi32, #tpu.memory_space<hbm>> -> memref<10000xi32, #tpu.memory_space<hbm>>
      tpu.enqueue_dma source(%dma_start3A_166 : memref<10000xi32, #tpu.memory_space<hbm>>) target(%arg7 : memref<10000xi32, #tpu.memory_space<vmem>>) target_semaphore(%run_scoped3A_162 : memref<!tpu.dma_semaphore, #tpu.memory_space<semaphore_mem>>)
      %dma_wait3A_167 = tpu.memref_slice %arg3[%run_scoped3A_9, %mul3A_8] : memref<2x320000xi32, #tpu.memory_space<hbm>> -> memref<1x10000xi32, #tpu.memory_space<hbm>>
      %dma_wait3A_168 = tpu.memref_squeeze %dma_wait3A_167 : memref<1x10000xi32, #tpu.memory_space<hbm>> -> memref<10000xi32, #tpu.memory_space<hbm>>
      %dma_wait3A_169 = tpu.memref_slice %arg3[%run_scoped3A_9, %mul3A_8] : memref<2x320000xi32, #tpu.memory_space<hbm>> -> memref<1x10000xi32, #tpu.memory_space<hbm>>
      %dma_wait3A_170 = tpu.memref_squeeze %dma_wait3A_169 : memref<1x10000xi32, #tpu.memory_space<hbm>> -> memref<10000xi32, #tpu.memory_space<hbm>>
      tpu.wait_dma2 semaphore(%run_scoped3A_162 : memref<!tpu.dma_semaphore, #tpu.memory_space<semaphore_mem>>) src(%dma_wait3A_170 : memref<10000xi32, #tpu.memory_space<hbm>>) dst(%arg7 : memref<10000xi32, #tpu.memory_space<vmem>>)
      tpu.yield
    }) : () -> ()
    %barrier3A = arith.constant 0 : index
    tpu.barrier barrier_id(%barrier3A)
    %dma_start3A = arith.constant 0 : i32
    %dma_start3A_10 = tpu.memref_slice %arg6[%dma_start3A] : memref<10000xi32, #tpu.memory_space<vmem>> -> memref<128xi32, #tpu.memory_space<vmem>>
    %dma_start3A_11 = arith.constant 0 : i32
    %dma_start3A_12 = arith.constant 0 : i32
    %dma_start3A_13 = tpu.memref_slice %arg2[%dma_start3A_11, %dma_start3A_12] : memref<10000x64xf32, #tpu.memory_space<hbm>> -> memref<10000x64xf32, #tpu.memory_space<hbm>>
    tpu.enqueue_indirect_dma source(%dma_start3A_13 : memref<10000x64xf32, #tpu.memory_space<hbm>>) target(%arg8 : memref<128x64xf32, #tpu.memory_space<vmem>>) offsets(%dma_start3A_10 : memref<128xi32, #tpu.memory_space<vmem>>) semaphore(%arg15 : memref<!tpu.dma_semaphore, #tpu.memory_space<semaphore_mem>>)
    %dma_start3A_14 = arith.constant 128 : i32
    %dma_start3A_15 = tpu.memref_slice %arg6[%dma_start3A_14] : memref<10000xi32, #tpu.memory_space<vmem>> -> memref<128xi32, #tpu.memory_space<vmem>>
    %dma_start3A_16 = arith.constant 0 : i32
    %dma_start3A_17 = arith.constant 0 : i32
    %dma_start3A_18 = tpu.memref_slice %arg2[%dma_start3A_16, %dma_start3A_17] : memref<10000x64xf32, #tpu.memory_space<hbm>> -> memref<10000x64xf32, #tpu.memory_space<hbm>>
    tpu.enqueue_indirect_dma source(%dma_start3A_18 : memref<10000x64xf32, #tpu.memory_space<hbm>>) target(%arg9 : memref<128x64xf32, #tpu.memory_space<vmem>>) offsets(%dma_start3A_15 : memref<128xi32, #tpu.memory_space<vmem>>) semaphore(%arg16 : memref<!tpu.dma_semaphore, #tpu.memory_space<semaphore_mem>>)
    %dma_start3A_19 = arith.constant 256 : i32
    %dma_start3A_20 = tpu.memref_slice %arg6[%dma_start3A_19] : memref<10000xi32, #tpu.memory_space<vmem>> -> memref<128xi32, #tpu.memory_space<vmem>>
    %dma_start3A_21 = arith.constant 0 : i32
    %dma_start3A_22 = arith.constant 0 : i32
    %dma_start3A_23 = tpu.memref_slice %arg2[%dma_start3A_21, %dma_start3A_22] : memref<10000x64xf32, #tpu.memory_space<hbm>> -> memref<10000x64xf32, #tpu.memory_space<hbm>>
    tpu.enqueue_indirect_dma source(%dma_start3A_23 : memref<10000x64xf32, #tpu.memory_space<hbm>>) target(%arg10 : memref<128x64xf32, #tpu.memory_space<vmem>>) offsets(%dma_start3A_20 : memref<128xi32, #tpu.memory_space<vmem>>) semaphore(%arg17 : memref<!tpu.dma_semaphore, #tpu.memory_space<semaphore_mem>>)
    %dma_start3A_24 = arith.constant 384 : i32
    %dma_start3A_25 = tpu.memref_slice %arg6[%dma_start3A_24] : memref<10000xi32, #tpu.memory_space<vmem>> -> memref<128xi32, #tpu.memory_space<vmem>>
    %dma_start3A_26 = arith.constant 0 : i32
    %dma_start3A_27 = arith.constant 0 : i32
    %dma_start3A_28 = tpu.memref_slice %arg2[%dma_start3A_26, %dma_start3A_27] : memref<10000x64xf32, #tpu.memory_space<hbm>> -> memref<10000x64xf32, #tpu.memory_space<hbm>>
    tpu.enqueue_indirect_dma source(%dma_start3A_28 : memref<10000x64xf32, #tpu.memory_space<hbm>>) target(%arg11 : memref<128x64xf32, #tpu.memory_space<vmem>>) offsets(%dma_start3A_25 : memref<128xi32, #tpu.memory_space<vmem>>) semaphore(%arg18 : memref<!tpu.dma_semaphore, #tpu.memory_space<semaphore_mem>>)
    %dma_start3A_29 = arith.constant 512 : i32
    %dma_start3A_30 = tpu.memref_slice %arg6[%dma_start3A_29] : memref<10000xi32, #tpu.memory_space<vmem>> -> memref<128xi32, #tpu.memory_space<vmem>>
    %dma_start3A_31 = arith.constant 0 : i32
    %dma_start3A_32 = arith.constant 0 : i32
    %dma_start3A_33 = tpu.memref_slice %arg2[%dma_start3A_31, %dma_start3A_32] : memref<10000x64xf32, #tpu.memory_space<hbm>> -> memref<10000x64xf32, #tpu.memory_space<hbm>>
    tpu.enqueue_indirect_dma source(%dma_start3A_33 : memref<10000x64xf32, #tpu.memory_space<hbm>>) target(%arg12 : memref<128x64xf32, #tpu.memory_space<vmem>>) offsets(%dma_start3A_30 : memref<128xi32, #tpu.memory_space<vmem>>) semaphore(%arg19 : memref<!tpu.dma_semaphore, #tpu.memory_space<semaphore_mem>>)
    %dma_wait3A = arith.constant 0 : i32
    %dma_wait3A_34 = tpu.memref_slice %arg6[%dma_wait3A] : memref<10000xi32, #tpu.memory_space<vmem>> -> memref<128xi32, #tpu.memory_space<vmem>>
    %dma_wait3A_35 = arith.constant 0 : i32
    %dma_wait3A_36 = arith.constant 0 : i32
    %dma_wait3A_37 = tpu.memref_slice %arg2[%dma_wait3A_35, %dma_wait3A_36] : memref<10000x64xf32, #tpu.memory_space<hbm>> -> memref<10000x64xf32, #tpu.memory_space<hbm>>
    tpu.wait_indirect_dma semaphore(%arg15 : memref<!tpu.dma_semaphore, #tpu.memory_space<semaphore_mem>>) src(%dma_wait3A_37 : memref<10000x64xf32, #tpu.memory_space<hbm>>) dst(%arg8 : memref<128x64xf32, #tpu.memory_space<vmem>>)
    %dma_start3A_38 = arith.constant 0 : i32
    %dma_start3A_39 = tpu.memref_slice %arg7[%dma_start3A_38] : memref<10000xi32, #tpu.memory_space<vmem>> -> memref<128xi32, #tpu.memory_space<vmem>>
    %dma_start3A_40 = arith.constant 0 : i32
    %dma_start3A_41 = arith.constant 0 : i32
    %dma_start3A_42 = tpu.memref_slice %arg14[%dma_start3A_40, %dma_start3A_41] : memref<10000x64xf32, #tpu.memory_space<vmem_shared>> -> memref<10000x64xf32, #tpu.memory_space<vmem_shared>>
    tpu.enqueue_indirect_dma source(%arg8 : memref<128x64xf32, #tpu.memory_space<vmem>>) target(%dma_start3A_42 : memref<10000x64xf32, #tpu.memory_space<vmem_shared>>) offsets(%dma_start3A_39 : memref<128xi32, #tpu.memory_space<vmem>>) semaphore(%arg21 : memref<!tpu.dma_semaphore, #tpu.memory_space<semaphore_mem>>) {add = true}
    %dma_start3A_43 = arith.constant 640 : i32
    %dma_start3A_44 = tpu.memref_slice %arg6[%dma_start3A_43] : memref<10000xi32, #tpu.memory_space<vmem>> -> memref<128xi32, #tpu.memory_space<vmem>>
    %dma_start3A_45 = arith.constant 0 : i32
    %dma_start3A_46 = arith.constant 0 : i32
    %dma_start3A_47 = tpu.memref_slice %arg2[%dma_start3A_45, %dma_start3A_46] : memref<10000x64xf32, #tpu.memory_space<hbm>> -> memref<10000x64xf32, #tpu.memory_space<hbm>>
    tpu.enqueue_indirect_dma source(%dma_start3A_47 : memref<10000x64xf32, #tpu.memory_space<hbm>>) target(%arg13 : memref<128x64xf32, #tpu.memory_space<vmem>>) offsets(%dma_start3A_44 : memref<128xi32, #tpu.memory_space<vmem>>) semaphore(%arg20 : memref<!tpu.dma_semaphore, #tpu.memory_space<semaphore_mem>>)
    %scan3A = arith.constant 0 : i32
    %scan3A_48 = arith.constant 0 : i32
    %scan3A_49 = arith.constant 12 : i32
    %scan3A_50 = arith.addi %scan3A_48, %scan3A_49 : i32
    %scan3A_51 = arith.constant 1 : i32
    scf.for %scan3A_162 = %scan3A_48 to %scan3A_50 step %scan3A_51  : i32 {
      %mul3A_163 = arith.constant 6 : i32
      %mul3A_164 = arith.muli %scan3A_162, %mul3A_163 : i32
      %add3A_165 = arith.constant 1 : i32
      %add3A_166 = arith.addi %mul3A_164, %add3A_165 : i32
      %add3A_167 = arith.constant 0 : i32
      %add3A_168 = arith.addi %add3A_166, %add3A_167 : i32
      %mul3A_169 = arith.constant 128 : i32
      %mul3A_170 = arith.muli %add3A_168, %mul3A_169 : i32
      %dma_wait3A_171 = tpu.memref_slice %arg6[%mul3A_170] : memref<10000xi32, #tpu.memory_space<vmem>> -> memref<128xi32, #tpu.memory_space<vmem>>
      %dma_wait3A_172 = arith.constant 0 : i32
      %dma_wait3A_173 = arith.constant 0 : i32
      %dma_wait3A_174 = tpu.memref_slice %arg2[%dma_wait3A_172, %dma_wait3A_173] : memref<10000x64xf32, #tpu.memory_space<hbm>> -> memref<10000x64xf32, #tpu.memory_space<hbm>>
      tpu.wait_indirect_dma semaphore(%arg16 : memref<!tpu.dma_semaphore, #tpu.memory_space<semaphore_mem>>) src(%dma_wait3A_174 : memref<10000x64xf32, #tpu.memory_space<hbm>>) dst(%arg9 : memref<128x64xf32, #tpu.memory_space<vmem>>)
      %mul3A_175 = arith.constant 128 : i32
      %mul3A_176 = arith.muli %add3A_168, %mul3A_175 : i32
      %dma_start3A_177 = tpu.memref_slice %arg7[%mul3A_176] : memref<10000xi32, #tpu.memory_space<vmem>> -> memref<128xi32, #tpu.memory_space<vmem>>
      %dma_start3A_178 = arith.constant 0 : i32
      %dma_start3A_179 = arith.constant 0 : i32
      %dma_start3A_180 = tpu.memref_slice %arg14[%dma_start3A_178, %dma_start3A_179] : memref<10000x64xf32, #tpu.memory_space<vmem_shared>> -> memref<10000x64xf32, #tpu.memory_space<vmem_shared>>
      tpu.enqueue_indirect_dma source(%arg9 : memref<128x64xf32, #tpu.memory_space<vmem>>) target(%dma_start3A_180 : memref<10000x64xf32, #tpu.memory_space<vmem_shared>>) offsets(%dma_start3A_177 : memref<128xi32, #tpu.memory_space<vmem>>) semaphore(%arg22 : memref<!tpu.dma_semaphore, #tpu.memory_space<semaphore_mem>>) {add = true}
      %sub3A = arith.constant 1 : i32
      %sub3A_181 = arith.subi %add3A_168, %sub3A : i32
      %mul3A_182 = arith.constant 128 : i32
      %mul3A_183 = arith.muli %sub3A_181, %mul3A_182 : i32
      %dma_wait3A_184 = tpu.memref_slice %arg7[%mul3A_183] : memref<10000xi32, #tpu.memory_space<vmem>> -> memref<128xi32, #tpu.memory_space<vmem>>
      %dma_wait3A_185 = arith.constant 0 : i32
      %dma_wait3A_186 = arith.constant 0 : i32
      %dma_wait3A_187 = tpu.memref_slice %arg14[%dma_wait3A_185, %dma_wait3A_186] : memref<10000x64xf32, #tpu.memory_space<vmem_shared>> -> memref<10000x64xf32, #tpu.memory_space<vmem_shared>>
      tpu.wait_indirect_dma semaphore(%arg21 : memref<!tpu.dma_semaphore, #tpu.memory_space<semaphore_mem>>) src(%arg8 : memref<128x64xf32, #tpu.memory_space<vmem>>) dst(%dma_wait3A_187 : memref<10000x64xf32, #tpu.memory_space<vmem_shared>>)
      %add3A_188 = arith.constant 6 : i32
      %add3A_189 = arith.addi %add3A_168, %add3A_188 : i32
      %sub3A_190 = arith.constant 1 : i32
      %sub3A_191 = arith.subi %add3A_189, %sub3A_190 : i32
      %mul3A_192 = arith.constant 128 : i32
      %mul3A_193 = arith.muli %sub3A_191, %mul3A_192 : i32
      %dma_start3A_194 = tpu.memref_slice %arg6[%mul3A_193] : memref<10000xi32, #tpu.memory_space<vmem>> -> memref<128xi32, #tpu.memory_space<vmem>>
      %dma_start3A_195 = arith.constant 0 : i32
      %dma_start3A_196 = arith.constant 0 : i32
      %dma_start3A_197 = tpu.memref_slice %arg2[%dma_start3A_195, %dma_start3A_196] : memref<10000x64xf32, #tpu.memory_space<hbm>> -> memref<10000x64xf32, #tpu.memory_space<hbm>>
      tpu.enqueue_indirect_dma source(%dma_start3A_197 : memref<10000x64xf32, #tpu.memory_space<hbm>>) target(%arg8 : memref<128x64xf32, #tpu.memory_space<vmem>>) offsets(%dma_start3A_194 : memref<128xi32, #tpu.memory_space<vmem>>) semaphore(%arg15 : memref<!tpu.dma_semaphore, #tpu.memory_space<semaphore_mem>>)
      %mul3A_198 = arith.constant 6 : i32
      %mul3A_199 = arith.muli %scan3A_162, %mul3A_198 : i32
      %add3A_200 = arith.constant 1 : i32
      %add3A_201 = arith.addi %mul3A_199, %add3A_200 : i32
      %add3A_202 = arith.constant 1 : i32
      %add3A_203 = arith.addi %add3A_201, %add3A_202 : i32
      %mul3A_204 = arith.constant 128 : i32
      %mul3A_205 = arith.muli %add3A_203, %mul3A_204 : i32
      %dma_wait3A_206 = tpu.memref_slice %arg6[%mul3A_205] : memref<10000xi32, #tpu.memory_space<vmem>> -> memref<128xi32, #tpu.memory_space<vmem>>
      %dma_wait3A_207 = arith.constant 0 : i32
      %dma_wait3A_208 = arith.constant 0 : i32
      %dma_wait3A_209 = tpu.memref_slice %arg2[%dma_wait3A_207, %dma_wait3A_208] : memref<10000x64xf32, #tpu.memory_space<hbm>> -> memref<10000x64xf32, #tpu.memory_space<hbm>>
      tpu.wait_indirect_dma semaphore(%arg17 : memref<!tpu.dma_semaphore, #tpu.memory_space<semaphore_mem>>) src(%dma_wait3A_209 : memref<10000x64xf32, #tpu.memory_space<hbm>>) dst(%arg10 : memref<128x64xf32, #tpu.memory_space<vmem>>)
      %mul3A_210 = arith.constant 128 : i32
      %mul3A_211 = arith.muli %add3A_203, %mul3A_210 : i32
      %dma_start3A_212 = tpu.memref_slice %arg7[%mul3A_211] : memref<10000xi32, #tpu.memory_space<vmem>> -> memref<128xi32, #tpu.memory_space<vmem>>
      %dma_start3A_213 = arith.constant 0 : i32
      %dma_start3A_214 = arith.constant 0 : i32
      %dma_start3A_215 = tpu.memref_slice %arg14[%dma_start3A_213, %dma_start3A_214] : memref<10000x64xf32, #tpu.memory_space<vmem_shared>> -> memref<10000x64xf32, #tpu.memory_space<vmem_shared>>
      tpu.enqueue_indirect_dma source(%arg10 : memref<128x64xf32, #tpu.memory_space<vmem>>) target(%dma_start3A_215 : memref<10000x64xf32, #tpu.memory_space<vmem_shared>>) offsets(%dma_start3A_212 : memref<128xi32, #tpu.memory_space<vmem>>) semaphore(%arg23 : memref<!tpu.dma_semaphore, #tpu.memory_space<semaphore_mem>>) {add = true}
      %sub3A_216 = arith.constant 1 : i32
      %sub3A_217 = arith.subi %add3A_203, %sub3A_216 : i32
      %mul3A_218 = arith.constant 128 : i32
      %mul3A_219 = arith.muli %sub3A_217, %mul3A_218 : i32
      %dma_wait3A_220 = tpu.memref_slice %arg7[%mul3A_219] : memref<10000xi32, #tpu.memory_space<vmem>> -> memref<128xi32, #tpu.memory_space<vmem>>
      %dma_wait3A_221 = arith.constant 0 : i32
      %dma_wait3A_222 = arith.constant 0 : i32
      %dma_wait3A_223 = tpu.memref_slice %arg14[%dma_wait3A_221, %dma_wait3A_222] : memref<10000x64xf32, #tpu.memory_space<vmem_shared>> -> memref<10000x64xf32, #tpu.memory_space<vmem_shared>>
      tpu.wait_indirect_dma semaphore(%arg22 : memref<!tpu.dma_semaphore, #tpu.memory_space<semaphore_mem>>) src(%arg9 : memref<128x64xf32, #tpu.memory_space<vmem>>) dst(%dma_wait3A_223 : memref<10000x64xf32, #tpu.memory_space<vmem_shared>>)
      %add3A_224 = arith.constant 6 : i32
      %add3A_225 = arith.addi %add3A_203, %add3A_224 : i32
      %sub3A_226 = arith.constant 1 : i32
      %sub3A_227 = arith.subi %add3A_225, %sub3A_226 : i32
      %mul3A_228 = arith.constant 128 : i32
      %mul3A_229 = arith.muli %sub3A_227, %mul3A_228 : i32
      %dma_start3A_230 = tpu.memref_slice %arg6[%mul3A_229] : memref<10000xi32, #tpu.memory_space<vmem>> -> memref<128xi32, #tpu.memory_space<vmem>>
      %dma_start3A_231 = arith.constant 0 : i32
      %dma_start3A_232 = arith.constant 0 : i32
      %dma_start3A_233 = tpu.memref_slice %arg2[%dma_start3A_231, %dma_start3A_232] : memref<10000x64xf32, #tpu.memory_space<hbm>> -> memref<10000x64xf32, #tpu.memory_space<hbm>>
      tpu.enqueue_indirect_dma source(%dma_start3A_233 : memref<10000x64xf32, #tpu.memory_space<hbm>>) target(%arg9 : memref<128x64xf32, #tpu.memory_space<vmem>>) offsets(%dma_start3A_230 : memref<128xi32, #tpu.memory_space<vmem>>) semaphore(%arg16 : memref<!tpu.dma_semaphore, #tpu.memory_space<semaphore_mem>>)
      %mul3A_234 = arith.constant 6 : i32
      %mul3A_235 = arith.muli %scan3A_162, %mul3A_234 : i32
      %add3A_236 = arith.constant 1 : i32
      %add3A_237 = arith.addi %mul3A_235, %add3A_236 : i32
      %add3A_238 = arith.constant 2 : i32
      %add3A_239 = arith.addi %add3A_237, %add3A_238 : i32
      %mul3A_240 = arith.constant 128 : i32
      %mul3A_241 = arith.muli %add3A_239, %mul3A_240 : i32
      %dma_wait3A_242 = tpu.memref_slice %arg6[%mul3A_241] : memref<10000xi32, #tpu.memory_space<vmem>> -> memref<128xi32, #tpu.memory_space<vmem>>
      %dma_wait3A_243 = arith.constant 0 : i32
      %dma_wait3A_244 = arith.constant 0 : i32
      %dma_wait3A_245 = tpu.memref_slice %arg2[%dma_wait3A_243, %dma_wait3A_244] : memref<10000x64xf32, #tpu.memory_space<hbm>> -> memref<10000x64xf32, #tpu.memory_space<hbm>>
      tpu.wait_indirect_dma semaphore(%arg18 : memref<!tpu.dma_semaphore, #tpu.memory_space<semaphore_mem>>) src(%dma_wait3A_245 : memref<10000x64xf32, #tpu.memory_space<hbm>>) dst(%arg11 : memref<128x64xf32, #tpu.memory_space<vmem>>)
      %mul3A_246 = arith.constant 128 : i32
      %mul3A_247 = arith.muli %add3A_239, %mul3A_246 : i32
      %dma_start3A_248 = tpu.memref_slice %arg7[%mul3A_247] : memref<10000xi32, #tpu.memory_space<vmem>> -> memref<128xi32, #tpu.memory_space<vmem>>
      %dma_start3A_249 = arith.constant 0 : i32
      %dma_start3A_250 = arith.constant 0 : i32
      %dma_start3A_251 = tpu.memref_slice %arg14[%dma_start3A_249, %dma_start3A_250] : memref<10000x64xf32, #tpu.memory_space<vmem_shared>> -> memref<10000x64xf32, #tpu.memory_space<vmem_shared>>
      tpu.enqueue_indirect_dma source(%arg11 : memref<128x64xf32, #tpu.memory_space<vmem>>) target(%dma_start3A_251 : memref<10000x64xf32, #tpu.memory_space<vmem_shared>>) offsets(%dma_start3A_248 : memref<128xi32, #tpu.memory_space<vmem>>) semaphore(%arg24 : memref<!tpu.dma_semaphore, #tpu.memory_space<semaphore_mem>>) {add = true}
      %sub3A_252 = arith.constant 1 : i32
      %sub3A_253 = arith.subi %add3A_239, %sub3A_252 : i32
      %mul3A_254 = arith.constant 128 : i32
      %mul3A_255 = arith.muli %sub3A_253, %mul3A_254 : i32
      %dma_wait3A_256 = tpu.memref_slice %arg7[%mul3A_255] : memref<10000xi32, #tpu.memory_space<vmem>> -> memref<128xi32, #tpu.memory_space<vmem>>
      %dma_wait3A_257 = arith.constant 0 : i32
      %dma_wait3A_258 = arith.constant 0 : i32
      %dma_wait3A_259 = tpu.memref_slice %arg14[%dma_wait3A_257, %dma_wait3A_258] : memref<10000x64xf32, #tpu.memory_space<vmem_shared>> -> memref<10000x64xf32, #tpu.memory_space<vmem_shared>>
      tpu.wait_indirect_dma semaphore(%arg23 : memref<!tpu.dma_semaphore, #tpu.memory_space<semaphore_mem>>) src(%arg10 : memref<128x64xf32, #tpu.memory_space<vmem>>) dst(%dma_wait3A_259 : memref<10000x64xf32, #tpu.memory_space<vmem_shared>>)
      %add3A_260 = arith.constant 6 : i32
      %add3A_261 = arith.addi %add3A_239, %add3A_260 : i32
      %sub3A_262 = arith.constant 1 : i32
      %sub3A_263 = arith.subi %add3A_261, %sub3A_262 : i32
      %mul3A_264 = arith.constant 128 : i32
      %mul3A_265 = arith.muli %sub3A_263, %mul3A_264 : i32
      %dma_start3A_266 = tpu.memref_slice %arg6[%mul3A_265] : memref<10000xi32, #tpu.memory_space<vmem>> -> memref<128xi32, #tpu.memory_space<vmem>>
      %dma_start3A_267 = arith.constant 0 : i32
      %dma_start3A_268 = arith.constant 0 : i32
      %dma_start3A_269 = tpu.memref_slice %arg2[%dma_start3A_267, %dma_start3A_268] : memref<10000x64xf32, #tpu.memory_space<hbm>> -> memref<10000x64xf32, #tpu.memory_space<hbm>>
      tpu.enqueue_indirect_dma source(%dma_start3A_269 : memref<10000x64xf32, #tpu.memory_space<hbm>>) target(%arg10 : memref<128x64xf32, #tpu.memory_space<vmem>>) offsets(%dma_start3A_266 : memref<128xi32, #tpu.memory_space<vmem>>) semaphore(%arg17 : memref<!tpu.dma_semaphore, #tpu.memory_space<semaphore_mem>>)
      %mul3A_270 = arith.constant 6 : i32
      %mul3A_271 = arith.muli %scan3A_162, %mul3A_270 : i32
      %add3A_272 = arith.constant 1 : i32
      %add3A_273 = arith.addi %mul3A_271, %add3A_272 : i32
      %add3A_274 = arith.constant 3 : i32
      %add3A_275 = arith.addi %add3A_273, %add3A_274 : i32
      %mul3A_276 = arith.constant 128 : i32
      %mul3A_277 = arith.muli %add3A_275, %mul3A_276 : i32
      %dma_wait3A_278 = tpu.memref_slice %arg6[%mul3A_277] : memref<10000xi32, #tpu.memory_space<vmem>> -> memref<128xi32, #tpu.memory_space<vmem>>
      %dma_wait3A_279 = arith.constant 0 : i32
      %dma_wait3A_280 = arith.constant 0 : i32
      %dma_wait3A_281 = tpu.memref_slice %arg2[%dma_wait3A_279, %dma_wait3A_280] : memref<10000x64xf32, #tpu.memory_space<hbm>> -> memref<10000x64xf32, #tpu.memory_space<hbm>>
      tpu.wait_indirect_dma semaphore(%arg19 : memref<!tpu.dma_semaphore, #tpu.memory_space<semaphore_mem>>) src(%dma_wait3A_281 : memref<10000x64xf32, #tpu.memory_space<hbm>>) dst(%arg12 : memref<128x64xf32, #tpu.memory_space<vmem>>)
      %mul3A_282 = arith.constant 128 : i32
      %mul3A_283 = arith.muli %add3A_275, %mul3A_282 : i32
      %dma_start3A_284 = tpu.memref_slice %arg7[%mul3A_283] : memref<10000xi32, #tpu.memory_space<vmem>> -> memref<128xi32, #tpu.memory_space<vmem>>
      %dma_start3A_285 = arith.constant 0 : i32
      %dma_start3A_286 = arith.constant 0 : i32
      %dma_start3A_287 = tpu.memref_slice %arg14[%dma_start3A_285, %dma_start3A_286] : memref<10000x64xf32, #tpu.memory_space<vmem_shared>> -> memref<10000x64xf32, #tpu.memory_space<vmem_shared>>
      tpu.enqueue_indirect_dma source(%arg12 : memref<128x64xf32, #tpu.memory_space<vmem>>) target(%dma_start3A_287 : memref<10000x64xf32, #tpu.memory_space<vmem_shared>>) offsets(%dma_start3A_284 : memref<128xi32, #tpu.memory_space<vmem>>) semaphore(%arg25 : memref<!tpu.dma_semaphore, #tpu.memory_space<semaphore_mem>>) {add = true}
      %sub3A_288 = arith.constant 1 : i32
      %sub3A_289 = arith.subi %add3A_275, %sub3A_288 : i32
      %mul3A_290 = arith.constant 128 : i32
      %mul3A_291 = arith.muli %sub3A_289, %mul3A_290 : i32
      %dma_wait3A_292 = tpu.memref_slice %arg7[%mul3A_291] : memref<10000xi32, #tpu.memory_space<vmem>> -> memref<128xi32, #tpu.memory_space<vmem>>
      %dma_wait3A_293 = arith.constant 0 : i32
      %dma_wait3A_294 = arith.constant 0 : i32
      %dma_wait3A_295 = tpu.memref_slice %arg14[%dma_wait3A_293, %dma_wait3A_294] : memref<10000x64xf32, #tpu.memory_space<vmem_shared>> -> memref<10000x64xf32, #tpu.memory_space<vmem_shared>>
      tpu.wait_indirect_dma semaphore(%arg24 : memref<!tpu.dma_semaphore, #tpu.memory_space<semaphore_mem>>) src(%arg11 : memref<128x64xf32, #tpu.memory_space<vmem>>) dst(%dma_wait3A_295 : memref<10000x64xf32, #tpu.memory_space<vmem_shared>>)
      %add3A_296 = arith.constant 6 : i32
      %add3A_297 = arith.addi %add3A_275, %add3A_296 : i32
      %sub3A_298 = arith.constant 1 : i32
      %sub3A_299 = arith.subi %add3A_297, %sub3A_298 : i32
      %mul3A_300 = arith.constant 128 : i32
      %mul3A_301 = arith.muli %sub3A_299, %mul3A_300 : i32
      %dma_start3A_302 = tpu.memref_slice %arg6[%mul3A_301] : memref<10000xi32, #tpu.memory_space<vmem>> -> memref<128xi32, #tpu.memory_space<vmem>>
      %dma_start3A_303 = arith.constant 0 : i32
      %dma_start3A_304 = arith.constant 0 : i32
      %dma_start3A_305 = tpu.memref_slice %arg2[%dma_start3A_303, %dma_start3A_304] : memref<10000x64xf32, #tpu.memory_space<hbm>> -> memref<10000x64xf32, #tpu.memory_space<hbm>>
      tpu.enqueue_indirect_dma source(%dma_start3A_305 : memref<10000x64xf32, #tpu.memory_space<hbm>>) target(%arg11 : memref<128x64xf32, #tpu.memory_space<vmem>>) offsets(%dma_start3A_302 : memref<128xi32, #tpu.memory_space<vmem>>) semaphore(%arg18 : memref<!tpu.dma_semaphore, #tpu.memory_space<semaphore_mem>>)
      %mul3A_306 = arith.constant 6 : i32
      %mul3A_307 = arith.muli %scan3A_162, %mul3A_306 : i32
      %add3A_308 = arith.constant 1 : i32
      %add3A_309 = arith.addi %mul3A_307, %add3A_308 : i32
      %add3A_310 = arith.constant 4 : i32
      %add3A_311 = arith.addi %add3A_309, %add3A_310 : i32
      %mul3A_312 = arith.constant 128 : i32
      %mul3A_313 = arith.muli %add3A_311, %mul3A_312 : i32
      %dma_wait3A_314 = tpu.memref_slice %arg6[%mul3A_313] : memref<10000xi32, #tpu.memory_space<vmem>> -> memref<128xi32, #tpu.memory_space<vmem>>
      %dma_wait3A_315 = arith.constant 0 : i32
      %dma_wait3A_316 = arith.constant 0 : i32
      %dma_wait3A_317 = tpu.memref_slice %arg2[%dma_wait3A_315, %dma_wait3A_316] : memref<10000x64xf32, #tpu.memory_space<hbm>> -> memref<10000x64xf32, #tpu.memory_space<hbm>>
      tpu.wait_indirect_dma semaphore(%arg20 : memref<!tpu.dma_semaphore, #tpu.memory_space<semaphore_mem>>) src(%dma_wait3A_317 : memref<10000x64xf32, #tpu.memory_space<hbm>>) dst(%arg13 : memref<128x64xf32, #tpu.memory_space<vmem>>)
      %mul3A_318 = arith.constant 128 : i32
      %mul3A_319 = arith.muli %add3A_311, %mul3A_318 : i32
      %dma_start3A_320 = tpu.memref_slice %arg7[%mul3A_319] : memref<10000xi32, #tpu.memory_space<vmem>> -> memref<128xi32, #tpu.memory_space<vmem>>
      %dma_start3A_321 = arith.constant 0 : i32
      %dma_start3A_322 = arith.constant 0 : i32
      %dma_start3A_323 = tpu.memref_slice %arg14[%dma_start3A_321, %dma_start3A_322] : memref<10000x64xf32, #tpu.memory_space<vmem_shared>> -> memref<10000x64xf32, #tpu.memory_space<vmem_shared>>
      tpu.enqueue_indirect_dma source(%arg13 : memref<128x64xf32, #tpu.memory_space<vmem>>) target(%dma_start3A_323 : memref<10000x64xf32, #tpu.memory_space<vmem_shared>>) offsets(%dma_start3A_320 : memref<128xi32, #tpu.memory_space<vmem>>) semaphore(%arg26 : memref<!tpu.dma_semaphore, #tpu.memory_space<semaphore_mem>>) {add = true}
      %sub3A_324 = arith.constant 1 : i32
      %sub3A_325 = arith.subi %add3A_311, %sub3A_324 : i32
      %mul3A_326 = arith.constant 128 : i32
      %mul3A_327 = arith.muli %sub3A_325, %mul3A_326 : i32
      %dma_wait3A_328 = tpu.memref_slice %arg7[%mul3A_327] : memref<10000xi32, #tpu.memory_space<vmem>> -> memref<128xi32, #tpu.memory_space<vmem>>
      %dma_wait3A_329 = arith.constant 0 : i32
      %dma_wait3A_330 = arith.constant 0 : i32
      %dma_wait3A_331 = tpu.memref_slice %arg14[%dma_wait3A_329, %dma_wait3A_330] : memref<10000x64xf32, #tpu.memory_space<vmem_shared>> -> memref<10000x64xf32, #tpu.memory_space<vmem_shared>>
      tpu.wait_indirect_dma semaphore(%arg25 : memref<!tpu.dma_semaphore, #tpu.memory_space<semaphore_mem>>) src(%arg12 : memref<128x64xf32, #tpu.memory_space<vmem>>) dst(%dma_wait3A_331 : memref<10000x64xf32, #tpu.memory_space<vmem_shared>>)
      %add3A_332 = arith.constant 6 : i32
      %add3A_333 = arith.addi %add3A_311, %add3A_332 : i32
      %sub3A_334 = arith.constant 1 : i32
      %sub3A_335 = arith.subi %add3A_333, %sub3A_334 : i32
      %mul3A_336 = arith.constant 128 : i32
      %mul3A_337 = arith.muli %sub3A_335, %mul3A_336 : i32
      %dma_start3A_338 = tpu.memref_slice %arg6[%mul3A_337] : memref<10000xi32, #tpu.memory_space<vmem>> -> memref<128xi32, #tpu.memory_space<vmem>>
      %dma_start3A_339 = arith.constant 0 : i32
      %dma_start3A_340 = arith.constant 0 : i32
      %dma_start3A_341 = tpu.memref_slice %arg2[%dma_start3A_339, %dma_start3A_340] : memref<10000x64xf32, #tpu.memory_space<hbm>> -> memref<10000x64xf32, #tpu.memory_space<hbm>>
      tpu.enqueue_indirect_dma source(%dma_start3A_341 : memref<10000x64xf32, #tpu.memory_space<hbm>>) target(%arg12 : memref<128x64xf32, #tpu.memory_space<vmem>>) offsets(%dma_start3A_338 : memref<128xi32, #tpu.memory_space<vmem>>) semaphore(%arg19 : memref<!tpu.dma_semaphore, #tpu.memory_space<semaphore_mem>>)
      %mul3A_342 = arith.constant 6 : i32
      %mul3A_343 = arith.muli %scan3A_162, %mul3A_342 : i32
      %add3A_344 = arith.constant 1 : i32
      %add3A_345 = arith.addi %mul3A_343, %add3A_344 : i32
      %add3A_346 = arith.constant 5 : i32
      %add3A_347 = arith.addi %add3A_345, %add3A_346 : i32
      %mul3A_348 = arith.constant 128 : i32
      %mul3A_349 = arith.muli %add3A_347, %mul3A_348 : i32
      %dma_wait3A_350 = tpu.memref_slice %arg6[%mul3A_349] : memref<10000xi32, #tpu.memory_space<vmem>> -> memref<128xi32, #tpu.memory_space<vmem>>
      %dma_wait3A_351 = arith.constant 0 : i32
      %dma_wait3A_352 = arith.constant 0 : i32
      %dma_wait3A_353 = tpu.memref_slice %arg2[%dma_wait3A_351, %dma_wait3A_352] : memref<10000x64xf32, #tpu.memory_space<hbm>> -> memref<10000x64xf32, #tpu.memory_space<hbm>>
      tpu.wait_indirect_dma semaphore(%arg15 : memref<!tpu.dma_semaphore, #tpu.memory_space<semaphore_mem>>) src(%dma_wait3A_353 : memref<10000x64xf32, #tpu.memory_space<hbm>>) dst(%arg8 : memref<128x64xf32, #tpu.memory_space<vmem>>)
      %mul3A_354 = arith.constant 128 : i32
      %mul3A_355 = arith.muli %add3A_347, %mul3A_354 : i32
      %dma_start3A_356 = tpu.memref_slice %arg7[%mul3A_355] : memref<10000xi32, #tpu.memory_space<vmem>> -> memref<128xi32, #tpu.memory_space<vmem>>
      %dma_start3A_357 = arith.constant 0 : i32
      %dma_start3A_358 = arith.constant 0 : i32
      %dma_start3A_359 = tpu.memref_slice %arg14[%dma_start3A_357, %dma_start3A_358] : memref<10000x64xf32, #tpu.memory_space<vmem_shared>> -> memref<10000x64xf32, #tpu.memory_space<vmem_shared>>
      tpu.enqueue_indirect_dma source(%arg8 : memref<128x64xf32, #tpu.memory_space<vmem>>) target(%dma_start3A_359 : memref<10000x64xf32, #tpu.memory_space<vmem_shared>>) offsets(%dma_start3A_356 : memref<128xi32, #tpu.memory_space<vmem>>) semaphore(%arg21 : memref<!tpu.dma_semaphore, #tpu.memory_space<semaphore_mem>>) {add = true}
      %sub3A_360 = arith.constant 1 : i32
      %sub3A_361 = arith.subi %add3A_347, %sub3A_360 : i32
      %mul3A_362 = arith.constant 128 : i32
      %mul3A_363 = arith.muli %sub3A_361, %mul3A_362 : i32
      %dma_wait3A_364 = tpu.memref_slice %arg7[%mul3A_363] : memref<10000xi32, #tpu.memory_space<vmem>> -> memref<128xi32, #tpu.memory_space<vmem>>
      %dma_wait3A_365 = arith.constant 0 : i32
      %dma_wait3A_366 = arith.constant 0 : i32
      %dma_wait3A_367 = tpu.memref_slice %arg14[%dma_wait3A_365, %dma_wait3A_366] : memref<10000x64xf32, #tpu.memory_space<vmem_shared>> -> memref<10000x64xf32, #tpu.memory_space<vmem_shared>>
      tpu.wait_indirect_dma semaphore(%arg26 : memref<!tpu.dma_semaphore, #tpu.memory_space<semaphore_mem>>) src(%arg13 : memref<128x64xf32, #tpu.memory_space<vmem>>) dst(%dma_wait3A_367 : memref<10000x64xf32, #tpu.memory_space<vmem_shared>>)
      %add3A_368 = arith.constant 6 : i32
      %add3A_369 = arith.addi %add3A_347, %add3A_368 : i32
      %sub3A_370 = arith.constant 1 : i32
      %sub3A_371 = arith.subi %add3A_369, %sub3A_370 : i32
      %mul3A_372 = arith.constant 128 : i32
      %mul3A_373 = arith.muli %sub3A_371, %mul3A_372 : i32
      %dma_start3A_374 = tpu.memref_slice %arg6[%mul3A_373] : memref<10000xi32, #tpu.memory_space<vmem>> -> memref<128xi32, #tpu.memory_space<vmem>>
      %dma_start3A_375 = arith.constant 0 : i32
      %dma_start3A_376 = arith.constant 0 : i32
      %dma_start3A_377 = tpu.memref_slice %arg2[%dma_start3A_375, %dma_start3A_376] : memref<10000x64xf32, #tpu.memory_space<hbm>> -> memref<10000x64xf32, #tpu.memory_space<hbm>>
      tpu.enqueue_indirect_dma source(%dma_start3A_377 : memref<10000x64xf32, #tpu.memory_space<hbm>>) target(%arg13 : memref<128x64xf32, #tpu.memory_space<vmem>>) offsets(%dma_start3A_374 : memref<128xi32, #tpu.memory_space<vmem>>) semaphore(%arg20 : memref<!tpu.dma_semaphore, #tpu.memory_space<semaphore_mem>>)
    }
    %scan3A_52 = arith.constant 12 : i32
    %dma_wait3A_53 = arith.constant 9344 : i32
    %dma_wait3A_54 = tpu.memref_slice %arg6[%dma_wait3A_53] : memref<10000xi32, #tpu.memory_space<vmem>> -> memref<128xi32, #tpu.memory_space<vmem>>
    %dma_wait3A_55 = arith.constant 0 : i32
    %dma_wait3A_56 = arith.constant 0 : i32
    %dma_wait3A_57 = tpu.memref_slice %arg2[%dma_wait3A_55, %dma_wait3A_56] : memref<10000x64xf32, #tpu.memory_space<hbm>> -> memref<10000x64xf32, #tpu.memory_space<hbm>>
    tpu.wait_indirect_dma semaphore(%arg16 : memref<!tpu.dma_semaphore, #tpu.memory_space<semaphore_mem>>) src(%dma_wait3A_57 : memref<10000x64xf32, #tpu.memory_space<hbm>>) dst(%arg9 : memref<128x64xf32, #tpu.memory_space<vmem>>)
    %dma_start3A_58 = arith.constant 9344 : i32
    %dma_start3A_59 = tpu.memref_slice %arg7[%dma_start3A_58] : memref<10000xi32, #tpu.memory_space<vmem>> -> memref<128xi32, #tpu.memory_space<vmem>>
    %dma_start3A_60 = arith.constant 0 : i32
    %dma_start3A_61 = arith.constant 0 : i32
    %dma_start3A_62 = tpu.memref_slice %arg14[%dma_start3A_60, %dma_start3A_61] : memref<10000x64xf32, #tpu.memory_space<vmem_shared>> -> memref<10000x64xf32, #tpu.memory_space<vmem_shared>>
    tpu.enqueue_indirect_dma source(%arg9 : memref<128x64xf32, #tpu.memory_space<vmem>>) target(%dma_start3A_62 : memref<10000x64xf32, #tpu.memory_space<vmem_shared>>) offsets(%dma_start3A_59 : memref<128xi32, #tpu.memory_space<vmem>>) semaphore(%arg22 : memref<!tpu.dma_semaphore, #tpu.memory_space<semaphore_mem>>) {add = true}
    %dma_wait3A_63 = arith.constant 9216 : i32
    %dma_wait3A_64 = tpu.memref_slice %arg7[%dma_wait3A_63] : memref<10000xi32, #tpu.memory_space<vmem>> -> memref<128xi32, #tpu.memory_space<vmem>>
    %dma_wait3A_65 = arith.constant 0 : i32
    %dma_wait3A_66 = arith.constant 0 : i32
    %dma_wait3A_67 = tpu.memref_slice %arg14[%dma_wait3A_65, %dma_wait3A_66] : memref<10000x64xf32, #tpu.memory_space<vmem_shared>> -> memref<10000x64xf32, #tpu.memory_space<vmem_shared>>
    tpu.wait_indirect_dma semaphore(%arg21 : memref<!tpu.dma_semaphore, #tpu.memory_space<semaphore_mem>>) src(%arg8 : memref<128x64xf32, #tpu.memory_space<vmem>>) dst(%dma_wait3A_67 : memref<10000x64xf32, #tpu.memory_space<vmem_shared>>)
    %dma_wait3A_68 = arith.constant 9472 : i32
    %dma_wait3A_69 = tpu.memref_slice %arg6[%dma_wait3A_68] : memref<10000xi32, #tpu.memory_space<vmem>> -> memref<128xi32, #tpu.memory_space<vmem>>
    %dma_wait3A_70 = arith.constant 0 : i32
    %dma_wait3A_71 = arith.constant 0 : i32
    %dma_wait3A_72 = tpu.memref_slice %arg2[%dma_wait3A_70, %dma_wait3A_71] : memref<10000x64xf32, #tpu.memory_space<hbm>> -> memref<10000x64xf32, #tpu.memory_space<hbm>>
    tpu.wait_indirect_dma semaphore(%arg17 : memref<!tpu.dma_semaphore, #tpu.memory_space<semaphore_mem>>) src(%dma_wait3A_72 : memref<10000x64xf32, #tpu.memory_space<hbm>>) dst(%arg10 : memref<128x64xf32, #tpu.memory_space<vmem>>)
    %dma_start3A_73 = arith.constant 9472 : i32
    %dma_start3A_74 = tpu.memref_slice %arg7[%dma_start3A_73] : memref<10000xi32, #tpu.memory_space<vmem>> -> memref<128xi32, #tpu.memory_space<vmem>>
    %dma_start3A_75 = arith.constant 0 : i32
    %dma_start3A_76 = arith.constant 0 : i32
    %dma_start3A_77 = tpu.memref_slice %arg14[%dma_start3A_75, %dma_start3A_76] : memref<10000x64xf32, #tpu.memory_space<vmem_shared>> -> memref<10000x64xf32, #tpu.memory_space<vmem_shared>>
    tpu.enqueue_indirect_dma source(%arg10 : memref<128x64xf32, #tpu.memory_space<vmem>>) target(%dma_start3A_77 : memref<10000x64xf32, #tpu.memory_space<vmem_shared>>) offsets(%dma_start3A_74 : memref<128xi32, #tpu.memory_space<vmem>>) semaphore(%arg23 : memref<!tpu.dma_semaphore, #tpu.memory_space<semaphore_mem>>) {add = true}
    %dma_wait3A_78 = arith.constant 9344 : i32
    %dma_wait3A_79 = tpu.memref_slice %arg7[%dma_wait3A_78] : memref<10000xi32, #tpu.memory_space<vmem>> -> memref<128xi32, #tpu.memory_space<vmem>>
    %dma_wait3A_80 = arith.constant 0 : i32
    %dma_wait3A_81 = arith.constant 0 : i32
    %dma_wait3A_82 = tpu.memref_slice %arg14[%dma_wait3A_80, %dma_wait3A_81] : memref<10000x64xf32, #tpu.memory_space<vmem_shared>> -> memref<10000x64xf32, #tpu.memory_space<vmem_shared>>
    tpu.wait_indirect_dma semaphore(%arg22 : memref<!tpu.dma_semaphore, #tpu.memory_space<semaphore_mem>>) src(%arg9 : memref<128x64xf32, #tpu.memory_space<vmem>>) dst(%dma_wait3A_82 : memref<10000x64xf32, #tpu.memory_space<vmem_shared>>)
    %dma_wait3A_83 = arith.constant 9600 : i32
    %dma_wait3A_84 = tpu.memref_slice %arg6[%dma_wait3A_83] : memref<10000xi32, #tpu.memory_space<vmem>> -> memref<128xi32, #tpu.memory_space<vmem>>
    %dma_wait3A_85 = arith.constant 0 : i32
    %dma_wait3A_86 = arith.constant 0 : i32
    %dma_wait3A_87 = tpu.memref_slice %arg2[%dma_wait3A_85, %dma_wait3A_86] : memref<10000x64xf32, #tpu.memory_space<hbm>> -> memref<10000x64xf32, #tpu.memory_space<hbm>>
    tpu.wait_indirect_dma semaphore(%arg18 : memref<!tpu.dma_semaphore, #tpu.memory_space<semaphore_mem>>) src(%dma_wait3A_87 : memref<10000x64xf32, #tpu.memory_space<hbm>>) dst(%arg11 : memref<128x64xf32, #tpu.memory_space<vmem>>)
    %dma_start3A_88 = arith.constant 9600 : i32
    %dma_start3A_89 = tpu.memref_slice %arg7[%dma_start3A_88] : memref<10000xi32, #tpu.memory_space<vmem>> -> memref<128xi32, #tpu.memory_space<vmem>>
    %dma_start3A_90 = arith.constant 0 : i32
    %dma_start3A_91 = arith.constant 0 : i32
    %dma_start3A_92 = tpu.memref_slice %arg14[%dma_start3A_90, %dma_start3A_91] : memref<10000x64xf32, #tpu.memory_space<vmem_shared>> -> memref<10000x64xf32, #tpu.memory_space<vmem_shared>>
    tpu.enqueue_indirect_dma source(%arg11 : memref<128x64xf32, #tpu.memory_space<vmem>>) target(%dma_start3A_92 : memref<10000x64xf32, #tpu.memory_space<vmem_shared>>) offsets(%dma_start3A_89 : memref<128xi32, #tpu.memory_space<vmem>>) semaphore(%arg24 : memref<!tpu.dma_semaphore, #tpu.memory_space<semaphore_mem>>) {add = true}
    %dma_wait3A_93 = arith.constant 9472 : i32
    %dma_wait3A_94 = tpu.memref_slice %arg7[%dma_wait3A_93] : memref<10000xi32, #tpu.memory_space<vmem>> -> memref<128xi32, #tpu.memory_space<vmem>>
    %dma_wait3A_95 = arith.constant 0 : i32
    %dma_wait3A_96 = arith.constant 0 : i32
    %dma_wait3A_97 = tpu.memref_slice %arg14[%dma_wait3A_95, %dma_wait3A_96] : memref<10000x64xf32, #tpu.memory_space<vmem_shared>> -> memref<10000x64xf32, #tpu.memory_space<vmem_shared>>
    tpu.wait_indirect_dma semaphore(%arg23 : memref<!tpu.dma_semaphore, #tpu.memory_space<semaphore_mem>>) src(%arg10 : memref<128x64xf32, #tpu.memory_space<vmem>>) dst(%dma_wait3A_97 : memref<10000x64xf32, #tpu.memory_space<vmem_shared>>)
    %dma_wait3A_98 = arith.constant 9728 : i32
    %dma_wait3A_99 = tpu.memref_slice %arg6[%dma_wait3A_98] : memref<10000xi32, #tpu.memory_space<vmem>> -> memref<128xi32, #tpu.memory_space<vmem>>
    %dma_wait3A_100 = arith.constant 0 : i32
    %dma_wait3A_101 = arith.constant 0 : i32
    %dma_wait3A_102 = tpu.memref_slice %arg2[%dma_wait3A_100, %dma_wait3A_101] : memref<10000x64xf32, #tpu.memory_space<hbm>> -> memref<10000x64xf32, #tpu.memory_space<hbm>>
    tpu.wait_indirect_dma semaphore(%arg19 : memref<!tpu.dma_semaphore, #tpu.memory_space<semaphore_mem>>) src(%dma_wait3A_102 : memref<10000x64xf32, #tpu.memory_space<hbm>>) dst(%arg12 : memref<128x64xf32, #tpu.memory_space<vmem>>)
    %dma_start3A_103 = arith.constant 9728 : i32
    %dma_start3A_104 = tpu.memref_slice %arg7[%dma_start3A_103] : memref<10000xi32, #tpu.memory_space<vmem>> -> memref<128xi32, #tpu.memory_space<vmem>>
    %dma_start3A_105 = arith.constant 0 : i32
    %dma_start3A_106 = arith.constant 0 : i32
    %dma_start3A_107 = tpu.memref_slice %arg14[%dma_start3A_105, %dma_start3A_106] : memref<10000x64xf32, #tpu.memory_space<vmem_shared>> -> memref<10000x64xf32, #tpu.memory_space<vmem_shared>>
    tpu.enqueue_indirect_dma source(%arg12 : memref<128x64xf32, #tpu.memory_space<vmem>>) target(%dma_start3A_107 : memref<10000x64xf32, #tpu.memory_space<vmem_shared>>) offsets(%dma_start3A_104 : memref<128xi32, #tpu.memory_space<vmem>>) semaphore(%arg25 : memref<!tpu.dma_semaphore, #tpu.memory_space<semaphore_mem>>) {add = true}
    %dma_wait3A_108 = arith.constant 9600 : i32
    %dma_wait3A_109 = tpu.memref_slice %arg7[%dma_wait3A_108] : memref<10000xi32, #tpu.memory_space<vmem>> -> memref<128xi32, #tpu.memory_space<vmem>>
    %dma_wait3A_110 = arith.constant 0 : i32
    %dma_wait3A_111 = arith.constant 0 : i32
    %dma_wait3A_112 = tpu.memref_slice %arg14[%dma_wait3A_110, %dma_wait3A_111] : memref<10000x64xf32, #tpu.memory_space<vmem_shared>> -> memref<10000x64xf32, #tpu.memory_space<vmem_shared>>
    tpu.wait_indirect_dma semaphore(%arg24 : memref<!tpu.dma_semaphore, #tpu.memory_space<semaphore_mem>>) src(%arg11 : memref<128x64xf32, #tpu.memory_space<vmem>>) dst(%dma_wait3A_112 : memref<10000x64xf32, #tpu.memory_space<vmem_shared>>)
    %dma_wait3A_113 = arith.constant 9856 : i32
    %dma_wait3A_114 = tpu.memref_slice %arg6[%dma_wait3A_113] : memref<10000xi32, #tpu.memory_space<vmem>> -> memref<128xi32, #tpu.memory_space<vmem>>
    %dma_wait3A_115 = arith.constant 0 : i32
    %dma_wait3A_116 = arith.constant 0 : i32
    %dma_wait3A_117 = tpu.memref_slice %arg2[%dma_wait3A_115, %dma_wait3A_116] : memref<10000x64xf32, #tpu.memory_space<hbm>> -> memref<10000x64xf32, #tpu.memory_space<hbm>>
    tpu.wait_indirect_dma semaphore(%arg20 : memref<!tpu.dma_semaphore, #tpu.memory_space<semaphore_mem>>) src(%dma_wait3A_117 : memref<10000x64xf32, #tpu.memory_space<hbm>>) dst(%arg13 : memref<128x64xf32, #tpu.memory_space<vmem>>)
    %dma_start3A_118 = arith.constant 9856 : i32
    %dma_start3A_119 = tpu.memref_slice %arg7[%dma_start3A_118] : memref<10000xi32, #tpu.memory_space<vmem>> -> memref<128xi32, #tpu.memory_space<vmem>>
    %dma_start3A_120 = arith.constant 0 : i32
    %dma_start3A_121 = arith.constant 0 : i32
    %dma_start3A_122 = tpu.memref_slice %arg14[%dma_start3A_120, %dma_start3A_121] : memref<10000x64xf32, #tpu.memory_space<vmem_shared>> -> memref<10000x64xf32, #tpu.memory_space<vmem_shared>>
    tpu.enqueue_indirect_dma source(%arg13 : memref<128x64xf32, #tpu.memory_space<vmem>>) target(%dma_start3A_122 : memref<10000x64xf32, #tpu.memory_space<vmem_shared>>) offsets(%dma_start3A_119 : memref<128xi32, #tpu.memory_space<vmem>>) semaphore(%arg26 : memref<!tpu.dma_semaphore, #tpu.memory_space<semaphore_mem>>) {add = true}
    %dma_wait3A_123 = arith.constant 9728 : i32
    %dma_wait3A_124 = tpu.memref_slice %arg7[%dma_wait3A_123] : memref<10000xi32, #tpu.memory_space<vmem>> -> memref<128xi32, #tpu.memory_space<vmem>>
    %dma_wait3A_125 = arith.constant 0 : i32
    %dma_wait3A_126 = arith.constant 0 : i32
    %dma_wait3A_127 = tpu.memref_slice %arg14[%dma_wait3A_125, %dma_wait3A_126] : memref<10000x64xf32, #tpu.memory_space<vmem_shared>> -> memref<10000x64xf32, #tpu.memory_space<vmem_shared>>
    tpu.wait_indirect_dma semaphore(%arg25 : memref<!tpu.dma_semaphore, #tpu.memory_space<semaphore_mem>>) src(%arg12 : memref<128x64xf32, #tpu.memory_space<vmem>>) dst(%dma_wait3A_127 : memref<10000x64xf32, #tpu.memory_space<vmem_shared>>)
    %dma_wait3A_128 = arith.constant 9856 : i32
    %dma_wait3A_129 = tpu.memref_slice %arg7[%dma_wait3A_128] : memref<10000xi32, #tpu.memory_space<vmem>> -> memref<128xi32, #tpu.memory_space<vmem>>
    %dma_wait3A_130 = arith.constant 0 : i32
    %dma_wait3A_131 = arith.constant 0 : i32
    %dma_wait3A_132 = tpu.memref_slice %arg14[%dma_wait3A_130, %dma_wait3A_131] : memref<10000x64xf32, #tpu.memory_space<vmem_shared>> -> memref<10000x64xf32, #tpu.memory_space<vmem_shared>>
    tpu.wait_indirect_dma semaphore(%arg26 : memref<!tpu.dma_semaphore, #tpu.memory_space<semaphore_mem>>) src(%arg13 : memref<128x64xf32, #tpu.memory_space<vmem>>) dst(%dma_wait3A_132 : memref<10000x64xf32, #tpu.memory_space<vmem_shared>>)
    %dma_start3A_133 = arith.constant 0 : i32
    %dma_start3A_134 = arith.constant 0 : i32
    %dma_start3A_135 = tpu.memref_slice %arg8[%dma_start3A_133, %dma_start3A_134] : memref<128x64xf32, #tpu.memory_space<vmem>> -> memref<16x64xf32, #tpu.memory_space<vmem>>
    %dma_start3A_136 = arith.constant 9984 : i32
    %dma_start3A_137 = tpu.memref_slice %arg6[%dma_start3A_136] : memref<10000xi32, #tpu.memory_space<vmem>> -> memref<16xi32, #tpu.memory_space<vmem>>
    %dma_start3A_138 = arith.constant 0 : i32
    %dma_start3A_139 = arith.constant 0 : i32
    %dma_start3A_140 = tpu.memref_slice %arg2[%dma_start3A_138, %dma_start3A_139] : memref<10000x64xf32, #tpu.memory_space<hbm>> -> memref<10000x64xf32, #tpu.memory_space<hbm>>
    tpu.enqueue_indirect_dma source(%dma_start3A_140 : memref<10000x64xf32, #tpu.memory_space<hbm>>) target(%dma_start3A_135 : memref<16x64xf32, #tpu.memory_space<vmem>>) offsets(%dma_start3A_137 : memref<16xi32, #tpu.memory_space<vmem>>) semaphore(%arg15 : memref<!tpu.dma_semaphore, #tpu.memory_space<semaphore_mem>>)
    %dma_wait3A_141 = arith.constant 0 : i32
    %dma_wait3A_142 = arith.constant 0 : i32
    %dma_wait3A_143 = tpu.memref_slice %arg8[%dma_wait3A_141, %dma_wait3A_142] : memref<128x64xf32, #tpu.memory_space<vmem>> -> memref<16x64xf32, #tpu.memory_space<vmem>>
    %dma_wait3A_144 = arith.constant 9984 : i32
    %dma_wait3A_145 = tpu.memref_slice %arg6[%dma_wait3A_144] : memref<10000xi32, #tpu.memory_space<vmem>> -> memref<16xi32, #tpu.memory_space<vmem>>
    %dma_wait3A_146 = arith.constant 0 : i32
    %dma_wait3A_147 = arith.constant 0 : i32
    %dma_wait3A_148 = tpu.memref_slice %arg2[%dma_wait3A_146, %dma_wait3A_147] : memref<10000x64xf32, #tpu.memory_space<hbm>> -> memref<10000x64xf32, #tpu.memory_space<hbm>>
    tpu.wait_indirect_dma semaphore(%arg15 : memref<!tpu.dma_semaphore, #tpu.memory_space<semaphore_mem>>) src(%dma_wait3A_148 : memref<10000x64xf32, #tpu.memory_space<hbm>>) dst(%dma_wait3A_143 : memref<16x64xf32, #tpu.memory_space<vmem>>)
    "tpu.region"() ({
      %run_scoped3A_162 = tpu.sem_alloc : memref<!tpu.dma_semaphore, #tpu.memory_space<semaphore_mem>>
      %dma_start3A_163 = arith.constant 0 : i32
      %dma_start3A_164 = arith.constant 0 : i32
      %dma_start3A_165 = tpu.memref_slice %arg8[%dma_start3A_163, %dma_start3A_164] : memref<128x64xf32, #tpu.memory_space<vmem>> -> memref<16x64xf32, #tpu.memory_space<vmem>>
      %dma_start3A_166 = arith.constant 9984 : i32
      %dma_start3A_167 = tpu.memref_slice %arg7[%dma_start3A_166] : memref<10000xi32, #tpu.memory_space<vmem>> -> memref<16xi32, #tpu.memory_space<vmem>>
      %dma_start3A_168 = arith.constant 0 : i32
      %dma_start3A_169 = arith.constant 0 : i32
      %dma_start3A_170 = tpu.memref_slice %arg14[%dma_start3A_168, %dma_start3A_169] : memref<10000x64xf32, #tpu.memory_space<vmem_shared>> -> memref<10000x64xf32, #tpu.memory_space<vmem_shared>>
      tpu.enqueue_indirect_dma source(%dma_start3A_165 : memref<16x64xf32, #tpu.memory_space<vmem>>) target(%dma_start3A_170 : memref<10000x64xf32, #tpu.memory_space<vmem_shared>>) offsets(%dma_start3A_167 : memref<16xi32, #tpu.memory_space<vmem>>) semaphore(%run_scoped3A_162 : memref<!tpu.dma_semaphore, #tpu.memory_space<semaphore_mem>>) {add = true}
      %dma_wait3A_171 = arith.constant 0 : i32
      %dma_wait3A_172 = arith.constant 0 : i32
      %dma_wait3A_173 = tpu.memref_slice %arg8[%dma_wait3A_171, %dma_wait3A_172] : memref<128x64xf32, #tpu.memory_space<vmem>> -> memref<16x64xf32, #tpu.memory_space<vmem>>
      %dma_wait3A_174 = arith.constant 9984 : i32
      %dma_wait3A_175 = tpu.memref_slice %arg7[%dma_wait3A_174] : memref<10000xi32, #tpu.memory_space<vmem>> -> memref<16xi32, #tpu.memory_space<vmem>>
      %dma_wait3A_176 = arith.constant 0 : i32
      %dma_wait3A_177 = arith.constant 0 : i32
      %dma_wait3A_178 = tpu.memref_slice %arg14[%dma_wait3A_176, %dma_wait3A_177] : memref<10000x64xf32, #tpu.memory_space<vmem_shared>> -> memref<10000x64xf32, #tpu.memory_space<vmem_shared>>
      tpu.wait_indirect_dma semaphore(%run_scoped3A_162 : memref<!tpu.dma_semaphore, #tpu.memory_space<semaphore_mem>>) src(%dma_wait3A_173 : memref<16x64xf32, #tpu.memory_space<vmem>>) dst(%dma_wait3A_178 : memref<10000x64xf32, #tpu.memory_space<vmem_shared>>)
      tpu.yield
    }) : () -> ()
    %barrier3A_149 = arith.constant 0 : index
    tpu.barrier barrier_id(%barrier3A_149)
    %mul3A_150 = arith.constant 624 : i32
    %mul3A_151 = arith.muli %arg1, %mul3A_150 : i32
    %mul3A_152 = arith.constant 10000 : i32
    %mul3A_153 = arith.muli %arg0, %mul3A_152 : i32
    %mul3A_154 = arith.constant 624 : i32
    %mul3A_155 = arith.muli %arg1, %mul3A_154 : i32
    %add3A_156 = arith.addi %mul3A_153, %mul3A_155 : i32
    "tpu.region"() ({
      %run_scoped3A_162 = tpu.sem_alloc : memref<!tpu.dma_semaphore, #tpu.memory_space<semaphore_mem>>
      %dma_start3A_163 = arith.constant 0 : i32
      %dma_start3A_164 = tpu.memref_slice %arg5[%add3A_156, %dma_start3A_163] : memref<20000x64xf32, #tpu.memory_space<hbm>> -> memref<624x64xf32, #tpu.memory_space<hbm>>
      %dma_start3A_165 = arith.constant 0 : i32
      %dma_start3A_166 = tpu.memref_slice %arg14[%mul3A_151, %dma_start3A_165] : memref<10000x64xf32, #tpu.memory_space<vmem_shared>> -> memref<624x64xf32, #tpu.memory_space<vmem_shared>>
      tpu.enqueue_dma source(%dma_start3A_166 : memref<624x64xf32, #tpu.memory_space<vmem_shared>>) target(%dma_start3A_164 : memref<624x64xf32, #tpu.memory_space<hbm>>) target_semaphore(%run_scoped3A_162 : memref<!tpu.dma_semaphore, #tpu.memory_space<semaphore_mem>>)
      %dma_wait3A_167 = arith.constant 0 : i32
      %dma_wait3A_168 = tpu.memref_slice %arg5[%add3A_156, %dma_wait3A_167] : memref<20000x64xf32, #tpu.memory_space<hbm>> -> memref<624x64xf32, #tpu.memory_space<hbm>>
      %dma_wait3A_169 = arith.constant 0 : i32
      %dma_wait3A_170 = tpu.memref_slice %arg14[%mul3A_151, %dma_wait3A_169] : memref<10000x64xf32, #tpu.memory_space<vmem_shared>> -> memref<624x64xf32, #tpu.memory_space<vmem_shared>>
      tpu.wait_dma2 semaphore(%run_scoped3A_162 : memref<!tpu.dma_semaphore, #tpu.memory_space<semaphore_mem>>) src(%dma_wait3A_170 : memref<624x64xf32, #tpu.memory_space<vmem_shared>>) dst(%dma_wait3A_168 : memref<624x64xf32, #tpu.memory_space<hbm>>)
      tpu.yield
    }) : () -> ()
    %eq3A_157 = arith.constant 15 : i32
    %eq3A_158 = arith.cmpi eq, %arg1, %eq3A_157 : i32
    %convert_element_type3A_159 = arith.extui %eq3A_158 : i1 to i32
    %cond3A_160 = arith.constant 0 : i32
    %cond3A_161 = arith.cmpi ne, %convert_element_type3A_159, %cond3A_160 : i32
    scf.if %cond3A_161 {
      %mul3A_162 = arith.constant 10000 : i32
      %mul3A_163 = arith.muli %arg0, %mul3A_162 : i32
      %add3A_164 = arith.constant 9984 : i32
      %add3A_165 = arith.addi %mul3A_163, %add3A_164 : i32
      "tpu.region"() ({
        %run_scoped3A_166 = tpu.sem_alloc : memref<!tpu.dma_semaphore, #tpu.memory_space<semaphore_mem>>
        %dma_start3A_167 = arith.constant 0 : i32
        %dma_start3A_168 = tpu.memref_slice %arg5[%add3A_165, %dma_start3A_167] : memref<20000x64xf32, #tpu.memory_space<hbm>> -> memref<16x64xf32, #tpu.memory_space<hbm>>
        %dma_start3A_169 = arith.constant 9984 : i32
        %dma_start3A_170 = arith.constant 0 : i32
        %dma_start3A_171 = tpu.memref_slice %arg14[%dma_start3A_169, %dma_start3A_170] : memref<10000x64xf32, #tpu.memory_space<vmem_shared>> -> memref<16x64xf32, #tpu.memory_space<vmem_shared>>
        tpu.enqueue_dma source(%dma_start3A_171 : memref<16x64xf32, #tpu.memory_space<vmem_shared>>) target(%dma_start3A_168 : memref<16x64xf32, #tpu.memory_space<hbm>>) target_semaphore(%run_scoped3A_166 : memref<!tpu.dma_semaphore, #tpu.memory_space<semaphore_mem>>)
        %dma_wait3A_172 = arith.constant 0 : i32
        %dma_wait3A_173 = tpu.memref_slice %arg5[%add3A_165, %dma_wait3A_172] : memref<20000x64xf32, #tpu.memory_space<hbm>> -> memref<16x64xf32, #tpu.memory_space<hbm>>
        %dma_wait3A_174 = arith.constant 9984 : i32
        %dma_wait3A_175 = arith.constant 0 : i32
        %dma_wait3A_176 = tpu.memref_slice %arg14[%dma_wait3A_174, %dma_wait3A_175] : memref<10000x64xf32, #tpu.memory_space<vmem_shared>> -> memref<16x64xf32, #tpu.memory_space<vmem_shared>>
        tpu.wait_dma2 semaphore(%run_scoped3A_166 : memref<!tpu.dma_semaphore, #tpu.memory_space<semaphore_mem>>) src(%dma_wait3A_176 : memref<16x64xf32, #tpu.memory_space<vmem_shared>>) dst(%dma_wait3A_173 : memref<16x64xf32, #tpu.memory_space<hbm>>)
        tpu.yield
      }) : () -> ()
    } else {
    }
    return
  }
}

#map = affine_map<(d0, d1) -> (0, 0)>
module attributes {stable_mosaic.version = 14 : i64} {
  func.func @agg(%arg0: i32, %arg1: i32, %arg2: memref<10000x64xf32, #tpu.memory_space<hbm>>, %arg3: memref<2x320000xi32, #tpu.memory_space<hbm>>, %arg4: memref<624x64xf32, #tpu.memory_space<hbm>>, %arg5: memref<20000x64xf32, #tpu.memory_space<hbm>>, %arg6: memref<10000xi32, #tpu.memory_space<vmem>>, %arg7: memref<10000xi32, #tpu.memory_space<vmem>>, %arg8: memref<128x64xf32, #tpu.memory_space<vmem>>, %arg9: memref<128x64xf32, #tpu.memory_space<vmem>>, %arg10: memref<128x64xf32, #tpu.memory_space<vmem>>, %arg11: memref<128x64xf32, #tpu.memory_space<vmem>>, %arg12: memref<128x64xf32, #tpu.memory_space<vmem>>, %arg13: memref<128x64xf32, #tpu.memory_space<vmem>>, %arg14: memref<10000x64xf32, #tpu.memory_space<vmem_shared>>, %arg15: memref<!tpu.dma_semaphore, #tpu.memory_space<semaphore_mem>>, %arg16: memref<!tpu.dma_semaphore, #tpu.memory_space<semaphore_mem>>, %arg17: memref<!tpu.dma_semaphore, #tpu.memory_space<semaphore_mem>>, %arg18: memref<!tpu.dma_semaphore, #tpu.memory_space<semaphore_mem>>, %arg19: memref<!tpu.dma_semaphore, #tpu.memory_space<semaphore_mem>>, %arg20: memref<!tpu.dma_semaphore, #tpu.memory_space<semaphore_mem>>, %arg21: memref<!tpu.dma_semaphore, #tpu.memory_space<semaphore_mem>>, %arg22: memref<!tpu.dma_semaphore, #tpu.memory_space<semaphore_mem>>, %arg23: memref<!tpu.dma_semaphore, #tpu.memory_space<semaphore_mem>>, %arg24: memref<!tpu.dma_semaphore, #tpu.memory_space<semaphore_mem>>, %arg25: memref<!tpu.dma_semaphore, #tpu.memory_space<semaphore_mem>>, %arg26: memref<!tpu.dma_semaphore, #tpu.memory_space<semaphore_mem>>) attributes {dimension_semantics = [#tpu.dimension_semantics<core_parallel>, #tpu.dimension_semantics<subcore_parallel>], iteration_bounds = array<i64: 2, 16>, scalar_prefetch = 0 : i64, scratch_operands = 21 : i64, tpu.core_type = #tpu.core_type<sc_vector_subcore>, window_params = [{transform_indices = #map}, {transform_indices = #map}, {transform_indices = #map}, {transform_indices = #map}]} {
    %mul3A = arith.constant 2 : i32
    %mul3A_0 = arith.muli %arg1, %mul3A : i32
    %add3A = arith.addi %mul3A_0, %arg0 : i32
    %mul3A_1 = arith.constant 624 : i32
    %mul3A_2 = arith.muli %arg1, %mul3A_1 : i32
    "tpu.region"() ({
      %run_scoped3A_162 = tpu.sem_alloc : memref<!tpu.dma_semaphore, #tpu.memory_space<semaphore_mem>>
      %dma_start3A_163 = arith.constant 0 : i32
      %dma_start3A_164 = tpu.memref_slice %arg14[%mul3A_2, %dma_start3A_163] : memref<10000x64xf32, #tpu.memory_space<vmem_shared>> -> memref<624x64xf32, #tpu.memory_space<vmem_shared>>
      tpu.enqueue_dma source(%arg4 : memref<624x64xf32, #tpu.memory_space<hbm>>) target(%dma_start3A_164 : memref<624x64xf32, #tpu.memory_space<vmem_shared>>) target_semaphore(%run_scoped3A_162 : memref<!tpu.dma_semaphore, #tpu.memory_space<semaphore_mem>>)
      %dma_wait3A_165 = arith.constant 0 : i32
      %dma_wait3A_166 = tpu.memref_slice %arg14[%mul3A_2, %dma_wait3A_165] : memref<10000x64xf32, #tpu.memory_space<vmem_shared>> -> memref<624x64xf32, #tpu.memory_space<vmem_shared>>
      tpu.wait_dma2 semaphore(%run_scoped3A_162 : memref<!tpu.dma_semaphore, #tpu.memory_space<semaphore_mem>>) src(%arg4 : memref<624x64xf32, #tpu.memory_space<hbm>>) dst(%dma_wait3A_166 : memref<624x64xf32, #tpu.memory_space<vmem_shared>>)
      tpu.yield
    }) : () -> ()
    %eq3A = arith.constant 15 : i32
    %eq3A_3 = arith.cmpi eq, %arg1, %eq3A : i32
    %convert_element_type3A = arith.extui %eq3A_3 : i1 to i32
    %cond3A = arith.constant 0 : i32
    %cond3A_4 = arith.cmpi ne, %convert_element_type3A, %cond3A : i32
    scf.if %cond3A_4 {
      "tpu.region"() ({
        %run_scoped3A_162 = tpu.sem_alloc : memref<!tpu.dma_semaphore, #tpu.memory_space<semaphore_mem>>
        %dma_start3A_163 = arith.constant 9984 : i32
        %dma_start3A_164 = arith.constant 0 : i32
        %dma_start3A_165 = tpu.memref_slice %arg14[%dma_start3A_163, %dma_start3A_164] : memref<10000x64xf32, #tpu.memory_space<vmem_shared>> -> memref<16x64xf32, #tpu.memory_space<vmem_shared>>
        %dma_start3A_166 = arith.constant 0 : i32
        %dma_start3A_167 = arith.constant 0 : i32
        %dma_start3A_168 = tpu.memref_slice %arg4[%dma_start3A_166, %dma_start3A_167] : memref<624x64xf32, #tpu.memory_space<hbm>> -> memref<16x64xf32, #tpu.memory_space<hbm>>
        tpu.enqueue_dma source(%dma_start3A_168 : memref<16x64xf32, #tpu.memory_space<hbm>>) target(%dma_start3A_165 : memref<16x64xf32, #tpu.memory_space<vmem_shared>>) target_semaphore(%run_scoped3A_162 : memref<!tpu.dma_semaphore, #tpu.memory_space<semaphore_mem>>)
        %dma_wait3A_169 = arith.constant 9984 : i32
        %dma_wait3A_170 = arith.constant 0 : i32
        %dma_wait3A_171 = tpu.memref_slice %arg14[%dma_wait3A_169, %dma_wait3A_170] : memref<10000x64xf32, #tpu.memory_space<vmem_shared>> -> memref<16x64xf32, #tpu.memory_space<vmem_shared>>
        %dma_wait3A_172 = arith.constant 0 : i32
        %dma_wait3A_173 = arith.constant 0 : i32
        %dma_wait3A_174 = tpu.memref_slice %arg4[%dma_wait3A_172, %dma_wait3A_173] : memref<624x64xf32, #tpu.memory_space<hbm>> -> memref<16x64xf32, #tpu.memory_space<hbm>>
        tpu.wait_dma2 semaphore(%run_scoped3A_162 : memref<!tpu.dma_semaphore, #tpu.memory_space<semaphore_mem>>) src(%dma_wait3A_174 : memref<16x64xf32, #tpu.memory_space<hbm>>) dst(%dma_wait3A_171 : memref<16x64xf32, #tpu.memory_space<vmem_shared>>)
        tpu.yield
      }) : () -> ()
    } else {
    }
    %mul3A_5 = arith.constant 10000 : i32
    %mul3A_6 = arith.muli %add3A, %mul3A_5 : i32
    %run_scoped3A = arith.constant 0 : i32
    "tpu.region"() ({
      %run_scoped3A_162 = tpu.sem_alloc : memref<!tpu.dma_semaphore, #tpu.memory_space<semaphore_mem>>
      %dma_start3A_163 = tpu.memref_slice %arg3[%run_scoped3A, %mul3A_6] : memref<2x320000xi32, #tpu.memory_space<hbm>> -> memref<1x10000xi32, #tpu.memory_space<hbm>>
      %dma_start3A_164 = tpu.memref_squeeze %dma_start3A_163 : memref<1x10000xi32, #tpu.memory_space<hbm>> -> memref<10000xi32, #tpu.memory_space<hbm>>
      %dma_start3A_165 = tpu.memref_slice %arg3[%run_scoped3A, %mul3A_6] : memref<2x320000xi32, #tpu.memory_space<hbm>> -> memref<1x10000xi32, #tpu.memory_space<hbm>>
      %dma_start3A_166 = tpu.memref_squeeze %dma_start3A_165 : memref<1x10000xi32, #tpu.memory_space<hbm>> -> memref<10000xi32, #tpu.memory_space<hbm>>
      tpu.enqueue_dma source(%dma_start3A_166 : memref<10000xi32, #tpu.memory_space<hbm>>) target(%arg6 : memref<10000xi32, #tpu.memory_space<vmem>>) target_semaphore(%run_scoped3A_162 : memref<!tpu.dma_semaphore, #tpu.memory_space<semaphore_mem>>)
      %dma_wait3A_167 = tpu.memref_slice %arg3[%run_scoped3A, %mul3A_6] : memref<2x320000xi32, #tpu.memory_space<hbm>> -> memref<1x10000xi32, #tpu.memory_space<hbm>>
      %dma_wait3A_168 = tpu.memref_squeeze %dma_wait3A_167 : memref<1x10000xi32, #tpu.memory_space<hbm>> -> memref<10000xi32, #tpu.memory_space<hbm>>
      %dma_wait3A_169 = tpu.memref_slice %arg3[%run_scoped3A, %mul3A_6] : memref<2x320000xi32, #tpu.memory_space<hbm>> -> memref<1x10000xi32, #tpu.memory_space<hbm>>
      %dma_wait3A_170 = tpu.memref_squeeze %dma_wait3A_169 : memref<1x10000xi32, #tpu.memory_space<hbm>> -> memref<10000xi32, #tpu.memory_space<hbm>>
      tpu.wait_dma2 semaphore(%run_scoped3A_162 : memref<!tpu.dma_semaphore, #tpu.memory_space<semaphore_mem>>) src(%dma_wait3A_170 : memref<10000xi32, #tpu.memory_space<hbm>>) dst(%arg6 : memref<10000xi32, #tpu.memory_space<vmem>>)
      tpu.yield
    }) : () -> ()
    %mul3A_7 = arith.constant 10000 : i32
    %mul3A_8 = arith.muli %add3A, %mul3A_7 : i32
    %run_scoped3A_9 = arith.constant 1 : i32
    "tpu.region"() ({
      %run_scoped3A_162 = tpu.sem_alloc : memref<!tpu.dma_semaphore, #tpu.memory_space<semaphore_mem>>
      %dma_start3A_163 = tpu.memref_slice %arg3[%run_scoped3A_9, %mul3A_8] : memref<2x320000xi32, #tpu.memory_space<hbm>> -> memref<1x10000xi32, #tpu.memory_space<hbm>>
      %dma_start3A_164 = tpu.memref_squeeze %dma_start3A_163 : memref<1x10000xi32, #tpu.memory_space<hbm>> -> memref<10000xi32, #tpu.memory_space<hbm>>
      %dma_start3A_165 = tpu.memref_slice %arg3[%run_scoped3A_9, %mul3A_8] : memref<2x320000xi32, #tpu.memory_space<hbm>> -> memref<1x10000xi32, #tpu.memory_space<hbm>>
      %dma_start3A_166 = tpu.memref_squeeze %dma_start3A_165 : memref<1x10000xi32, #tpu.memory_space<hbm>> -> memref<10000xi32, #tpu.memory_space<hbm>>
      tpu.enqueue_dma source(%dma_start3A_166 : memref<10000xi32, #tpu.memory_space<hbm>>) target(%arg7 : memref<10000xi32, #tpu.memory_space<vmem>>) target_semaphore(%run_scoped3A_162 : memref<!tpu.dma_semaphore, #tpu.memory_space<semaphore_mem>>)
      %dma_wait3A_167 = tpu.memref_slice %arg3[%run_scoped3A_9, %mul3A_8] : memref<2x320000xi32, #tpu.memory_space<hbm>> -> memref<1x10000xi32, #tpu.memory_space<hbm>>
      %dma_wait3A_168 = tpu.memref_squeeze %dma_wait3A_167 : memref<1x10000xi32, #tpu.memory_space<hbm>> -> memref<10000xi32, #tpu.memory_space<hbm>>
      %dma_wait3A_169 = tpu.memref_slice %arg3[%run_scoped3A_9, %mul3A_8] : memref<2x320000xi32, #tpu.memory_space<hbm>> -> memref<1x10000xi32, #tpu.memory_space<hbm>>
      %dma_wait3A_170 = tpu.memref_squeeze %dma_wait3A_169 : memref<1x10000xi32, #tpu.memory_space<hbm>> -> memref<10000xi32, #tpu.memory_space<hbm>>
      tpu.wait_dma2 semaphore(%run_scoped3A_162 : memref<!tpu.dma_semaphore, #tpu.memory_space<semaphore_mem>>) src(%dma_wait3A_170 : memref<10000xi32, #tpu.memory_space<hbm>>) dst(%arg7 : memref<10000xi32, #tpu.memory_space<vmem>>)
      tpu.yield
    }) : () -> ()
    %barrier3A = arith.constant 0 : index
    tpu.barrier barrier_id(%barrier3A)
    %dma_start3A = arith.constant 0 : i32
    %dma_start3A_10 = tpu.memref_slice %arg6[%dma_start3A] : memref<10000xi32, #tpu.memory_space<vmem>> -> memref<128xi32, #tpu.memory_space<vmem>>
    %dma_start3A_11 = arith.constant 0 : i32
    %dma_start3A_12 = arith.constant 0 : i32
    %dma_start3A_13 = tpu.memref_slice %arg2[%dma_start3A_11, %dma_start3A_12] : memref<10000x64xf32, #tpu.memory_space<hbm>> -> memref<10000x64xf32, #tpu.memory_space<hbm>>
    tpu.enqueue_indirect_dma source(%dma_start3A_13 : memref<10000x64xf32, #tpu.memory_space<hbm>>) target(%arg8 : memref<128x64xf32, #tpu.memory_space<vmem>>) offsets(%dma_start3A_10 : memref<128xi32, #tpu.memory_space<vmem>>) semaphore(%arg15 : memref<!tpu.dma_semaphore, #tpu.memory_space<semaphore_mem>>)
    %dma_start3A_14 = arith.constant 128 : i32
    %dma_start3A_15 = tpu.memref_slice %arg6[%dma_start3A_14] : memref<10000xi32, #tpu.memory_space<vmem>> -> memref<128xi32, #tpu.memory_space<vmem>>
    %dma_start3A_16 = arith.constant 0 : i32
    %dma_start3A_17 = arith.constant 0 : i32
    %dma_start3A_18 = tpu.memref_slice %arg2[%dma_start3A_16, %dma_start3A_17] : memref<10000x64xf32, #tpu.memory_space<hbm>> -> memref<10000x64xf32, #tpu.memory_space<hbm>>
    tpu.enqueue_indirect_dma source(%dma_start3A_18 : memref<10000x64xf32, #tpu.memory_space<hbm>>) target(%arg9 : memref<128x64xf32, #tpu.memory_space<vmem>>) offsets(%dma_start3A_15 : memref<128xi32, #tpu.memory_space<vmem>>) semaphore(%arg16 : memref<!tpu.dma_semaphore, #tpu.memory_space<semaphore_mem>>)
    %dma_start3A_19 = arith.constant 256 : i32
    %dma_start3A_20 = tpu.memref_slice %arg6[%dma_start3A_19] : memref<10000xi32, #tpu.memory_space<vmem>> -> memref<128xi32, #tpu.memory_space<vmem>>
    %dma_start3A_21 = arith.constant 0 : i32
    %dma_start3A_22 = arith.constant 0 : i32
    %dma_start3A_23 = tpu.memref_slice %arg2[%dma_start3A_21, %dma_start3A_22] : memref<10000x64xf32, #tpu.memory_space<hbm>> -> memref<10000x64xf32, #tpu.memory_space<hbm>>
    tpu.enqueue_indirect_dma source(%dma_start3A_23 : memref<10000x64xf32, #tpu.memory_space<hbm>>) target(%arg10 : memref<128x64xf32, #tpu.memory_space<vmem>>) offsets(%dma_start3A_20 : memref<128xi32, #tpu.memory_space<vmem>>) semaphore(%arg17 : memref<!tpu.dma_semaphore, #tpu.memory_space<semaphore_mem>>)
    %dma_start3A_24 = arith.constant 384 : i32
    %dma_start3A_25 = tpu.memref_slice %arg6[%dma_start3A_24] : memref<10000xi32, #tpu.memory_space<vmem>> -> memref<128xi32, #tpu.memory_space<vmem>>
    %dma_start3A_26 = arith.constant 0 : i32
    %dma_start3A_27 = arith.constant 0 : i32
    %dma_start3A_28 = tpu.memref_slice %arg2[%dma_start3A_26, %dma_start3A_27] : memref<10000x64xf32, #tpu.memory_space<hbm>> -> memref<10000x64xf32, #tpu.memory_space<hbm>>
    tpu.enqueue_indirect_dma source(%dma_start3A_28 : memref<10000x64xf32, #tpu.memory_space<hbm>>) target(%arg11 : memref<128x64xf32, #tpu.memory_space<vmem>>) offsets(%dma_start3A_25 : memref<128xi32, #tpu.memory_space<vmem>>) semaphore(%arg18 : memref<!tpu.dma_semaphore, #tpu.memory_space<semaphore_mem>>)
    %dma_start3A_29 = arith.constant 512 : i32
    %dma_start3A_30 = tpu.memref_slice %arg6[%dma_start3A_29] : memref<10000xi32, #tpu.memory_space<vmem>> -> memref<128xi32, #tpu.memory_space<vmem>>
    %dma_start3A_31 = arith.constant 0 : i32
    %dma_start3A_32 = arith.constant 0 : i32
    %dma_start3A_33 = tpu.memref_slice %arg2[%dma_start3A_31, %dma_start3A_32] : memref<10000x64xf32, #tpu.memory_space<hbm>> -> memref<10000x64xf32, #tpu.memory_space<hbm>>
    tpu.enqueue_indirect_dma source(%dma_start3A_33 : memref<10000x64xf32, #tpu.memory_space<hbm>>) target(%arg12 : memref<128x64xf32, #tpu.memory_space<vmem>>) offsets(%dma_start3A_30 : memref<128xi32, #tpu.memory_space<vmem>>) semaphore(%arg19 : memref<!tpu.dma_semaphore, #tpu.memory_space<semaphore_mem>>)
    %dma_wait3A = arith.constant 0 : i32
    %dma_wait3A_34 = tpu.memref_slice %arg6[%dma_wait3A] : memref<10000xi32, #tpu.memory_space<vmem>> -> memref<128xi32, #tpu.memory_space<vmem>>
    %dma_wait3A_35 = arith.constant 0 : i32
    %dma_wait3A_36 = arith.constant 0 : i32
    %dma_wait3A_37 = tpu.memref_slice %arg2[%dma_wait3A_35, %dma_wait3A_36] : memref<10000x64xf32, #tpu.memory_space<hbm>> -> memref<10000x64xf32, #tpu.memory_space<hbm>>
    tpu.wait_indirect_dma semaphore(%arg15 : memref<!tpu.dma_semaphore, #tpu.memory_space<semaphore_mem>>) src(%dma_wait3A_37 : memref<10000x64xf32, #tpu.memory_space<hbm>>) dst(%arg8 : memref<128x64xf32, #tpu.memory_space<vmem>>)
    %dma_start3A_38 = arith.constant 0 : i32
    %dma_start3A_39 = tpu.memref_slice %arg7[%dma_start3A_38] : memref<10000xi32, #tpu.memory_space<vmem>> -> memref<128xi32, #tpu.memory_space<vmem>>
    %dma_start3A_40 = arith.constant 0 : i32
    %dma_start3A_41 = arith.constant 0 : i32
    %dma_start3A_42 = tpu.memref_slice %arg14[%dma_start3A_40, %dma_start3A_41] : memref<10000x64xf32, #tpu.memory_space<vmem_shared>> -> memref<10000x64xf32, #tpu.memory_space<vmem_shared>>
    tpu.enqueue_indirect_dma source(%arg8 : memref<128x64xf32, #tpu.memory_space<vmem>>) target(%dma_start3A_42 : memref<10000x64xf32, #tpu.memory_space<vmem_shared>>) offsets(%dma_start3A_39 : memref<128xi32, #tpu.memory_space<vmem>>) semaphore(%arg21 : memref<!tpu.dma_semaphore, #tpu.memory_space<semaphore_mem>>) {add = true}
    %dma_start3A_43 = arith.constant 640 : i32
    %dma_start3A_44 = tpu.memref_slice %arg6[%dma_start3A_43] : memref<10000xi32, #tpu.memory_space<vmem>> -> memref<128xi32, #tpu.memory_space<vmem>>
    %dma_start3A_45 = arith.constant 0 : i32
    %dma_start3A_46 = arith.constant 0 : i32
    %dma_start3A_47 = tpu.memref_slice %arg2[%dma_start3A_45, %dma_start3A_46] : memref<10000x64xf32, #tpu.memory_space<hbm>> -> memref<10000x64xf32, #tpu.memory_space<hbm>>
    tpu.enqueue_indirect_dma source(%dma_start3A_47 : memref<10000x64xf32, #tpu.memory_space<hbm>>) target(%arg13 : memref<128x64xf32, #tpu.memory_space<vmem>>) offsets(%dma_start3A_44 : memref<128xi32, #tpu.memory_space<vmem>>) semaphore(%arg20 : memref<!tpu.dma_semaphore, #tpu.memory_space<semaphore_mem>>)
    %scan3A = arith.constant 0 : i32
    %scan3A_48 = arith.constant 0 : i32
    %scan3A_49 = arith.constant 12 : i32
    %scan3A_50 = arith.addi %scan3A_48, %scan3A_49 : i32
    %scan3A_51 = arith.constant 1 : i32
    scf.for %scan3A_162 = %scan3A_48 to %scan3A_50 step %scan3A_51  : i32 {
      %mul3A_163 = arith.constant 6 : i32
      %mul3A_164 = arith.muli %scan3A_162, %mul3A_163 : i32
      %add3A_165 = arith.constant 1 : i32
      %add3A_166 = arith.addi %mul3A_164, %add3A_165 : i32
      %add3A_167 = arith.constant 0 : i32
      %add3A_168 = arith.addi %add3A_166, %add3A_167 : i32
      %mul3A_169 = arith.constant 128 : i32
      %mul3A_170 = arith.muli %add3A_168, %mul3A_169 : i32
      %dma_wait3A_171 = tpu.memref_slice %arg6[%mul3A_170] : memref<10000xi32, #tpu.memory_space<vmem>> -> memref<128xi32, #tpu.memory_space<vmem>>
      %dma_wait3A_172 = arith.constant 0 : i32
      %dma_wait3A_173 = arith.constant 0 : i32
      %dma_wait3A_174 = tpu.memref_slice %arg2[%dma_wait3A_172, %dma_wait3A_173] : memref<10000x64xf32, #tpu.memory_space<hbm>> -> memref<10000x64xf32, #tpu.memory_space<hbm>>
      tpu.wait_indirect_dma semaphore(%arg16 : memref<!tpu.dma_semaphore, #tpu.memory_space<semaphore_mem>>) src(%dma_wait3A_174 : memref<10000x64xf32, #tpu.memory_space<hbm>>) dst(%arg9 : memref<128x64xf32, #tpu.memory_space<vmem>>)
      %mul3A_175 = arith.constant 128 : i32
      %mul3A_176 = arith.muli %add3A_168, %mul3A_175 : i32
      %dma_start3A_177 = tpu.memref_slice %arg7[%mul3A_176] : memref<10000xi32, #tpu.memory_space<vmem>> -> memref<128xi32, #tpu.memory_space<vmem>>
      %dma_start3A_178 = arith.constant 0 : i32
      %dma_start3A_179 = arith.constant 0 : i32
      %dma_start3A_180 = tpu.memref_slice %arg14[%dma_start3A_178, %dma_start3A_179] : memref<10000x64xf32, #tpu.memory_space<vmem_shared>> -> memref<10000x64xf32, #tpu.memory_space<vmem_shared>>
      tpu.enqueue_indirect_dma source(%arg9 : memref<128x64xf32, #tpu.memory_space<vmem>>) target(%dma_start3A_180 : memref<10000x64xf32, #tpu.memory_space<vmem_shared>>) offsets(%dma_start3A_177 : memref<128xi32, #tpu.memory_space<vmem>>) semaphore(%arg22 : memref<!tpu.dma_semaphore, #tpu.memory_space<semaphore_mem>>) {add = true}
      %sub3A = arith.constant 1 : i32
      %sub3A_181 = arith.subi %add3A_168, %sub3A : i32
      %mul3A_182 = arith.constant 128 : i32
      %mul3A_183 = arith.muli %sub3A_181, %mul3A_182 : i32
      %dma_wait3A_184 = tpu.memref_slice %arg7[%mul3A_183] : memref<10000xi32, #tpu.memory_space<vmem>> -> memref<128xi32, #tpu.memory_space<vmem>>
      %dma_wait3A_185 = arith.constant 0 : i32
      %dma_wait3A_186 = arith.constant 0 : i32
      %dma_wait3A_187 = tpu.memref_slice %arg14[%dma_wait3A_185, %dma_wait3A_186] : memref<10000x64xf32, #tpu.memory_space<vmem_shared>> -> memref<10000x64xf32, #tpu.memory_space<vmem_shared>>
      tpu.wait_indirect_dma semaphore(%arg21 : memref<!tpu.dma_semaphore, #tpu.memory_space<semaphore_mem>>) src(%arg8 : memref<128x64xf32, #tpu.memory_space<vmem>>) dst(%dma_wait3A_187 : memref<10000x64xf32, #tpu.memory_space<vmem_shared>>)
      %add3A_188 = arith.constant 6 : i32
      %add3A_189 = arith.addi %add3A_168, %add3A_188 : i32
      %sub3A_190 = arith.constant 1 : i32
      %sub3A_191 = arith.subi %add3A_189, %sub3A_190 : i32
      %mul3A_192 = arith.constant 128 : i32
      %mul3A_193 = arith.muli %sub3A_191, %mul3A_192 : i32
      %dma_start3A_194 = tpu.memref_slice %arg6[%mul3A_193] : memref<10000xi32, #tpu.memory_space<vmem>> -> memref<128xi32, #tpu.memory_space<vmem>>
      %dma_start3A_195 = arith.constant 0 : i32
      %dma_start3A_196 = arith.constant 0 : i32
      %dma_start3A_197 = tpu.memref_slice %arg2[%dma_start3A_195, %dma_start3A_196] : memref<10000x64xf32, #tpu.memory_space<hbm>> -> memref<10000x64xf32, #tpu.memory_space<hbm>>
      tpu.enqueue_indirect_dma source(%dma_start3A_197 : memref<10000x64xf32, #tpu.memory_space<hbm>>) target(%arg8 : memref<128x64xf32, #tpu.memory_space<vmem>>) offsets(%dma_start3A_194 : memref<128xi32, #tpu.memory_space<vmem>>) semaphore(%arg15 : memref<!tpu.dma_semaphore, #tpu.memory_space<semaphore_mem>>)
      %mul3A_198 = arith.constant 6 : i32
      %mul3A_199 = arith.muli %scan3A_162, %mul3A_198 : i32
      %add3A_200 = arith.constant 1 : i32
      %add3A_201 = arith.addi %mul3A_199, %add3A_200 : i32
      %add3A_202 = arith.constant 1 : i32
      %add3A_203 = arith.addi %add3A_201, %add3A_202 : i32
      %mul3A_204 = arith.constant 128 : i32
      %mul3A_205 = arith.muli %add3A_203, %mul3A_204 : i32
      %dma_wait3A_206 = tpu.memref_slice %arg6[%mul3A_205] : memref<10000xi32, #tpu.memory_space<vmem>> -> memref<128xi32, #tpu.memory_space<vmem>>
      %dma_wait3A_207 = arith.constant 0 : i32
      %dma_wait3A_208 = arith.constant 0 : i32
      %dma_wait3A_209 = tpu.memref_slice %arg2[%dma_wait3A_207, %dma_wait3A_208] : memref<10000x64xf32, #tpu.memory_space<hbm>> -> memref<10000x64xf32, #tpu.memory_space<hbm>>
      tpu.wait_indirect_dma semaphore(%arg17 : memref<!tpu.dma_semaphore, #tpu.memory_space<semaphore_mem>>) src(%dma_wait3A_209 : memref<10000x64xf32, #tpu.memory_space<hbm>>) dst(%arg10 : memref<128x64xf32, #tpu.memory_space<vmem>>)
      %mul3A_210 = arith.constant 128 : i32
      %mul3A_211 = arith.muli %add3A_203, %mul3A_210 : i32
      %dma_start3A_212 = tpu.memref_slice %arg7[%mul3A_211] : memref<10000xi32, #tpu.memory_space<vmem>> -> memref<128xi32, #tpu.memory_space<vmem>>
      %dma_start3A_213 = arith.constant 0 : i32
      %dma_start3A_214 = arith.constant 0 : i32
      %dma_start3A_215 = tpu.memref_slice %arg14[%dma_start3A_213, %dma_start3A_214] : memref<10000x64xf32, #tpu.memory_space<vmem_shared>> -> memref<10000x64xf32, #tpu.memory_space<vmem_shared>>
      tpu.enqueue_indirect_dma source(%arg10 : memref<128x64xf32, #tpu.memory_space<vmem>>) target(%dma_start3A_215 : memref<10000x64xf32, #tpu.memory_space<vmem_shared>>) offsets(%dma_start3A_212 : memref<128xi32, #tpu.memory_space<vmem>>) semaphore(%arg23 : memref<!tpu.dma_semaphore, #tpu.memory_space<semaphore_mem>>) {add = true}
      %sub3A_216 = arith.constant 1 : i32
      %sub3A_217 = arith.subi %add3A_203, %sub3A_216 : i32
      %mul3A_218 = arith.constant 128 : i32
      %mul3A_219 = arith.muli %sub3A_217, %mul3A_218 : i32
      %dma_wait3A_220 = tpu.memref_slice %arg7[%mul3A_219] : memref<10000xi32, #tpu.memory_space<vmem>> -> memref<128xi32, #tpu.memory_space<vmem>>
      %dma_wait3A_221 = arith.constant 0 : i32
      %dma_wait3A_222 = arith.constant 0 : i32
      %dma_wait3A_223 = tpu.memref_slice %arg14[%dma_wait3A_221, %dma_wait3A_222] : memref<10000x64xf32, #tpu.memory_space<vmem_shared>> -> memref<10000x64xf32, #tpu.memory_space<vmem_shared>>
      tpu.wait_indirect_dma semaphore(%arg22 : memref<!tpu.dma_semaphore, #tpu.memory_space<semaphore_mem>>) src(%arg9 : memref<128x64xf32, #tpu.memory_space<vmem>>) dst(%dma_wait3A_223 : memref<10000x64xf32, #tpu.memory_space<vmem_shared>>)
      %add3A_224 = arith.constant 6 : i32
      %add3A_225 = arith.addi %add3A_203, %add3A_224 : i32
      %sub3A_226 = arith.constant 1 : i32
      %sub3A_227 = arith.subi %add3A_225, %sub3A_226 : i32
      %mul3A_228 = arith.constant 128 : i32
      %mul3A_229 = arith.muli %sub3A_227, %mul3A_228 : i32
      %dma_start3A_230 = tpu.memref_slice %arg6[%mul3A_229] : memref<10000xi32, #tpu.memory_space<vmem>> -> memref<128xi32, #tpu.memory_space<vmem>>
      %dma_start3A_231 = arith.constant 0 : i32
      %dma_start3A_232 = arith.constant 0 : i32
      %dma_start3A_233 = tpu.memref_slice %arg2[%dma_start3A_231, %dma_start3A_232] : memref<10000x64xf32, #tpu.memory_space<hbm>> -> memref<10000x64xf32, #tpu.memory_space<hbm>>
      tpu.enqueue_indirect_dma source(%dma_start3A_233 : memref<10000x64xf32, #tpu.memory_space<hbm>>) target(%arg9 : memref<128x64xf32, #tpu.memory_space<vmem>>) offsets(%dma_start3A_230 : memref<128xi32, #tpu.memory_space<vmem>>) semaphore(%arg16 : memref<!tpu.dma_semaphore, #tpu.memory_space<semaphore_mem>>)
      %mul3A_234 = arith.constant 6 : i32
      %mul3A_235 = arith.muli %scan3A_162, %mul3A_234 : i32
      %add3A_236 = arith.constant 1 : i32
      %add3A_237 = arith.addi %mul3A_235, %add3A_236 : i32
      %add3A_238 = arith.constant 2 : i32
      %add3A_239 = arith.addi %add3A_237, %add3A_238 : i32
      %mul3A_240 = arith.constant 128 : i32
      %mul3A_241 = arith.muli %add3A_239, %mul3A_240 : i32
      %dma_wait3A_242 = tpu.memref_slice %arg6[%mul3A_241] : memref<10000xi32, #tpu.memory_space<vmem>> -> memref<128xi32, #tpu.memory_space<vmem>>
      %dma_wait3A_243 = arith.constant 0 : i32
      %dma_wait3A_244 = arith.constant 0 : i32
      %dma_wait3A_245 = tpu.memref_slice %arg2[%dma_wait3A_243, %dma_wait3A_244] : memref<10000x64xf32, #tpu.memory_space<hbm>> -> memref<10000x64xf32, #tpu.memory_space<hbm>>
      tpu.wait_indirect_dma semaphore(%arg18 : memref<!tpu.dma_semaphore, #tpu.memory_space<semaphore_mem>>) src(%dma_wait3A_245 : memref<10000x64xf32, #tpu.memory_space<hbm>>) dst(%arg11 : memref<128x64xf32, #tpu.memory_space<vmem>>)
      %mul3A_246 = arith.constant 128 : i32
      %mul3A_247 = arith.muli %add3A_239, %mul3A_246 : i32
      %dma_start3A_248 = tpu.memref_slice %arg7[%mul3A_247] : memref<10000xi32, #tpu.memory_space<vmem>> -> memref<128xi32, #tpu.memory_space<vmem>>
      %dma_start3A_249 = arith.constant 0 : i32
      %dma_start3A_250 = arith.constant 0 : i32
      %dma_start3A_251 = tpu.memref_slice %arg14[%dma_start3A_249, %dma_start3A_250] : memref<10000x64xf32, #tpu.memory_space<vmem_shared>> -> memref<10000x64xf32, #tpu.memory_space<vmem_shared>>
      tpu.enqueue_indirect_dma source(%arg11 : memref<128x64xf32, #tpu.memory_space<vmem>>) target(%dma_start3A_251 : memref<10000x64xf32, #tpu.memory_space<vmem_shared>>) offsets(%dma_start3A_248 : memref<128xi32, #tpu.memory_space<vmem>>) semaphore(%arg24 : memref<!tpu.dma_semaphore, #tpu.memory_space<semaphore_mem>>) {add = true}
      %sub3A_252 = arith.constant 1 : i32
      %sub3A_253 = arith.subi %add3A_239, %sub3A_252 : i32
      %mul3A_254 = arith.constant 128 : i32
      %mul3A_255 = arith.muli %sub3A_253, %mul3A_254 : i32
      %dma_wait3A_256 = tpu.memref_slice %arg7[%mul3A_255] : memref<10000xi32, #tpu.memory_space<vmem>> -> memref<128xi32, #tpu.memory_space<vmem>>
      %dma_wait3A_257 = arith.constant 0 : i32
      %dma_wait3A_258 = arith.constant 0 : i32
      %dma_wait3A_259 = tpu.memref_slice %arg14[%dma_wait3A_257, %dma_wait3A_258] : memref<10000x64xf32, #tpu.memory_space<vmem_shared>> -> memref<10000x64xf32, #tpu.memory_space<vmem_shared>>
      tpu.wait_indirect_dma semaphore(%arg23 : memref<!tpu.dma_semaphore, #tpu.memory_space<semaphore_mem>>) src(%arg10 : memref<128x64xf32, #tpu.memory_space<vmem>>) dst(%dma_wait3A_259 : memref<10000x64xf32, #tpu.memory_space<vmem_shared>>)
      %add3A_260 = arith.constant 6 : i32
      %add3A_261 = arith.addi %add3A_239, %add3A_260 : i32
      %sub3A_262 = arith.constant 1 : i32
      %sub3A_263 = arith.subi %add3A_261, %sub3A_262 : i32
      %mul3A_264 = arith.constant 128 : i32
      %mul3A_265 = arith.muli %sub3A_263, %mul3A_264 : i32
      %dma_start3A_266 = tpu.memref_slice %arg6[%mul3A_265] : memref<10000xi32, #tpu.memory_space<vmem>> -> memref<128xi32, #tpu.memory_space<vmem>>
      %dma_start3A_267 = arith.constant 0 : i32
      %dma_start3A_268 = arith.constant 0 : i32
      %dma_start3A_269 = tpu.memref_slice %arg2[%dma_start3A_267, %dma_start3A_268] : memref<10000x64xf32, #tpu.memory_space<hbm>> -> memref<10000x64xf32, #tpu.memory_space<hbm>>
      tpu.enqueue_indirect_dma source(%dma_start3A_269 : memref<10000x64xf32, #tpu.memory_space<hbm>>) target(%arg10 : memref<128x64xf32, #tpu.memory_space<vmem>>) offsets(%dma_start3A_266 : memref<128xi32, #tpu.memory_space<vmem>>) semaphore(%arg17 : memref<!tpu.dma_semaphore, #tpu.memory_space<semaphore_mem>>)
      %mul3A_270 = arith.constant 6 : i32
      %mul3A_271 = arith.muli %scan3A_162, %mul3A_270 : i32
      %add3A_272 = arith.constant 1 : i32
      %add3A_273 = arith.addi %mul3A_271, %add3A_272 : i32
      %add3A_274 = arith.constant 3 : i32
      %add3A_275 = arith.addi %add3A_273, %add3A_274 : i32
      %mul3A_276 = arith.constant 128 : i32
      %mul3A_277 = arith.muli %add3A_275, %mul3A_276 : i32
      %dma_wait3A_278 = tpu.memref_slice %arg6[%mul3A_277] : memref<10000xi32, #tpu.memory_space<vmem>> -> memref<128xi32, #tpu.memory_space<vmem>>
      %dma_wait3A_279 = arith.constant 0 : i32
      %dma_wait3A_280 = arith.constant 0 : i32
      %dma_wait3A_281 = tpu.memref_slice %arg2[%dma_wait3A_279, %dma_wait3A_280] : memref<10000x64xf32, #tpu.memory_space<hbm>> -> memref<10000x64xf32, #tpu.memory_space<hbm>>
      tpu.wait_indirect_dma semaphore(%arg19 : memref<!tpu.dma_semaphore, #tpu.memory_space<semaphore_mem>>) src(%dma_wait3A_281 : memref<10000x64xf32, #tpu.memory_space<hbm>>) dst(%arg12 : memref<128x64xf32, #tpu.memory_space<vmem>>)
      %mul3A_282 = arith.constant 128 : i32
      %mul3A_283 = arith.muli %add3A_275, %mul3A_282 : i32
      %dma_start3A_284 = tpu.memref_slice %arg7[%mul3A_283] : memref<10000xi32, #tpu.memory_space<vmem>> -> memref<128xi32, #tpu.memory_space<vmem>>
      %dma_start3A_285 = arith.constant 0 : i32
      %dma_start3A_286 = arith.constant 0 : i32
      %dma_start3A_287 = tpu.memref_slice %arg14[%dma_start3A_285, %dma_start3A_286] : memref<10000x64xf32, #tpu.memory_space<vmem_shared>> -> memref<10000x64xf32, #tpu.memory_space<vmem_shared>>
      tpu.enqueue_indirect_dma source(%arg12 : memref<128x64xf32, #tpu.memory_space<vmem>>) target(%dma_start3A_287 : memref<10000x64xf32, #tpu.memory_space<vmem_shared>>) offsets(%dma_start3A_284 : memref<128xi32, #tpu.memory_space<vmem>>) semaphore(%arg25 : memref<!tpu.dma_semaphore, #tpu.memory_space<semaphore_mem>>) {add = true}
      %sub3A_288 = arith.constant 1 : i32
      %sub3A_289 = arith.subi %add3A_275, %sub3A_288 : i32
      %mul3A_290 = arith.constant 128 : i32
      %mul3A_291 = arith.muli %sub3A_289, %mul3A_290 : i32
      %dma_wait3A_292 = tpu.memref_slice %arg7[%mul3A_291] : memref<10000xi32, #tpu.memory_space<vmem>> -> memref<128xi32, #tpu.memory_space<vmem>>
      %dma_wait3A_293 = arith.constant 0 : i32
      %dma_wait3A_294 = arith.constant 0 : i32
      %dma_wait3A_295 = tpu.memref_slice %arg14[%dma_wait3A_293, %dma_wait3A_294] : memref<10000x64xf32, #tpu.memory_space<vmem_shared>> -> memref<10000x64xf32, #tpu.memory_space<vmem_shared>>
      tpu.wait_indirect_dma semaphore(%arg24 : memref<!tpu.dma_semaphore, #tpu.memory_space<semaphore_mem>>) src(%arg11 : memref<128x64xf32, #tpu.memory_space<vmem>>) dst(%dma_wait3A_295 : memref<10000x64xf32, #tpu.memory_space<vmem_shared>>)
      %add3A_296 = arith.constant 6 : i32
      %add3A_297 = arith.addi %add3A_275, %add3A_296 : i32
      %sub3A_298 = arith.constant 1 : i32
      %sub3A_299 = arith.subi %add3A_297, %sub3A_298 : i32
      %mul3A_300 = arith.constant 128 : i32
      %mul3A_301 = arith.muli %sub3A_299, %mul3A_300 : i32
      %dma_start3A_302 = tpu.memref_slice %arg6[%mul3A_301] : memref<10000xi32, #tpu.memory_space<vmem>> -> memref<128xi32, #tpu.memory_space<vmem>>
      %dma_start3A_303 = arith.constant 0 : i32
      %dma_start3A_304 = arith.constant 0 : i32
      %dma_start3A_305 = tpu.memref_slice %arg2[%dma_start3A_303, %dma_start3A_304] : memref<10000x64xf32, #tpu.memory_space<hbm>> -> memref<10000x64xf32, #tpu.memory_space<hbm>>
      tpu.enqueue_indirect_dma source(%dma_start3A_305 : memref<10000x64xf32, #tpu.memory_space<hbm>>) target(%arg11 : memref<128x64xf32, #tpu.memory_space<vmem>>) offsets(%dma_start3A_302 : memref<128xi32, #tpu.memory_space<vmem>>) semaphore(%arg18 : memref<!tpu.dma_semaphore, #tpu.memory_space<semaphore_mem>>)
      %mul3A_306 = arith.constant 6 : i32
      %mul3A_307 = arith.muli %scan3A_162, %mul3A_306 : i32
      %add3A_308 = arith.constant 1 : i32
      %add3A_309 = arith.addi %mul3A_307, %add3A_308 : i32
      %add3A_310 = arith.constant 4 : i32
      %add3A_311 = arith.addi %add3A_309, %add3A_310 : i32
      %mul3A_312 = arith.constant 128 : i32
      %mul3A_313 = arith.muli %add3A_311, %mul3A_312 : i32
      %dma_wait3A_314 = tpu.memref_slice %arg6[%mul3A_313] : memref<10000xi32, #tpu.memory_space<vmem>> -> memref<128xi32, #tpu.memory_space<vmem>>
      %dma_wait3A_315 = arith.constant 0 : i32
      %dma_wait3A_316 = arith.constant 0 : i32
      %dma_wait3A_317 = tpu.memref_slice %arg2[%dma_wait3A_315, %dma_wait3A_316] : memref<10000x64xf32, #tpu.memory_space<hbm>> -> memref<10000x64xf32, #tpu.memory_space<hbm>>
      tpu.wait_indirect_dma semaphore(%arg20 : memref<!tpu.dma_semaphore, #tpu.memory_space<semaphore_mem>>) src(%dma_wait3A_317 : memref<10000x64xf32, #tpu.memory_space<hbm>>) dst(%arg13 : memref<128x64xf32, #tpu.memory_space<vmem>>)
      %mul3A_318 = arith.constant 128 : i32
      %mul3A_319 = arith.muli %add3A_311, %mul3A_318 : i32
      %dma_start3A_320 = tpu.memref_slice %arg7[%mul3A_319] : memref<10000xi32, #tpu.memory_space<vmem>> -> memref<128xi32, #tpu.memory_space<vmem>>
      %dma_start3A_321 = arith.constant 0 : i32
      %dma_start3A_322 = arith.constant 0 : i32
      %dma_start3A_323 = tpu.memref_slice %arg14[%dma_start3A_321, %dma_start3A_322] : memref<10000x64xf32, #tpu.memory_space<vmem_shared>> -> memref<10000x64xf32, #tpu.memory_space<vmem_shared>>
      tpu.enqueue_indirect_dma source(%arg13 : memref<128x64xf32, #tpu.memory_space<vmem>>) target(%dma_start3A_323 : memref<10000x64xf32, #tpu.memory_space<vmem_shared>>) offsets(%dma_start3A_320 : memref<128xi32, #tpu.memory_space<vmem>>) semaphore(%arg26 : memref<!tpu.dma_semaphore, #tpu.memory_space<semaphore_mem>>) {add = true}
      %sub3A_324 = arith.constant 1 : i32
      %sub3A_325 = arith.subi %add3A_311, %sub3A_324 : i32
      %mul3A_326 = arith.constant 128 : i32
      %mul3A_327 = arith.muli %sub3A_325, %mul3A_326 : i32
      %dma_wait3A_328 = tpu.memref_slice %arg7[%mul3A_327] : memref<10000xi32, #tpu.memory_space<vmem>> -> memref<128xi32, #tpu.memory_space<vmem>>
      %dma_wait3A_329 = arith.constant 0 : i32
      %dma_wait3A_330 = arith.constant 0 : i32
      %dma_wait3A_331 = tpu.memref_slice %arg14[%dma_wait3A_329, %dma_wait3A_330] : memref<10000x64xf32, #tpu.memory_space<vmem_shared>> -> memref<10000x64xf32, #tpu.memory_space<vmem_shared>>
      tpu.wait_indirect_dma semaphore(%arg25 : memref<!tpu.dma_semaphore, #tpu.memory_space<semaphore_mem>>) src(%arg12 : memref<128x64xf32, #tpu.memory_space<vmem>>) dst(%dma_wait3A_331 : memref<10000x64xf32, #tpu.memory_space<vmem_shared>>)
      %add3A_332 = arith.constant 6 : i32
      %add3A_333 = arith.addi %add3A_311, %add3A_332 : i32
      %sub3A_334 = arith.constant 1 : i32
      %sub3A_335 = arith.subi %add3A_333, %sub3A_334 : i32
      %mul3A_336 = arith.constant 128 : i32
      %mul3A_337 = arith.muli %sub3A_335, %mul3A_336 : i32
      %dma_start3A_338 = tpu.memref_slice %arg6[%mul3A_337] : memref<10000xi32, #tpu.memory_space<vmem>> -> memref<128xi32, #tpu.memory_space<vmem>>
      %dma_start3A_339 = arith.constant 0 : i32
      %dma_start3A_340 = arith.constant 0 : i32
      %dma_start3A_341 = tpu.memref_slice %arg2[%dma_start3A_339, %dma_start3A_340] : memref<10000x64xf32, #tpu.memory_space<hbm>> -> memref<10000x64xf32, #tpu.memory_space<hbm>>
      tpu.enqueue_indirect_dma source(%dma_start3A_341 : memref<10000x64xf32, #tpu.memory_space<hbm>>) target(%arg12 : memref<128x64xf32, #tpu.memory_space<vmem>>) offsets(%dma_start3A_338 : memref<128xi32, #tpu.memory_space<vmem>>) semaphore(%arg19 : memref<!tpu.dma_semaphore, #tpu.memory_space<semaphore_mem>>)
      %mul3A_342 = arith.constant 6 : i32
      %mul3A_343 = arith.muli %scan3A_162, %mul3A_342 : i32
      %add3A_344 = arith.constant 1 : i32
      %add3A_345 = arith.addi %mul3A_343, %add3A_344 : i32
      %add3A_346 = arith.constant 5 : i32
      %add3A_347 = arith.addi %add3A_345, %add3A_346 : i32
      %mul3A_348 = arith.constant 128 : i32
      %mul3A_349 = arith.muli %add3A_347, %mul3A_348 : i32
      %dma_wait3A_350 = tpu.memref_slice %arg6[%mul3A_349] : memref<10000xi32, #tpu.memory_space<vmem>> -> memref<128xi32, #tpu.memory_space<vmem>>
      %dma_wait3A_351 = arith.constant 0 : i32
      %dma_wait3A_352 = arith.constant 0 : i32
      %dma_wait3A_353 = tpu.memref_slice %arg2[%dma_wait3A_351, %dma_wait3A_352] : memref<10000x64xf32, #tpu.memory_space<hbm>> -> memref<10000x64xf32, #tpu.memory_space<hbm>>
      tpu.wait_indirect_dma semaphore(%arg15 : memref<!tpu.dma_semaphore, #tpu.memory_space<semaphore_mem>>) src(%dma_wait3A_353 : memref<10000x64xf32, #tpu.memory_space<hbm>>) dst(%arg8 : memref<128x64xf32, #tpu.memory_space<vmem>>)
      %mul3A_354 = arith.constant 128 : i32
      %mul3A_355 = arith.muli %add3A_347, %mul3A_354 : i32
      %dma_start3A_356 = tpu.memref_slice %arg7[%mul3A_355] : memref<10000xi32, #tpu.memory_space<vmem>> -> memref<128xi32, #tpu.memory_space<vmem>>
      %dma_start3A_357 = arith.constant 0 : i32
      %dma_start3A_358 = arith.constant 0 : i32
      %dma_start3A_359 = tpu.memref_slice %arg14[%dma_start3A_357, %dma_start3A_358] : memref<10000x64xf32, #tpu.memory_space<vmem_shared>> -> memref<10000x64xf32, #tpu.memory_space<vmem_shared>>
      tpu.enqueue_indirect_dma source(%arg8 : memref<128x64xf32, #tpu.memory_space<vmem>>) target(%dma_start3A_359 : memref<10000x64xf32, #tpu.memory_space<vmem_shared>>) offsets(%dma_start3A_356 : memref<128xi32, #tpu.memory_space<vmem>>) semaphore(%arg21 : memref<!tpu.dma_semaphore, #tpu.memory_space<semaphore_mem>>) {add = true}
      %sub3A_360 = arith.constant 1 : i32
      %sub3A_361 = arith.subi %add3A_347, %sub3A_360 : i32
      %mul3A_362 = arith.constant 128 : i32
      %mul3A_363 = arith.muli %sub3A_361, %mul3A_362 : i32
      %dma_wait3A_364 = tpu.memref_slice %arg7[%mul3A_363] : memref<10000xi32, #tpu.memory_space<vmem>> -> memref<128xi32, #tpu.memory_space<vmem>>
      %dma_wait3A_365 = arith.constant 0 : i32
      %dma_wait3A_366 = arith.constant 0 : i32
      %dma_wait3A_367 = tpu.memref_slice %arg14[%dma_wait3A_365, %dma_wait3A_366] : memref<10000x64xf32, #tpu.memory_space<vmem_shared>> -> memref<10000x64xf32, #tpu.memory_space<vmem_shared>>
      tpu.wait_indirect_dma semaphore(%arg26 : memref<!tpu.dma_semaphore, #tpu.memory_space<semaphore_mem>>) src(%arg13 : memref<128x64xf32, #tpu.memory_space<vmem>>) dst(%dma_wait3A_367 : memref<10000x64xf32, #tpu.memory_space<vmem_shared>>)
      %add3A_368 = arith.constant 6 : i32
      %add3A_369 = arith.addi %add3A_347, %add3A_368 : i32
      %sub3A_370 = arith.constant 1 : i32
      %sub3A_371 = arith.subi %add3A_369, %sub3A_370 : i32
      %mul3A_372 = arith.constant 128 : i32
      %mul3A_373 = arith.muli %sub3A_371, %mul3A_372 : i32
      %dma_start3A_374 = tpu.memref_slice %arg6[%mul3A_373] : memref<10000xi32, #tpu.memory_space<vmem>> -> memref<128xi32, #tpu.memory_space<vmem>>
      %dma_start3A_375 = arith.constant 0 : i32
      %dma_start3A_376 = arith.constant 0 : i32
      %dma_start3A_377 = tpu.memref_slice %arg2[%dma_start3A_375, %dma_start3A_376] : memref<10000x64xf32, #tpu.memory_space<hbm>> -> memref<10000x64xf32, #tpu.memory_space<hbm>>
      tpu.enqueue_indirect_dma source(%dma_start3A_377 : memref<10000x64xf32, #tpu.memory_space<hbm>>) target(%arg13 : memref<128x64xf32, #tpu.memory_space<vmem>>) offsets(%dma_start3A_374 : memref<128xi32, #tpu.memory_space<vmem>>) semaphore(%arg20 : memref<!tpu.dma_semaphore, #tpu.memory_space<semaphore_mem>>)
    }
    %scan3A_52 = arith.constant 12 : i32
    %dma_wait3A_53 = arith.constant 9344 : i32
    %dma_wait3A_54 = tpu.memref_slice %arg6[%dma_wait3A_53] : memref<10000xi32, #tpu.memory_space<vmem>> -> memref<128xi32, #tpu.memory_space<vmem>>
    %dma_wait3A_55 = arith.constant 0 : i32
    %dma_wait3A_56 = arith.constant 0 : i32
    %dma_wait3A_57 = tpu.memref_slice %arg2[%dma_wait3A_55, %dma_wait3A_56] : memref<10000x64xf32, #tpu.memory_space<hbm>> -> memref<10000x64xf32, #tpu.memory_space<hbm>>
    tpu.wait_indirect_dma semaphore(%arg16 : memref<!tpu.dma_semaphore, #tpu.memory_space<semaphore_mem>>) src(%dma_wait3A_57 : memref<10000x64xf32, #tpu.memory_space<hbm>>) dst(%arg9 : memref<128x64xf32, #tpu.memory_space<vmem>>)
    %dma_start3A_58 = arith.constant 9344 : i32
    %dma_start3A_59 = tpu.memref_slice %arg7[%dma_start3A_58] : memref<10000xi32, #tpu.memory_space<vmem>> -> memref<128xi32, #tpu.memory_space<vmem>>
    %dma_start3A_60 = arith.constant 0 : i32
    %dma_start3A_61 = arith.constant 0 : i32
    %dma_start3A_62 = tpu.memref_slice %arg14[%dma_start3A_60, %dma_start3A_61] : memref<10000x64xf32, #tpu.memory_space<vmem_shared>> -> memref<10000x64xf32, #tpu.memory_space<vmem_shared>>
    tpu.enqueue_indirect_dma source(%arg9 : memref<128x64xf32, #tpu.memory_space<vmem>>) target(%dma_start3A_62 : memref<10000x64xf32, #tpu.memory_space<vmem_shared>>) offsets(%dma_start3A_59 : memref<128xi32, #tpu.memory_space<vmem>>) semaphore(%arg22 : memref<!tpu.dma_semaphore, #tpu.memory_space<semaphore_mem>>) {add = true}
    %dma_wait3A_63 = arith.constant 9216 : i32
    %dma_wait3A_64 = tpu.memref_slice %arg7[%dma_wait3A_63] : memref<10000xi32, #tpu.memory_space<vmem>> -> memref<128xi32, #tpu.memory_space<vmem>>
    %dma_wait3A_65 = arith.constant 0 : i32
    %dma_wait3A_66 = arith.constant 0 : i32
    %dma_wait3A_67 = tpu.memref_slice %arg14[%dma_wait3A_65, %dma_wait3A_66] : memref<10000x64xf32, #tpu.memory_space<vmem_shared>> -> memref<10000x64xf32, #tpu.memory_space<vmem_shared>>
    tpu.wait_indirect_dma semaphore(%arg21 : memref<!tpu.dma_semaphore, #tpu.memory_space<semaphore_mem>>) src(%arg8 : memref<128x64xf32, #tpu.memory_space<vmem>>) dst(%dma_wait3A_67 : memref<10000x64xf32, #tpu.memory_space<vmem_shared>>)
    %dma_wait3A_68 = arith.constant 9472 : i32
    %dma_wait3A_69 = tpu.memref_slice %arg6[%dma_wait3A_68] : memref<10000xi32, #tpu.memory_space<vmem>> -> memref<128xi32, #tpu.memory_space<vmem>>
    %dma_wait3A_70 = arith.constant 0 : i32
    %dma_wait3A_71 = arith.constant 0 : i32
    %dma_wait3A_72 = tpu.memref_slice %arg2[%dma_wait3A_70, %dma_wait3A_71] : memref<10000x64xf32, #tpu.memory_space<hbm>> -> memref<10000x64xf32, #tpu.memory_space<hbm>>
    tpu.wait_indirect_dma semaphore(%arg17 : memref<!tpu.dma_semaphore, #tpu.memory_space<semaphore_mem>>) src(%dma_wait3A_72 : memref<10000x64xf32, #tpu.memory_space<hbm>>) dst(%arg10 : memref<128x64xf32, #tpu.memory_space<vmem>>)
    %dma_start3A_73 = arith.constant 9472 : i32
    %dma_start3A_74 = tpu.memref_slice %arg7[%dma_start3A_73] : memref<10000xi32, #tpu.memory_space<vmem>> -> memref<128xi32, #tpu.memory_space<vmem>>
    %dma_start3A_75 = arith.constant 0 : i32
    %dma_start3A_76 = arith.constant 0 : i32
    %dma_start3A_77 = tpu.memref_slice %arg14[%dma_start3A_75, %dma_start3A_76] : memref<10000x64xf32, #tpu.memory_space<vmem_shared>> -> memref<10000x64xf32, #tpu.memory_space<vmem_shared>>
    tpu.enqueue_indirect_dma source(%arg10 : memref<128x64xf32, #tpu.memory_space<vmem>>) target(%dma_start3A_77 : memref<10000x64xf32, #tpu.memory_space<vmem_shared>>) offsets(%dma_start3A_74 : memref<128xi32, #tpu.memory_space<vmem>>) semaphore(%arg23 : memref<!tpu.dma_semaphore, #tpu.memory_space<semaphore_mem>>) {add = true}
    %dma_wait3A_78 = arith.constant 9344 : i32
    %dma_wait3A_79 = tpu.memref_slice %arg7[%dma_wait3A_78] : memref<10000xi32, #tpu.memory_space<vmem>> -> memref<128xi32, #tpu.memory_space<vmem>>
    %dma_wait3A_80 = arith.constant 0 : i32
    %dma_wait3A_81 = arith.constant 0 : i32
    %dma_wait3A_82 = tpu.memref_slice %arg14[%dma_wait3A_80, %dma_wait3A_81] : memref<10000x64xf32, #tpu.memory_space<vmem_shared>> -> memref<10000x64xf32, #tpu.memory_space<vmem_shared>>
    tpu.wait_indirect_dma semaphore(%arg22 : memref<!tpu.dma_semaphore, #tpu.memory_space<semaphore_mem>>) src(%arg9 : memref<128x64xf32, #tpu.memory_space<vmem>>) dst(%dma_wait3A_82 : memref<10000x64xf32, #tpu.memory_space<vmem_shared>>)
    %dma_wait3A_83 = arith.constant 9600 : i32
    %dma_wait3A_84 = tpu.memref_slice %arg6[%dma_wait3A_83] : memref<10000xi32, #tpu.memory_space<vmem>> -> memref<128xi32, #tpu.memory_space<vmem>>
    %dma_wait3A_85 = arith.constant 0 : i32
    %dma_wait3A_86 = arith.constant 0 : i32
    %dma_wait3A_87 = tpu.memref_slice %arg2[%dma_wait3A_85, %dma_wait3A_86] : memref<10000x64xf32, #tpu.memory_space<hbm>> -> memref<10000x64xf32, #tpu.memory_space<hbm>>
    tpu.wait_indirect_dma semaphore(%arg18 : memref<!tpu.dma_semaphore, #tpu.memory_space<semaphore_mem>>) src(%dma_wait3A_87 : memref<10000x64xf32, #tpu.memory_space<hbm>>) dst(%arg11 : memref<128x64xf32, #tpu.memory_space<vmem>>)
    %dma_start3A_88 = arith.constant 9600 : i32
    %dma_start3A_89 = tpu.memref_slice %arg7[%dma_start3A_88] : memref<10000xi32, #tpu.memory_space<vmem>> -> memref<128xi32, #tpu.memory_space<vmem>>
    %dma_start3A_90 = arith.constant 0 : i32
    %dma_start3A_91 = arith.constant 0 : i32
    %dma_start3A_92 = tpu.memref_slice %arg14[%dma_start3A_90, %dma_start3A_91] : memref<10000x64xf32, #tpu.memory_space<vmem_shared>> -> memref<10000x64xf32, #tpu.memory_space<vmem_shared>>
    tpu.enqueue_indirect_dma source(%arg11 : memref<128x64xf32, #tpu.memory_space<vmem>>) target(%dma_start3A_92 : memref<10000x64xf32, #tpu.memory_space<vmem_shared>>) offsets(%dma_start3A_89 : memref<128xi32, #tpu.memory_space<vmem>>) semaphore(%arg24 : memref<!tpu.dma_semaphore, #tpu.memory_space<semaphore_mem>>) {add = true}
    %dma_wait3A_93 = arith.constant 9472 : i32
    %dma_wait3A_94 = tpu.memref_slice %arg7[%dma_wait3A_93] : memref<10000xi32, #tpu.memory_space<vmem>> -> memref<128xi32, #tpu.memory_space<vmem>>
    %dma_wait3A_95 = arith.constant 0 : i32
    %dma_wait3A_96 = arith.constant 0 : i32
    %dma_wait3A_97 = tpu.memref_slice %arg14[%dma_wait3A_95, %dma_wait3A_96] : memref<10000x64xf32, #tpu.memory_space<vmem_shared>> -> memref<10000x64xf32, #tpu.memory_space<vmem_shared>>
    tpu.wait_indirect_dma semaphore(%arg23 : memref<!tpu.dma_semaphore, #tpu.memory_space<semaphore_mem>>) src(%arg10 : memref<128x64xf32, #tpu.memory_space<vmem>>) dst(%dma_wait3A_97 : memref<10000x64xf32, #tpu.memory_space<vmem_shared>>)
    %dma_wait3A_98 = arith.constant 9728 : i32
    %dma_wait3A_99 = tpu.memref_slice %arg6[%dma_wait3A_98] : memref<10000xi32, #tpu.memory_space<vmem>> -> memref<128xi32, #tpu.memory_space<vmem>>
    %dma_wait3A_100 = arith.constant 0 : i32
    %dma_wait3A_101 = arith.constant 0 : i32
    %dma_wait3A_102 = tpu.memref_slice %arg2[%dma_wait3A_100, %dma_wait3A_101] : memref<10000x64xf32, #tpu.memory_space<hbm>> -> memref<10000x64xf32, #tpu.memory_space<hbm>>
    tpu.wait_indirect_dma semaphore(%arg19 : memref<!tpu.dma_semaphore, #tpu.memory_space<semaphore_mem>>) src(%dma_wait3A_102 : memref<10000x64xf32, #tpu.memory_space<hbm>>) dst(%arg12 : memref<128x64xf32, #tpu.memory_space<vmem>>)
    %dma_start3A_103 = arith.constant 9728 : i32
    %dma_start3A_104 = tpu.memref_slice %arg7[%dma_start3A_103] : memref<10000xi32, #tpu.memory_space<vmem>> -> memref<128xi32, #tpu.memory_space<vmem>>
    %dma_start3A_105 = arith.constant 0 : i32
    %dma_start3A_106 = arith.constant 0 : i32
    %dma_start3A_107 = tpu.memref_slice %arg14[%dma_start3A_105, %dma_start3A_106] : memref<10000x64xf32, #tpu.memory_space<vmem_shared>> -> memref<10000x64xf32, #tpu.memory_space<vmem_shared>>
    tpu.enqueue_indirect_dma source(%arg12 : memref<128x64xf32, #tpu.memory_space<vmem>>) target(%dma_start3A_107 : memref<10000x64xf32, #tpu.memory_space<vmem_shared>>) offsets(%dma_start3A_104 : memref<128xi32, #tpu.memory_space<vmem>>) semaphore(%arg25 : memref<!tpu.dma_semaphore, #tpu.memory_space<semaphore_mem>>) {add = true}
    %dma_wait3A_108 = arith.constant 9600 : i32
    %dma_wait3A_109 = tpu.memref_slice %arg7[%dma_wait3A_108] : memref<10000xi32, #tpu.memory_space<vmem>> -> memref<128xi32, #tpu.memory_space<vmem>>
    %dma_wait3A_110 = arith.constant 0 : i32
    %dma_wait3A_111 = arith.constant 0 : i32
    %dma_wait3A_112 = tpu.memref_slice %arg14[%dma_wait3A_110, %dma_wait3A_111] : memref<10000x64xf32, #tpu.memory_space<vmem_shared>> -> memref<10000x64xf32, #tpu.memory_space<vmem_shared>>
    tpu.wait_indirect_dma semaphore(%arg24 : memref<!tpu.dma_semaphore, #tpu.memory_space<semaphore_mem>>) src(%arg11 : memref<128x64xf32, #tpu.memory_space<vmem>>) dst(%dma_wait3A_112 : memref<10000x64xf32, #tpu.memory_space<vmem_shared>>)
    %dma_wait3A_113 = arith.constant 9856 : i32
    %dma_wait3A_114 = tpu.memref_slice %arg6[%dma_wait3A_113] : memref<10000xi32, #tpu.memory_space<vmem>> -> memref<128xi32, #tpu.memory_space<vmem>>
    %dma_wait3A_115 = arith.constant 0 : i32
    %dma_wait3A_116 = arith.constant 0 : i32
    %dma_wait3A_117 = tpu.memref_slice %arg2[%dma_wait3A_115, %dma_wait3A_116] : memref<10000x64xf32, #tpu.memory_space<hbm>> -> memref<10000x64xf32, #tpu.memory_space<hbm>>
    tpu.wait_indirect_dma semaphore(%arg20 : memref<!tpu.dma_semaphore, #tpu.memory_space<semaphore_mem>>) src(%dma_wait3A_117 : memref<10000x64xf32, #tpu.memory_space<hbm>>) dst(%arg13 : memref<128x64xf32, #tpu.memory_space<vmem>>)
    %dma_start3A_118 = arith.constant 9856 : i32
    %dma_start3A_119 = tpu.memref_slice %arg7[%dma_start3A_118] : memref<10000xi32, #tpu.memory_space<vmem>> -> memref<128xi32, #tpu.memory_space<vmem>>
    %dma_start3A_120 = arith.constant 0 : i32
    %dma_start3A_121 = arith.constant 0 : i32
    %dma_start3A_122 = tpu.memref_slice %arg14[%dma_start3A_120, %dma_start3A_121] : memref<10000x64xf32, #tpu.memory_space<vmem_shared>> -> memref<10000x64xf32, #tpu.memory_space<vmem_shared>>
    tpu.enqueue_indirect_dma source(%arg13 : memref<128x64xf32, #tpu.memory_space<vmem>>) target(%dma_start3A_122 : memref<10000x64xf32, #tpu.memory_space<vmem_shared>>) offsets(%dma_start3A_119 : memref<128xi32, #tpu.memory_space<vmem>>) semaphore(%arg26 : memref<!tpu.dma_semaphore, #tpu.memory_space<semaphore_mem>>) {add = true}
    %dma_wait3A_123 = arith.constant 9728 : i32
    %dma_wait3A_124 = tpu.memref_slice %arg7[%dma_wait3A_123] : memref<10000xi32, #tpu.memory_space<vmem>> -> memref<128xi32, #tpu.memory_space<vmem>>
    %dma_wait3A_125 = arith.constant 0 : i32
    %dma_wait3A_126 = arith.constant 0 : i32
    %dma_wait3A_127 = tpu.memref_slice %arg14[%dma_wait3A_125, %dma_wait3A_126] : memref<10000x64xf32, #tpu.memory_space<vmem_shared>> -> memref<10000x64xf32, #tpu.memory_space<vmem_shared>>
    tpu.wait_indirect_dma semaphore(%arg25 : memref<!tpu.dma_semaphore, #tpu.memory_space<semaphore_mem>>) src(%arg12 : memref<128x64xf32, #tpu.memory_space<vmem>>) dst(%dma_wait3A_127 : memref<10000x64xf32, #tpu.memory_space<vmem_shared>>)
    %dma_wait3A_128 = arith.constant 9856 : i32
    %dma_wait3A_129 = tpu.memref_slice %arg7[%dma_wait3A_128] : memref<10000xi32, #tpu.memory_space<vmem>> -> memref<128xi32, #tpu.memory_space<vmem>>
    %dma_wait3A_130 = arith.constant 0 : i32
    %dma_wait3A_131 = arith.constant 0 : i32
    %dma_wait3A_132 = tpu.memref_slice %arg14[%dma_wait3A_130, %dma_wait3A_131] : memref<10000x64xf32, #tpu.memory_space<vmem_shared>> -> memref<10000x64xf32, #tpu.memory_space<vmem_shared>>
    tpu.wait_indirect_dma semaphore(%arg26 : memref<!tpu.dma_semaphore, #tpu.memory_space<semaphore_mem>>) src(%arg13 : memref<128x64xf32, #tpu.memory_space<vmem>>) dst(%dma_wait3A_132 : memref<10000x64xf32, #tpu.memory_space<vmem_shared>>)
    %dma_start3A_133 = arith.constant 0 : i32
    %dma_start3A_134 = arith.constant 0 : i32
    %dma_start3A_135 = tpu.memref_slice %arg8[%dma_start3A_133, %dma_start3A_134] : memref<128x64xf32, #tpu.memory_space<vmem>> -> memref<16x64xf32, #tpu.memory_space<vmem>>
    %dma_start3A_136 = arith.constant 9984 : i32
    %dma_start3A_137 = tpu.memref_slice %arg6[%dma_start3A_136] : memref<10000xi32, #tpu.memory_space<vmem>> -> memref<16xi32, #tpu.memory_space<vmem>>
    %dma_start3A_138 = arith.constant 0 : i32
    %dma_start3A_139 = arith.constant 0 : i32
    %dma_start3A_140 = tpu.memref_slice %arg2[%dma_start3A_138, %dma_start3A_139] : memref<10000x64xf32, #tpu.memory_space<hbm>> -> memref<10000x64xf32, #tpu.memory_space<hbm>>
    tpu.enqueue_indirect_dma source(%dma_start3A_140 : memref<10000x64xf32, #tpu.memory_space<hbm>>) target(%dma_start3A_135 : memref<16x64xf32, #tpu.memory_space<vmem>>) offsets(%dma_start3A_137 : memref<16xi32, #tpu.memory_space<vmem>>) semaphore(%arg15 : memref<!tpu.dma_semaphore, #tpu.memory_space<semaphore_mem>>)
    %dma_wait3A_141 = arith.constant 0 : i32
    %dma_wait3A_142 = arith.constant 0 : i32
    %dma_wait3A_143 = tpu.memref_slice %arg8[%dma_wait3A_141, %dma_wait3A_142] : memref<128x64xf32, #tpu.memory_space<vmem>> -> memref<16x64xf32, #tpu.memory_space<vmem>>
    %dma_wait3A_144 = arith.constant 9984 : i32
    %dma_wait3A_145 = tpu.memref_slice %arg6[%dma_wait3A_144] : memref<10000xi32, #tpu.memory_space<vmem>> -> memref<16xi32, #tpu.memory_space<vmem>>
    %dma_wait3A_146 = arith.constant 0 : i32
    %dma_wait3A_147 = arith.constant 0 : i32
    %dma_wait3A_148 = tpu.memref_slice %arg2[%dma_wait3A_146, %dma_wait3A_147] : memref<10000x64xf32, #tpu.memory_space<hbm>> -> memref<10000x64xf32, #tpu.memory_space<hbm>>
    tpu.wait_indirect_dma semaphore(%arg15 : memref<!tpu.dma_semaphore, #tpu.memory_space<semaphore_mem>>) src(%dma_wait3A_148 : memref<10000x64xf32, #tpu.memory_space<hbm>>) dst(%dma_wait3A_143 : memref<16x64xf32, #tpu.memory_space<vmem>>)
    "tpu.region"() ({
      %run_scoped3A_162 = tpu.sem_alloc : memref<!tpu.dma_semaphore, #tpu.memory_space<semaphore_mem>>
      %dma_start3A_163 = arith.constant 0 : i32
      %dma_start3A_164 = arith.constant 0 : i32
      %dma_start3A_165 = tpu.memref_slice %arg8[%dma_start3A_163, %dma_start3A_164] : memref<128x64xf32, #tpu.memory_space<vmem>> -> memref<16x64xf32, #tpu.memory_space<vmem>>
      %dma_start3A_166 = arith.constant 9984 : i32
      %dma_start3A_167 = tpu.memref_slice %arg7[%dma_start3A_166] : memref<10000xi32, #tpu.memory_space<vmem>> -> memref<16xi32, #tpu.memory_space<vmem>>
      %dma_start3A_168 = arith.constant 0 : i32
      %dma_start3A_169 = arith.constant 0 : i32
      %dma_start3A_170 = tpu.memref_slice %arg14[%dma_start3A_168, %dma_start3A_169] : memref<10000x64xf32, #tpu.memory_space<vmem_shared>> -> memref<10000x64xf32, #tpu.memory_space<vmem_shared>>
      tpu.enqueue_indirect_dma source(%dma_start3A_165 : memref<16x64xf32, #tpu.memory_space<vmem>>) target(%dma_start3A_170 : memref<10000x64xf32, #tpu.memory_space<vmem_shared>>) offsets(%dma_start3A_167 : memref<16xi32, #tpu.memory_space<vmem>>) semaphore(%run_scoped3A_162 : memref<!tpu.dma_semaphore, #tpu.memory_space<semaphore_mem>>) {add = true}
      %dma_wait3A_171 = arith.constant 0 : i32
      %dma_wait3A_172 = arith.constant 0 : i32
      %dma_wait3A_173 = tpu.memref_slice %arg8[%dma_wait3A_171, %dma_wait3A_172] : memref<128x64xf32, #tpu.memory_space<vmem>> -> memref<16x64xf32, #tpu.memory_space<vmem>>
      %dma_wait3A_174 = arith.constant 9984 : i32
      %dma_wait3A_175 = tpu.memref_slice %arg7[%dma_wait3A_174] : memref<10000xi32, #tpu.memory_space<vmem>> -> memref<16xi32, #tpu.memory_space<vmem>>
      %dma_wait3A_176 = arith.constant 0 : i32
      %dma_wait3A_177 = arith.constant 0 : i32
      %dma_wait3A_178 = tpu.memref_slice %arg14[%dma_wait3A_176, %dma_wait3A_177] : memref<10000x64xf32, #tpu.memory_space<vmem_shared>> -> memref<10000x64xf32, #tpu.memory_space<vmem_shared>>
      tpu.wait_indirect_dma semaphore(%run_scoped3A_162 : memref<!tpu.dma_semaphore, #tpu.memory_space<semaphore_mem>>) src(%dma_wait3A_173 : memref<16x64xf32, #tpu.memory_space<vmem>>) dst(%dma_wait3A_178 : memref<10000x64xf32, #tpu.memory_space<vmem_shared>>)
      tpu.yield
    }) : () -> ()
    %barrier3A_149 = arith.constant 0 : index
    tpu.barrier barrier_id(%barrier3A_149)
    %mul3A_150 = arith.constant 624 : i32
    %mul3A_151 = arith.muli %arg1, %mul3A_150 : i32
    %mul3A_152 = arith.constant 10000 : i32
    %mul3A_153 = arith.muli %arg0, %mul3A_152 : i32
    %mul3A_154 = arith.constant 624 : i32
    %mul3A_155 = arith.muli %arg1, %mul3A_154 : i32
    %add3A_156 = arith.addi %mul3A_153, %mul3A_155 : i32
    "tpu.region"() ({
      %run_scoped3A_162 = tpu.sem_alloc : memref<!tpu.dma_semaphore, #tpu.memory_space<semaphore_mem>>
      %dma_start3A_163 = arith.constant 0 : i32
      %dma_start3A_164 = tpu.memref_slice %arg5[%add3A_156, %dma_start3A_163] : memref<20000x64xf32, #tpu.memory_space<hbm>> -> memref<624x64xf32, #tpu.memory_space<hbm>>
      %dma_start3A_165 = arith.constant 0 : i32
      %dma_start3A_166 = tpu.memref_slice %arg14[%mul3A_151, %dma_start3A_165] : memref<10000x64xf32, #tpu.memory_space<vmem_shared>> -> memref<624x64xf32, #tpu.memory_space<vmem_shared>>
      tpu.enqueue_dma source(%dma_start3A_166 : memref<624x64xf32, #tpu.memory_space<vmem_shared>>) target(%dma_start3A_164 : memref<624x64xf32, #tpu.memory_space<hbm>>) target_semaphore(%run_scoped3A_162 : memref<!tpu.dma_semaphore, #tpu.memory_space<semaphore_mem>>)
      %dma_wait3A_167 = arith.constant 0 : i32
      %dma_wait3A_168 = tpu.memref_slice %arg5[%add3A_156, %dma_wait3A_167] : memref<20000x64xf32, #tpu.memory_space<hbm>> -> memref<624x64xf32, #tpu.memory_space<hbm>>
      %dma_wait3A_169 = arith.constant 0 : i32
      %dma_wait3A_170 = tpu.memref_slice %arg14[%mul3A_151, %dma_wait3A_169] : memref<10000x64xf32, #tpu.memory_space<vmem_shared>> -> memref<624x64xf32, #tpu.memory_space<vmem_shared>>
      tpu.wait_dma2 semaphore(%run_scoped3A_162 : memref<!tpu.dma_semaphore, #tpu.memory_space<semaphore_mem>>) src(%dma_wait3A_170 : memref<624x64xf32, #tpu.memory_space<vmem_shared>>) dst(%dma_wait3A_168 : memref<624x64xf32, #tpu.memory_space<hbm>>)
      tpu.yield
    }) : () -> ()
    %eq3A_157 = arith.constant 15 : i32
    %eq3A_158 = arith.cmpi eq, %arg1, %eq3A_157 : i32
    %convert_element_type3A_159 = arith.extui %eq3A_158 : i1 to i32
    %cond3A_160 = arith.constant 0 : i32
    %cond3A_161 = arith.cmpi ne, %convert_element_type3A_159, %cond3A_160 : i32
    scf.if %cond3A_161 {
      %mul3A_162 = arith.constant 10000 : i32
      %mul3A_163 = arith.muli %arg0, %mul3A_162 : i32
      %add3A_164 = arith.constant 9984 : i32
      %add3A_165 = arith.addi %mul3A_163, %add3A_164 : i32
      "tpu.region"() ({
        %run_scoped3A_166 = tpu.sem_alloc : memref<!tpu.dma_semaphore, #tpu.memory_space<semaphore_mem>>
        %dma_start3A_167 = arith.constant 0 : i32
        %dma_start3A_168 = tpu.memref_slice %arg5[%add3A_165, %dma_start3A_167] : memref<20000x64xf32, #tpu.memory_space<hbm>> -> memref<16x64xf32, #tpu.memory_space<hbm>>
        %dma_start3A_169 = arith.constant 9984 : i32
        %dma_start3A_170 = arith.constant 0 : i32
        %dma_start3A_171 = tpu.memref_slice %arg14[%dma_start3A_169, %dma_start3A_170] : memref<10000x64xf32, #tpu.memory_space<vmem_shared>> -> memref<16x64xf32, #tpu.memory_space<vmem_shared>>
        tpu.enqueue_dma source(%dma_start3A_171 : memref<16x64xf32, #tpu.memory_space<vmem_shared>>) target(%dma_start3A_168 : memref<16x64xf32, #tpu.memory_space<hbm>>) target_semaphore(%run_scoped3A_166 : memref<!tpu.dma_semaphore, #tpu.memory_space<semaphore_mem>>)
        %dma_wait3A_172 = arith.constant 0 : i32
        %dma_wait3A_173 = tpu.memref_slice %arg5[%add3A_165, %dma_wait3A_172] : memref<20000x64xf32, #tpu.memory_space<hbm>> -> memref<16x64xf32, #tpu.memory_space<hbm>>
        %dma_wait3A_174 = arith.constant 9984 : i32
        %dma_wait3A_175 = arith.constant 0 : i32
        %dma_wait3A_176 = tpu.memref_slice %arg14[%dma_wait3A_174, %dma_wait3A_175] : memref<10000x64xf32, #tpu.memory_space<vmem_shared>> -> memref<16x64xf32, #tpu.memory_space<vmem_shared>>
        tpu.wait_dma2 semaphore(%run_scoped3A_166 : memref<!tpu.dma_semaphore, #tpu.memory_space<semaphore_mem>>) src(%dma_wait3A_176 : memref<16x64xf32, #tpu.memory_space<vmem_shared>>) dst(%dma_wait3A_173 : memref<16x64xf32, #tpu.memory_space<hbm>>)
        tpu.yield
      }) : () -> ()
    } else {
    }
    return
  }
}

module attributes {stable_mosaic.version = 14 : i64} {
  func.func @_tc1a_body(%arg0: i32, %arg1: memref<2000x128xf32, #tpu.memory_space<vmem>>, %arg2: memref<128x128xf32, #tpu.memory_space<vmem>>, %arg3: memref<2000x128xf32, #tpu.memory_space<vmem>>) attributes {dimension_semantics = [#tpu.dimension_semantics<arbitrary>], iteration_bounds = array<i64: 5>, scalar_prefetch = 0 : i64, scratch_operands = 0 : i64, tpu.core_type = #tpu.core_type<tc>, window_params = [{transform_indices = @transform_0, window_bounds = array<i64: 2000, 128>}, {pipeline_mode = #tpu.pipeline_mode<synchronous>, transform_indices = @transform_1, window_bounds = array<i64: 128, 128>}, {transform_indices = @transform_2, window_bounds = array<i64: 2000, 128>}]} {
    %get3A = arith.constant 0 : index
    %get3A_0 = arith.constant 0 : index
    %get3A_1 = vector.load %arg1[%get3A, %get3A_0] : memref<2000x128xf32, #tpu.memory_space<vmem>>, vector<2000x128xf32>
    %get3A_2 = arith.constant 0 : index
    %get3A_3 = arith.constant 0 : index
    %get3A_4 = vector.load %arg2[%get3A_2, %get3A_3] : memref<128x128xf32, #tpu.memory_space<vmem>>, vector<128x128xf32>
    %dot_general3A = arith.constant dense<0.000000e+00> : vector<2000x128xf32>
    %dot_general3A_5 = tpu.matmul %get3A_1, %get3A_4, %dot_general3A {dimension_numbers = #tpu.dot_dimension_numbers<[1], [0], [0], [1], [0, 0, 1, 1], [], []>, transpose_lhs_hint = false} : vector<2000x128xf32>, vector<128x128xf32>, vector<2000x128xf32> -> vector<2000x128xf32>
    %swap3A = arith.constant 0 : index
    %swap3A_6 = arith.constant 0 : index
    %swap3A_7 = vector.load %arg3[%swap3A, %swap3A_6] : memref<2000x128xf32, #tpu.memory_space<vmem>>, vector<2000x128xf32>
    tpu.vector_store %arg3[%swap3A, %swap3A_6], %dot_general3A_5 {strides = array<i32>} : memref<2000x128xf32, #tpu.memory_space<vmem>>, vector<2000x128xf32>,
    return
  }
  func.func @transform_0(%arg0: i32) -> (i32, i32) {
    %c0_i32 = arith.constant 0 : i32
    %c0_i32_0 = arith.constant 0 : i32
    return %arg0, %c0_i32 : i32, i32
  }
  func.func @transform_1(%arg0: i32) -> (i32, i32) {
    %c0_i32 = arith.constant 0 : i32
    %c0_i32_0 = arith.constant 0 : i32
    %c0_i32_1 = arith.constant 0 : i32
    return %c0_i32, %c0_i32_0 : i32, i32
  }
  func.func @transform_2(%arg0: i32) -> (i32, i32) {
    %c0_i32 = arith.constant 0 : i32
    %c0_i32_0 = arith.constant 0 : i32
    return %arg0, %c0_i32 : i32, i32
  }
}

module attributes {stable_mosaic.version = 14 : i64} {
  func.func @_tc1b_body(%arg0: i32, %arg1: memref<2000x128xf32, #tpu.memory_space<vmem>>, %arg2: memref<2000x16xf32, #tpu.memory_space<vmem>>, %arg3: memref<2000x16xf32, #tpu.memory_space<vmem>>, %arg4: memref<2000x64xf32, #tpu.memory_space<vmem>>, %arg5: memref<2000x64xf32, #tpu.memory_space<vmem>>, %arg6: memref<2000x1xf32, #tpu.memory_space<vmem>>) attributes {dimension_semantics = [#tpu.dimension_semantics<arbitrary>], iteration_bounds = array<i64: 5>, scalar_prefetch = 0 : i64, scratch_operands = 0 : i64, tpu.core_type = #tpu.core_type<tc>, window_params = [{transform_indices = @transform_0, window_bounds = array<i64: 2000, 128>}, {transform_indices = @transform_1, window_bounds = array<i64: 2000, 16>}, {transform_indices = @transform_2, window_bounds = array<i64: 2000, 16>}, {transform_indices = @transform_3, window_bounds = array<i64: 2000, 64>}, {transform_indices = @transform_4, window_bounds = array<i64: 2000, 64>}, {transform_indices = @transform_5, window_bounds = array<i64: 2000, 1>}]} {
    %get3A = arith.constant 0 : index
    %get3A_0 = arith.constant 0 : index
    %get3A_1 = vector.load %arg2[%get3A, %get3A_0] : memref<2000x16xf32, #tpu.memory_space<vmem>>, vector<2000x1xf32>
    %get3A_2 = arith.constant 0 : index
    %get3A_3 = arith.constant 0 : index
    %get3A_4 = vector.load %arg3[%get3A_2, %get3A_3] : memref<2000x16xf32, #tpu.memory_space<vmem>>, vector<2000x1xf32>
    %add3A = arith.addf %get3A_1, %get3A_4 : vector<2000x1xf32>
    %add3A_5 = arith.constant 1.000000e+00 : f32
    %add3A_6 = vector.broadcast %add3A_5 : f32 to vector<2000x1xf32>
    %add3A_7 = arith.addf %add3A, %add3A_6 : vector<2000x1xf32>
    %rsqrt3A = math.rsqrt %add3A_7 : vector<2000x1xf32>
    %get3A_8 = arith.constant 0 : index
    %get3A_9 = arith.constant 0 : index
    %get3A_10 = vector.load %arg1[%get3A_8, %get3A_9] : memref<2000x128xf32, #tpu.memory_space<vmem>>, vector<2000x128xf32>
    %mul3A = vector.broadcast %rsqrt3A : vector<2000x1xf32> to vector<2000x128xf32>
    %mul3A_11 = arith.mulf %get3A_10, %mul3A : vector<2000x128xf32>
    %slice3A = vector.extract_strided_slice %mul3A_11 {offsets = [0, 0], sizes = [2000, 64], strides = [1, 1]} : vector<2000x128xf32> to vector<2000x64xf32>
    %swap3A = arith.constant 0 : index
    %swap3A_12 = arith.constant 0 : index
    %swap3A_13 = vector.load %arg4[%swap3A, %swap3A_12] : memref<2000x64xf32, #tpu.memory_space<vmem>>, vector<2000x64xf32>
    tpu.vector_store %arg4[%swap3A, %swap3A_12], %slice3A {strides = array<i32>} : memref<2000x64xf32, #tpu.memory_space<vmem>>, vector<2000x64xf32>,
    %slice3A_14 = vector.extract_strided_slice %mul3A_11 {offsets = [0, 64], sizes = [2000, 64], strides = [1, 1]} : vector<2000x128xf32> to vector<2000x64xf32>
    %swap3A_15 = arith.constant 0 : index
    %swap3A_16 = arith.constant 0 : index
    %swap3A_17 = vector.load %arg5[%swap3A_15, %swap3A_16] : memref<2000x64xf32, #tpu.memory_space<vmem>>, vector<2000x64xf32>
    tpu.vector_store %arg5[%swap3A_15, %swap3A_16], %slice3A_14 {strides = array<i32>} : memref<2000x64xf32, #tpu.memory_space<vmem>>, vector<2000x64xf32>,
    %swap3A_18 = arith.constant 0 : index
    %swap3A_19 = arith.constant 0 : index
    %swap3A_20 = vector.load %arg6[%swap3A_18, %swap3A_19] : memref<2000x1xf32, #tpu.memory_space<vmem>>, vector<2000x1xf32>
    tpu.vector_store %arg6[%swap3A_18, %swap3A_19], %rsqrt3A {strides = array<i32>} : memref<2000x1xf32, #tpu.memory_space<vmem>>, vector<2000x1xf32>,
    return
  }
  func.func @transform_0(%arg0: i32) -> (i32, i32) {
    %c0_i32 = arith.constant 0 : i32
    %c0_i32_0 = arith.constant 0 : i32
    return %arg0, %c0_i32 : i32, i32
  }
  func.func @transform_1(%arg0: i32) -> (i32, i32) {
    %c0_i32 = arith.constant 0 : i32
    %c0_i32_0 = arith.constant 0 : i32
    return %arg0, %c0_i32 : i32, i32
  }
  func.func @transform_2(%arg0: i32) -> (i32, i32) {
    %add3A = arith.constant 5 : i32
    %add3A_0 = arith.addi %add3A, %arg0 : i32
    %c0_i32 = arith.constant 0 : i32
    %c0_i32_1 = arith.constant 0 : i32
    return %add3A_0, %c0_i32 : i32, i32
  }
  func.func @transform_3(%arg0: i32) -> (i32, i32) {
    %c0_i32 = arith.constant 0 : i32
    %c0_i32_0 = arith.constant 0 : i32
    return %arg0, %c0_i32 : i32, i32
  }
  func.func @transform_4(%arg0: i32) -> (i32, i32) {
    %c0_i32 = arith.constant 0 : i32
    %c0_i32_0 = arith.constant 0 : i32
    return %arg0, %c0_i32 : i32, i32
  }
  func.func @transform_5(%arg0: i32) -> (i32, i32) {
    %c0_i32 = arith.constant 0 : i32
    %c0_i32_0 = arith.constant 0 : i32
    return %arg0, %c0_i32 : i32, i32
  }
}

module attributes {stable_mosaic.version = 14 : i64} {
  func.func @_tc2_body(%arg0: i32, %arg1: memref<2000x64xf32, #tpu.memory_space<vmem>>, %arg2: memref<2000x64xf32, #tpu.memory_space<vmem>>, %arg3: memref<2000x64xf32, #tpu.memory_space<vmem>>, %arg4: memref<2000x64xf32, #tpu.memory_space<vmem>>, %arg5: memref<2000x64xf32, #tpu.memory_space<vmem>>, %arg6: memref<2000x64xf32, #tpu.memory_space<vmem>>, %arg7: memref<2000x1xf32, #tpu.memory_space<vmem>>, %arg8: memref<1x128xf32, #tpu.memory_space<vmem>>, %arg9: memref<128x64xf32, #tpu.memory_space<vmem>>, %arg10: memref<2000x64xf32, #tpu.memory_space<vmem>>) attributes {dimension_semantics = [#tpu.dimension_semantics<arbitrary>], iteration_bounds = array<i64: 5>, scalar_prefetch = 0 : i64, scratch_operands = 0 : i64, tpu.core_type = #tpu.core_type<tc>, window_params = [{transform_indices = @transform_0, window_bounds = array<i64: 2000, 64>}, {transform_indices = @transform_1, window_bounds = array<i64: 2000, 64>}, {transform_indices = @transform_2, window_bounds = array<i64: 2000, 64>}, {transform_indices = @transform_3, window_bounds = array<i64: 2000, 64>}, {transform_indices = @transform_4, window_bounds = array<i64: 2000, 64>}, {transform_indices = @transform_5, window_bounds = array<i64: 2000, 64>}, {transform_indices = @transform_6, window_bounds = array<i64: 2000, 1>}, {pipeline_mode = #tpu.pipeline_mode<synchronous>, transform_indices = @transform_7, window_bounds = array<i64: 1, 128>}, {pipeline_mode = #tpu.pipeline_mode<synchronous>, transform_indices = @transform_8, window_bounds = array<i64: 128, 64>}, {transform_indices = @transform_9, window_bounds = array<i64: 2000, 64>}]} {
    %get3A = arith.constant 0 : index
    %get3A_0 = arith.constant 0 : index
    %get3A_1 = vector.load %arg7[%get3A, %get3A_0] : memref<2000x1xf32, #tpu.memory_space<vmem>>, vector<2000x1xf32>
    %get3A_2 = arith.constant 0 : index
    %get3A_3 = arith.constant 0 : index
    %get3A_4 = vector.load %arg1[%get3A_2, %get3A_3] : memref<2000x64xf32, #tpu.memory_space<vmem>>, vector<2000x64xf32>
    %get3A_5 = arith.constant 0 : index
    %get3A_6 = arith.constant 0 : index
    %get3A_7 = vector.load %arg2[%get3A_5, %get3A_6] : memref<2000x64xf32, #tpu.memory_space<vmem>>, vector<2000x64xf32>
    %add3A = arith.addf %get3A_4, %get3A_7 : vector<2000x64xf32>
    %get3A_8 = arith.constant 0 : index
    %get3A_9 = arith.constant 0 : index
    %get3A_10 = vector.load %arg5[%get3A_8, %get3A_9] : memref<2000x64xf32, #tpu.memory_space<vmem>>, vector<2000x64xf32>
    %add3A_11 = arith.addf %add3A, %get3A_10 : vector<2000x64xf32>
    %get3A_12 = arith.constant 0 : index
    %get3A_13 = arith.constant 0 : index
    %get3A_14 = vector.load %arg3[%get3A_12, %get3A_13] : memref<2000x64xf32, #tpu.memory_space<vmem>>, vector<2000x64xf32>
    %get3A_15 = arith.constant 0 : index
    %get3A_16 = arith.constant 0 : index
    %get3A_17 = vector.load %arg4[%get3A_15, %get3A_16] : memref<2000x64xf32, #tpu.memory_space<vmem>>, vector<2000x64xf32>
    %add3A_18 = arith.addf %get3A_14, %get3A_17 : vector<2000x64xf32>
    %get3A_19 = arith.constant 0 : index
    %get3A_20 = arith.constant 0 : index
    %get3A_21 = vector.load %arg6[%get3A_19, %get3A_20] : memref<2000x64xf32, #tpu.memory_space<vmem>>, vector<2000x64xf32>
    %add3A_22 = arith.addf %add3A_18, %get3A_21 : vector<2000x64xf32>
    %concatenate3A = tpu.concatenate %add3A_11, %add3A_22 in 1 : vector<2000x64xf32>, vector<2000x64xf32> -> vector<2000x128xf32>
    %mul3A = vector.broadcast %get3A_1 : vector<2000x1xf32> to vector<2000x128xf32>
    %mul3A_23 = arith.mulf %concatenate3A, %mul3A : vector<2000x128xf32>
    %get3A_24 = arith.constant 0 : index
    %get3A_25 = arith.constant 0 : index
    %get3A_26 = vector.load %arg8[%get3A_24, %get3A_25] : memref<1x128xf32, #tpu.memory_space<vmem>>, vector<1x128xf32>
    %add3A_27 = vector.broadcast %get3A_26 : vector<1x128xf32> to vector<2000x128xf32>
    %add3A_28 = arith.addf %mul3A_23, %add3A_27 : vector<2000x128xf32>
    %max3A = arith.constant 0.000000e+00 : f32
    %max3A_29 = vector.broadcast %max3A : f32 to vector<2000x128xf32>
    %max3A_30 = arith.maximumf %add3A_28, %max3A_29 : vector<2000x128xf32>
    %get3A_31 = arith.constant 0 : index
    %get3A_32 = arith.constant 0 : index
    %get3A_33 = vector.load %arg9[%get3A_31, %get3A_32] : memref<128x64xf32, #tpu.memory_space<vmem>>, vector<128x64xf32>
    %dot_general3A = arith.constant dense<0.000000e+00> : vector<2000x64xf32>
    %dot_general3A_34 = tpu.matmul %max3A_30, %get3A_33, %dot_general3A {dimension_numbers = #tpu.dot_dimension_numbers<[1], [0], [0], [1], [0, 0, 1, 1], [], []>, transpose_lhs_hint = false} : vector<2000x128xf32>, vector<128x64xf32>, vector<2000x64xf32> -> vector<2000x64xf32>
    %mul3A_35 = vector.broadcast %get3A_1 : vector<2000x1xf32> to vector<2000x64xf32>
    %mul3A_36 = arith.mulf %dot_general3A_34, %mul3A_35 : vector<2000x64xf32>
    %swap3A = arith.constant 0 : index
    %swap3A_37 = arith.constant 0 : index
    %swap3A_38 = vector.load %arg10[%swap3A, %swap3A_37] : memref<2000x64xf32, #tpu.memory_space<vmem>>, vector<2000x64xf32>
    tpu.vector_store %arg10[%swap3A, %swap3A_37], %mul3A_36 {strides = array<i32>} : memref<2000x64xf32, #tpu.memory_space<vmem>>, vector<2000x64xf32>,
    return
  }
  func.func @transform_0(%arg0: i32) -> (i32, i32) {
    %c0_i32 = arith.constant 0 : i32
    %c0_i32_0 = arith.constant 0 : i32
    return %arg0, %c0_i32 : i32, i32
  }
  func.func @transform_1(%arg0: i32) -> (i32, i32) {
    %add3A = arith.constant 5 : i32
    %add3A_0 = arith.addi %add3A, %arg0 : i32
    %c0_i32 = arith.constant 0 : i32
    %c0_i32_1 = arith.constant 0 : i32
    return %add3A_0, %c0_i32 : i32, i32
  }
  func.func @transform_2(%arg0: i32) -> (i32, i32) {
    %c0_i32 = arith.constant 0 : i32
    %c0_i32_0 = arith.constant 0 : i32
    return %arg0, %c0_i32 : i32, i32
  }
  func.func @transform_3(%arg0: i32) -> (i32, i32) {
    %add3A = arith.constant 5 : i32
    %add3A_0 = arith.addi %add3A, %arg0 : i32
    %c0_i32 = arith.constant 0 : i32
    %c0_i32_1 = arith.constant 0 : i32
    return %add3A_0, %c0_i32 : i32, i32
  }
  func.func @transform_4(%arg0: i32) -> (i32, i32) {
    %c0_i32 = arith.constant 0 : i32
    %c0_i32_0 = arith.constant 0 : i32
    return %arg0, %c0_i32 : i32, i32
  }
  func.func @transform_5(%arg0: i32) -> (i32, i32) {
    %c0_i32 = arith.constant 0 : i32
    %c0_i32_0 = arith.constant 0 : i32
    return %arg0, %c0_i32 : i32, i32
  }
  func.func @transform_6(%arg0: i32) -> (i32, i32) {
    %c0_i32 = arith.constant 0 : i32
    %c0_i32_0 = arith.constant 0 : i32
    return %arg0, %c0_i32 : i32, i32
  }
  func.func @transform_7(%arg0: i32) -> (i32, i32) {
    %c0_i32 = arith.constant 0 : i32
    %c0_i32_0 = arith.constant 0 : i32
    %c0_i32_1 = arith.constant 0 : i32
    return %c0_i32, %c0_i32_0 : i32, i32
  }
  func.func @transform_8(%arg0: i32) -> (i32, i32) {
    %c0_i32 = arith.constant 0 : i32
    %c0_i32_0 = arith.constant 0 : i32
    %c0_i32_1 = arith.constant 0 : i32
    return %c0_i32, %c0_i32_0 : i32, i32
  }
  func.func @transform_9(%arg0: i32) -> (i32, i32) {
    %c0_i32 = arith.constant 0 : i32
    %c0_i32_0 = arith.constant 0 : i32
    return %arg0, %c0_i32 : i32, i32
  }
}

module attributes {stable_mosaic.version = 14 : i64} {
  func.func @_tc3_body(%arg0: i32, %arg1: memref<2000x64xf32, #tpu.memory_space<vmem>>, %arg2: memref<2000x64xf32, #tpu.memory_space<vmem>>, %arg3: memref<2000x64xf32, #tpu.memory_space<vmem>>, %arg4: memref<2000x1xf32, #tpu.memory_space<vmem>>, %arg5: memref<1x40xf32, #tpu.memory_space<vmem>>, %arg6: memref<2000x40xf32, #tpu.memory_space<vmem>>) attributes {dimension_semantics = [#tpu.dimension_semantics<arbitrary>], iteration_bounds = array<i64: 5>, scalar_prefetch = 0 : i64, scratch_operands = 0 : i64, tpu.core_type = #tpu.core_type<tc>, window_params = [{transform_indices = @transform_0, window_bounds = array<i64: 2000, 64>}, {transform_indices = @transform_1, window_bounds = array<i64: 2000, 64>}, {transform_indices = @transform_2, window_bounds = array<i64: 2000, 64>}, {transform_indices = @transform_3, window_bounds = array<i64: 2000, 1>}, {pipeline_mode = #tpu.pipeline_mode<synchronous>, transform_indices = @transform_4, window_bounds = array<i64: 1, 40>}, {transform_indices = @transform_5, window_bounds = array<i64: 2000, 40>}]} {
    %get3A = arith.constant 0 : index
    %get3A_0 = arith.constant 0 : index
    %get3A_1 = vector.load %arg1[%get3A, %get3A_0] : memref<2000x64xf32, #tpu.memory_space<vmem>>, vector<2000x64xf32>
    %get3A_2 = arith.constant 0 : index
    %get3A_3 = arith.constant 0 : index
    %get3A_4 = vector.load %arg2[%get3A_2, %get3A_3] : memref<2000x64xf32, #tpu.memory_space<vmem>>, vector<2000x64xf32>
    %add3A = arith.addf %get3A_1, %get3A_4 : vector<2000x64xf32>
    %get3A_5 = arith.constant 0 : index
    %get3A_6 = arith.constant 0 : index
    %get3A_7 = vector.load %arg3[%get3A_5, %get3A_6] : memref<2000x64xf32, #tpu.memory_space<vmem>>, vector<2000x64xf32>
    %add3A_8 = arith.addf %add3A, %get3A_7 : vector<2000x64xf32>
    %slice3A = vector.extract_strided_slice %add3A_8 {offsets = [0, 0], sizes = [2000, 40], strides = [1, 1]} : vector<2000x64xf32> to vector<2000x40xf32>
    %get3A_9 = arith.constant 0 : index
    %get3A_10 = arith.constant 0 : index
    %get3A_11 = vector.load %arg4[%get3A_9, %get3A_10] : memref<2000x1xf32, #tpu.memory_space<vmem>>, vector<2000x1xf32>
    %mul3A = vector.broadcast %get3A_11 : vector<2000x1xf32> to vector<2000x40xf32>
    %mul3A_12 = arith.mulf %slice3A, %mul3A : vector<2000x40xf32>
    %get3A_13 = arith.constant 0 : index
    %get3A_14 = arith.constant 0 : index
    %get3A_15 = vector.load %arg5[%get3A_13, %get3A_14] : memref<1x40xf32, #tpu.memory_space<vmem>>, vector<1x40xf32>
    %add3A_16 = vector.broadcast %get3A_15 : vector<1x40xf32> to vector<2000x40xf32>
    %add3A_17 = arith.addf %mul3A_12, %add3A_16 : vector<2000x40xf32>
    %swap3A = arith.constant 0 : index
    %swap3A_18 = arith.constant 0 : index
    %swap3A_19 = vector.load %arg6[%swap3A, %swap3A_18] : memref<2000x40xf32, #tpu.memory_space<vmem>>, vector<2000x40xf32>
    tpu.vector_store %arg6[%swap3A, %swap3A_18], %add3A_17 {strides = array<i32>} : memref<2000x40xf32, #tpu.memory_space<vmem>>, vector<2000x40xf32>,
    return
  }
  func.func @transform_0(%arg0: i32) -> (i32, i32) {
    %c0_i32 = arith.constant 0 : i32
    %c0_i32_0 = arith.constant 0 : i32
    return %arg0, %c0_i32 : i32, i32
  }
  func.func @transform_1(%arg0: i32) -> (i32, i32) {
    %add3A = arith.constant 5 : i32
    %add3A_0 = arith.addi %add3A, %arg0 : i32
    %c0_i32 = arith.constant 0 : i32
    %c0_i32_1 = arith.constant 0 : i32
    return %add3A_0, %c0_i32 : i32, i32
  }
  func.func @transform_2(%arg0: i32) -> (i32, i32) {
    %c0_i32 = arith.constant 0 : i32
    %c0_i32_0 = arith.constant 0 : i32
    return %arg0, %c0_i32 : i32, i32
  }
  func.func @transform_3(%arg0: i32) -> (i32, i32) {
    %c0_i32 = arith.constant 0 : i32
    %c0_i32_0 = arith.constant 0 : i32
    return %arg0, %c0_i32 : i32, i32
  }
  func.func @transform_4(%arg0: i32) -> (i32, i32) {
    %c0_i32 = arith.constant 0 : i32
    %c0_i32_0 = arith.constant 0 : i32
    %c0_i32_1 = arith.constant 0 : i32
    return %c0_i32, %c0_i32_0 : i32, i32
  }
  func.func @transform_5(%arg0: i32) -> (i32, i32) {
    %c0_i32 = arith.constant 0 : i32
    %c0_i32_0 = arith.constant 0 : i32
    return %arg0, %c0_i32 : i32, i32
  }
}

</mosaic_0001>

<sc_bundles>
// kernel: kernel.10.cloned.1.call-start
scs
__scs_entry_jumppad:
0x0: {  	(pc) =	sbr.rel $0x88, $3  }
0x1: {  	(tag) =	ssettag $0x0;
	lr =	simm.s32 $0x1  }
0x2: {  	[smem:$0x3F9B] =	sst lr;
	_ =	strace $0xD0000000  }
0x3: {  	_ = 	snop  }
0x4: {  	_ = 	snop  }
0x5: {  	_ = 	snop  }
0x6: {  	_ = 	snop  }
0x7: {  	_ = 	snop  }
__scs_overlays_trampoline_lowered:
0x8: {  	[smem:$0x3FAA] =	sst s0  }
0x9: {  	[smem:$0x3FAB] =	sst s1  }
0xa: {  	[smem:$0x3FAC] =	sst s2  }
0xb: {  	[smem:$0x3FAD] =	sst s3  }
0xc: {  	[smem:$0x3FAE] =	sst s4  }
0xd: {  	[smem:$0x3FAF] =	sst s5  }
0xe: {  	[smem:$0x3FB0] =	sst s6  }
0xf: {  	[smem:$0x3FB1] =	sst s7  }
0x10: {  	[smem:$0x3FB2] =	sst s8  }
0x11: {  	[smem:$0x3FB3] =	sst s9;
	s0 =	simm.s32 @!p0 $0x0  }
0x12: {  	s1 =	sld [smem:$0x3F99];
	s0 =	simm.s32 @p0 $0x1  }
0x13: {  	[smem:$0x3FB4] =	sst s0;
	s0 =	simm.s32 @!p1 $0x0  }
0x14: {  	s2 =	sld [smem:$0x3F98];
	s0 =	simm.s32 @p1 $0x1  }
0x15: {  	[smem:$0x3FB5] =	sst s0;
	s0 =	simm.s32 @!p2 $0x0  }
0x16: {  	s3 =	sld [smem:$0x3FDB];
	s0 =	simm.s32 @p2 $0x1  }
0x17: {  	s4 =	simm.s32 $0x1BF5;
	[smem:$0x3FB7] =	sst s0  }
0x18: {  	s0 =	sld [smem:$0x3F9A];
	_ =	swait.ge [sflag:s4], $0x0  }
0x19: {  	s7 =	sld [smem:$0x3F9B]  }
0x1a: {  	s8 =	sadd.s32 $0xFFFFE003, lr  }
0x1b: {  	s9 =	sadd.s32 $0xFFFFFEF7, lr;
	s5 =	simm.s32 $0xFFFFFFFF;
	p2 =	slt.u32 s8, $0xFFFFF086  }
0x1c: {  	p1 =	slt.u32 s9, $0xF7A;
	s5 =	simm.s32 @!p2 $0x0  }
0x1d: {  	s5 =	simm.s32 @p1 $0x1;
	p0 =	seq.s32 s7, s2  }
0x1e: {  	s7 =	smul.u32 @!p0 $0xF7A, s2;
	p2 =	seq.s32 @!p0 s5, $0x0  }
0x1f: {  	s9 =	smul.u32 $0xF7A, s1;
	s8 =	simm.s32 @!p0 $0x1BF5;
	p2 =	por !p2, p0  }
0x20: {  	[sflag:s8] =	ssyncset.s32 @!p0 $0xFFFFF086;
	s6 =	sadd.s32 @!p0 s3, s7;
	s7 =	simm.s32 @!p0 $0x108  }
0x21: {  	s3 =	sadd.s32 s3, s9;
	s6 =	sadd.s32 @!p0 $0x88, s6;
	s7 =	simm.s32 @p2 $0x1082  }
0x22: {  	[simem:s7], [sflag:s8] =	dma.local @!p0 [hbm:s6], $0xF7A  }
0x23: {  	s9 =	sor.u32 $0xD0000000, s2;
	s6 =	simm.s32 $0x108;
	_ =	swait.ge @!p0 [sflag:s8], $0x0  }
0x24: {  	s3 =	sadd.s32 $0x88, s3;
	s6 =	simm.s32 @!p1 $0x1082;
	[sflag:s4] =	ssyncset.s32 $0xFFFFF086  }
0x25: {  	[simem:s6], [sflag:s4] =	dma.local [hbm:s3], $0xF7A  }
0x26: {  	[smem:$0x3F9B] =	sst s1;
	(tag) =	ssettag s2;
	_ =	strace s9  }
0x27: {  	s1 =	sld [smem:$0x3FAB]  }
0x28: {  	s2 =	sld [smem:$0x3FAC]  }
0x29: {  	s4 =	sld [smem:$0x3FAE]  }
0x2a: {  	p0 =	seq.s32 s5, $0x0;
	s5 =	sld [smem:$0x3FAF]  }
0x2b: {  	s6 =	sld [smem:$0x3FB0]  }
0x2c: {  	s7 =	sld [smem:$0x3FB1]  }
0x2d: {  	s3 =	simm.s32 $0x108;
	s8 =	sld [smem:$0x3FB2]  }
0x2e: {  	s3 =	simm.s32 @!p0 $0x1082;
	s9 =	sld [smem:$0x3FB3]  }
0x2f: {  	lr =	sadd.s32 s0, s3;
	s0 =	sld [smem:$0x3FAA]  }
0x30: {  	s3 =	sld [smem:$0x3FAD]  }
0x31: {  	[smem:$0x3FB6] =	sst s10  }
0x32: {  	s10 =	sld [smem:$0x3FB4];
	_ =	sdelay $0x3  }
0x33: {  	p0 =	seq.s32 s10, $0x1;
	s10 =	sld [smem:$0x3FB6];
	_ =	sdelay $0x3  }
0x34: {  	[smem:$0x3FB6] =	sst s10  }
0x35: {  	s10 =	sld [smem:$0x3FB5];
	_ =	sdelay $0x3  }
0x36: {  	p1 =	seq.s32 s10, $0x1;
	s10 =	sld [smem:$0x3FB6];
	_ =	sdelay $0x3  }
0x37: {  	[smem:$0x3FB6] =	sst s10  }
0x38: {  	s10 =	sld [smem:$0x3FB7]  }
0x39: {  	_ = 	snop;
	(pc) =	sbr.ind lr, $3  }
0x3a: {  	_ = 	snop  }
0x3b: {  	_ = 	snop  }
0x3c: {  	p2 =	seq.s32 s10, $0x1;
	s10 =	sld [smem:$0x3FB6]  }
0x3d: {  	_ =	shalt  }
0x3e: {  	_ =	shalt  }
0x3f: {  	_ =	shalt  }
0x40: {  	_ =	shalt  }
0x41: {  	_ =	shalt  }
0x42: {  	_ =	shalt  }
0x43: {  	_ =	shalt  }
0x44: {  	_ =	shalt  }
0x45: {  	_ =	shalt  }
0x46: {  	_ =	shalt  }
0x47: {  	_ =	shalt  }
0x48: {  	_ =	shalt  }
0x49: {  	_ =	shalt  }
0x4a: {  	_ =	shalt  }
0x4b: {  	_ =	shalt  }
0x4c: {  	_ =	shalt  }
0x4d: {  	_ =	shalt  }
0x4e: {  	_ =	shalt  }
0x4f: {  	_ =	shalt  }
0x50: {  	_ =	shalt  }
0x51: {  	_ =	shalt  }
0x52: {  	_ =	shalt  }
0x53: {  	_ =	shalt  }
0x54: {  	_ =	shalt  }
0x55: {  	_ =	shalt  }
0x56: {  	_ =	shalt  }
0x57: {  	_ =	shalt  }
0x58: {  	_ =	shalt  }
0x59: {  	_ =	shalt  }
0x5a: {  	_ =	shalt  }
0x5b: {  	_ =	shalt  }
0x5c: {  	_ =	shalt  }
0x5d: {  	_ =	shalt  }
0x5e: {  	_ =	shalt  }
0x5f: {  	_ =	shalt  }
0x60: {  	_ =	shalt  }
0x61: {  	_ =	shalt  }
0x62: {  	_ =	shalt  }
0x63: {  	_ =	shalt  }
0x64: {  	_ =	shalt  }
0x65: {  	_ =	shalt  }
0x66: {  	_ =	shalt  }
0x67: {  	_ =	shalt  }
0x68: {  	_ =	shalt  }
0x69: {  	_ =	shalt  }
0x6a: {  	_ =	shalt  }
0x6b: {  	_ =	shalt  }
0x6c: {  	_ =	shalt  }
0x6d: {  	_ =	shalt  }
0x6e: {  	_ =	shalt  }
0x6f: {  	_ =	shalt  }
0x70: {  	_ =	shalt  }
0x71: {  	_ =	shalt  }
0x72: {  	_ =	shalt  }
0x73: {  	_ =	shalt  }
0x74: {  	_ =	shalt  }
0x75: {  	_ =	shalt  }
0x76: {  	_ =	shalt  }
0x77: {  	_ =	shalt  }
0x78: {  	_ =	shalt  }
0x79: {  	_ =	shalt  }
0x7a: {  	_ =	shalt  }
0x7b: {  	_ =	shalt  }
0x7c: {  	_ =	shalt  }
0x7d: {  	_ =	shalt  }
0x7e: {  	_ =	shalt  }
0x7f: {  	_ =	shalt  }
0x80: {  	_ =	shalt  }
0x81: {  	_ =	shalt  }
0x82: {  	_ =	shalt  }
0x83: {  	_ =	shalt  }
0x84: {  	_ =	shalt  }
0x85: {  	_ =	shalt  }
0x86: {  	_ =	shalt  }
0x87: {  	_ =	shalt  }
.Lfunc_end0:
.L_simem_size_0:
called_computation_lowered:
.L_overlay_start_0:
0x88: {  	s2 =	sld [smem:$0x3FD9]  }
0x89: {  	s3 =	sld [smem:$0x3FFE];
	_ =	sdelay $0x1  }
0x8a: {  	s1 =	srdreg.scid  }
0x8b: {  	s0 =	sand.u32 $0x1, s1  }
0x8c: {  	s17 =	sshll.u32 s0, $0xA;
	s2 =	sadd.s32 s3, s2  }
0x8d: {  	s2 =	sadd.s32 s2, s17  }
0x8e: {  	[smem:$0x3FC2] =	sst s2  }
0x8f: {  	_ = 	snop  }
0x90: {  	s2 =	sld [smem:$0x3FD0];
	(tm) =	ssettm $0x1  }
0x91: {  	s18 =	sld [smem:$0x3FFB];
	_ =	sdelay $0x3  }
0x92: {  	_ =	strace s18  }
0x93: {  	s3 =	sld [smem:$0x3FFC];
	_ =	sdelay $0x3  }
0x94: {  	_ =	strace s3  }
0x95: {  	s3 =	sld [smem:$0x3FFD];
	_ =	sdelay $0x3  }
0x96: {  	_ =	strace s3  }
0x97: {  	_ =	strace $0x8FFFFFFF  }
0x98: {  	s19 =	sld [smem:$0x3FDB];
	_ =	sdelay $0x1  }
0x99: {  	s4 =	simm.s32 $_scs_section_size  }
0x9a: {  	s5 =	simm.s32 $_size__tile_overlayer_lowered;
	s6 =	simm.s32 $_tile_overlayer_lowered  }
0x9b: {  	s22 =	simm.s32 $0x1BFF;
	s21 =	sshll.u32 s6, $0x1;
	s3 =	sadd.s32 s4, s19  }
0x9c: {  	s7 =	simm.s32 $0x0;
	s20 =	sshll.u32 s5, $0x1;
	s5 =	sadd.s32 s21, s3  }
0x9d: {  	[timem:s7], [sflag:s22] =	dma.local [hbm:s5], s20  }
0x9e: {  	_ =	swait.ge [sflag:s22], s20  }
0x9f: {  	s4 =	ssub.s32 $0x0, s20;
	[sflag:s22] =	ssyncset.done $0x0  }
0xa0: {  	[sflag:s22] =	ssyncadd.s32 s4;
	_ =	sdelay $0x1  }
0xa1: {  	s23 =	simm.s32 $0x1B8B  }
0xa2: {  	_ =	swait.ge [sflag:s23], $0x1  }
0xa3: {  	[sflag:s23] =	ssyncset.done $0x0  }
0xa4: {  	s25 =	simm.s32 $0x1B8E;
	s24 =	sld [smem:$0x3FFE];
	[sflag:s23] =	ssyncadd.s32 $0xFFFFFFFF  }
0xa5: {  	s26 =	simm.s32 $execute0_lowered;
	[smem:$0x3FD2] =	sst s25  }
0xa6: {  	s5 =	sshll.u32 s26, $0x1;
	_ =	strace $0x80000046;
	[dreg:$0x1] =	wrdreg $0xFFFFFFFF  }
0xa7: {  	s28 =	simm.s32 $_size_execute0_lowered;
	s3 =	sadd.s32 s3, s5;
	[dreg:$0x0] =	wrdreg $0x0  }
0xa8: {  	s5 =	sshll.u32 s28, $0x1;
	[dreg:$0x2] =	wrdreg s3  }
0xa9: {  	[dreg:$0x3] =	wrdreg s5  }
0xaa: {  	[dreg:$0x4] =	wrdreg $0xC0  }
0xab: {  	_ =	task [dreg:s7], $0x5FFFF  }
0xac: {  	[dreg:$0x1] =	wrdreg $0xFFFFFFFF  }
0xad: {  	[dreg:$0x0] =	wrdreg $0x60  }
0xae: {  	[dreg:$0x2] =	wrdreg s24  }
0xaf: {  	[dreg:$0x3] =	wrdreg s2  }
0xb0: {  	[dreg:$0x4] =	wrdreg $0x2C100  }
0xb1: {  	[dreg:$0x5] =	wrdreg $0x9  }
0xb2: {  	_ =	task.clear_ibuf [dreg:s7], $0x6FFFF;
	_ =	strace $0x90000046  }
0xb3: {  	s29 =	simm.s32 $0x9;
	_ =	strace $0x80000048  }
0xb4: {  	_ =	swait.ge [sflag:s29], $0x1  }
0xb5: {  	[sflag:s29] =	ssyncadd.s32 $0xFFFFFFFF  }
0xb6: {  	_ =	strace $0x90000048  }
0xb7: {  	_ =	sfence  }
0xb8: {  	s30 =	sld [smem:$0x0];
	_ =	sdelay $0x2  }
0xb9: {  	s31 =	sshll.u32 s1, $0xD;
	s1 =	sshrl.u32 s1, $0x2  }
0xba: {  	s3 =	sand.u32 $0x4000, s31;
	s1 =	sadd.s32 s1, s30  }
0xbb: {  	s0 =	sor.u32 s3, s0;
	s1 =	sshll.u32 s1, $0x11  }
0xbc: {  	s0 =	sor.u32 s1, s0  }
0xbd: {  	s0 =	sadd.s32 $0x8F2B, s0  }
0xbe: {  	[sflag:s0] =	ssyncadd.remote.s32 $0x1  }
0xbf: {  	_ =	sfence.sel $0xFFFF  }
0xc0: {  	[dreg:$0x0] =	wrdreg $0xFFFFFFFF;
	(pc) =	sbr.abs _section_cstart, $3  }
0xc1: {  	[dreg:$0x1] =	wrdreg $0xFFFFFFFF  }
0xc2: {  	_ =	task.clear_ibuf [dreg:s7], $0x2FFFF;
	_ =	strace $0x9FFFFFFF  }
0xc3: {  	(tm) =	ssettm $0x7FFFFFFF  }
tec
execute0_lowered:
.L_overlay_start_1:
0x0: {  	(tag) =	ssettag $0x1  }
0x1: {  	s7 =	rddreg [dreg:$0x0]  }
0x2: {  	s8 =	rddreg [dreg:$0x1]  }
0x3: {  	s1 =	rddreg [dreg:$0x2]  }
0x4: {  	s0 =	rddreg [dreg:$0x3];
	s2 =	simm.s32 $0x0  }
0x5: {  	s5 =	srdreg.scid;
	s3 =	stileid.u32;
	s16 =	simm.s32 $0x1  }
0x6: {  	s17 =	simm.s32 $0x0;
	[smem:$0x7FF] =	sst s2;
	s4 =	sadd.s32 $0x15E00, s7  }
0x7: {  	s9 =	sand.u32 $0x1, s5;
	s28 =	sshll.u32 s3, $0x1;
	s10 =	smul.u32 $0x4E0, s3  }
0x8: {  	s13 =	smul.u32 $0x9C00, s3;
	s5 =	sadd.s32 $0x15C00, s7;
	s30 =	sshll.u32 s3, $0x6  }
0x9: {  	p0 =	sne.s32 s3, $0xF;
	_ =	strace $0x80000047;
	s14 =	smul.u32 $0x27100, s9  }
0xa: {  	s6 =	ssub.s32 $0x2, s9;
	s12 =	sor.u32 s9, s28;
	s9 =	smul.u32 $0x4E20, s9  }
0xb: {  	s11 =	sshrl.u32 s6, $0x1;
	s12 =	smul.u32 $0x2710, s12;
	s29 =	sshrl.u32 s13, $0x2  }
0xc: {  	s13 =	sadd.s32 $0x27000, s1;
	s11 =	ssub.s32 s6, s11;
	s15 =	sadd.s32 s29, s1  }
0xd: {  	s6 =	sor.u32 $0x1C02, s30;
	s14 =	sshrl.u32 s14, $0x3;
	s9 =	sadd.s32 s10, s9  }
0xe: {  	s13 =	sshrl.u32 @!p0 s13, $0x3;
	s12 =	sshrl.u32 s12, $0x3;
	s31 =	sadd.s32 s8, s14  }
0xf: {  	s8 =	sadd.s32 s8, s9;
	s10 =	smax.u32 s11, $0x1;
	s11 =	sshrl.u32 s15, $0x3  }
0x10: {  	s14 =	simm.s32 $0x2710;
	s15 =	simm.s32 $0x50;
	s7 =	sadd.s32 s7, s12  }
0x11: {  	s9 =	sadd.s32 $0x4E00, s31;
	s12 =	simm.s32 $0x2;
	s7 =	sadd.s32 $0xBE40, s7  }
.LBB2_1:
0x12: {  	[spmem:s11], [sflag:s6] =	dma.local [hbm:s4], $0x4E0  }
0x13: {  	_ =	swait.ge [sflag:s12], $0x4E0  }
0x14: {  	[sflag:s12] =	ssyncset.done $0x0  }
0x15: {  	s18 =	simm.s32 @!p0 $0x2;
	[sflag:s12] =	ssyncadd.s32 $0xFFFFFB20  }
0x16: {  	[spmem:s13], [sflag:s6] =	dma.local @!p0 [hbm:s4], $0x20  }
0x17: {  	_ =	swait.ge @!p0 [sflag:s18], $0x20  }
0x18: {  	[sflag:s18] =	ssyncset.done @!p0 $0x0  }
0x19: {  	[sflag:s18] =	ssyncadd.s32 @!p0 $0xFFFFFFE0  }
0x1a: {  	[tilespmem:s14], [sflag:$0x2] =	stream.linear.gather [hbm4b:s5+s2], $0x500, $0x38;
	[tilespmem:$0x5320] =	vst v63  }
0x1b: {  	_ =	swait.ge [sflag:s12], $0x500  }
0x1c: {  	[sflag:s12] =	ssyncset.done $0x0  }
0x1d: {  	[sflag:s12] =	ssyncadd.s32 $0xFFFFFB00  }
0x1e: {  	[tilespmem:s2], [sflag:$0x2] =	stream.linear.gather [hbm4b:s7+s2], $0x2710, $0x38;
	[tilespmem:$0x5320] =	vst v63  }
0x1f: {  	_ =	swait.ge [sflag:s12], $0x2710  }
0x20: {  	[sflag:s12] =	ssyncset.done $0x0  }
0x21: {  	[sflag:s12] =	ssyncadd.s32 $0xFFFFD8F0  }
0x22: {  	s18 =	simm.s32 $0x0;
	[bflag:$0x0] =	sbarrier.arrive $0xFFFF  }
.LBB2_2:
0x23: {  	p1 =	sne.s32 s18, $0x9B00  }
.Ltmp0:
0x24: {  	_ = 	snop;
	(pc) =	sbr.rel @p1 .LBB2_2-.Ltmp0, $3  }
0x25: {  	_ =	sdelay $0x1  }
0x26: {  	s19 =	sshra.s32 s18, $0x2;
	s18 =	sadd.s32 $0x140, s18  }
0x27: {  	[spmem:s1] =	stream.indirect.scatter.add.f32 [tilespmem:s14], [sflag:$0x1], $0x10, s19, s15, $0xb8;
	[tilespmem:$0x5320] =	vst v63  }
0x28: {  	_ =	swait.ge [sflag:s16], $0x500  }
0x29: {  	s18 =	simm.s32 $0x7C;
	[sflag:s16] =	ssyncset.done $0x0  }
.LBB2_4:
0x2a: {  	p1 =	sne.s32 s18, $0x1;
	s18 =	sadd.s32 $0xFFFFFFFF, s18;
	[sflag:s16] =	ssyncadd.s32 $0xFFFFFB00  }
.Ltmp1:
0x2b: {  	(pc) =	sbr.rel @p1 .LBB2_4-.Ltmp1, $3  }
0x2c: {  	_ =	sdelay $0x1  }
0x2d: {  	_ =	swait.ge [sflag:s16], $0x500  }
0x2e: {  	[sflag:s16] =	ssyncset.done $0x0  }
0x2f: {  	[sflag:s16] =	ssyncadd.s32 $0xFFFFFB00  }
0x30: {  	[bflag:$0x0] =	sbarrier.arrive $0xFFFF  }
0x31: {  	[hbm:s8], [sflag:s6] =	dma.local [spmem:s11], $0x4E0  }
0x32: {  	s17 =	sadd.s32 $0x1, s17;
	_ =	swait.ge [sflag:s12], $0x4E0  }
0x33: {  	p1 =	sne.s32 s17, s10;
	[sflag:s12] =	ssyncset.done $0x0  }
.Ltmp2:
0x34: {  	s18 =	simm.s32 @!p0 $0x2;
	[sflag:s12] =	ssyncadd.s32 $0xFFFFFB20;
	(pc) =	sbr.rel @p1 .LBB2_1-.Ltmp2, $4  }
0x35: {  	[hbm:s9], [sflag:s6] =	dma.local @!p0 [spmem:s13], $0x20  }
0x36: {  	_ =	swait.ge @!p0 [sflag:s18], $0x20  }
0x37: {  	[sflag:s18] =	ssyncset.done @!p0 $0x0  }
0x38: {  	[sflag:s18] =	ssyncadd.s32 @!p0 $0xFFFFFFE0  }
0x39: {  	_ =	sfence.sel $0x180000  }
0x3a: {  	[bflag:$0x0] =	sbarrier.arrive $0xFFFF  }
0x3b: {  	p0 =	sne.s32 s3, $0x0;
	_ =	strace $0x90000047  }
0x3c: {  	s0 =	sadd.s32 @!p0 $0x100000, s0;
	[bflag:$0x2] =	sbarrier.arrive $0xFFFF  }
0x3d: {  	[sflag:s0] =	ssyncadd.tile.s32 @!p0 $0x1;
	_ =	shalt  }
.Lfunc_end2:
_tile_overlayer_lowered:
.L_overlay_start_2:
0x3e: {  	(tag) =	ssettag $0x2  }
0x3f: {  	s0 =	rddreg [dreg:$0x0];
	s2 =	stileid.u32  }
0x40: {  	s1 =	rddreg [dreg:$0x1];
	p0 =	sne.s32 s2, $0x0  }
0x41: {  	s3 =	rddreg [dreg:$0x2];
	[bflag:$0x3] =	sbarrier.arrive $0xFFFF;
	s2 =	simm.s32 @!p0 $0x1C02  }
0x42: {  	[timem:s3], [sflag:s2] =	dma.local @!p0 [hbm:s0], s1  }
0x43: {  	s0 =	simm.s32 @!p0 $0x2  }
0x44: {  	_ =	swait.ge @!p0 [sflag:s0], s1  }
0x45: {  	s1 =	ssub.s32 @!p0 $0x0, s1;
	[sflag:s0] =	ssyncset.done @!p0 $0x0  }
0x46: {  	[sflag:s0] =	ssyncadd.s32 @!p0 s1  }
0x47: {  	[bflag:$0x3] =	sbarrier.arrive $0xFFFF  }
0x48: {  	_ =	shalt  }

// kernel: kernel.13.cloned.1.call-start
scs
__scs_entry_jumppad:
0x0: {  	(pc) =	sbr.rel $0x88, $3  }
0x1: {  	(tag) =	ssettag $0x0;
	lr =	simm.s32 $0x1  }
0x2: {  	[smem:$0x3F9B] =	sst lr;
	_ =	strace $0xD0000000  }
0x3: {  	_ = 	snop  }
0x4: {  	_ = 	snop  }
0x5: {  	_ = 	snop  }
0x6: {  	_ = 	snop  }
0x7: {  	_ = 	snop  }
__scs_overlays_trampoline_lowered:
0x8: {  	[smem:$0x3FAA] =	sst s0  }
0x9: {  	[smem:$0x3FAB] =	sst s1  }
0xa: {  	[smem:$0x3FAC] =	sst s2  }
0xb: {  	[smem:$0x3FAD] =	sst s3  }
0xc: {  	[smem:$0x3FAE] =	sst s4  }
0xd: {  	[smem:$0x3FAF] =	sst s5  }
0xe: {  	[smem:$0x3FB0] =	sst s6  }
0xf: {  	[smem:$0x3FB1] =	sst s7  }
0x10: {  	[smem:$0x3FB2] =	sst s8  }
0x11: {  	[smem:$0x3FB3] =	sst s9;
	s0 =	simm.s32 @!p0 $0x0  }
0x12: {  	s1 =	sld [smem:$0x3F99];
	s0 =	simm.s32 @p0 $0x1  }
0x13: {  	[smem:$0x3FB4] =	sst s0;
	s0 =	simm.s32 @!p1 $0x0  }
0x14: {  	s2 =	sld [smem:$0x3F98];
	s0 =	simm.s32 @p1 $0x1  }
0x15: {  	[smem:$0x3FB5] =	sst s0;
	s0 =	simm.s32 @!p2 $0x0  }
0x16: {  	s3 =	sld [smem:$0x3FDB];
	s0 =	simm.s32 @p2 $0x1  }
0x17: {  	s4 =	simm.s32 $0x1BF5;
	[smem:$0x3FB7] =	sst s0  }
0x18: {  	s0 =	sld [smem:$0x3F9A];
	_ =	swait.ge [sflag:s4], $0x0  }
0x19: {  	s7 =	sld [smem:$0x3F9B]  }
0x1a: {  	s8 =	sadd.s32 $0xFFFFE003, lr  }
0x1b: {  	s9 =	sadd.s32 $0xFFFFFEF7, lr;
	s5 =	simm.s32 $0xFFFFFFFF;
	p2 =	slt.u32 s8, $0xFFFFF086  }
0x1c: {  	p1 =	slt.u32 s9, $0xF7A;
	s5 =	simm.s32 @!p2 $0x0  }
0x1d: {  	s5 =	simm.s32 @p1 $0x1;
	p0 =	seq.s32 s7, s2  }
0x1e: {  	s7 =	smul.u32 @!p0 $0xF7A, s2;
	p2 =	seq.s32 @!p0 s5, $0x0  }
0x1f: {  	s9 =	smul.u32 $0xF7A, s1;
	s8 =	simm.s32 @!p0 $0x1BF5;
	p2 =	por !p2, p0  }
0x20: {  	[sflag:s8] =	ssyncset.s32 @!p0 $0xFFFFF086;
	s6 =	sadd.s32 @!p0 s3, s7;
	s7 =	simm.s32 @!p0 $0x108  }
0x21: {  	s3 =	sadd.s32 s3, s9;
	s6 =	sadd.s32 @!p0 $0x88, s6;
	s7 =	simm.s32 @p2 $0x1082  }
0x22: {  	[simem:s7], [sflag:s8] =	dma.local @!p0 [hbm:s6], $0xF7A  }
0x23: {  	s9 =	sor.u32 $0xD0000000, s2;
	s6 =	simm.s32 $0x108;
	_ =	swait.ge @!p0 [sflag:s8], $0x0  }
0x24: {  	s3 =	sadd.s32 $0x88, s3;
	s6 =	simm.s32 @!p1 $0x1082;
	[sflag:s4] =	ssyncset.s32 $0xFFFFF086  }
0x25: {  	[simem:s6], [sflag:s4] =	dma.local [hbm:s3], $0xF7A  }
0x26: {  	[smem:$0x3F9B] =	sst s1;
	(tag) =	ssettag s2;
	_ =	strace s9  }
0x27: {  	s1 =	sld [smem:$0x3FAB]  }
0x28: {  	s2 =	sld [smem:$0x3FAC]  }
0x29: {  	s4 =	sld [smem:$0x3FAE]  }
0x2a: {  	p0 =	seq.s32 s5, $0x0;
	s5 =	sld [smem:$0x3FAF]  }
0x2b: {  	s6 =	sld [smem:$0x3FB0]  }
0x2c: {  	s7 =	sld [smem:$0x3FB1]  }
0x2d: {  	s3 =	simm.s32 $0x108;
	s8 =	sld [smem:$0x3FB2]  }
0x2e: {  	s3 =	simm.s32 @!p0 $0x1082;
	s9 =	sld [smem:$0x3FB3]  }
0x2f: {  	lr =	sadd.s32 s0, s3;
	s0 =	sld [smem:$0x3FAA]  }
0x30: {  	s3 =	sld [smem:$0x3FAD]  }
0x31: {  	[smem:$0x3FB6] =	sst s10  }
0x32: {  	s10 =	sld [smem:$0x3FB4];
	_ =	sdelay $0x3  }
0x33: {  	p0 =	seq.s32 s10, $0x1;
	s10 =	sld [smem:$0x3FB6];
	_ =	sdelay $0x3  }
0x34: {  	[smem:$0x3FB6] =	sst s10  }
0x35: {  	s10 =	sld [smem:$0x3FB5];
	_ =	sdelay $0x3  }
0x36: {  	p1 =	seq.s32 s10, $0x1;
	s10 =	sld [smem:$0x3FB6];
	_ =	sdelay $0x3  }
0x37: {  	[smem:$0x3FB6] =	sst s10  }
0x38: {  	s10 =	sld [smem:$0x3FB7]  }
0x39: {  	_ = 	snop;
	(pc) =	sbr.ind lr, $3  }
0x3a: {  	_ = 	snop  }
0x3b: {  	_ = 	snop  }
0x3c: {  	p2 =	seq.s32 s10, $0x1;
	s10 =	sld [smem:$0x3FB6]  }
0x3d: {  	_ =	shalt  }
0x3e: {  	_ =	shalt  }
0x3f: {  	_ =	shalt  }
0x40: {  	_ =	shalt  }
0x41: {  	_ =	shalt  }
0x42: {  	_ =	shalt  }
0x43: {  	_ =	shalt  }
0x44: {  	_ =	shalt  }
0x45: {  	_ =	shalt  }
0x46: {  	_ =	shalt  }
0x47: {  	_ =	shalt  }
0x48: {  	_ =	shalt  }
0x49: {  	_ =	shalt  }
0x4a: {  	_ =	shalt  }
0x4b: {  	_ =	shalt  }
0x4c: {  	_ =	shalt  }
0x4d: {  	_ =	shalt  }
0x4e: {  	_ =	shalt  }
0x4f: {  	_ =	shalt  }
0x50: {  	_ =	shalt  }
0x51: {  	_ =	shalt  }
0x52: {  	_ =	shalt  }
0x53: {  	_ =	shalt  }
0x54: {  	_ =	shalt  }
0x55: {  	_ =	shalt  }
0x56: {  	_ =	shalt  }
0x57: {  	_ =	shalt  }
0x58: {  	_ =	shalt  }
0x59: {  	_ =	shalt  }
0x5a: {  	_ =	shalt  }
0x5b: {  	_ =	shalt  }
0x5c: {  	_ =	shalt  }
0x5d: {  	_ =	shalt  }
0x5e: {  	_ =	shalt  }
0x5f: {  	_ =	shalt  }
0x60: {  	_ =	shalt  }
0x61: {  	_ =	shalt  }
0x62: {  	_ =	shalt  }
0x63: {  	_ =	shalt  }
0x64: {  	_ =	shalt  }
0x65: {  	_ =	shalt  }
0x66: {  	_ =	shalt  }
0x67: {  	_ =	shalt  }
0x68: {  	_ =	shalt  }
0x69: {  	_ =	shalt  }
0x6a: {  	_ =	shalt  }
0x6b: {  	_ =	shalt  }
0x6c: {  	_ =	shalt  }
0x6d: {  	_ =	shalt  }
0x6e: {  	_ =	shalt  }
0x6f: {  	_ =	shalt  }
0x70: {  	_ =	shalt  }
0x71: {  	_ =	shalt  }
0x72: {  	_ =	shalt  }
0x73: {  	_ =	shalt  }
0x74: {  	_ =	shalt  }
0x75: {  	_ =	shalt  }
0x76: {  	_ =	shalt  }
0x77: {  	_ =	shalt  }
0x78: {  	_ =	shalt  }
0x79: {  	_ =	shalt  }
0x7a: {  	_ =	shalt  }
0x7b: {  	_ =	shalt  }
0x7c: {  	_ =	shalt  }
0x7d: {  	_ =	shalt  }
0x7e: {  	_ =	shalt  }
0x7f: {  	_ =	shalt  }
0x80: {  	_ =	shalt  }
0x81: {  	_ =	shalt  }
0x82: {  	_ =	shalt  }
0x83: {  	_ =	shalt  }
0x84: {  	_ =	shalt  }
0x85: {  	_ =	shalt  }
0x86: {  	_ =	shalt  }
0x87: {  	_ =	shalt  }
.Lfunc_end0:
.L_simem_size_0:
called_computation.1_lowered:
.L_overlay_start_0:
0x88: {  	s2 =	sld [smem:$0x3FD9]  }
0x89: {  	s3 =	sld [smem:$0x3FFE];
	_ =	sdelay $0x1  }
0x8a: {  	s1 =	srdreg.scid  }
0x8b: {  	s0 =	sand.u32 $0x1, s1  }
0x8c: {  	s17 =	sshll.u32 s0, $0xA;
	s2 =	sadd.s32 s3, s2  }
0x8d: {  	s2 =	sadd.s32 s2, s17  }
0x8e: {  	[smem:$0x3FC2] =	sst s2  }
0x8f: {  	_ = 	snop  }
0x90: {  	s18 =	sld [smem:$0x3FD0];
	(tm) =	ssettm $0x1  }
0x91: {  	s19 =	sld [smem:$0x3FFB];
	_ =	sdelay $0x3  }
0x92: {  	_ =	strace s19  }
0x93: {  	s2 =	sld [smem:$0x3FFC];
	_ =	sdelay $0x3  }
0x94: {  	_ =	strace s2  }
0x95: {  	s2 =	sld [smem:$0x3FFD];
	_ =	sdelay $0x3  }
0x96: {  	_ =	strace s2  }
0x97: {  	_ =	strace $0x8FFFFFFF  }
0x98: {  	s20 =	sld [smem:$0x3FDB];
	_ =	sdelay $0x1  }
0x99: {  	s4 =	simm.s32 $_scs_section_size  }
0x9a: {  	s5 =	simm.s32 $_size__tile_overlayer_lowered;
	s6 =	simm.s32 $_tile_overlayer_lowered  }
0x9b: {  	s7 =	simm.s32 $0x1BFF;
	s21 =	sshll.u32 s6, $0x1;
	s4 =	sadd.s32 s4, s20  }
0x9c: {  	s22 =	simm.s32 $0x0;
	s5 =	sshll.u32 s5, $0x1;
	s6 =	sadd.s32 s21, s4  }
0x9d: {  	[timem:s22], [sflag:s7] =	dma.local [hbm:s6], s5  }
0x9e: {  	_ =	swait.ge [sflag:s7], s5  }
0x9f: {  	s5 =	ssub.s32 $0x0, s5;
	[sflag:s7] =	ssyncset.done $0x0  }
0xa0: {  	[sflag:s7] =	ssyncadd.s32 s5;
	_ =	sdelay $0x1  }
0xa1: {  	s23 =	simm.s32 $0x1B8B  }
0xa2: {  	_ =	swait.ge [sflag:s23], $0x1  }
0xa3: {  	[sflag:s23] =	ssyncset.done $0x0  }
0xa4: {  	[sflag:s23] =	ssyncadd.s32 $0xFFFFFFFF  }
0xa5: {  	s5 =	sld [smem:$0x0]  }
0xa6: {  	s6 =	sand.u32 $0xFFFFFFFE, s1  }
0xa7: {  	p0 =	sne.s32 s1, s6  }
0xa8: {  	s6 =	sshll.u32 @p0 s6, $0xE  }
0xa9: {  	s6 =	sadd.s32 @p0 $0x11B8D, s6;
	s7 =	sshll.u32 @p0 s5, $0x11  }
0xaa: {  	s6 =	sor.u32 @p0 s7, s6  }
0xab: {  	[sflag:s6] =	ssyncadd.remote.s32 @p0 $0x1;
	_ =	sdelay $0x1  }
0xac: {  	s6 =	simm.s32 @p0 $0x1B8D  }
0xad: {  	_ =	swait.eq @p0 [sflag:s6], $0x1  }
0xae: {  	[sflag:s6] =	ssyncadd.s32 @p0 $0xFFFFFFFF  }
0xaf: {  	s7 =	sshll.u32 @!p0 s1, $0xE  }
0xb0: {  	s7 =	sor.u32 @!p0 $0x4000, s7;
	s6 =	simm.s32 @!p0 $0x1B8D  }
0xb1: {  	s5 =	sshll.u32 @!p0 s5, $0x11;
	s7 =	sadd.s32 @!p0 $0x11B8D, s7;
	_ =	swait.eq @!p0 [sflag:s6], $0x1  }
0xb2: {  	s5 =	sor.u32 @!p0 s5, s7;
	[sflag:s6] =	ssyncadd.s32 @!p0 $0xFFFFFFFF  }
0xb3: {  	s25 =	simm.s32 $0x1B8E;
	s24 =	sld [smem:$0x3FFE];
	[sflag:s5] =	ssyncadd.remote.s32 @!p0 $0x1  }
0xb4: {  	s26 =	simm.s32 $execute0_lowered;
	[smem:$0x3FD2] =	sst s25  }
0xb5: {  	s6 =	sshll.u32 s26, $0x1;
	_ =	strace $0x8000004C;
	[dreg:$0x1] =	wrdreg $0xFFFFFFFF  }
0xb6: {  	s28 =	simm.s32 $_size_execute0_lowered;
	s4 =	sadd.s32 s4, s6;
	[dreg:$0x0] =	wrdreg $0x0  }
0xb7: {  	s6 =	sshll.u32 s28, $0x1;
	[dreg:$0x2] =	wrdreg s4  }
0xb8: {  	[dreg:$0x3] =	wrdreg s6  }
0xb9: {  	[dreg:$0x4] =	wrdreg $0xC0  }
0xba: {  	_ =	task [dreg:s22], $0x5FFFF  }
0xbb: {  	[dreg:$0x1] =	wrdreg $0xFFFFFFFF  }
0xbc: {  	[dreg:$0x0] =	wrdreg $0x60  }
0xbd: {  	[dreg:$0x2] =	wrdreg s24  }
0xbe: {  	[dreg:$0x3] =	wrdreg s18  }
0xbf: {  	[dreg:$0x4] =	wrdreg $0x10E200  }
0xc0: {  	[dreg:$0x5] =	wrdreg $0x9  }
0xc1: {  	_ =	task.clear_ibuf [dreg:s22], $0x6FFFF;
	_ =	strace $0x9000004C  }
0xc2: {  	s29 =	simm.s32 $0x9;
	_ =	strace $0x8000004E  }
0xc3: {  	_ =	swait.ge [sflag:s29], $0x1  }
0xc4: {  	[sflag:s29] =	ssyncadd.s32 $0xFFFFFFFF  }
0xc5: {  	_ =	strace $0x9000004E  }
0xc6: {  	_ =	sfence  }
0xc7: {  	s30 =	sld [smem:$0x0];
	_ =	sdelay $0x2  }
0xc8: {  	s31 =	sshll.u32 s1, $0xD;
	s1 =	sshrl.u32 s1, $0x2  }
0xc9: {  	s4 =	sand.u32 $0x4000, s31;
	s1 =	sadd.s32 s1, s30  }
0xca: {  	s0 =	sor.u32 s4, s0;
	s1 =	sshll.u32 s1, $0x11  }
0xcb: {  	s0 =	sor.u32 s1, s0  }
0xcc: {  	s0 =	sadd.s32 $0x8F2B, s0  }
0xcd: {  	[sflag:s0] =	ssyncadd.remote.s32 $0x1  }
0xce: {  	_ =	sfence.sel $0xFFFF  }
0xcf: {  	[dreg:$0x0] =	wrdreg $0xFFFFFFFF;
	(pc) =	sbr.abs _section_cstart, $3  }
0xd0: {  	[dreg:$0x1] =	wrdreg $0xFFFFFFFF  }
0xd1: {  	_ =	task.clear_ibuf [dreg:s22], $0x2FFFF;
	_ =	strace $0x9FFFFFFF  }
0xd2: {  	(tm) =	ssettm $0x7FFFFFFF  }
0xd3: {  	_ =	shalt  }
tec
execute0_lowered:
.L_overlay_start_1:
0x0: {  	(tag) =	ssettag $0x1  }
0x1: {  	s0 =	rddreg [dreg:$0x0];
	s1 =	srdreg.scid  }
0x2: {  	s12 =	stileid.u32;
	s3 =	rddreg [dreg:$0x2];
	s4 =	simm.s32 $0x0  }
0x3: {  	s16 =	simm.s32 $0x80;
	s17 =	simm.s32 $0x4E20;
	s18 =	simm.s32 $0x6E20  }
0x4: {  	s20 =	simm.s32 $0x8E20;
	s22 =	simm.s32 $0xAE20;
	s28 =	simm.s32 $0xEE20  }
0x5: {  	s29 =	simm.s32 $0x2;
	s30 =	simm.s32 $0x7;
	s31 =	simm.s32 $0x3  }
0x6: {  	s19 =	simm.s32 $0x9;
	s21 =	simm.s32 $0x5;
	s1 =	sand.u32 $0x1, s1  }
0x7: {  	s2 =	sshll.u32 s12, $0x1;
	[smem:$0x7FF] =	sst s4;
	s7 =	smul.u32 $0x1380, s12  }
0x8: {  	s5 =	sadd.s32 $0x50800, s0;
	s9 =	smul.u32 $0x27000, s12;
	s24 =	sshll.u32 s12, $0x6  }
0x9: {  	p0 =	sne.s32 s12, $0xF;
	s2 =	sor.u32 s1, s2;
	s10 =	smul.u32 $0x13880, s1  }
0xa: {  	_ =	strace $0x8000004D;
	s6 =	ssub.s32 $0x2, s1;
	s1 =	smul.u32 $0x9C400, s1  }
0xb: {  	s2 =	smul.u32 $0x2710, s2;
	s8 =	sshrl.u32 s6, $0x1;
	s23 =	sshrl.u32 s9, $0x2  }
0xc: {  	s9 =	sadd.s32 $0x9C000, s3;
	s8 =	ssub.s32 s6, s8;
	s11 =	sadd.s32 s23, s3  }
0xd: {  	s6 =	sor.u32 $0x1C0D, s24;
	s7 =	sadd.s32 s7, s10;
	s1 =	sshrl.u32 s1, $0x3  }
0xe: {  	s14 =	sshrl.u32 @!p0 s9, $0x3;
	s24 =	simm.s32 $0xCE20;
	s23 =	simm.s32 $0xA  }
0xf: {  	s9 =	simm.s32 $0x0;
	s2 =	sshrl.u32 s2, $0x3;
	s26 =	smax.u32 s8, $0x1  }
0x10: {  	s12 =	sshrl.u32 s11, $0x3;
	s8 =	simm.s32 $0x10;
	s2 =	sadd.s32 s2, s0  }
0x11: {  	s0 =	sadd.s32 $0x64200, s0;
	[dreg:$0x8] =	wrdreg s26;
	s13 =	sadd.s32 $0x2200, s2  }
0x12: {  	s26 =	simm.s32 $0x6;
	s2 =	sadd.s32 $0xBE40, s2;
	[dreg:$0x4] =	wrdreg s13  }
0x13: {  	s25 =	sadd.s32 s0, s7;
	s0 =	sadd.s32 s0, s1;
	[dreg:$0x5] =	wrdreg s2  }
0x14: {  	s1 =	simm.s32 $0x8;
	s7 =	simm.s32 $0xC;
	[dreg:$0x6] =	wrdreg s25  }
0x15: {  	s0 =	sadd.s32 $0x13800, s0;
	s13 =	simm.s32 $0xD;
	s25 =	simm.s32 $0x1  }
0x16: {  	s2 =	simm.s32 $0xB;
	[dreg:$0x7] =	wrdreg s0;
	s0 =	simm.s32 $0x4  }
.LBB2_1:
0x17: {  	s10 =	rddreg [dreg:$0x1]  }
0x18: {  	[spmem:s12], [sflag:s6] =	dma.local [hbm:s10], $0x1380  }
0x19: {  	_ =	swait.ge [sflag:s13], $0x1380  }
0x1a: {  	[sflag:s13] =	ssyncset.done $0x0  }
0x1b: {  	[sflag:s13] =	ssyncadd.s32 $0xFFFFEC80  }
0x1c: {  	[spmem:s14], [sflag:s6] =	dma.local @!p0 [hbm:s10], $0x80  }
0x1d: {  	s10 =	simm.s32 @!p0 $0xD  }
0x1e: {  	_ =	swait.ge @!p0 [sflag:s10], $0x80  }
0x1f: {  	[sflag:s10] =	ssyncset.done @!p0 $0x0  }
0x20: {  	s11 =	rddreg [dreg:$0x4];
	[sflag:s10] =	ssyncadd.s32 @!p0 $0xFFFFFF80  }
0x21: {  	[tilespmem:s4], [sflag:$0xD] =	stream.linear.gather [hbm4b:s11+s4], $0x2710, $0x38;
	[tilespmem:$0x1AA60] =	vst v63  }
0x22: {  	_ =	swait.ge [sflag:s13], $0x2710  }
0x23: {  	[sflag:s13] =	ssyncset.done $0x0  }
0x24: {  	s11 =	simm.s32 $0x2710;
	s15 =	rddreg [dreg:$0x5];
	[sflag:s13] =	ssyncadd.s32 $0xFFFFD8F0  }
0x25: {  	[tilespmem:s11], [sflag:$0xD] =	stream.linear.gather [hbm4b:s15+s4], $0x2710, $0x38;
	[tilespmem:$0x1AA60] =	vst v63  }
0x26: {  	_ =	swait.ge [sflag:s13], $0x2710  }
0x27: {  	[sflag:s13] =	ssyncset.done $0x0  }
0x28: {  	[sflag:s13] =	ssyncadd.s32 $0xFFFFD8F0  }
0x29: {  	[bflag:$0x0] =	sbarrier.arrive $0xFFFF  }
0x2a: {  	[tilespmem:s17], [sflag:$0x1] =	stream.indirect.gather [hbm4b:s5+s16], $0x40, s4, s16, $0xb8;
	[tilespmem:$0x1AA60] =	vst v63  }
0x2b: {  	_ = 	snop  }
0x2c: {  	[tilespmem:s18], [sflag:$0x2] =	stream.indirect.gather [hbm4b:s5+s16], $0x40, s16, s16, $0xb8;
	[tilespmem:$0x1AA60] =	vst v63  }
0x2d: {  	s15 =	simm.s32 $0x100  }
0x2e: {  	[tilespmem:s20], [sflag:$0x3] =	stream.indirect.gather [hbm4b:s5+s16], $0x40, s15, s16, $0xb8;
	[tilespmem:$0x1AA60] =	vst v63  }
0x2f: {  	s15 =	simm.s32 $0x180  }
0x30: {  	[tilespmem:s22], [sflag:$0x4] =	stream.indirect.gather [hbm4b:s5+s16], $0x40, s15, s16, $0xb8;
	[tilespmem:$0x1AA60] =	vst v63  }
0x31: {  	s15 =	simm.s32 $0x200  }
0x32: {  	[tilespmem:s24], [sflag:$0x5] =	stream.indirect.gather [hbm4b:s5+s16], $0x40, s15, s16, $0xb8;
	[tilespmem:$0x1AA60] =	vst v63  }
0x33: {  	_ =	swait.ge [sflag:s25], $0x2000  }
0x34: {  	[sflag:s25] =	ssyncset.done $0x0  }
0x35: {  	[sflag:s25] =	ssyncadd.s32 $0xFFFFE000  }
0x36: {  	[spmem:s3] =	stream.indirect.scatter.add.f32 [tilespmem:s17], [sflag:$0x7], $0x40, s11, s16, $0xb8;
	[tilespmem:$0x1AA60] =	vst v63  }
0x37: {  	s11 =	simm.s32 $0x280  }
0x38: {  	[tilespmem:s28], [sflag:$0x6] =	stream.indirect.gather [hbm4b:s5+s16], $0x40, s11, s16, $0xb8;
	[tilespmem:$0x1AA60] =	vst v63  }
0x39: {  	_ =	swait.ge [sflag:s29], $0x2000  }
0x3a: {  	[sflag:s29] =	ssyncset.done $0x0  }
0x3b: {  	s15 =	simm.s32 $0x2790;
	[sflag:s29] =	ssyncadd.s32 $0xFFFFE000  }
0x3c: {  	[spmem:s3] =	stream.indirect.scatter.add.f32 [tilespmem:s18], [sflag:$0x8], $0x40, s15, s16, $0xb8;
	[tilespmem:$0x1AA60] =	vst v63  }
0x3d: {  	_ =	swait.ge [sflag:s30], $0x2000  }
0x3e: {  	[sflag:s30] =	ssyncset.done $0x0  }
0x3f: {  	s11 =	simm.s32 $0x300;
	[sflag:s30] =	ssyncadd.s32 $0xFFFFE000  }
0x40: {  	[tilespmem:s17], [sflag:$0x1] =	stream.indirect.gather [hbm4b:s5+s16], $0x40, s11, s16, $0xb8;
	[tilespmem:$0x1AA60] =	vst v63  }
0x41: {  	_ =	swait.ge [sflag:s31], $0x2000  }
0x42: {  	[sflag:s31] =	ssyncset.done $0x0  }
0x43: {  	s15 =	simm.s32 $0x2810;
	[sflag:s31] =	ssyncadd.s32 $0xFFFFE000  }
0x44: {  	[spmem:s3] =	stream.indirect.scatter.add.f32 [tilespmem:s20], [sflag:$0x9], $0x40, s15, s16, $0xb8;
	[tilespmem:$0x1AA60] =	vst v63  }
0x45: {  	_ =	swait.ge [sflag:s1], $0x2000  }
0x46: {  	[sflag:s1] =	ssyncset.done $0x0  }
0x47: {  	s11 =	simm.s32 $0x380;
	[sflag:s1] =	ssyncadd.s32 $0xFFFFE000  }
0x48: {  	[tilespmem:s18], [sflag:$0x2] =	stream.indirect.gather [hbm4b:s5+s16], $0x40, s11, s16, $0xb8;
	[tilespmem:$0x1AA60] =	vst v63  }
0x49: {  	_ =	swait.ge [sflag:s0], $0x2000  }
0x4a: {  	[sflag:s0] =	ssyncset.done $0x0  }
0x4b: {  	s15 =	simm.s32 $0x2890;
	[sflag:s0] =	ssyncadd.s32 $0xFFFFE000  }
0x4c: {  	[spmem:s3] =	stream.indirect.scatter.add.f32 [tilespmem:s22], [sflag:$0xA], $0x40, s15, s16, $0xb8;
	[tilespmem:$0x1AA60] =	vst v63  }
0x4d: {  	_ =	swait.ge [sflag:s19], $0x2000  }
0x4e: {  	[sflag:s19] =	ssyncset.done $0x0  }
0x4f: {  	s11 =	simm.s32 $0x400;
	[sflag:s19] =	ssyncadd.s32 $0xFFFFE000  }
0x50: {  	[tilespmem:s20], [sflag:$0x3] =	stream.indirect.gather [hbm4b:s5+s16], $0x40, s11, s16, $0xb8;
	[tilespmem:$0x1AA60] =	vst v63  }
0x51: {  	_ =	swait.ge [sflag:s21], $0x2000  }
0x52: {  	[sflag:s21] =	ssyncset.done $0x0  }
0x53: {  	s15 =	simm.s32 $0x2910;
	[sflag:s21] =	ssyncadd.s32 $0xFFFFE000  }
0x54: {  	[spmem:s3] =	stream.indirect.scatter.add.f32 [tilespmem:s24], [sflag:$0xB], $0x40, s15, s16, $0xb8;
	[tilespmem:$0x1AA60] =	vst v63  }
0x55: {  	_ =	swait.ge [sflag:s23], $0x2000  }
0x56: {  	[sflag:s23] =	ssyncset.done $0x0  }
0x57: {  	s11 =	simm.s32 $0x480;
	[sflag:s23] =	ssyncadd.s32 $0xFFFFE000  }
0x58: {  	[tilespmem:s22], [sflag:$0x4] =	stream.indirect.gather [hbm4b:s5+s16], $0x40, s11, s16, $0xb8;
	[tilespmem:$0x1AA60] =	vst v63  }
0x59: {  	_ =	swait.ge [sflag:s26], $0x2000  }
0x5a: {  	[sflag:s26] =	ssyncset.done $0x0  }
0x5b: {  	s15 =	simm.s32 $0x2990;
	[sflag:s26] =	ssyncadd.s32 $0xFFFFE000  }
0x5c: {  	[spmem:s3] =	stream.indirect.scatter.add.f32 [tilespmem:s28], [sflag:$0xC], $0x40, s15, s16, $0xb8;
	[tilespmem:$0x1AA60] =	vst v63  }
0x5d: {  	_ =	swait.ge [sflag:s2], $0x2000  }
0x5e: {  	[sflag:s2] =	ssyncset.done $0x0  }
0x5f: {  	s11 =	simm.s32 $0x500;
	[sflag:s2] =	ssyncadd.s32 $0xFFFFE000  }
0x60: {  	[tilespmem:s24], [sflag:$0x5] =	stream.indirect.gather [hbm4b:s5+s16], $0x40, s11, s16, $0xb8;
	[tilespmem:$0x1AA60] =	vst v63  }
0x61: {  	_ =	swait.ge [sflag:s25], $0x2000  }
0x62: {  	[sflag:s25] =	ssyncset.done $0x0  }
0x63: {  	s15 =	simm.s32 $0x2A10;
	[sflag:s25] =	ssyncadd.s32 $0xFFFFE000  }
0x64: {  	[spmem:s3] =	stream.indirect.scatter.add.f32 [tilespmem:s17], [sflag:$0x7], $0x40, s15, s16, $0xb8;
	[tilespmem:$0x1AA60] =	vst v63  }
0x65: {  	_ =	swait.ge [sflag:s7], $0x2000  }
0x66: {  	[sflag:s7] =	ssyncset.done $0x0  }
0x67: {  	s10 =	simm.s32 $0xC00;
	s11 =	simm.s32 $0x580;
	[sflag:s7] =	ssyncadd.s32 $0xFFFFE000  }
.LBB2_2:
0x68: {  	[tilespmem:s28], [sflag:$0x6] =	stream.indirect.gather [hbm4b:s5+s16], $0x40, s11, s16, $0xb8;
	[tilespmem:$0x1AA60] =	vst v63  }
0x69: {  	s11 =	smov.u32 s10  }
0x6a: {  	p1 =	sne.s32 s10, $0x8400;
	s10 =	sadd.s32 $0xC00, s10;
	_ =	swait.ge [sflag:s29], $0x2000  }
0x6b: {  	s11 =	sshra.s32 s11, $0x2;
	[sflag:s29] =	ssyncset.done $0x0  }
0x6c: {  	s15 =	sadd.s32 $0x2790, s11;
	[sflag:s29] =	ssyncadd.s32 $0xFFFFE000  }
0x6d: {  	[spmem:s3] =	stream.indirect.scatter.add.f32 [tilespmem:s18], [sflag:$0x8], $0x40, s15, s16, $0xb8;
	[tilespmem:$0x1AA60] =	vst v63  }
0x6e: {  	_ =	swait.ge [sflag:s30], $0x2000  }
0x6f: {  	[sflag:s30] =	ssyncset.done $0x0  }
0x70: {  	s15 =	sadd.s32 $0x300, s11;
	[sflag:s30] =	ssyncadd.s32 $0xFFFFE000  }
0x71: {  	[tilespmem:s17], [sflag:$0x1] =	stream.indirect.gather [hbm4b:s5+s16], $0x40, s15, s16, $0xb8;
	[tilespmem:$0x1AA60] =	vst v63  }
0x72: {  	_ =	swait.ge [sflag:s31], $0x2000  }
0x73: {  	[sflag:s31] =	ssyncset.done $0x0  }
0x74: {  	s15 =	sadd.s32 $0x2810, s11;
	[sflag:s31] =	ssyncadd.s32 $0xFFFFE000  }
0x75: {  	[spmem:s3] =	stream.indirect.scatter.add.f32 [tilespmem:s20], [sflag:$0x9], $0x40, s15, s16, $0xb8;
	[tilespmem:$0x1AA60] =	vst v63  }
0x76: {  	_ =	swait.ge [sflag:s1], $0x2000  }
0x77: {  	[sflag:s1] =	ssyncset.done $0x0  }
0x78: {  	s15 =	sadd.s32 $0x380, s11;
	[sflag:s1] =	ssyncadd.s32 $0xFFFFE000  }
0x79: {  	[tilespmem:s18], [sflag:$0x2] =	stream.indirect.gather [hbm4b:s5+s16], $0x40, s15, s16, $0xb8;
	[tilespmem:$0x1AA60] =	vst v63  }
0x7a: {  	_ =	swait.ge [sflag:s0], $0x2000  }
0x7b: {  	[sflag:s0] =	ssyncset.done $0x0  }
0x7c: {  	s15 =	sadd.s32 $0x2890, s11;
	[sflag:s0] =	ssyncadd.s32 $0xFFFFE000  }
0x7d: {  	[spmem:s3] =	stream.indirect.scatter.add.f32 [tilespmem:s22], [sflag:$0xA], $0x40, s15, s16, $0xb8;
	[tilespmem:$0x1AA60] =	vst v63  }
0x7e: {  	_ =	swait.ge [sflag:s19], $0x2000  }
0x7f: {  	[sflag:s19] =	ssyncset.done $0x0  }
0x80: {  	s15 =	sadd.s32 $0x400, s11;
	[sflag:s19] =	ssyncadd.s32 $0xFFFFE000  }
0x81: {  	[tilespmem:s20], [sflag:$0x3] =	stream.indirect.gather [hbm4b:s5+s16], $0x40, s15, s16, $0xb8;
	[tilespmem:$0x1AA60] =	vst v63  }
0x82: {  	_ =	swait.ge [sflag:s21], $0x2000  }
0x83: {  	[sflag:s21] =	ssyncset.done $0x0  }
0x84: {  	s15 =	sadd.s32 $0x2910, s11;
	[sflag:s21] =	ssyncadd.s32 $0xFFFFE000  }
0x85: {  	[spmem:s3] =	stream.indirect.scatter.add.f32 [tilespmem:s24], [sflag:$0xB], $0x40, s15, s16, $0xb8;
	[tilespmem:$0x1AA60] =	vst v63  }
0x86: {  	_ =	swait.ge [sflag:s23], $0x2000  }
0x87: {  	[sflag:s23] =	ssyncset.done $0x0  }
0x88: {  	s15 =	sadd.s32 $0x480, s11;
	[sflag:s23] =	ssyncadd.s32 $0xFFFFE000  }
0x89: {  	[tilespmem:s22], [sflag:$0x4] =	stream.indirect.gather [hbm4b:s5+s16], $0x40, s15, s16, $0xb8;
	[tilespmem:$0x1AA60] =	vst v63  }
0x8a: {  	_ =	swait.ge [sflag:s26], $0x2000  }
0x8b: {  	[sflag:s26] =	ssyncset.done $0x0  }
0x8c: {  	s15 =	sadd.s32 $0x2990, s11;
	[sflag:s26] =	ssyncadd.s32 $0xFFFFE000  }
0x8d: {  	[spmem:s3] =	stream.indirect.scatter.add.f32 [tilespmem:s28], [sflag:$0xC], $0x40, s15, s16, $0xb8;
	[tilespmem:$0x1AA60] =	vst v63  }
0x8e: {  	_ =	swait.ge [sflag:s2], $0x2000  }
0x8f: {  	[sflag:s2] =	ssyncset.done $0x0  }
0x90: {  	s15 =	sadd.s32 $0x500, s11;
	[sflag:s2] =	ssyncadd.s32 $0xFFFFE000  }
0x91: {  	[tilespmem:s24], [sflag:$0x5] =	stream.indirect.gather [hbm4b:s5+s16], $0x40, s15, s16, $0xb8;
	[tilespmem:$0x1AA60] =	vst v63  }
0x92: {  	_ =	swait.ge [sflag:s25], $0x2000  }
0x93: {  	[sflag:s25] =	ssyncset.done $0x0  }
.Ltmp0:
0x94: {  	s15 =	sadd.s32 $0x2A10, s11;
	[sflag:s25] =	ssyncadd.s32 $0xFFFFE000;
	(pc) =	sbr.rel @p1 .LBB2_2-.Ltmp0, $4  }
0x95: {  	[spmem:s3] =	stream.indirect.scatter.add.f32 [tilespmem:s17], [sflag:$0x7], $0x40, s15, s16, $0xb8;
	[tilespmem:$0x1AA60] =	vst v63  }
0x96: {  	_ =	swait.ge [sflag:s7], $0x2000  }
0x97: {  	[sflag:s7] =	ssyncset.done $0x0  }
0x98: {  	s11 =	sadd.s32 $0x580, s11;
	[sflag:s7] =	ssyncadd.s32 $0xFFFFE000  }
0x99: {  	[tilespmem:s28], [sflag:$0x6] =	stream.indirect.gather [hbm4b:s5+s16], $0x40, s11, s16, $0xb8;
	[tilespmem:$0x1AA60] =	vst v63  }
0x9a: {  	_ =	swait.ge [sflag:s29], $0x2000  }
0x9b: {  	[sflag:s29] =	ssyncset.done $0x0  }
0x9c: {  	s10 =	simm.s32 $0x4B90;
	[sflag:s29] =	ssyncadd.s32 $0xFFFFE000  }
0x9d: {  	[spmem:s3] =	stream.indirect.scatter.add.f32 [tilespmem:s18], [sflag:$0x8], $0x40, s10, s16, $0xb8;
	[tilespmem:$0x1AA60] =	vst v63  }
0x9e: {  	_ =	swait.ge [sflag:s30], $0x2000  }
0x9f: {  	[sflag:s30] =	ssyncset.done $0x0  }
0xa0: {  	[sflag:s30] =	ssyncadd.s32 $0xFFFFE000  }
0xa1: {  	_ =	swait.ge [sflag:s31], $0x2000  }
0xa2: {  	[sflag:s31] =	ssyncset.done $0x0  }
0xa3: {  	s11 =	simm.s32 $0x4C10;
	[sflag:s31] =	ssyncadd.s32 $0xFFFFE000  }
0xa4: {  	[spmem:s3] =	stream.indirect.scatter.add.f32 [tilespmem:s20], [sflag:$0x9], $0x40, s11, s16, $0xb8;
	[tilespmem:$0x1AA60] =	vst v63  }
0xa5: {  	_ =	swait.ge [sflag:s1], $0x2000  }
0xa6: {  	[sflag:s1] =	ssyncset.done $0x0  }
0xa7: {  	[sflag:s1] =	ssyncadd.s32 $0xFFFFE000  }
0xa8: {  	_ =	swait.ge [sflag:s0], $0x2000  }
0xa9: {  	[sflag:s0] =	ssyncset.done $0x0  }
0xaa: {  	s15 =	simm.s32 $0x4C90;
	[sflag:s0] =	ssyncadd.s32 $0xFFFFE000  }
0xab: {  	[spmem:s3] =	stream.indirect.scatter.add.f32 [tilespmem:s22], [sflag:$0xA], $0x40, s15, s16, $0xb8;
	[tilespmem:$0x1AA60] =	vst v63  }
0xac: {  	_ =	swait.ge [sflag:s19], $0x2000  }
0xad: {  	[sflag:s19] =	ssyncset.done $0x0  }
0xae: {  	[sflag:s19] =	ssyncadd.s32 $0xFFFFE000  }
0xaf: {  	_ =	swait.ge [sflag:s21], $0x2000  }
0xb0: {  	[sflag:s21] =	ssyncset.done $0x0  }
0xb1: {  	s11 =	simm.s32 $0x4D10;
	[sflag:s21] =	ssyncadd.s32 $0xFFFFE000  }
0xb2: {  	[spmem:s3] =	stream.indirect.scatter.add.f32 [tilespmem:s24], [sflag:$0xB], $0x40, s11, s16, $0xb8;
	[tilespmem:$0x1AA60] =	vst v63  }
0xb3: {  	_ =	swait.ge [sflag:s23], $0x2000  }
0xb4: {  	[sflag:s23] =	ssyncset.done $0x0  }
0xb5: {  	[sflag:s23] =	ssyncadd.s32 $0xFFFFE000  }
0xb6: {  	_ =	swait.ge [sflag:s26], $0x2000  }
0xb7: {  	[sflag:s26] =	ssyncset.done $0x0  }
0xb8: {  	s15 =	simm.s32 $0x4D90;
	[sflag:s26] =	ssyncadd.s32 $0xFFFFE000  }
0xb9: {  	[spmem:s3] =	stream.indirect.scatter.add.f32 [tilespmem:s28], [sflag:$0xC], $0x40, s15, s16, $0xb8;
	[tilespmem:$0x1AA60] =	vst v63  }
0xba: {  	_ =	swait.ge [sflag:s2], $0x2000  }
0xbb: {  	[sflag:s2] =	ssyncset.done $0x0  }
0xbc: {  	[sflag:s2] =	ssyncadd.s32 $0xFFFFE000  }
0xbd: {  	_ =	swait.ge [sflag:s7], $0x2000  }
0xbe: {  	[sflag:s7] =	ssyncset.done $0x0  }
0xbf: {  	s11 =	simm.s32 $0x2700;
	[sflag:s7] =	ssyncadd.s32 $0xFFFFE000  }
0xc0: {  	[tilespmem:s17], [sflag:$0x1] =	stream.indirect.gather [hbm4b:s5+s8], $0x40, s11, s8, $0xb8;
	[tilespmem:$0x1AA60] =	vst v63  }
0xc1: {  	_ =	swait.ge [sflag:s25], $0x400  }
0xc2: {  	[sflag:s25] =	ssyncset.done $0x0  }
0xc3: {  	s15 =	simm.s32 $0x4E10;
	[sflag:s25] =	ssyncadd.s32 $0xFFFFFC00  }
0xc4: {  	[spmem:s3] =	stream.indirect.scatter.add.f32 [tilespmem:s17], [sflag:$0xD], $0x40, s15, s8, $0xb8;
	[tilespmem:$0x1AA60] =	vst v63  }
0xc5: {  	_ =	swait.ge [sflag:s13], $0x400  }
0xc6: {  	[sflag:s13] =	ssyncset.done $0x0  }
0xc7: {  	[sflag:s13] =	ssyncadd.s32 $0xFFFFFC00  }
0xc8: {  	[bflag:$0x0] =	sbarrier.arrive $0xFFFF  }
0xc9: {  	s11 =	rddreg [dreg:$0x6]  }
0xca: {  	[hbm:s11], [sflag:s6] =	dma.local [spmem:s12], $0x1380  }
0xcb: {  	_ =	swait.ge [sflag:s13], $0x1380  }
0xcc: {  	[sflag:s13] =	ssyncset.done $0x0  }
0xcd: {  	s10 =	rddreg [dreg:$0x7];
	[sflag:s13] =	ssyncadd.s32 $0xFFFFEC80  }
0xce: {  	[hbm:s10], [sflag:s6] =	dma.local @!p0 [spmem:s14], $0x80  }
0xcf: {  	s10 =	simm.s32 @!p0 $0xD  }
0xd0: {  	_ =	swait.ge @!p0 [sflag:s10], $0x80  }
0xd1: {  	s9 =	sadd.s32 $0x1, s9;
	s15 =	rddreg [dreg:$0x8]  }
0xd2: {  	p1 =	sne.s32 s9, s15  }
.Ltmp1:
0xd3: {  	_ = 	snop;
	(pc) =	sbr.rel @p1 .LBB2_1-.Ltmp1, $3  }
0xd4: {  	_ =	sdelay $0x1  }
0xd5: {  	[sflag:s10] =	ssyncset.done @!p0 $0x0  }
0xd6: {  	[sflag:s10] =	ssyncadd.s32 @!p0 $0xFFFFFF80  }
0xd7: {  	_ =	sfence.sel $0x180000  }
0xd8: {  	[bflag:$0x0] =	sbarrier.arrive $0xFFFF  }
0xd9: {  	_ =	strace $0x9000004D  }
0xda: {  	s0 =	stileid.u32;
	[bflag:$0x2] =	sbarrier.arrive $0xFFFF  }
0xdb: {  	p0 =	sne.s32 s0, $0x0;
	s0 =	rddreg [dreg:$0x3]  }
0xdc: {  	s0 =	sadd.s32 @!p0 $0x100000, s0  }
0xdd: {  	[sflag:s0] =	ssyncadd.tile.s32 @!p0 $0x1;
	_ =	shalt  }
.Lfunc_end2:
_tile_overlayer_lowered:
.L_overlay_start_2:
0xde: {  	(tag) =	ssettag $0x2  }
0xdf: {  	s0 =	rddreg [dreg:$0x0];
	s2 =	stileid.u32  }
0xe0: {  	s1 =	rddreg [dreg:$0x1];
	p0 =	sne.s32 s2, $0x0  }
0xe1: {  	s3 =	rddreg [dreg:$0x2];
	[bflag:$0x3] =	sbarrier.arrive $0xFFFF;
	s2 =	simm.s32 @!p0 $0x1C0D  }
0xe2: {  	[timem:s3], [sflag:s2] =	dma.local @!p0 [hbm:s0], s1  }
0xe3: {  	s0 =	simm.s32 @!p0 $0xD  }
0xe4: {  	_ =	swait.ge @!p0 [sflag:s0], s1  }
0xe5: {  	s1 =	ssub.s32 @!p0 $0x0, s1;
	[sflag:s0] =	ssyncset.done @!p0 $0x0  }
0xe6: {  	[sflag:s0] =	ssyncadd.s32 @!p0 s1  }
0xe7: {  	[bflag:$0x3] =	sbarrier.arrive $0xFFFF  }
0xe8: {  	_ =	shalt  }

// kernel: kernel.16.cloned.1.call-start
scs
__scs_entry_jumppad:
0x0: {  	(pc) =	sbr.rel $0x88, $3  }
0x1: {  	(tag) =	ssettag $0x0;
	lr =	simm.s32 $0x1  }
0x2: {  	[smem:$0x3F9B] =	sst lr;
	_ =	strace $0xD0000000  }
0x3: {  	_ = 	snop  }
0x4: {  	_ = 	snop  }
0x5: {  	_ = 	snop  }
0x6: {  	_ = 	snop  }
0x7: {  	_ = 	snop  }
__scs_overlays_trampoline_lowered:
0x8: {  	[smem:$0x3FAA] =	sst s0  }
0x9: {  	[smem:$0x3FAB] =	sst s1  }
0xa: {  	[smem:$0x3FAC] =	sst s2  }
0xb: {  	[smem:$0x3FAD] =	sst s3  }
0xc: {  	[smem:$0x3FAE] =	sst s4  }
0xd: {  	[smem:$0x3FAF] =	sst s5  }
0xe: {  	[smem:$0x3FB0] =	sst s6  }
0xf: {  	[smem:$0x3FB1] =	sst s7  }
0x10: {  	[smem:$0x3FB2] =	sst s8  }
0x11: {  	[smem:$0x3FB3] =	sst s9;
	s0 =	simm.s32 @!p0 $0x0  }
0x12: {  	s1 =	sld [smem:$0x3F99];
	s0 =	simm.s32 @p0 $0x1  }
0x13: {  	[smem:$0x3FB4] =	sst s0;
	s0 =	simm.s32 @!p1 $0x0  }
0x14: {  	s2 =	sld [smem:$0x3F98];
	s0 =	simm.s32 @p1 $0x1  }
0x15: {  	[smem:$0x3FB5] =	sst s0;
	s0 =	simm.s32 @!p2 $0x0  }
0x16: {  	s3 =	sld [smem:$0x3FDB];
	s0 =	simm.s32 @p2 $0x1  }
0x17: {  	s4 =	simm.s32 $0x1BF5;
	[smem:$0x3FB7] =	sst s0  }
0x18: {  	s0 =	sld [smem:$0x3F9A];
	_ =	swait.ge [sflag:s4], $0x0  }
0x19: {  	s7 =	sld [smem:$0x3F9B]  }
0x1a: {  	s8 =	sadd.s32 $0xFFFFE003, lr  }
0x1b: {  	s9 =	sadd.s32 $0xFFFFFEF7, lr;
	s5 =	simm.s32 $0xFFFFFFFF;
	p2 =	slt.u32 s8, $0xFFFFF086  }
0x1c: {  	p1 =	slt.u32 s9, $0xF7A;
	s5 =	simm.s32 @!p2 $0x0  }
0x1d: {  	s5 =	simm.s32 @p1 $0x1;
	p0 =	seq.s32 s7, s2  }
0x1e: {  	s7 =	smul.u32 @!p0 $0xF7A, s2;
	p2 =	seq.s32 @!p0 s5, $0x0  }
0x1f: {  	s9 =	smul.u32 $0xF7A, s1;
	s8 =	simm.s32 @!p0 $0x1BF5;
	p2 =	por !p2, p0  }
0x20: {  	[sflag:s8] =	ssyncset.s32 @!p0 $0xFFFFF086;
	s6 =	sadd.s32 @!p0 s3, s7;
	s7 =	simm.s32 @!p0 $0x108  }
0x21: {  	s3 =	sadd.s32 s3, s9;
	s6 =	sadd.s32 @!p0 $0x88, s6;
	s7 =	simm.s32 @p2 $0x1082  }
0x22: {  	[simem:s7], [sflag:s8] =	dma.local @!p0 [hbm:s6], $0xF7A  }
0x23: {  	s9 =	sor.u32 $0xD0000000, s2;
	s6 =	simm.s32 $0x108;
	_ =	swait.ge @!p0 [sflag:s8], $0x0  }
0x24: {  	s3 =	sadd.s32 $0x88, s3;
	s6 =	simm.s32 @!p1 $0x1082;
	[sflag:s4] =	ssyncset.s32 $0xFFFFF086  }
0x25: {  	[simem:s6], [sflag:s4] =	dma.local [hbm:s3], $0xF7A  }
0x26: {  	[smem:$0x3F9B] =	sst s1;
	(tag) =	ssettag s2;
	_ =	strace s9  }
0x27: {  	s1 =	sld [smem:$0x3FAB]  }
0x28: {  	s2 =	sld [smem:$0x3FAC]  }
0x29: {  	s4 =	sld [smem:$0x3FAE]  }
0x2a: {  	p0 =	seq.s32 s5, $0x0;
	s5 =	sld [smem:$0x3FAF]  }
0x2b: {  	s6 =	sld [smem:$0x3FB0]  }
0x2c: {  	s7 =	sld [smem:$0x3FB1]  }
0x2d: {  	s3 =	simm.s32 $0x108;
	s8 =	sld [smem:$0x3FB2]  }
0x2e: {  	s3 =	simm.s32 @!p0 $0x1082;
	s9 =	sld [smem:$0x3FB3]  }
0x2f: {  	lr =	sadd.s32 s0, s3;
	s0 =	sld [smem:$0x3FAA]  }
0x30: {  	s3 =	sld [smem:$0x3FAD]  }
0x31: {  	[smem:$0x3FB6] =	sst s10  }
0x32: {  	s10 =	sld [smem:$0x3FB4];
	_ =	sdelay $0x3  }
0x33: {  	p0 =	seq.s32 s10, $0x1;
	s10 =	sld [smem:$0x3FB6];
	_ =	sdelay $0x3  }
0x34: {  	[smem:$0x3FB6] =	sst s10  }
0x35: {  	s10 =	sld [smem:$0x3FB5];
	_ =	sdelay $0x3  }
0x36: {  	p1 =	seq.s32 s10, $0x1;
	s10 =	sld [smem:$0x3FB6];
	_ =	sdelay $0x3  }
0x37: {  	[smem:$0x3FB6] =	sst s10  }
0x38: {  	s10 =	sld [smem:$0x3FB7]  }
0x39: {  	_ = 	snop;
	(pc) =	sbr.ind lr, $3  }
0x3a: {  	_ = 	snop  }
0x3b: {  	_ = 	snop  }
0x3c: {  	p2 =	seq.s32 s10, $0x1;
	s10 =	sld [smem:$0x3FB6]  }
0x3d: {  	_ =	shalt  }
0x3e: {  	_ =	shalt  }
0x3f: {  	_ =	shalt  }
0x40: {  	_ =	shalt  }
0x41: {  	_ =	shalt  }
0x42: {  	_ =	shalt  }
0x43: {  	_ =	shalt  }
0x44: {  	_ =	shalt  }
0x45: {  	_ =	shalt  }
0x46: {  	_ =	shalt  }
0x47: {  	_ =	shalt  }
0x48: {  	_ =	shalt  }
0x49: {  	_ =	shalt  }
0x4a: {  	_ =	shalt  }
0x4b: {  	_ =	shalt  }
0x4c: {  	_ =	shalt  }
0x4d: {  	_ =	shalt  }
0x4e: {  	_ =	shalt  }
0x4f: {  	_ =	shalt  }
0x50: {  	_ =	shalt  }
0x51: {  	_ =	shalt  }
0x52: {  	_ =	shalt  }
0x53: {  	_ =	shalt  }
0x54: {  	_ =	shalt  }
0x55: {  	_ =	shalt  }
0x56: {  	_ =	shalt  }
0x57: {  	_ =	shalt  }
0x58: {  	_ =	shalt  }
0x59: {  	_ =	shalt  }
0x5a: {  	_ =	shalt  }
0x5b: {  	_ =	shalt  }
0x5c: {  	_ =	shalt  }
0x5d: {  	_ =	shalt  }
0x5e: {  	_ =	shalt  }
0x5f: {  	_ =	shalt  }
0x60: {  	_ =	shalt  }
0x61: {  	_ =	shalt  }
0x62: {  	_ =	shalt  }
0x63: {  	_ =	shalt  }
0x64: {  	_ =	shalt  }
0x65: {  	_ =	shalt  }
0x66: {  	_ =	shalt  }
0x67: {  	_ =	shalt  }
0x68: {  	_ =	shalt  }
0x69: {  	_ =	shalt  }
0x6a: {  	_ =	shalt  }
0x6b: {  	_ =	shalt  }
0x6c: {  	_ =	shalt  }
0x6d: {  	_ =	shalt  }
0x6e: {  	_ =	shalt  }
0x6f: {  	_ =	shalt  }
0x70: {  	_ =	shalt  }
0x71: {  	_ =	shalt  }
0x72: {  	_ =	shalt  }
0x73: {  	_ =	shalt  }
0x74: {  	_ =	shalt  }
0x75: {  	_ =	shalt  }
0x76: {  	_ =	shalt  }
0x77: {  	_ =	shalt  }
0x78: {  	_ =	shalt  }
0x79: {  	_ =	shalt  }
0x7a: {  	_ =	shalt  }
0x7b: {  	_ =	shalt  }
0x7c: {  	_ =	shalt  }
0x7d: {  	_ =	shalt  }
0x7e: {  	_ =	shalt  }
0x7f: {  	_ =	shalt  }
0x80: {  	_ =	shalt  }
0x81: {  	_ =	shalt  }
0x82: {  	_ =	shalt  }
0x83: {  	_ =	shalt  }
0x84: {  	_ =	shalt  }
0x85: {  	_ =	shalt  }
0x86: {  	_ =	shalt  }
0x87: {  	_ =	shalt  }
.Lfunc_end0:
.L_simem_size_0:
called_computation.2_lowered:
.L_overlay_start_0:
0x88: {  	s2 =	sld [smem:$0x3FD9]  }
0x89: {  	s3 =	sld [smem:$0x3FFE];
	_ =	sdelay $0x1  }
0x8a: {  	s1 =	srdreg.scid  }
0x8b: {  	s0 =	sand.u32 $0x1, s1  }
0x8c: {  	s17 =	sshll.u32 s0, $0xA;
	s2 =	sadd.s32 s3, s2  }
0x8d: {  	s2 =	sadd.s32 s2, s17  }
0x8e: {  	[smem:$0x3FC2] =	sst s2  }
0x8f: {  	_ = 	snop  }
0x90: {  	s2 =	sld [smem:$0x3FD0];
	(tm) =	ssettm $0x1  }
0x91: {  	s18 =	sld [smem:$0x3FFB];
	_ =	sdelay $0x3  }
0x92: {  	_ =	strace s18  }
0x93: {  	s3 =	sld [smem:$0x3FFC];
	_ =	sdelay $0x3  }
0x94: {  	_ =	strace s3  }
0x95: {  	s3 =	sld [smem:$0x3FFD];
	_ =	sdelay $0x3  }
0x96: {  	_ =	strace s3  }
0x97: {  	_ =	strace $0x8FFFFFFF  }
0x98: {  	s19 =	sld [smem:$0x3FDB];
	_ =	sdelay $0x1  }
0x99: {  	s4 =	simm.s32 $_scs_section_size  }
0x9a: {  	s5 =	simm.s32 $_size__tile_overlayer_lowered;
	s6 =	simm.s32 $_tile_overlayer_lowered  }
0x9b: {  	s22 =	simm.s32 $0x1BFF;
	s21 =	sshll.u32 s6, $0x1;
	s3 =	sadd.s32 s4, s19  }
0x9c: {  	s7 =	simm.s32 $0x0;
	s20 =	sshll.u32 s5, $0x1;
	s5 =	sadd.s32 s21, s3  }
0x9d: {  	[timem:s7], [sflag:s22] =	dma.local [hbm:s5], s20  }
0x9e: {  	_ =	swait.ge [sflag:s22], s20  }
0x9f: {  	s4 =	ssub.s32 $0x0, s20;
	[sflag:s22] =	ssyncset.done $0x0  }
0xa0: {  	[sflag:s22] =	ssyncadd.s32 s4;
	_ =	sdelay $0x1  }
0xa1: {  	s23 =	simm.s32 $0x1B8B  }
0xa2: {  	_ =	swait.ge [sflag:s23], $0x1  }
0xa3: {  	[sflag:s23] =	ssyncset.done $0x0  }
0xa4: {  	s25 =	simm.s32 $0x1B8E;
	s24 =	sld [smem:$0x3FFE];
	[sflag:s23] =	ssyncadd.s32 $0xFFFFFFFF  }
0xa5: {  	s26 =	simm.s32 $execute0_lowered;
	[smem:$0x3FD2] =	sst s25  }
0xa6: {  	s5 =	sshll.u32 s26, $0x1;
	_ =	strace $0x80000049;
	[dreg:$0x1] =	wrdreg $0xFFFFFFFF  }
0xa7: {  	s28 =	simm.s32 $_size_execute0_lowered;
	s3 =	sadd.s32 s3, s5;
	[dreg:$0x0] =	wrdreg $0x0  }
0xa8: {  	s5 =	sshll.u32 s28, $0x1;
	[dreg:$0x2] =	wrdreg s3  }
0xa9: {  	[dreg:$0x3] =	wrdreg s5  }
0xaa: {  	[dreg:$0x4] =	wrdreg $0xC0  }
0xab: {  	_ =	task [dreg:s7], $0x5FFFF  }
0xac: {  	[dreg:$0x1] =	wrdreg $0xFFFFFFFF  }
0xad: {  	[dreg:$0x0] =	wrdreg $0x60  }
0xae: {  	[dreg:$0x2] =	wrdreg s24  }
0xaf: {  	[dreg:$0x3] =	wrdreg s2  }
0xb0: {  	[dreg:$0x4] =	wrdreg $0x10E200  }
0xb1: {  	[dreg:$0x5] =	wrdreg $0xA  }
0xb2: {  	_ =	task.clear_ibuf [dreg:s7], $0x6FFFF;
	_ =	strace $0x90000049  }
0xb3: {  	s29 =	simm.s32 $0xA;
	_ =	strace $0x8000004B  }
0xb4: {  	_ =	swait.ge [sflag:s29], $0x1  }
0xb5: {  	[sflag:s29] =	ssyncadd.s32 $0xFFFFFFFF  }
0xb6: {  	_ =	strace $0x9000004B  }
0xb7: {  	_ =	sfence  }
0xb8: {  	s30 =	sld [smem:$0x0];
	_ =	sdelay $0x2  }
0xb9: {  	s31 =	sshll.u32 s1, $0xD;
	s1 =	sshrl.u32 s1, $0x2  }
0xba: {  	s3 =	sand.u32 $0x4000, s31;
	s1 =	sadd.s32 s1, s30  }
0xbb: {  	s0 =	sor.u32 s3, s0;
	s1 =	sshll.u32 s1, $0x11  }
0xbc: {  	s0 =	sor.u32 s1, s0  }
0xbd: {  	s0 =	sadd.s32 $0x8F2B, s0  }
0xbe: {  	[sflag:s0] =	ssyncadd.remote.s32 $0x1  }
0xbf: {  	_ =	sfence.sel $0xFFFF  }
0xc0: {  	[dreg:$0x0] =	wrdreg $0xFFFFFFFF;
	(pc) =	sbr.abs _section_cstart, $3  }
0xc1: {  	[dreg:$0x1] =	wrdreg $0xFFFFFFFF  }
0xc2: {  	_ =	task.clear_ibuf [dreg:s7], $0x2FFFF;
	_ =	strace $0x9FFFFFFF  }
0xc3: {  	(tm) =	ssettm $0x7FFFFFFF  }
tec
execute0_lowered:
.L_overlay_start_1:
0x0: {  	(tag) =	ssettag $0x1  }
0x1: {  	s0 =	rddreg [dreg:$0x0];
	s1 =	srdreg.scid  }
0x2: {  	s12 =	stileid.u32;
	s3 =	rddreg [dreg:$0x2];
	s4 =	simm.s32 $0x0  }
0x3: {  	s16 =	simm.s32 $0x80;
	s17 =	simm.s32 $0x4E20;
	s18 =	simm.s32 $0x6E20  }
0x4: {  	s20 =	simm.s32 $0x8E20;
	s22 =	simm.s32 $0xAE20;
	s28 =	simm.s32 $0xEE20  }
0x5: {  	s29 =	simm.s32 $0x2;
	s30 =	simm.s32 $0x7;
	s31 =	simm.s32 $0x3  }
0x6: {  	s19 =	simm.s32 $0x9;
	s21 =	simm.s32 $0x5;
	s1 =	sand.u32 $0x1, s1  }
0x7: {  	s2 =	sshll.u32 s12, $0x1;
	[smem:$0x7FF] =	sst s4;
	s7 =	smul.u32 $0x1380, s12  }
0x8: {  	s5 =	sadd.s32 $0x15C00, s0;
	s9 =	smul.u32 $0x27000, s12;
	s24 =	sshll.u32 s12, $0x6  }
0x9: {  	p0 =	sne.s32 s12, $0xF;
	s2 =	sor.u32 s1, s2;
	s10 =	smul.u32 $0x13880, s1  }
0xa: {  	_ =	strace $0x8000004A;
	s6 =	ssub.s32 $0x2, s1;
	s1 =	smul.u32 $0x9C400, s1  }
0xb: {  	s2 =	smul.u32 $0x2710, s2;
	s8 =	sshrl.u32 s6, $0x1;
	s23 =	sshrl.u32 s9, $0x2  }
0xc: {  	s9 =	sadd.s32 $0x9C000, s3;
	s8 =	ssub.s32 s6, s8;
	s11 =	sadd.s32 s23, s3  }
0xd: {  	s6 =	sor.u32 $0x1C0D, s24;
	s7 =	sadd.s32 s7, s10;
	s1 =	sshrl.u32 s1, $0x3  }
0xe: {  	s14 =	sshrl.u32 @!p0 s9, $0x3;
	s24 =	simm.s32 $0xCE20;
	s23 =	simm.s32 $0xA  }
0xf: {  	s9 =	simm.s32 $0x0;
	s2 =	sshrl.u32 s2, $0x3;
	s26 =	smax.u32 s8, $0x1  }
0x10: {  	s12 =	sshrl.u32 s11, $0x3;
	s8 =	simm.s32 $0x10;
	s2 =	sadd.s32 s2, s0  }
0x11: {  	s0 =	sadd.s32 $0x29600, s0;
	[dreg:$0x8] =	wrdreg s26;
	s13 =	sadd.s32 $0x2200, s2  }
0x12: {  	s26 =	simm.s32 $0x6;
	s2 =	sadd.s32 $0xBE40, s2;
	[dreg:$0x4] =	wrdreg s13  }
0x13: {  	s25 =	sadd.s32 s0, s7;
	s0 =	sadd.s32 s0, s1;
	[dreg:$0x5] =	wrdreg s2  }
0x14: {  	s1 =	simm.s32 $0x8;
	s7 =	simm.s32 $0xC;
	[dreg:$0x6] =	wrdreg s25  }
0x15: {  	s0 =	sadd.s32 $0x13800, s0;
	s13 =	simm.s32 $0xD;
	s25 =	simm.s32 $0x1  }
0x16: {  	s2 =	simm.s32 $0xB;
	[dreg:$0x7] =	wrdreg s0;
	s0 =	simm.s32 $0x4  }
.LBB2_1:
0x17: {  	s10 =	rddreg [dreg:$0x1]  }
0x18: {  	[spmem:s12], [sflag:s6] =	dma.local [hbm:s10], $0x1380  }
0x19: {  	_ =	swait.ge [sflag:s13], $0x1380  }
0x1a: {  	[sflag:s13] =	ssyncset.done $0x0  }
0x1b: {  	[sflag:s13] =	ssyncadd.s32 $0xFFFFEC80  }
0x1c: {  	[spmem:s14], [sflag:s6] =	dma.local @!p0 [hbm:s10], $0x80  }
0x1d: {  	s10 =	simm.s32 @!p0 $0xD  }
0x1e: {  	_ =	swait.ge @!p0 [sflag:s10], $0x80  }
0x1f: {  	[sflag:s10] =	ssyncset.done @!p0 $0x0  }
0x20: {  	s11 =	rddreg [dreg:$0x4];
	[sflag:s10] =	ssyncadd.s32 @!p0 $0xFFFFFF80  }
0x21: {  	[tilespmem:s4], [sflag:$0xD] =	stream.linear.gather [hbm4b:s11+s4], $0x2710, $0x38;
	[tilespmem:$0x1AA60] =	vst v63  }
0x22: {  	_ =	swait.ge [sflag:s13], $0x2710  }
0x23: {  	[sflag:s13] =	ssyncset.done $0x0  }
0x24: {  	s11 =	simm.s32 $0x2710;
	s15 =	rddreg [dreg:$0x5];
	[sflag:s13] =	ssyncadd.s32 $0xFFFFD8F0  }
0x25: {  	[tilespmem:s11], [sflag:$0xD] =	stream.linear.gather [hbm4b:s15+s4], $0x2710, $0x38;
	[tilespmem:$0x1AA60] =	vst v63  }
0x26: {  	_ =	swait.ge [sflag:s13], $0x2710  }
0x27: {  	[sflag:s13] =	ssyncset.done $0x0  }
0x28: {  	[sflag:s13] =	ssyncadd.s32 $0xFFFFD8F0  }
0x29: {  	[bflag:$0x0] =	sbarrier.arrive $0xFFFF  }
0x2a: {  	[tilespmem:s17], [sflag:$0x1] =	stream.indirect.gather [hbm4b:s5+s16], $0x40, s4, s16, $0xb8;
	[tilespmem:$0x1AA60] =	vst v63  }
0x2b: {  	_ = 	snop  }
0x2c: {  	[tilespmem:s18], [sflag:$0x2] =	stream.indirect.gather [hbm4b:s5+s16], $0x40, s16, s16, $0xb8;
	[tilespmem:$0x1AA60] =	vst v63  }
0x2d: {  	s15 =	simm.s32 $0x100  }
0x2e: {  	[tilespmem:s20], [sflag:$0x3] =	stream.indirect.gather [hbm4b:s5+s16], $0x40, s15, s16, $0xb8;
	[tilespmem:$0x1AA60] =	vst v63  }
0x2f: {  	s15 =	simm.s32 $0x180  }
0x30: {  	[tilespmem:s22], [sflag:$0x4] =	stream.indirect.gather [hbm4b:s5+s16], $0x40, s15, s16, $0xb8;
	[tilespmem:$0x1AA60] =	vst v63  }
0x31: {  	s15 =	simm.s32 $0x200  }
0x32: {  	[tilespmem:s24], [sflag:$0x5] =	stream.indirect.gather [hbm4b:s5+s16], $0x40, s15, s16, $0xb8;
	[tilespmem:$0x1AA60] =	vst v63  }
0x33: {  	_ =	swait.ge [sflag:s25], $0x2000  }
0x34: {  	[sflag:s25] =	ssyncset.done $0x0  }
0x35: {  	[sflag:s25] =	ssyncadd.s32 $0xFFFFE000  }
0x36: {  	[spmem:s3] =	stream.indirect.scatter.add.f32 [tilespmem:s17], [sflag:$0x7], $0x40, s11, s16, $0xb8;
	[tilespmem:$0x1AA60] =	vst v63  }
0x37: {  	s11 =	simm.s32 $0x280  }
0x38: {  	[tilespmem:s28], [sflag:$0x6] =	stream.indirect.gather [hbm4b:s5+s16], $0x40, s11, s16, $0xb8;
	[tilespmem:$0x1AA60] =	vst v63  }
0x39: {  	_ =	swait.ge [sflag:s29], $0x2000  }
0x3a: {  	[sflag:s29] =	ssyncset.done $0x0  }
0x3b: {  	s15 =	simm.s32 $0x2790;
	[sflag:s29] =	ssyncadd.s32 $0xFFFFE000  }
0x3c: {  	[spmem:s3] =	stream.indirect.scatter.add.f32 [tilespmem:s18], [sflag:$0x8], $0x40, s15, s16, $0xb8;
	[tilespmem:$0x1AA60] =	vst v63  }
0x3d: {  	_ =	swait.ge [sflag:s30], $0x2000  }
0x3e: {  	[sflag:s30] =	ssyncset.done $0x0  }
0x3f: {  	s11 =	simm.s32 $0x300;
	[sflag:s30] =	ssyncadd.s32 $0xFFFFE000  }
0x40: {  	[tilespmem:s17], [sflag:$0x1] =	stream.indirect.gather [hbm4b:s5+s16], $0x40, s11, s16, $0xb8;
	[tilespmem:$0x1AA60] =	vst v63  }
0x41: {  	_ =	swait.ge [sflag:s31], $0x2000  }
0x42: {  	[sflag:s31] =	ssyncset.done $0x0  }
0x43: {  	s15 =	simm.s32 $0x2810;
	[sflag:s31] =	ssyncadd.s32 $0xFFFFE000  }
0x44: {  	[spmem:s3] =	stream.indirect.scatter.add.f32 [tilespmem:s20], [sflag:$0x9], $0x40, s15, s16, $0xb8;
	[tilespmem:$0x1AA60] =	vst v63  }
0x45: {  	_ =	swait.ge [sflag:s1], $0x2000  }
0x46: {  	[sflag:s1] =	ssyncset.done $0x0  }
0x47: {  	s11 =	simm.s32 $0x380;
	[sflag:s1] =	ssyncadd.s32 $0xFFFFE000  }
0x48: {  	[tilespmem:s18], [sflag:$0x2] =	stream.indirect.gather [hbm4b:s5+s16], $0x40, s11, s16, $0xb8;
	[tilespmem:$0x1AA60] =	vst v63  }
0x49: {  	_ =	swait.ge [sflag:s0], $0x2000  }
0x4a: {  	[sflag:s0] =	ssyncset.done $0x0  }
0x4b: {  	s15 =	simm.s32 $0x2890;
	[sflag:s0] =	ssyncadd.s32 $0xFFFFE000  }
0x4c: {  	[spmem:s3] =	stream.indirect.scatter.add.f32 [tilespmem:s22], [sflag:$0xA], $0x40, s15, s16, $0xb8;
	[tilespmem:$0x1AA60] =	vst v63  }
0x4d: {  	_ =	swait.ge [sflag:s19], $0x2000  }
0x4e: {  	[sflag:s19] =	ssyncset.done $0x0  }
0x4f: {  	s11 =	simm.s32 $0x400;
	[sflag:s19] =	ssyncadd.s32 $0xFFFFE000  }
0x50: {  	[tilespmem:s20], [sflag:$0x3] =	stream.indirect.gather [hbm4b:s5+s16], $0x40, s11, s16, $0xb8;
	[tilespmem:$0x1AA60] =	vst v63  }
0x51: {  	_ =	swait.ge [sflag:s21], $0x2000  }
0x52: {  	[sflag:s21] =	ssyncset.done $0x0  }
0x53: {  	s15 =	simm.s32 $0x2910;
	[sflag:s21] =	ssyncadd.s32 $0xFFFFE000  }
0x54: {  	[spmem:s3] =	stream.indirect.scatter.add.f32 [tilespmem:s24], [sflag:$0xB], $0x40, s15, s16, $0xb8;
	[tilespmem:$0x1AA60] =	vst v63  }
0x55: {  	_ =	swait.ge [sflag:s23], $0x2000  }
0x56: {  	[sflag:s23] =	ssyncset.done $0x0  }
0x57: {  	s11 =	simm.s32 $0x480;
	[sflag:s23] =	ssyncadd.s32 $0xFFFFE000  }
0x58: {  	[tilespmem:s22], [sflag:$0x4] =	stream.indirect.gather [hbm4b:s5+s16], $0x40, s11, s16, $0xb8;
	[tilespmem:$0x1AA60] =	vst v63  }
0x59: {  	_ =	swait.ge [sflag:s26], $0x2000  }
0x5a: {  	[sflag:s26] =	ssyncset.done $0x0  }
0x5b: {  	s15 =	simm.s32 $0x2990;
	[sflag:s26] =	ssyncadd.s32 $0xFFFFE000  }
0x5c: {  	[spmem:s3] =	stream.indirect.scatter.add.f32 [tilespmem:s28], [sflag:$0xC], $0x40, s15, s16, $0xb8;
	[tilespmem:$0x1AA60] =	vst v63  }
0x5d: {  	_ =	swait.ge [sflag:s2], $0x2000  }
0x5e: {  	[sflag:s2] =	ssyncset.done $0x0  }
0x5f: {  	s11 =	simm.s32 $0x500;
	[sflag:s2] =	ssyncadd.s32 $0xFFFFE000  }
0x60: {  	[tilespmem:s24], [sflag:$0x5] =	stream.indirect.gather [hbm4b:s5+s16], $0x40, s11, s16, $0xb8;
	[tilespmem:$0x1AA60] =	vst v63  }
0x61: {  	_ =	swait.ge [sflag:s25], $0x2000  }
0x62: {  	[sflag:s25] =	ssyncset.done $0x0  }
0x63: {  	s15 =	simm.s32 $0x2A10;
	[sflag:s25] =	ssyncadd.s32 $0xFFFFE000  }
0x64: {  	[spmem:s3] =	stream.indirect.scatter.add.f32 [tilespmem:s17], [sflag:$0x7], $0x40, s15, s16, $0xb8;
	[tilespmem:$0x1AA60] =	vst v63  }
0x65: {  	_ =	swait.ge [sflag:s7], $0x2000  }
0x66: {  	[sflag:s7] =	ssyncset.done $0x0  }
0x67: {  	s10 =	simm.s32 $0xC00;
	s11 =	simm.s32 $0x580;
	[sflag:s7] =	ssyncadd.s32 $0xFFFFE000  }
.LBB2_2:
0x68: {  	[tilespmem:s28], [sflag:$0x6] =	stream.indirect.gather [hbm4b:s5+s16], $0x40, s11, s16, $0xb8;
	[tilespmem:$0x1AA60] =	vst v63  }
0x69: {  	s11 =	smov.u32 s10  }
0x6a: {  	p1 =	sne.s32 s10, $0x8400;
	s10 =	sadd.s32 $0xC00, s10;
	_ =	swait.ge [sflag:s29], $0x2000  }
0x6b: {  	s11 =	sshra.s32 s11, $0x2;
	[sflag:s29] =	ssyncset.done $0x0  }
0x6c: {  	s15 =	sadd.s32 $0x2790, s11;
	[sflag:s29] =	ssyncadd.s32 $0xFFFFE000  }
0x6d: {  	[spmem:s3] =	stream.indirect.scatter.add.f32 [tilespmem:s18], [sflag:$0x8], $0x40, s15, s16, $0xb8;
	[tilespmem:$0x1AA60] =	vst v63  }
0x6e: {  	_ =	swait.ge [sflag:s30], $0x2000  }
0x6f: {  	[sflag:s30] =	ssyncset.done $0x0  }
0x70: {  	s15 =	sadd.s32 $0x300, s11;
	[sflag:s30] =	ssyncadd.s32 $0xFFFFE000  }
0x71: {  	[tilespmem:s17], [sflag:$0x1] =	stream.indirect.gather [hbm4b:s5+s16], $0x40, s15, s16, $0xb8;
	[tilespmem:$0x1AA60] =	vst v63  }
0x72: {  	_ =	swait.ge [sflag:s31], $0x2000  }
0x73: {  	[sflag:s31] =	ssyncset.done $0x0  }
0x74: {  	s15 =	sadd.s32 $0x2810, s11;
	[sflag:s31] =	ssyncadd.s32 $0xFFFFE000  }
0x75: {  	[spmem:s3] =	stream.indirect.scatter.add.f32 [tilespmem:s20], [sflag:$0x9], $0x40, s15, s16, $0xb8;
	[tilespmem:$0x1AA60] =	vst v63  }
0x76: {  	_ =	swait.ge [sflag:s1], $0x2000  }
0x77: {  	[sflag:s1] =	ssyncset.done $0x0  }
0x78: {  	s15 =	sadd.s32 $0x380, s11;
	[sflag:s1] =	ssyncadd.s32 $0xFFFFE000  }
0x79: {  	[tilespmem:s18], [sflag:$0x2] =	stream.indirect.gather [hbm4b:s5+s16], $0x40, s15, s16, $0xb8;
	[tilespmem:$0x1AA60] =	vst v63  }
0x7a: {  	_ =	swait.ge [sflag:s0], $0x2000  }
0x7b: {  	[sflag:s0] =	ssyncset.done $0x0  }
0x7c: {  	s15 =	sadd.s32 $0x2890, s11;
	[sflag:s0] =	ssyncadd.s32 $0xFFFFE000  }
0x7d: {  	[spmem:s3] =	stream.indirect.scatter.add.f32 [tilespmem:s22], [sflag:$0xA], $0x40, s15, s16, $0xb8;
	[tilespmem:$0x1AA60] =	vst v63  }
0x7e: {  	_ =	swait.ge [sflag:s19], $0x2000  }
0x7f: {  	[sflag:s19] =	ssyncset.done $0x0  }
0x80: {  	s15 =	sadd.s32 $0x400, s11;
	[sflag:s19] =	ssyncadd.s32 $0xFFFFE000  }
0x81: {  	[tilespmem:s20], [sflag:$0x3] =	stream.indirect.gather [hbm4b:s5+s16], $0x40, s15, s16, $0xb8;
	[tilespmem:$0x1AA60] =	vst v63  }
0x82: {  	_ =	swait.ge [sflag:s21], $0x2000  }
0x83: {  	[sflag:s21] =	ssyncset.done $0x0  }
0x84: {  	s15 =	sadd.s32 $0x2910, s11;
	[sflag:s21] =	ssyncadd.s32 $0xFFFFE000  }
0x85: {  	[spmem:s3] =	stream.indirect.scatter.add.f32 [tilespmem:s24], [sflag:$0xB], $0x40, s15, s16, $0xb8;
	[tilespmem:$0x1AA60] =	vst v63  }
0x86: {  	_ =	swait.ge [sflag:s23], $0x2000  }
0x87: {  	[sflag:s23] =	ssyncset.done $0x0  }
0x88: {  	s15 =	sadd.s32 $0x480, s11;
	[sflag:s23] =	ssyncadd.s32 $0xFFFFE000  }
0x89: {  	[tilespmem:s22], [sflag:$0x4] =	stream.indirect.gather [hbm4b:s5+s16], $0x40, s15, s16, $0xb8;
	[tilespmem:$0x1AA60] =	vst v63  }
0x8a: {  	_ =	swait.ge [sflag:s26], $0x2000  }
0x8b: {  	[sflag:s26] =	ssyncset.done $0x0  }
0x8c: {  	s15 =	sadd.s32 $0x2990, s11;
	[sflag:s26] =	ssyncadd.s32 $0xFFFFE000  }
0x8d: {  	[spmem:s3] =	stream.indirect.scatter.add.f32 [tilespmem:s28], [sflag:$0xC], $0x40, s15, s16, $0xb8;
	[tilespmem:$0x1AA60] =	vst v63  }
0x8e: {  	_ =	swait.ge [sflag:s2], $0x2000  }
0x8f: {  	[sflag:s2] =	ssyncset.done $0x0  }
0x90: {  	s15 =	sadd.s32 $0x500, s11;
	[sflag:s2] =	ssyncadd.s32 $0xFFFFE000  }
0x91: {  	[tilespmem:s24], [sflag:$0x5] =	stream.indirect.gather [hbm4b:s5+s16], $0x40, s15, s16, $0xb8;
	[tilespmem:$0x1AA60] =	vst v63  }
0x92: {  	_ =	swait.ge [sflag:s25], $0x2000  }
0x93: {  	[sflag:s25] =	ssyncset.done $0x0  }
.Ltmp0:
0x94: {  	s15 =	sadd.s32 $0x2A10, s11;
	[sflag:s25] =	ssyncadd.s32 $0xFFFFE000;
	(pc) =	sbr.rel @p1 .LBB2_2-.Ltmp0, $4  }
0x95: {  	[spmem:s3] =	stream.indirect.scatter.add.f32 [tilespmem:s17], [sflag:$0x7], $0x40, s15, s16, $0xb8;
	[tilespmem:$0x1AA60] =	vst v63  }
0x96: {  	_ =	swait.ge [sflag:s7], $0x2000  }
0x97: {  	[sflag:s7] =	ssyncset.done $0x0  }
0x98: {  	s11 =	sadd.s32 $0x580, s11;
	[sflag:s7] =	ssyncadd.s32 $0xFFFFE000  }
0x99: {  	[tilespmem:s28], [sflag:$0x6] =	stream.indirect.gather [hbm4b:s5+s16], $0x40, s11, s16, $0xb8;
	[tilespmem:$0x1AA60] =	vst v63  }
0x9a: {  	_ =	swait.ge [sflag:s29], $0x2000  }
0x9b: {  	[sflag:s29] =	ssyncset.done $0x0  }
0x9c: {  	s10 =	simm.s32 $0x4B90;
	[sflag:s29] =	ssyncadd.s32 $0xFFFFE000  }
0x9d: {  	[spmem:s3] =	stream.indirect.scatter.add.f32 [tilespmem:s18], [sflag:$0x8], $0x40, s10, s16, $0xb8;
	[tilespmem:$0x1AA60] =	vst v63  }
0x9e: {  	_ =	swait.ge [sflag:s30], $0x2000  }
0x9f: {  	[sflag:s30] =	ssyncset.done $0x0  }
0xa0: {  	[sflag:s30] =	ssyncadd.s32 $0xFFFFE000  }
0xa1: {  	_ =	swait.ge [sflag:s31], $0x2000  }
0xa2: {  	[sflag:s31] =	ssyncset.done $0x0  }
0xa3: {  	s11 =	simm.s32 $0x4C10;
	[sflag:s31] =	ssyncadd.s32 $0xFFFFE000  }
0xa4: {  	[spmem:s3] =	stream.indirect.scatter.add.f32 [tilespmem:s20], [sflag:$0x9], $0x40, s11, s16, $0xb8;
	[tilespmem:$0x1AA60] =	vst v63  }
0xa5: {  	_ =	swait.ge [sflag:s1], $0x2000  }
0xa6: {  	[sflag:s1] =	ssyncset.done $0x0  }
0xa7: {  	[sflag:s1] =	ssyncadd.s32 $0xFFFFE000  }
0xa8: {  	_ =	swait.ge [sflag:s0], $0x2000  }
0xa9: {  	[sflag:s0] =	ssyncset.done $0x0  }
0xaa: {  	s15 =	simm.s32 $0x4C90;
	[sflag:s0] =	ssyncadd.s32 $0xFFFFE000  }
0xab: {  	[spmem:s3] =	stream.indirect.scatter.add.f32 [tilespmem:s22], [sflag:$0xA], $0x40, s15, s16, $0xb8;
	[tilespmem:$0x1AA60] =	vst v63  }
0xac: {  	_ =	swait.ge [sflag:s19], $0x2000  }
0xad: {  	[sflag:s19] =	ssyncset.done $0x0  }
0xae: {  	[sflag:s19] =	ssyncadd.s32 $0xFFFFE000  }
0xaf: {  	_ =	swait.ge [sflag:s21], $0x2000  }
0xb0: {  	[sflag:s21] =	ssyncset.done $0x0  }
0xb1: {  	s11 =	simm.s32 $0x4D10;
	[sflag:s21] =	ssyncadd.s32 $0xFFFFE000  }
0xb2: {  	[spmem:s3] =	stream.indirect.scatter.add.f32 [tilespmem:s24], [sflag:$0xB], $0x40, s11, s16, $0xb8;
	[tilespmem:$0x1AA60] =	vst v63  }
0xb3: {  	_ =	swait.ge [sflag:s23], $0x2000  }
0xb4: {  	[sflag:s23] =	ssyncset.done $0x0  }
0xb5: {  	[sflag:s23] =	ssyncadd.s32 $0xFFFFE000  }
0xb6: {  	_ =	swait.ge [sflag:s26], $0x2000  }
0xb7: {  	[sflag:s26] =	ssyncset.done $0x0  }
0xb8: {  	s15 =	simm.s32 $0x4D90;
	[sflag:s26] =	ssyncadd.s32 $0xFFFFE000  }
0xb9: {  	[spmem:s3] =	stream.indirect.scatter.add.f32 [tilespmem:s28], [sflag:$0xC], $0x40, s15, s16, $0xb8;
	[tilespmem:$0x1AA60] =	vst v63  }
0xba: {  	_ =	swait.ge [sflag:s2], $0x2000  }
0xbb: {  	[sflag:s2] =	ssyncset.done $0x0  }
0xbc: {  	[sflag:s2] =	ssyncadd.s32 $0xFFFFE000  }
0xbd: {  	_ =	swait.ge [sflag:s7], $0x2000  }
0xbe: {  	[sflag:s7] =	ssyncset.done $0x0  }
0xbf: {  	s11 =	simm.s32 $0x2700;
	[sflag:s7] =	ssyncadd.s32 $0xFFFFE000  }
0xc0: {  	[tilespmem:s17], [sflag:$0x1] =	stream.indirect.gather [hbm4b:s5+s8], $0x40, s11, s8, $0xb8;
	[tilespmem:$0x1AA60] =	vst v63  }
0xc1: {  	_ =	swait.ge [sflag:s25], $0x400  }
0xc2: {  	[sflag:s25] =	ssyncset.done $0x0  }
0xc3: {  	s15 =	simm.s32 $0x4E10;
	[sflag:s25] =	ssyncadd.s32 $0xFFFFFC00  }
0xc4: {  	[spmem:s3] =	stream.indirect.scatter.add.f32 [tilespmem:s17], [sflag:$0xD], $0x40, s15, s8, $0xb8;
	[tilespmem:$0x1AA60] =	vst v63  }
0xc5: {  	_ =	swait.ge [sflag:s13], $0x400  }
0xc6: {  	[sflag:s13] =	ssyncset.done $0x0  }
0xc7: {  	[sflag:s13] =	ssyncadd.s32 $0xFFFFFC00  }
0xc8: {  	[bflag:$0x0] =	sbarrier.arrive $0xFFFF  }
0xc9: {  	s11 =	rddreg [dreg:$0x6]  }
0xca: {  	[hbm:s11], [sflag:s6] =	dma.local [spmem:s12], $0x1380  }
0xcb: {  	_ =	swait.ge [sflag:s13], $0x1380  }
0xcc: {  	[sflag:s13] =	ssyncset.done $0x0  }
0xcd: {  	s10 =	rddreg [dreg:$0x7];
	[sflag:s13] =	ssyncadd.s32 $0xFFFFEC80  }
0xce: {  	[hbm:s10], [sflag:s6] =	dma.local @!p0 [spmem:s14], $0x80  }
0xcf: {  	s10 =	simm.s32 @!p0 $0xD  }
0xd0: {  	_ =	swait.ge @!p0 [sflag:s10], $0x80  }
0xd1: {  	s9 =	sadd.s32 $0x1, s9;
	s15 =	rddreg [dreg:$0x8]  }
0xd2: {  	p1 =	sne.s32 s9, s15  }
.Ltmp1:
0xd3: {  	_ = 	snop;
	(pc) =	sbr.rel @p1 .LBB2_1-.Ltmp1, $3  }
0xd4: {  	_ =	sdelay $0x1  }
0xd5: {  	[sflag:s10] =	ssyncset.done @!p0 $0x0  }
0xd6: {  	[sflag:s10] =	ssyncadd.s32 @!p0 $0xFFFFFF80  }
0xd7: {  	_ =	sfence.sel $0x180000  }
0xd8: {  	[bflag:$0x0] =	sbarrier.arrive $0xFFFF  }
0xd9: {  	_ =	strace $0x9000004A  }
0xda: {  	s0 =	stileid.u32;
	[bflag:$0x2] =	sbarrier.arrive $0xFFFF  }
0xdb: {  	p0 =	sne.s32 s0, $0x0;
	s0 =	rddreg [dreg:$0x3]  }
0xdc: {  	s0 =	sadd.s32 @!p0 $0x100000, s0  }
0xdd: {  	[sflag:s0] =	ssyncadd.tile.s32 @!p0 $0x1;
	_ =	shalt  }
.Lfunc_end2:
_tile_overlayer_lowered:
.L_overlay_start_2:
0xde: {  	(tag) =	ssettag $0x2  }
0xdf: {  	s0 =	rddreg [dreg:$0x0];
	s2 =	stileid.u32  }
0xe0: {  	s1 =	rddreg [dreg:$0x1];
	p0 =	sne.s32 s2, $0x0  }
0xe1: {  	s3 =	rddreg [dreg:$0x2];
	[bflag:$0x3] =	sbarrier.arrive $0xFFFF;
	s2 =	simm.s32 @!p0 $0x1C0D  }
0xe2: {  	[timem:s3], [sflag:s2] =	dma.local @!p0 [hbm:s0], s1  }
0xe3: {  	s0 =	simm.s32 @!p0 $0xD  }
0xe4: {  	_ =	swait.ge @!p0 [sflag:s0], s1  }
0xe5: {  	s1 =	ssub.s32 @!p0 $0x0, s1;
	[sflag:s0] =	ssyncset.done @!p0 $0x0  }
0xe6: {  	[sflag:s0] =	ssyncadd.s32 @!p0 s1  }
0xe7: {  	[bflag:$0x3] =	sbarrier.arrive $0xFFFF  }
0xe8: {  	_ =	shalt  }

// kernel: kernel.19.cloned.1.call-start
scs
__scs_entry_jumppad:
0x0: {  	(pc) =	sbr.rel $0x88, $3  }
0x1: {  	(tag) =	ssettag $0x0;
	lr =	simm.s32 $0x1  }
0x2: {  	[smem:$0x3F9B] =	sst lr;
	_ =	strace $0xD0000000  }
0x3: {  	_ = 	snop  }
0x4: {  	_ = 	snop  }
0x5: {  	_ = 	snop  }
0x6: {  	_ = 	snop  }
0x7: {  	_ = 	snop  }
__scs_overlays_trampoline_lowered:
0x8: {  	[smem:$0x3FAA] =	sst s0  }
0x9: {  	[smem:$0x3FAB] =	sst s1  }
0xa: {  	[smem:$0x3FAC] =	sst s2  }
0xb: {  	[smem:$0x3FAD] =	sst s3  }
0xc: {  	[smem:$0x3FAE] =	sst s4  }
0xd: {  	[smem:$0x3FAF] =	sst s5  }
0xe: {  	[smem:$0x3FB0] =	sst s6  }
0xf: {  	[smem:$0x3FB1] =	sst s7  }
0x10: {  	[smem:$0x3FB2] =	sst s8  }
0x11: {  	[smem:$0x3FB3] =	sst s9;
	s0 =	simm.s32 @!p0 $0x0  }
0x12: {  	s1 =	sld [smem:$0x3F99];
	s0 =	simm.s32 @p0 $0x1  }
0x13: {  	[smem:$0x3FB4] =	sst s0;
	s0 =	simm.s32 @!p1 $0x0  }
0x14: {  	s2 =	sld [smem:$0x3F98];
	s0 =	simm.s32 @p1 $0x1  }
0x15: {  	[smem:$0x3FB5] =	sst s0;
	s0 =	simm.s32 @!p2 $0x0  }
0x16: {  	s3 =	sld [smem:$0x3FDB];
	s0 =	simm.s32 @p2 $0x1  }
0x17: {  	s4 =	simm.s32 $0x1BF5;
	[smem:$0x3FB7] =	sst s0  }
0x18: {  	s0 =	sld [smem:$0x3F9A];
	_ =	swait.ge [sflag:s4], $0x0  }
0x19: {  	s7 =	sld [smem:$0x3F9B]  }
0x1a: {  	s8 =	sadd.s32 $0xFFFFE003, lr  }
0x1b: {  	s9 =	sadd.s32 $0xFFFFFEF7, lr;
	s5 =	simm.s32 $0xFFFFFFFF;
	p2 =	slt.u32 s8, $0xFFFFF086  }
0x1c: {  	p1 =	slt.u32 s9, $0xF7A;
	s5 =	simm.s32 @!p2 $0x0  }
0x1d: {  	s5 =	simm.s32 @p1 $0x1;
	p0 =	seq.s32 s7, s2  }
0x1e: {  	s7 =	smul.u32 @!p0 $0xF7A, s2;
	p2 =	seq.s32 @!p0 s5, $0x0  }
0x1f: {  	s9 =	smul.u32 $0xF7A, s1;
	s8 =	simm.s32 @!p0 $0x1BF5;
	p2 =	por !p2, p0  }
0x20: {  	[sflag:s8] =	ssyncset.s32 @!p0 $0xFFFFF086;
	s6 =	sadd.s32 @!p0 s3, s7;
	s7 =	simm.s32 @!p0 $0x108  }
0x21: {  	s3 =	sadd.s32 s3, s9;
	s6 =	sadd.s32 @!p0 $0x88, s6;
	s7 =	simm.s32 @p2 $0x1082  }
0x22: {  	[simem:s7], [sflag:s8] =	dma.local @!p0 [hbm:s6], $0xF7A  }
0x23: {  	s9 =	sor.u32 $0xD0000000, s2;
	s6 =	simm.s32 $0x108;
	_ =	swait.ge @!p0 [sflag:s8], $0x0  }
0x24: {  	s3 =	sadd.s32 $0x88, s3;
	s6 =	simm.s32 @!p1 $0x1082;
	[sflag:s4] =	ssyncset.s32 $0xFFFFF086  }
0x25: {  	[simem:s6], [sflag:s4] =	dma.local [hbm:s3], $0xF7A  }
0x26: {  	[smem:$0x3F9B] =	sst s1;
	(tag) =	ssettag s2;
	_ =	strace s9  }
0x27: {  	s1 =	sld [smem:$0x3FAB]  }
0x28: {  	s2 =	sld [smem:$0x3FAC]  }
0x29: {  	s4 =	sld [smem:$0x3FAE]  }
0x2a: {  	p0 =	seq.s32 s5, $0x0;
	s5 =	sld [smem:$0x3FAF]  }
0x2b: {  	s6 =	sld [smem:$0x3FB0]  }
0x2c: {  	s7 =	sld [smem:$0x3FB1]  }
0x2d: {  	s3 =	simm.s32 $0x108;
	s8 =	sld [smem:$0x3FB2]  }
0x2e: {  	s3 =	simm.s32 @!p0 $0x1082;
	s9 =	sld [smem:$0x3FB3]  }
0x2f: {  	lr =	sadd.s32 s0, s3;
	s0 =	sld [smem:$0x3FAA]  }
0x30: {  	s3 =	sld [smem:$0x3FAD]  }
0x31: {  	[smem:$0x3FB6] =	sst s10  }
0x32: {  	s10 =	sld [smem:$0x3FB4];
	_ =	sdelay $0x3  }
0x33: {  	p0 =	seq.s32 s10, $0x1;
	s10 =	sld [smem:$0x3FB6];
	_ =	sdelay $0x3  }
0x34: {  	[smem:$0x3FB6] =	sst s10  }
0x35: {  	s10 =	sld [smem:$0x3FB5];
	_ =	sdelay $0x3  }
0x36: {  	p1 =	seq.s32 s10, $0x1;
	s10 =	sld [smem:$0x3FB6];
	_ =	sdelay $0x3  }
0x37: {  	[smem:$0x3FB6] =	sst s10  }
0x38: {  	s10 =	sld [smem:$0x3FB7]  }
0x39: {  	_ = 	snop;
	(pc) =	sbr.ind lr, $3  }
0x3a: {  	_ = 	snop  }
0x3b: {  	_ = 	snop  }
0x3c: {  	p2 =	seq.s32 s10, $0x1;
	s10 =	sld [smem:$0x3FB6]  }
0x3d: {  	_ =	shalt  }
0x3e: {  	_ =	shalt  }
0x3f: {  	_ =	shalt  }
0x40: {  	_ =	shalt  }
0x41: {  	_ =	shalt  }
0x42: {  	_ =	shalt  }
0x43: {  	_ =	shalt  }
0x44: {  	_ =	shalt  }
0x45: {  	_ =	shalt  }
0x46: {  	_ =	shalt  }
0x47: {  	_ =	shalt  }
0x48: {  	_ =	shalt  }
0x49: {  	_ =	shalt  }
0x4a: {  	_ =	shalt  }
0x4b: {  	_ =	shalt  }
0x4c: {  	_ =	shalt  }
0x4d: {  	_ =	shalt  }
0x4e: {  	_ =	shalt  }
0x4f: {  	_ =	shalt  }
0x50: {  	_ =	shalt  }
0x51: {  	_ =	shalt  }
0x52: {  	_ =	shalt  }
0x53: {  	_ =	shalt  }
0x54: {  	_ =	shalt  }
0x55: {  	_ =	shalt  }
0x56: {  	_ =	shalt  }
0x57: {  	_ =	shalt  }
0x58: {  	_ =	shalt  }
0x59: {  	_ =	shalt  }
0x5a: {  	_ =	shalt  }
0x5b: {  	_ =	shalt  }
0x5c: {  	_ =	shalt  }
0x5d: {  	_ =	shalt  }
0x5e: {  	_ =	shalt  }
0x5f: {  	_ =	shalt  }
0x60: {  	_ =	shalt  }
0x61: {  	_ =	shalt  }
0x62: {  	_ =	shalt  }
0x63: {  	_ =	shalt  }
0x64: {  	_ =	shalt  }
0x65: {  	_ =	shalt  }
0x66: {  	_ =	shalt  }
0x67: {  	_ =	shalt  }
0x68: {  	_ =	shalt  }
0x69: {  	_ =	shalt  }
0x6a: {  	_ =	shalt  }
0x6b: {  	_ =	shalt  }
0x6c: {  	_ =	shalt  }
0x6d: {  	_ =	shalt  }
0x6e: {  	_ =	shalt  }
0x6f: {  	_ =	shalt  }
0x70: {  	_ =	shalt  }
0x71: {  	_ =	shalt  }
0x72: {  	_ =	shalt  }
0x73: {  	_ =	shalt  }
0x74: {  	_ =	shalt  }
0x75: {  	_ =	shalt  }
0x76: {  	_ =	shalt  }
0x77: {  	_ =	shalt  }
0x78: {  	_ =	shalt  }
0x79: {  	_ =	shalt  }
0x7a: {  	_ =	shalt  }
0x7b: {  	_ =	shalt  }
0x7c: {  	_ =	shalt  }
0x7d: {  	_ =	shalt  }
0x7e: {  	_ =	shalt  }
0x7f: {  	_ =	shalt  }
0x80: {  	_ =	shalt  }
0x81: {  	_ =	shalt  }
0x82: {  	_ =	shalt  }
0x83: {  	_ =	shalt  }
0x84: {  	_ =	shalt  }
0x85: {  	_ =	shalt  }
0x86: {  	_ =	shalt  }
0x87: {  	_ =	shalt  }
.Lfunc_end0:
.L_simem_size_0:
called_computation.3_lowered:
.L_overlay_start_0:
0x88: {  	s2 =	sld [smem:$0x3FD9]  }
0x89: {  	s3 =	sld [smem:$0x3FFE];
	_ =	sdelay $0x1  }
0x8a: {  	s1 =	srdreg.scid  }
0x8b: {  	s0 =	sand.u32 $0x1, s1  }
0x8c: {  	s17 =	sshll.u32 s0, $0xA;
	s2 =	sadd.s32 s3, s2  }
0x8d: {  	s2 =	sadd.s32 s2, s17  }
0x8e: {  	[smem:$0x3FC2] =	sst s2  }
0x8f: {  	_ = 	snop  }
0x90: {  	s2 =	sld [smem:$0x3FD0];
	(tm) =	ssettm $0x1  }
0x91: {  	s18 =	sld [smem:$0x3FFB];
	_ =	sdelay $0x3  }
0x92: {  	_ =	strace s18  }
0x93: {  	s3 =	sld [smem:$0x3FFC];
	_ =	sdelay $0x3  }
0x94: {  	_ =	strace s3  }
0x95: {  	s3 =	sld [smem:$0x3FFD];
	_ =	sdelay $0x3  }
0x96: {  	_ =	strace s3  }
0x97: {  	_ =	strace $0x8FFFFFFF  }
0x98: {  	s19 =	sld [smem:$0x3FDB];
	_ =	sdelay $0x1  }
0x99: {  	s4 =	simm.s32 $_scs_section_size  }
0x9a: {  	s5 =	simm.s32 $_size__tile_overlayer_lowered;
	s6 =	simm.s32 $_tile_overlayer_lowered  }
0x9b: {  	s22 =	simm.s32 $0x1BFF;
	s21 =	sshll.u32 s6, $0x1;
	s3 =	sadd.s32 s4, s19  }
0x9c: {  	s7 =	simm.s32 $0x0;
	s20 =	sshll.u32 s5, $0x1;
	s5 =	sadd.s32 s21, s3  }
0x9d: {  	[timem:s7], [sflag:s22] =	dma.local [hbm:s5], s20  }
0x9e: {  	_ =	swait.ge [sflag:s22], s20  }
0x9f: {  	s4 =	ssub.s32 $0x0, s20;
	[sflag:s22] =	ssyncset.done $0x0  }
0xa0: {  	[sflag:s22] =	ssyncadd.s32 s4;
	_ =	sdelay $0x1  }
0xa1: {  	s23 =	simm.s32 $0x1B8B  }
0xa2: {  	_ =	swait.ge [sflag:s23], $0x1  }
0xa3: {  	[sflag:s23] =	ssyncset.done $0x0  }
0xa4: {  	s25 =	simm.s32 $0x1B8E;
	s24 =	sld [smem:$0x3FFE];
	[sflag:s23] =	ssyncadd.s32 $0xFFFFFFFF  }
0xa5: {  	s26 =	simm.s32 $execute0_lowered;
	[smem:$0x3FD2] =	sst s25  }
0xa6: {  	s5 =	sshll.u32 s26, $0x1;
	_ =	strace $0x8000004F;
	[dreg:$0x1] =	wrdreg $0xFFFFFFFF  }
0xa7: {  	s28 =	simm.s32 $_size_execute0_lowered;
	s3 =	sadd.s32 s3, s5;
	[dreg:$0x0] =	wrdreg $0x0  }
0xa8: {  	s5 =	sshll.u32 s28, $0x1;
	[dreg:$0x2] =	wrdreg s3  }
0xa9: {  	[dreg:$0x3] =	wrdreg s5  }
0xaa: {  	[dreg:$0x4] =	wrdreg $0xC0  }
0xab: {  	_ =	task [dreg:s7], $0x5FFFF  }
0xac: {  	[dreg:$0x1] =	wrdreg $0xFFFFFFFF  }
0xad: {  	[dreg:$0x0] =	wrdreg $0x60  }
0xae: {  	[dreg:$0x2] =	wrdreg s24  }
0xaf: {  	[dreg:$0x3] =	wrdreg s2  }
0xb0: {  	[dreg:$0x4] =	wrdreg $0x10E200  }
0xb1: {  	[dreg:$0x5] =	wrdreg $0x9  }
0xb2: {  	_ =	task.clear_ibuf [dreg:s7], $0x6FFFF;
	_ =	strace $0x9000004F  }
0xb3: {  	s29 =	simm.s32 $0x9;
	_ =	strace $0x80000051  }
0xb4: {  	_ =	swait.ge [sflag:s29], $0x1  }
0xb5: {  	[sflag:s29] =	ssyncadd.s32 $0xFFFFFFFF  }
0xb6: {  	_ =	strace $0x90000051  }
0xb7: {  	_ =	sfence  }
0xb8: {  	s30 =	sld [smem:$0x0];
	_ =	sdelay $0x2  }
0xb9: {  	s31 =	sshll.u32 s1, $0xD;
	s1 =	sshrl.u32 s1, $0x2  }
0xba: {  	s3 =	sand.u32 $0x4000, s31;
	s1 =	sadd.s32 s1, s30  }
0xbb: {  	s0 =	sor.u32 s3, s0;
	s1 =	sshll.u32 s1, $0x11  }
0xbc: {  	s0 =	sor.u32 s1, s0  }
0xbd: {  	s0 =	sadd.s32 $0x8F2B, s0  }
0xbe: {  	[sflag:s0] =	ssyncadd.remote.s32 $0x1  }
0xbf: {  	_ =	sfence.sel $0xFFFF  }
0xc0: {  	[dreg:$0x0] =	wrdreg $0xFFFFFFFF;
	(pc) =	sbr.abs _section_cstart, $3  }
0xc1: {  	[dreg:$0x1] =	wrdreg $0xFFFFFFFF  }
0xc2: {  	_ =	task.clear_ibuf [dreg:s7], $0x2FFFF;
	_ =	strace $0x9FFFFFFF  }
0xc3: {  	(tm) =	ssettm $0x7FFFFFFF  }
tec
execute0_lowered:
.L_overlay_start_1:
0x0: {  	(tag) =	ssettag $0x1  }
0x1: {  	s0 =	rddreg [dreg:$0x0];
	s1 =	srdreg.scid  }
0x2: {  	s12 =	stileid.u32;
	s3 =	rddreg [dreg:$0x2];
	s4 =	simm.s32 $0x0  }
0x3: {  	s16 =	simm.s32 $0x80;
	s17 =	simm.s32 $0x4E20;
	s18 =	simm.s32 $0x6E20  }
0x4: {  	s20 =	simm.s32 $0x8E20;
	s22 =	simm.s32 $0xAE20;
	s28 =	simm.s32 $0xEE20  }
0x5: {  	s29 =	simm.s32 $0x2;
	s30 =	simm.s32 $0x7;
	s31 =	simm.s32 $0x3  }
0x6: {  	s19 =	simm.s32 $0x9;
	s21 =	simm.s32 $0x5;
	s1 =	sand.u32 $0x1, s1  }
0x7: {  	s2 =	sshll.u32 s12, $0x1;
	[smem:$0x7FF] =	sst s4;
	s7 =	smul.u32 $0x1380, s12  }
0x8: {  	s5 =	sadd.s32 $0x15C00, s0;
	s9 =	smul.u32 $0x27000, s12;
	s24 =	sshll.u32 s12, $0x6  }
0x9: {  	p0 =	sne.s32 s12, $0xF;
	s2 =	sor.u32 s1, s2;
	s10 =	smul.u32 $0x13880, s1  }
0xa: {  	_ =	strace $0x80000050;
	s6 =	ssub.s32 $0x2, s1;
	s1 =	smul.u32 $0x9C400, s1  }
0xb: {  	s2 =	smul.u32 $0x2710, s2;
	s8 =	sshrl.u32 s6, $0x1;
	s23 =	sshrl.u32 s9, $0x2  }
0xc: {  	s9 =	sadd.s32 $0x9C000, s3;
	s8 =	ssub.s32 s6, s8;
	s11 =	sadd.s32 s23, s3  }
0xd: {  	s6 =	sor.u32 $0x1C0D, s24;
	s7 =	sadd.s32 s7, s10;
	s1 =	sshrl.u32 s1, $0x3  }
0xe: {  	s14 =	sshrl.u32 @!p0 s9, $0x3;
	s24 =	simm.s32 $0xCE20;
	s23 =	simm.s32 $0xA  }
0xf: {  	s9 =	simm.s32 $0x0;
	s2 =	sshrl.u32 s2, $0x3;
	s26 =	smax.u32 s8, $0x1  }
0x10: {  	s12 =	sshrl.u32 s11, $0x3;
	s8 =	simm.s32 $0x10;
	s2 =	sadd.s32 s2, s0  }
0x11: {  	s0 =	sadd.s32 $0x29600, s0;
	[dreg:$0x8] =	wrdreg s26;
	s13 =	sadd.s32 $0x2200, s2  }
0x12: {  	s26 =	simm.s32 $0x6;
	s2 =	sadd.s32 $0xBE40, s2;
	[dreg:$0x4] =	wrdreg s13  }
0x13: {  	s25 =	sadd.s32 s0, s7;
	s0 =	sadd.s32 s0, s1;
	[dreg:$0x5] =	wrdreg s2  }
0x14: {  	s1 =	simm.s32 $0x8;
	s7 =	simm.s32 $0xC;
	[dreg:$0x6] =	wrdreg s25  }
0x15: {  	s0 =	sadd.s32 $0x13800, s0;
	s13 =	simm.s32 $0xD;
	s25 =	simm.s32 $0x1  }
0x16: {  	s2 =	simm.s32 $0xB;
	[dreg:$0x7] =	wrdreg s0;
	s0 =	simm.s32 $0x4  }
.LBB2_1:
0x17: {  	s10 =	rddreg [dreg:$0x1]  }
0x18: {  	[spmem:s12], [sflag:s6] =	dma.local [hbm:s10], $0x1380  }
0x19: {  	_ =	swait.ge [sflag:s13], $0x1380  }
0x1a: {  	[sflag:s13] =	ssyncset.done $0x0  }
0x1b: {  	[sflag:s13] =	ssyncadd.s32 $0xFFFFEC80  }
0x1c: {  	[spmem:s14], [sflag:s6] =	dma.local @!p0 [hbm:s10], $0x80  }
0x1d: {  	s10 =	simm.s32 @!p0 $0xD  }
0x1e: {  	_ =	swait.ge @!p0 [sflag:s10], $0x80  }
0x1f: {  	[sflag:s10] =	ssyncset.done @!p0 $0x0  }
0x20: {  	s11 =	rddreg [dreg:$0x4];
	[sflag:s10] =	ssyncadd.s32 @!p0 $0xFFFFFF80  }
0x21: {  	[tilespmem:s4], [sflag:$0xD] =	stream.linear.gather [hbm4b:s11+s4], $0x2710, $0x38;
	[tilespmem:$0x1AA60] =	vst v63  }
0x22: {  	_ =	swait.ge [sflag:s13], $0x2710  }
0x23: {  	[sflag:s13] =	ssyncset.done $0x0  }
0x24: {  	s11 =	simm.s32 $0x2710;
	s15 =	rddreg [dreg:$0x5];
	[sflag:s13] =	ssyncadd.s32 $0xFFFFD8F0  }
0x25: {  	[tilespmem:s11], [sflag:$0xD] =	stream.linear.gather [hbm4b:s15+s4], $0x2710, $0x38;
	[tilespmem:$0x1AA60] =	vst v63  }
0x26: {  	_ =	swait.ge [sflag:s13], $0x2710  }
0x27: {  	[sflag:s13] =	ssyncset.done $0x0  }
0x28: {  	[sflag:s13] =	ssyncadd.s32 $0xFFFFD8F0  }
0x29: {  	[bflag:$0x0] =	sbarrier.arrive $0xFFFF  }
0x2a: {  	[tilespmem:s17], [sflag:$0x1] =	stream.indirect.gather [hbm4b:s5+s16], $0x40, s4, s16, $0xb8;
	[tilespmem:$0x1AA60] =	vst v63  }
0x2b: {  	_ = 	snop  }
0x2c: {  	[tilespmem:s18], [sflag:$0x2] =	stream.indirect.gather [hbm4b:s5+s16], $0x40, s16, s16, $0xb8;
	[tilespmem:$0x1AA60] =	vst v63  }
0x2d: {  	s15 =	simm.s32 $0x100  }
0x2e: {  	[tilespmem:s20], [sflag:$0x3] =	stream.indirect.gather [hbm4b:s5+s16], $0x40, s15, s16, $0xb8;
	[tilespmem:$0x1AA60] =	vst v63  }
0x2f: {  	s15 =	simm.s32 $0x180  }
0x30: {  	[tilespmem:s22], [sflag:$0x4] =	stream.indirect.gather [hbm4b:s5+s16], $0x40, s15, s16, $0xb8;
	[tilespmem:$0x1AA60] =	vst v63  }
0x31: {  	s15 =	simm.s32 $0x200  }
0x32: {  	[tilespmem:s24], [sflag:$0x5] =	stream.indirect.gather [hbm4b:s5+s16], $0x40, s15, s16, $0xb8;
	[tilespmem:$0x1AA60] =	vst v63  }
0x33: {  	_ =	swait.ge [sflag:s25], $0x2000  }
0x34: {  	[sflag:s25] =	ssyncset.done $0x0  }
0x35: {  	[sflag:s25] =	ssyncadd.s32 $0xFFFFE000  }
0x36: {  	[spmem:s3] =	stream.indirect.scatter.add.f32 [tilespmem:s17], [sflag:$0x7], $0x40, s11, s16, $0xb8;
	[tilespmem:$0x1AA60] =	vst v63  }
0x37: {  	s11 =	simm.s32 $0x280  }
0x38: {  	[tilespmem:s28], [sflag:$0x6] =	stream.indirect.gather [hbm4b:s5+s16], $0x40, s11, s16, $0xb8;
	[tilespmem:$0x1AA60] =	vst v63  }
0x39: {  	_ =	swait.ge [sflag:s29], $0x2000  }
0x3a: {  	[sflag:s29] =	ssyncset.done $0x0  }
0x3b: {  	s15 =	simm.s32 $0x2790;
	[sflag:s29] =	ssyncadd.s32 $0xFFFFE000  }
0x3c: {  	[spmem:s3] =	stream.indirect.scatter.add.f32 [tilespmem:s18], [sflag:$0x8], $0x40, s15, s16, $0xb8;
	[tilespmem:$0x1AA60] =	vst v63  }
0x3d: {  	_ =	swait.ge [sflag:s30], $0x2000  }
0x3e: {  	[sflag:s30] =	ssyncset.done $0x0  }
0x3f: {  	s11 =	simm.s32 $0x300;
	[sflag:s30] =	ssyncadd.s32 $0xFFFFE000  }
0x40: {  	[tilespmem:s17], [sflag:$0x1] =	stream.indirect.gather [hbm4b:s5+s16], $0x40, s11, s16, $0xb8;
	[tilespmem:$0x1AA60] =	vst v63  }
0x41: {  	_ =	swait.ge [sflag:s31], $0x2000  }
0x42: {  	[sflag:s31] =	ssyncset.done $0x0  }
0x43: {  	s15 =	simm.s32 $0x2810;
	[sflag:s31] =	ssyncadd.s32 $0xFFFFE000  }
0x44: {  	[spmem:s3] =	stream.indirect.scatter.add.f32 [tilespmem:s20], [sflag:$0x9], $0x40, s15, s16, $0xb8;
	[tilespmem:$0x1AA60] =	vst v63  }
0x45: {  	_ =	swait.ge [sflag:s1], $0x2000  }
0x46: {  	[sflag:s1] =	ssyncset.done $0x0  }
0x47: {  	s11 =	simm.s32 $0x380;
	[sflag:s1] =	ssyncadd.s32 $0xFFFFE000  }
0x48: {  	[tilespmem:s18], [sflag:$0x2] =	stream.indirect.gather [hbm4b:s5+s16], $0x40, s11, s16, $0xb8;
	[tilespmem:$0x1AA60] =	vst v63  }
0x49: {  	_ =	swait.ge [sflag:s0], $0x2000  }
0x4a: {  	[sflag:s0] =	ssyncset.done $0x0  }
0x4b: {  	s15 =	simm.s32 $0x2890;
	[sflag:s0] =	ssyncadd.s32 $0xFFFFE000  }
0x4c: {  	[spmem:s3] =	stream.indirect.scatter.add.f32 [tilespmem:s22], [sflag:$0xA], $0x40, s15, s16, $0xb8;
	[tilespmem:$0x1AA60] =	vst v63  }
0x4d: {  	_ =	swait.ge [sflag:s19], $0x2000  }
0x4e: {  	[sflag:s19] =	ssyncset.done $0x0  }
0x4f: {  	s11 =	simm.s32 $0x400;
	[sflag:s19] =	ssyncadd.s32 $0xFFFFE000  }
0x50: {  	[tilespmem:s20], [sflag:$0x3] =	stream.indirect.gather [hbm4b:s5+s16], $0x40, s11, s16, $0xb8;
	[tilespmem:$0x1AA60] =	vst v63  }
0x51: {  	_ =	swait.ge [sflag:s21], $0x2000  }
0x52: {  	[sflag:s21] =	ssyncset.done $0x0  }
0x53: {  	s15 =	simm.s32 $0x2910;
	[sflag:s21] =	ssyncadd.s32 $0xFFFFE000  }
0x54: {  	[spmem:s3] =	stream.indirect.scatter.add.f32 [tilespmem:s24], [sflag:$0xB], $0x40, s15, s16, $0xb8;
	[tilespmem:$0x1AA60] =	vst v63  }
0x55: {  	_ =	swait.ge [sflag:s23], $0x2000  }
0x56: {  	[sflag:s23] =	ssyncset.done $0x0  }
0x57: {  	s11 =	simm.s32 $0x480;
	[sflag:s23] =	ssyncadd.s32 $0xFFFFE000  }
0x58: {  	[tilespmem:s22], [sflag:$0x4] =	stream.indirect.gather [hbm4b:s5+s16], $0x40, s11, s16, $0xb8;
	[tilespmem:$0x1AA60] =	vst v63  }
0x59: {  	_ =	swait.ge [sflag:s26], $0x2000  }
0x5a: {  	[sflag:s26] =	ssyncset.done $0x0  }
0x5b: {  	s15 =	simm.s32 $0x2990;
	[sflag:s26] =	ssyncadd.s32 $0xFFFFE000  }
0x5c: {  	[spmem:s3] =	stream.indirect.scatter.add.f32 [tilespmem:s28], [sflag:$0xC], $0x40, s15, s16, $0xb8;
	[tilespmem:$0x1AA60] =	vst v63  }
0x5d: {  	_ =	swait.ge [sflag:s2], $0x2000  }
0x5e: {  	[sflag:s2] =	ssyncset.done $0x0  }
0x5f: {  	s11 =	simm.s32 $0x500;
	[sflag:s2] =	ssyncadd.s32 $0xFFFFE000  }
0x60: {  	[tilespmem:s24], [sflag:$0x5] =	stream.indirect.gather [hbm4b:s5+s16], $0x40, s11, s16, $0xb8;
	[tilespmem:$0x1AA60] =	vst v63  }
0x61: {  	_ =	swait.ge [sflag:s25], $0x2000  }
0x62: {  	[sflag:s25] =	ssyncset.done $0x0  }
0x63: {  	s15 =	simm.s32 $0x2A10;
	[sflag:s25] =	ssyncadd.s32 $0xFFFFE000  }
0x64: {  	[spmem:s3] =	stream.indirect.scatter.add.f32 [tilespmem:s17], [sflag:$0x7], $0x40, s15, s16, $0xb8;
	[tilespmem:$0x1AA60] =	vst v63  }
0x65: {  	_ =	swait.ge [sflag:s7], $0x2000  }
0x66: {  	[sflag:s7] =	ssyncset.done $0x0  }
0x67: {  	s10 =	simm.s32 $0xC00;
	s11 =	simm.s32 $0x580;
	[sflag:s7] =	ssyncadd.s32 $0xFFFFE000  }
.LBB2_2:
0x68: {  	[tilespmem:s28], [sflag:$0x6] =	stream.indirect.gather [hbm4b:s5+s16], $0x40, s11, s16, $0xb8;
	[tilespmem:$0x1AA60] =	vst v63  }
0x69: {  	s11 =	smov.u32 s10  }
0x6a: {  	p1 =	sne.s32 s10, $0x8400;
	s10 =	sadd.s32 $0xC00, s10;
	_ =	swait.ge [sflag:s29], $0x2000  }
0x6b: {  	s11 =	sshra.s32 s11, $0x2;
	[sflag:s29] =	ssyncset.done $0x0  }
0x6c: {  	s15 =	sadd.s32 $0x2790, s11;
	[sflag:s29] =	ssyncadd.s32 $0xFFFFE000  }
0x6d: {  	[spmem:s3] =	stream.indirect.scatter.add.f32 [tilespmem:s18], [sflag:$0x8], $0x40, s15, s16, $0xb8;
	[tilespmem:$0x1AA60] =	vst v63  }
0x6e: {  	_ =	swait.ge [sflag:s30], $0x2000  }
0x6f: {  	[sflag:s30] =	ssyncset.done $0x0  }
0x70: {  	s15 =	sadd.s32 $0x300, s11;
	[sflag:s30] =	ssyncadd.s32 $0xFFFFE000  }
0x71: {  	[tilespmem:s17], [sflag:$0x1] =	stream.indirect.gather [hbm4b:s5+s16], $0x40, s15, s16, $0xb8;
	[tilespmem:$0x1AA60] =	vst v63  }
0x72: {  	_ =	swait.ge [sflag:s31], $0x2000  }
0x73: {  	[sflag:s31] =	ssyncset.done $0x0  }
0x74: {  	s15 =	sadd.s32 $0x2810, s11;
	[sflag:s31] =	ssyncadd.s32 $0xFFFFE000  }
0x75: {  	[spmem:s3] =	stream.indirect.scatter.add.f32 [tilespmem:s20], [sflag:$0x9], $0x40, s15, s16, $0xb8;
	[tilespmem:$0x1AA60] =	vst v63  }
0x76: {  	_ =	swait.ge [sflag:s1], $0x2000  }
0x77: {  	[sflag:s1] =	ssyncset.done $0x0  }
0x78: {  	s15 =	sadd.s32 $0x380, s11;
	[sflag:s1] =	ssyncadd.s32 $0xFFFFE000  }
0x79: {  	[tilespmem:s18], [sflag:$0x2] =	stream.indirect.gather [hbm4b:s5+s16], $0x40, s15, s16, $0xb8;
	[tilespmem:$0x1AA60] =	vst v63  }
0x7a: {  	_ =	swait.ge [sflag:s0], $0x2000  }
0x7b: {  	[sflag:s0] =	ssyncset.done $0x0  }
0x7c: {  	s15 =	sadd.s32 $0x2890, s11;
	[sflag:s0] =	ssyncadd.s32 $0xFFFFE000  }
0x7d: {  	[spmem:s3] =	stream.indirect.scatter.add.f32 [tilespmem:s22], [sflag:$0xA], $0x40, s15, s16, $0xb8;
	[tilespmem:$0x1AA60] =	vst v63  }
0x7e: {  	_ =	swait.ge [sflag:s19], $0x2000  }
0x7f: {  	[sflag:s19] =	ssyncset.done $0x0  }
0x80: {  	s15 =	sadd.s32 $0x400, s11;
	[sflag:s19] =	ssyncadd.s32 $0xFFFFE000  }
0x81: {  	[tilespmem:s20], [sflag:$0x3] =	stream.indirect.gather [hbm4b:s5+s16], $0x40, s15, s16, $0xb8;
	[tilespmem:$0x1AA60] =	vst v63  }
0x82: {  	_ =	swait.ge [sflag:s21], $0x2000  }
0x83: {  	[sflag:s21] =	ssyncset.done $0x0  }
0x84: {  	s15 =	sadd.s32 $0x2910, s11;
	[sflag:s21] =	ssyncadd.s32 $0xFFFFE000  }
0x85: {  	[spmem:s3] =	stream.indirect.scatter.add.f32 [tilespmem:s24], [sflag:$0xB], $0x40, s15, s16, $0xb8;
	[tilespmem:$0x1AA60] =	vst v63  }
0x86: {  	_ =	swait.ge [sflag:s23], $0x2000  }
0x87: {  	[sflag:s23] =	ssyncset.done $0x0  }
0x88: {  	s15 =	sadd.s32 $0x480, s11;
	[sflag:s23] =	ssyncadd.s32 $0xFFFFE000  }
0x89: {  	[tilespmem:s22], [sflag:$0x4] =	stream.indirect.gather [hbm4b:s5+s16], $0x40, s15, s16, $0xb8;
	[tilespmem:$0x1AA60] =	vst v63  }
0x8a: {  	_ =	swait.ge [sflag:s26], $0x2000  }
0x8b: {  	[sflag:s26] =	ssyncset.done $0x0  }
0x8c: {  	s15 =	sadd.s32 $0x2990, s11;
	[sflag:s26] =	ssyncadd.s32 $0xFFFFE000  }
0x8d: {  	[spmem:s3] =	stream.indirect.scatter.add.f32 [tilespmem:s28], [sflag:$0xC], $0x40, s15, s16, $0xb8;
	[tilespmem:$0x1AA60] =	vst v63  }
0x8e: {  	_ =	swait.ge [sflag:s2], $0x2000  }
0x8f: {  	[sflag:s2] =	ssyncset.done $0x0  }
0x90: {  	s15 =	sadd.s32 $0x500, s11;
	[sflag:s2] =	ssyncadd.s32 $0xFFFFE000  }
0x91: {  	[tilespmem:s24], [sflag:$0x5] =	stream.indirect.gather [hbm4b:s5+s16], $0x40, s15, s16, $0xb8;
	[tilespmem:$0x1AA60] =	vst v63  }
0x92: {  	_ =	swait.ge [sflag:s25], $0x2000  }
0x93: {  	[sflag:s25] =	ssyncset.done $0x0  }
.Ltmp0:
0x94: {  	s15 =	sadd.s32 $0x2A10, s11;
	[sflag:s25] =	ssyncadd.s32 $0xFFFFE000;
	(pc) =	sbr.rel @p1 .LBB2_2-.Ltmp0, $4  }
0x95: {  	[spmem:s3] =	stream.indirect.scatter.add.f32 [tilespmem:s17], [sflag:$0x7], $0x40, s15, s16, $0xb8;
	[tilespmem:$0x1AA60] =	vst v63  }
0x96: {  	_ =	swait.ge [sflag:s7], $0x2000  }
0x97: {  	[sflag:s7] =	ssyncset.done $0x0  }
0x98: {  	s11 =	sadd.s32 $0x580, s11;
	[sflag:s7] =	ssyncadd.s32 $0xFFFFE000  }
0x99: {  	[tilespmem:s28], [sflag:$0x6] =	stream.indirect.gather [hbm4b:s5+s16], $0x40, s11, s16, $0xb8;
	[tilespmem:$0x1AA60] =	vst v63  }
0x9a: {  	_ =	swait.ge [sflag:s29], $0x2000  }
0x9b: {  	[sflag:s29] =	ssyncset.done $0x0  }
0x9c: {  	s10 =	simm.s32 $0x4B90;
	[sflag:s29] =	ssyncadd.s32 $0xFFFFE000  }
0x9d: {  	[spmem:s3] =	stream.indirect.scatter.add.f32 [tilespmem:s18], [sflag:$0x8], $0x40, s10, s16, $0xb8;
	[tilespmem:$0x1AA60] =	vst v63  }
0x9e: {  	_ =	swait.ge [sflag:s30], $0x2000  }
0x9f: {  	[sflag:s30] =	ssyncset.done $0x0  }
0xa0: {  	[sflag:s30] =	ssyncadd.s32 $0xFFFFE000  }
0xa1: {  	_ =	swait.ge [sflag:s31], $0x2000  }
0xa2: {  	[sflag:s31] =	ssyncset.done $0x0  }
0xa3: {  	s11 =	simm.s32 $0x4C10;
	[sflag:s31] =	ssyncadd.s32 $0xFFFFE000  }
0xa4: {  	[spmem:s3] =	stream.indirect.scatter.add.f32 [tilespmem:s20], [sflag:$0x9], $0x40, s11, s16, $0xb8;
	[tilespmem:$0x1AA60] =	vst v63  }
0xa5: {  	_ =	swait.ge [sflag:s1], $0x2000  }
0xa6: {  	[sflag:s1] =	ssyncset.done $0x0  }
0xa7: {  	[sflag:s1] =	ssyncadd.s32 $0xFFFFE000  }
0xa8: {  	_ =	swait.ge [sflag:s0], $0x2000  }
0xa9: {  	[sflag:s0] =	ssyncset.done $0x0  }
0xaa: {  	s15 =	simm.s32 $0x4C90;
	[sflag:s0] =	ssyncadd.s32 $0xFFFFE000  }
0xab: {  	[spmem:s3] =	stream.indirect.scatter.add.f32 [tilespmem:s22], [sflag:$0xA], $0x40, s15, s16, $0xb8;
	[tilespmem:$0x1AA60] =	vst v63  }
0xac: {  	_ =	swait.ge [sflag:s19], $0x2000  }
0xad: {  	[sflag:s19] =	ssyncset.done $0x0  }
0xae: {  	[sflag:s19] =	ssyncadd.s32 $0xFFFFE000  }
0xaf: {  	_ =	swait.ge [sflag:s21], $0x2000  }
0xb0: {  	[sflag:s21] =	ssyncset.done $0x0  }
0xb1: {  	s11 =	simm.s32 $0x4D10;
	[sflag:s21] =	ssyncadd.s32 $0xFFFFE000  }
0xb2: {  	[spmem:s3] =	stream.indirect.scatter.add.f32 [tilespmem:s24], [sflag:$0xB], $0x40, s11, s16, $0xb8;
	[tilespmem:$0x1AA60] =	vst v63  }
0xb3: {  	_ =	swait.ge [sflag:s23], $0x2000  }
0xb4: {  	[sflag:s23] =	ssyncset.done $0x0  }
0xb5: {  	[sflag:s23] =	ssyncadd.s32 $0xFFFFE000  }
0xb6: {  	_ =	swait.ge [sflag:s26], $0x2000  }
0xb7: {  	[sflag:s26] =	ssyncset.done $0x0  }
0xb8: {  	s15 =	simm.s32 $0x4D90;
	[sflag:s26] =	ssyncadd.s32 $0xFFFFE000  }
0xb9: {  	[spmem:s3] =	stream.indirect.scatter.add.f32 [tilespmem:s28], [sflag:$0xC], $0x40, s15, s16, $0xb8;
	[tilespmem:$0x1AA60] =	vst v63  }
0xba: {  	_ =	swait.ge [sflag:s2], $0x2000  }
0xbb: {  	[sflag:s2] =	ssyncset.done $0x0  }
0xbc: {  	[sflag:s2] =	ssyncadd.s32 $0xFFFFE000  }
0xbd: {  	_ =	swait.ge [sflag:s7], $0x2000  }
0xbe: {  	[sflag:s7] =	ssyncset.done $0x0  }
0xbf: {  	s11 =	simm.s32 $0x2700;
	[sflag:s7] =	ssyncadd.s32 $0xFFFFE000  }
0xc0: {  	[tilespmem:s17], [sflag:$0x1] =	stream.indirect.gather [hbm4b:s5+s8], $0x40, s11, s8, $0xb8;
	[tilespmem:$0x1AA60] =	vst v63  }
0xc1: {  	_ =	swait.ge [sflag:s25], $0x400  }
0xc2: {  	[sflag:s25] =	ssyncset.done $0x0  }
0xc3: {  	s15 =	simm.s32 $0x4E10;
	[sflag:s25] =	ssyncadd.s32 $0xFFFFFC00  }
0xc4: {  	[spmem:s3] =	stream.indirect.scatter.add.f32 [tilespmem:s17], [sflag:$0xD], $0x40, s15, s8, $0xb8;
	[tilespmem:$0x1AA60] =	vst v63  }
0xc5: {  	_ =	swait.ge [sflag:s13], $0x400  }
0xc6: {  	[sflag:s13] =	ssyncset.done $0x0  }
0xc7: {  	[sflag:s13] =	ssyncadd.s32 $0xFFFFFC00  }
0xc8: {  	[bflag:$0x0] =	sbarrier.arrive $0xFFFF  }
0xc9: {  	s11 =	rddreg [dreg:$0x6]  }
0xca: {  	[hbm:s11], [sflag:s6] =	dma.local [spmem:s12], $0x1380  }
0xcb: {  	_ =	swait.ge [sflag:s13], $0x1380  }
0xcc: {  	[sflag:s13] =	ssyncset.done $0x0  }
0xcd: {  	s10 =	rddreg [dreg:$0x7];
	[sflag:s13] =	ssyncadd.s32 $0xFFFFEC80  }
0xce: {  	[hbm:s10], [sflag:s6] =	dma.local @!p0 [spmem:s14], $0x80  }
0xcf: {  	s10 =	simm.s32 @!p0 $0xD  }
0xd0: {  	_ =	swait.ge @!p0 [sflag:s10], $0x80  }
0xd1: {  	s9 =	sadd.s32 $0x1, s9;
	s15 =	rddreg [dreg:$0x8]  }
0xd2: {  	p1 =	sne.s32 s9, s15  }
.Ltmp1:
0xd3: {  	_ = 	snop;
	(pc) =	sbr.rel @p1 .LBB2_1-.Ltmp1, $3  }
0xd4: {  	_ =	sdelay $0x1  }
0xd5: {  	[sflag:s10] =	ssyncset.done @!p0 $0x0  }
0xd6: {  	[sflag:s10] =	ssyncadd.s32 @!p0 $0xFFFFFF80  }
0xd7: {  	_ =	sfence.sel $0x180000  }
0xd8: {  	[bflag:$0x0] =	sbarrier.arrive $0xFFFF  }
0xd9: {  	_ =	strace $0x90000050  }
0xda: {  	s0 =	stileid.u32;
	[bflag:$0x2] =	sbarrier.arrive $0xFFFF  }
0xdb: {  	p0 =	sne.s32 s0, $0x0;
	s0 =	rddreg [dreg:$0x3]  }
0xdc: {  	s0 =	sadd.s32 @!p0 $0x100000, s0  }
0xdd: {  	[sflag:s0] =	ssyncadd.tile.s32 @!p0 $0x1;
	_ =	shalt  }
.Lfunc_end2:
_tile_overlayer_lowered:
.L_overlay_start_2:
0xde: {  	(tag) =	ssettag $0x2  }
0xdf: {  	s0 =	rddreg [dreg:$0x0];
	s2 =	stileid.u32  }
0xe0: {  	s1 =	rddreg [dreg:$0x1];
	p0 =	sne.s32 s2, $0x0  }
0xe1: {  	s3 =	rddreg [dreg:$0x2];
	[bflag:$0x3] =	sbarrier.arrive $0xFFFF;
	s2 =	simm.s32 @!p0 $0x1C0D  }
0xe2: {  	[timem:s3], [sflag:s2] =	dma.local @!p0 [hbm:s0], s1  }
0xe3: {  	s0 =	simm.s32 @!p0 $0xD  }
0xe4: {  	_ =	swait.ge @!p0 [sflag:s0], s1  }
0xe5: {  	s1 =	ssub.s32 @!p0 $0x0, s1;
	[sflag:s0] =	ssyncset.done @!p0 $0x0  }
0xe6: {  	[sflag:s0] =	ssyncadd.s32 @!p0 s1  }
0xe7: {  	[bflag:$0x3] =	sbarrier.arrive $0xFFFF  }
0xe8: {  	_ =	shalt  }

</sc_bundles>
